<compile_context>
chip_gen: v7x
topology: tpu7x:2x2x1
jax: 0.10.2.dev20260603
libtpu: 0.0.44.dev20260713+nightly
codegen_flags: <defaults>
</compile_context>

<pallas_src>
import functools

import jax
import jax.numpy as jnp
from jax import lax
from jax.experimental import pallas as pl
from jax.experimental.pallas import tpu as pltpu
from jax.experimental.pallas import tpu_sc as plsc

O_NODES = 10000
T_EDGES = 320000
EMB = 64
GD = 128
GH = 128
NUM_LAYERS = 5

NC = 2
NS = 16
LANES = 16
K = 128
EDGES_PER_TILE = T_EDGES // NS
FULL_CHUNKS = EDGES_PER_TILE // K
HALF_CHUNKS = FULL_CHUNKS // 2
TAIL = EDGES_PER_TILE - FULL_CHUNKS * K
ROWS_PER_TILE = 632
OPAD = NS * ROWS_PER_TILE


def _mesh():
    return plsc.VectorSubcoreMesh(
        core_axis_name="c", subcore_axis_name="s", num_cores=NC, num_subcores=NS)


def _edge_pass(table_s, table_o, s_idx, o_idx, h, zeros, want_r, tag):
    out_type = [jax.ShapeDtypeStruct((NC, OPAD, GH), jnp.float32)]
    if want_r:
        out_type.append(jax.ShapeDtypeStruct((T_EDGES, GH), jnp.float32))
    scratch = [
        pltpu.VMEM_SHARED((OPAD, GH), jnp.float32),
        pltpu.VMEM((K,), jnp.int32),
        pltpu.VMEM((K,), jnp.int32),
        pltpu.VMEM((TAIL,), jnp.int32),
        pltpu.VMEM((TAIL,), jnp.int32),
        pltpu.VMEM((K, GH), jnp.float32),
    ]

    def body(*refs):
        it = iter(refs)
        ts_hbm = next(it)
        to_hbm = next(it)
        gs_hbm = next(it)
        go_hbm = next(it)
        h_hbm = next(it)
        z_hbm = next(it)
        sq_out = next(it)
        r_out = next(it) if want_r else None
        acc = next(it)
        gsI = next(it)
        goI = next(it)
        gsIt = next(it)
        goIt = next(it)
        r_v = next(it)

        c = lax.axis_index("c")
        w = lax.axis_index("s")
        base_rows = w * ROWS_PER_TILE
        pltpu.sync_copy(z_hbm.at[pl.ds(base_rows, ROWS_PER_TILE)],
                        acc.at[pl.ds(base_rows, ROWS_PER_TILE)])
        plsc.subcore_barrier()

        def process(base, n, giS, giO, write_r):
            pltpu.sync_copy(gs_hbm.at[pl.ds(base, n)], giS)
            pltpu.sync_copy(go_hbm.at[pl.ds(base, n)], giO)
            pltpu.sync_copy(h_hbm.at[pl.ds(base, n)], r_v.at[pl.ds(0, n)])
            pltpu.sync_copy(ts_hbm.at[giS], r_v.at[pl.ds(0, n)], add=True)
            pltpu.sync_copy(to_hbm.at[giO], r_v.at[pl.ds(0, n)], add=True)

            def row(i, _):
                for j in range(GH // LANES):
                    sl = pl.ds(j * LANES, LANES)
                    r_v[i, sl] = jnp.maximum(r_v[i, sl], 0.0)
                return 0
            lax.fori_loop(0, n, row, 0)

            if want_r:
                @pl.when(write_r)
                def _():
                    pltpu.sync_copy(r_v.at[pl.ds(0, n)], r_out.at[pl.ds(base, n)])

            @pl.when(c == 0)
            def _():
                pltpu.sync_copy(r_v.at[pl.ds(0, n)], acc.at[giS], add=True)

            @pl.when(c == 1)
            def _():
                pltpu.sync_copy(r_v.at[pl.ds(0, n)], acc.at[giO], add=True)

        def chunk(i, _):
            wr = jnp.where(c == 0, i < HALF_CHUNKS, i >= HALF_CHUNKS)
            process(w * EDGES_PER_TILE + i * K, K, gsI, goI, wr)
            return 0
        lax.fori_loop(0, FULL_CHUNKS, chunk, 0)
        process(w * EDGES_PER_TILE + FULL_CHUNKS * K, TAIL, gsIt, goIt, c == 1)

        plsc.subcore_barrier()
        pltpu.sync_copy(acc.at[pl.ds(base_rows, ROWS_PER_TILE)],
                        sq_out.at[c, pl.ds(base_rows, ROWS_PER_TILE)])

    kfn = functools.partial(
        pl.kernel, mesh=_mesh(), out_type=tuple(out_type),
        scratch_types=scratch, name=f"sc_edge_pass_{tag}")(body)
    return kfn(table_s, table_o, s_idx, o_idx, h, zeros)


def _count_pass(scat_s, scat_o, zerosGH, onesGH):
    out_type = (jax.ShapeDtypeStruct((NC, OPAD, GH), jnp.float32),)
    scratch = [
        pltpu.VMEM_SHARED((OPAD, GH), jnp.float32),
        pltpu.VMEM((K,), jnp.int32),
        pltpu.VMEM((TAIL,), jnp.int32),
        pltpu.VMEM((K, GH), jnp.float32),
    ]

    def body(ss_hbm, so_hbm, z_hbm, ones_hbm, cnt_out, acc, scI, scIt, ones_v):
        c = lax.axis_index("c")
        w = lax.axis_index("s")
        base_rows = w * ROWS_PER_TILE
        pltpu.sync_copy(z_hbm.at[pl.ds(base_rows, ROWS_PER_TILE)],
                        acc.at[pl.ds(base_rows, ROWS_PER_TILE)])
        pltpu.sync_copy(ones_hbm, ones_v)
        plsc.subcore_barrier()

        def process(base, n, sci):
            @pl.when(c == 0)
            def _():
                pltpu.sync_copy(ss_hbm.at[pl.ds(base, n)], sci)

            @pl.when(c == 1)
            def _():
                pltpu.sync_copy(so_hbm.at[pl.ds(base, n)], sci)
            pltpu.sync_copy(ones_v.at[pl.ds(0, n)], acc.at[sci], add=True)

        def chunk(i, _):
            process(w * EDGES_PER_TILE + i * K, K, scI)
            return 0
        lax.fori_loop(0, FULL_CHUNKS, chunk, 0)
        process(w * EDGES_PER_TILE + FULL_CHUNKS * K, TAIL, scIt)

        plsc.subcore_barrier()
        pltpu.sync_copy(acc.at[pl.ds(base_rows, ROWS_PER_TILE)],
                        cnt_out.at[c, pl.ds(base_rows, ROWS_PER_TILE)])

    kfn = functools.partial(
        pl.kernel, mesh=_mesh(), out_type=out_type,
        scratch_types=scratch, name="sc_count_pass")(body)
    return kfn(scat_s, scat_o, zerosGH, onesGH)


def _class_tables(objs_col, TsPad, ToPad):
    BO = 2000

    def body(c_ref, ts_ref, to_ref, as_ref, ao_ref):
        oh = (c_ref[...] == lax.broadcasted_iota(jnp.int32, (BO, GH), 1)
              ).astype(jnp.float32)
        as_ref[...] = jnp.dot(oh, ts_ref[...], preferred_element_type=jnp.float32)
        ao_ref[...] = jnp.dot(oh, to_ref[...], preferred_element_type=jnp.float32)

    return pl.pallas_call(
        body,
        grid=(O_NODES // BO,),
        in_specs=[
            pl.BlockSpec((BO, 1), lambda i: (i, 0)),
            pl.BlockSpec((GH, GH), lambda i: (0, 0)),
            pl.BlockSpec((GH, GH), lambda i: (0, 0)),
        ],
        out_specs=(pl.BlockSpec((BO, GH), lambda i: (i, 0)),
                   pl.BlockSpec((BO, GH), lambda i: (i, 0))),
        out_shape=(jax.ShapeDtypeStruct((O_NODES, GH), jnp.float32),
                   jax.ShapeDtypeStruct((O_NODES, GH), jnp.float32)),
        name="tc_class_tables",
    )(objs_col, TsPad, ToPad)


def _pred_h0(p_col, PpPad, bias):
    BT = 2000

    def body(p_ref, pp_ref, b_ref, o_ref):
        oh = (p_ref[...] == lax.broadcasted_iota(jnp.int32, (BT, GH), 1)
              ).astype(jnp.float32)
        o_ref[...] = jnp.dot(oh, pp_ref[...],
                             preferred_element_type=jnp.float32) + b_ref[...]

    return pl.pallas_call(
        body,
        grid=(T_EDGES // BT,),
        in_specs=[
            pl.BlockSpec((BT, 1), lambda i: (i, 0)),
            pl.BlockSpec((GH, GH), lambda i: (0, 0)),
            pl.BlockSpec((1, GH), lambda i: (0, 0)),
        ],
        out_specs=pl.BlockSpec((BT, GH), lambda i: (i, 0)),
        out_shape=jax.ShapeDtypeStruct((T_EDGES, GH), jnp.float32),
        name="tc_pred_h0",
    )(p_col, PpPad, bias.reshape(1, GH))


def _h_matmul(r, M, cvec):
    BT = 2000

    def body(r_ref, m_ref, c_ref, o_ref):
        o_ref[...] = jnp.dot(r_ref[...], m_ref[...],
                             preferred_element_type=jnp.float32) + c_ref[...]

    return pl.pallas_call(
        body,
        grid=(T_EDGES // BT,),
        in_specs=[
            pl.BlockSpec((BT, GH), lambda i: (i, 0)),
            pl.BlockSpec((GH, GH), lambda i: (0, 0)),
            pl.BlockSpec((1, GH), lambda i: (0, 0)),
        ],
        out_specs=pl.BlockSpec((BT, GH), lambda i: (i, 0)),
        out_shape=jax.ShapeDtypeStruct((T_EDGES, GH), jnp.float32),
        name="tc_h_matmul",
    )(r, M, cvec.reshape(1, GH))


def _node_update(S, Q, csb, cob, W2a, W2c, b2a, b2c, V1, d1, V2, d2,
                 WA, bA, WB, bB, final, tag):
    BO = 2000

    def body(s_ref, q_ref, cs_ref, co_ref, w2a, w2c, vb2a, vb2c,
             v1, vd1, v2, vd2, wa, vba, wb, vbb, *outs):
        cs = cs_ref[...]
        co = co_ref[...]
        pooled = (jnp.dot(s_ref[...], w2a[...], preferred_element_type=jnp.float32)
                  + jnp.dot(q_ref[...], w2c[...], preferred_element_type=jnp.float32)
                  + cs * vb2a[...] + co * vb2c[...])
        pooled = pooled / jnp.maximum(cs + co, 1.0)
        t = jax.nn.relu(jnp.dot(pooled, v1[...], preferred_element_type=jnp.float32)
                        + vd1[...])
        obj = jnp.dot(t, v2[...], preferred_element_type=jnp.float32) + vd2[...]
        if final:
            t2 = jax.nn.relu(jnp.dot(obj, wa[...], preferred_element_type=jnp.float32)
                             + vba[...])
            outs[0][...] = jnp.dot(t2, wb[...], preferred_element_type=jnp.float32) + vbb[...]
        else:
            outs[0][...] = jnp.dot(obj, wa[...], preferred_element_type=jnp.float32)
            outs[1][...] = jnp.dot(obj, wb[...], preferred_element_type=jnp.float32)

    mat = lambda: pl.BlockSpec((GH, GH), lambda i: (0, 0))
    vec = lambda: pl.BlockSpec((1, GH), lambda i: (0, 0))
    big = lambda: pl.BlockSpec((BO, GH), lambda i: (i, 0))
    n_out = 1 if final else 2
    out = pl.pallas_call(
        body,
        grid=(O_NODES // BO,),
        in_specs=[big(), big(), big(), big(), mat(), mat(), vec(), vec(),
                  mat(), vec(), mat(), vec(), mat(), vec(), mat(), vec()],
        out_specs=tuple(big() for _ in range(n_out)),
        out_shape=tuple(jax.ShapeDtypeStruct((O_NODES, GH), jnp.float32)
                        for _ in range(n_out)),
        name=f"tc_node_update_{tag}",
    )(S, Q, csb, cob, W2a, W2c, b2a.reshape(1, GH), b2c.reshape(1, GH),
      V1, d1.reshape(1, GH), V2, d2.reshape(1, GH),
      WA, bA.reshape(1, GH), WB, bB.reshape(1, GH))
    return out


def kernel(objs, triples, params):
    s = triples[:, 0]
    p = triples[:, 1]
    o = triples[:, 2]
    gconv = params["gconv"]

    (Wa0, ba0), (Wb0, bb0) = gconv[0]["net1"]
    W1s0, W1p0, W1o0 = Wa0[:EMB], Wa0[EMB:2 * EMB], Wa0[2 * EMB:]
    nclass = params["obj_emb"].shape[0]
    npred = params["pred_emb"].shape[0]
    TsPad = jnp.zeros((GH, GH), jnp.float32).at[:nclass].set(
        params["obj_emb"] @ W1s0)
    ToPad = jnp.zeros((GH, GH), jnp.float32).at[:nclass].set(
        params["obj_emb"] @ W1o0)
    PpPad = jnp.zeros((GH, GH), jnp.float32).at[:npred].set(
        params["pred_emb"] @ W1p0)

    Wsplit = []
    for ell in range(NUM_LAYERS):
        (Wa, ba), (Wb, bb) = gconv[ell]["net1"]
        din = EMB if ell == 0 else GD
        Wsplit.append(dict(
            W1s=Wa[:din], W1p=Wa[din:2 * din], W1o=Wa[2 * din:], b1=ba,
            W2a=Wb[:, :GH], W2b=Wb[:, GH:GH + GD], W2c=Wb[:, GH + GD:],
            b2a=bb[:GH], b2b=bb[GH:GH + GD], b2c=bb[GH + GD:]))

    zerosGH = jnp.zeros((OPAD, GH), jnp.float32)
    onesGH = jnp.ones((K, GH), jnp.float32)

    (CNT,) = _count_pass(s, o, zerosGH, onesGH)
    csb = CNT[0][:O_NODES]
    cob = CNT[1][:O_NODES]

    As_node, Ao_node = _class_tables(objs.reshape(-1, 1).astype(jnp.int32),
                                     TsPad, ToPad)
    h0 = _pred_h0(p.reshape(-1, 1).astype(jnp.int32), PpPad, ba0)

    SQ, r = _edge_pass(As_node, Ao_node, s, o, h0, zerosGH,
                       want_r=True, tag="l0")

    for ell in range(1, NUM_LAYERS + 1):
        prev = Wsplit[ell - 1]
        if ell < NUM_LAYERS:
            cur = Wsplit[ell]
            Bs, Bo = _node_update(
                SQ[0][:O_NODES], SQ[1][:O_NODES], csb, cob, prev["W2a"], prev["W2c"],
                prev["b2a"], prev["b2c"],
                gconv[ell - 1]["net2"][0][0], gconv[ell - 1]["net2"][0][1],
                gconv[ell - 1]["net2"][1][0], gconv[ell - 1]["net2"][1][1],
                cur["W1s"], jnp.zeros((GH,), jnp.float32),
                cur["W1o"], jnp.zeros((GH,), jnp.float32),
                final=False, tag=f"l{ell - 1}")
            M = prev["W2b"] @ cur["W1p"]
            cvec = cur["b1"] + prev["b2b"] @ cur["W1p"]
            h = _h_matmul(r, M, cvec)
            want_r = ell < NUM_LAYERS - 1
            res = _edge_pass(Bs, Bo, s, o, h, zerosGH,
                             want_r=want_r, tag=f"l{ell}")
            if want_r:
                SQ, r = res
            else:
                (SQ,) = res
        else:
            (U1, e1), (U2, e2) = params["box"]
            U2p = jnp.zeros((GH, GH), jnp.float32).at[:, :4].set(U2)
            e2p = jnp.zeros((GH,), jnp.float32).at[:4].set(e2)
            (boxes_pad,) = _node_update(
                SQ[0][:O_NODES], SQ[1][:O_NODES], csb, cob, prev["W2a"], prev["W2c"],
                prev["b2a"], prev["b2c"],
                gconv[ell - 1]["net2"][0][0], gconv[ell - 1]["net2"][0][1],
                gconv[ell - 1]["net2"][1][0], gconv[ell - 1]["net2"][1][1],
                U1, e1, U2p, e2p, final=True, tag="box")
            return boxes_pad[:, :4]

# --- scband reference (transcript-rebuilt; emitter-appended) ---
"""Pipeline reference for scband-sg2-im-model-3530463117739 (READ-ONLY COPY).

The authoritative reference and input builder live on the scoring server;
editing this copy changes nothing except your own understanding.
"""

import jax, jax.numpy as jnp
import numpy as np

O_NODES = 10000
T_EDGES = 320000
NUM_OBJS = 40
NUM_PREDS = 16
EMB = 64
GD = 128   # gconv_dim
GH = 128   # gconv_hidden_dim
NUM_LAYERS = 5


def _mlp_init(key, dims):
    params = []
    for i in range(len(dims) - 1):
        key, k1 = jax.random.split(key)
        W = jax.random.normal(k1, (dims[i], dims[i + 1]), dtype=jnp.float32) * (1.0 / np.sqrt(dims[i]))
        b = jnp.zeros((dims[i + 1],), dtype=jnp.float32)
        params.append((W, b))
    return params


def _mlp_apply(x, params):
    for i, (W, b) in enumerate(params):
        x = x @ W + b
        if i < len(params) - 1:
            x = jax.nn.relu(x)
    return x


def setup_inputs(seed: int = 0) -> dict:
    key = jax.random.key(seed)
    ks = jax.random.split(key, 8)
    objs = jax.random.randint(ks[0], (O_NODES,), 0, NUM_OBJS + 1, dtype=jnp.int32)
    s = jax.random.randint(ks[1], (T_EDGES,), 0, O_NODES, dtype=jnp.int32)
    p = jax.random.randint(ks[2], (T_EDGES,), 0, NUM_PREDS, dtype=jnp.int32)
    o = jax.random.randint(ks[3], (T_EDGES,), 0, O_NODES, dtype=jnp.int32)
    triples = jnp.stack([s, p, o], axis=1)
    params = {
        'obj_emb': jax.random.normal(ks[4], (NUM_OBJS + 1, EMB), dtype=jnp.float32) * 0.02,
        'pred_emb': jax.random.normal(ks[5], (NUM_PREDS, EMB), dtype=jnp.float32) * 0.02,
        'gconv': [],
        'box': _mlp_init(ks[6], [GD, GH, 4]),
    }
    for i in range(NUM_LAYERS):
        din = EMB if i == 0 else GD
        net1 = _mlp_init(jax.random.fold_in(ks[7], 2 * i), [3 * din, GH, 2 * GH + GD])
        net2 = _mlp_init(jax.random.fold_in(ks[7], 2 * i + 1), [GH, GH, GD])
        params['gconv'].append({'net1': net1, 'net2': net2})
    return {'objs': objs, 'triples': triples, 'params': params}


def _forward(params, objs, triples):
    # triples: [T, 3] = (s, p, o); edges = (s, o)
    s = triples[:, 0]
    p = triples[:, 1]
    o = triples[:, 2]
    obj_vecs = jnp.take(params['obj_emb'], objs, axis=0)          # embedding lookup [O, EMB]
    pred_vecs = jnp.take(params['pred_emb'], p, axis=0)           # embedding lookup [T, EMB]
    n_obj = obj_vecs.shape[0]
    for layer in params['gconv']:
        cur_s = jnp.take(obj_vecs, s, axis=0)                     # gather [T, D]
        cur_o = jnp.take(obj_vecs, o, axis=0)                     # gather [T, D]
        cur_t = jnp.concatenate([cur_s, pred_vecs, cur_o], axis=1)
        new_t = _mlp_apply(cur_t, layer['net1'])                  # [T, 2*GH + GD]
        new_s = new_t[:, :GH]
        new_p = new_t[:, GH:GH + GD]
        new_o = new_t[:, GH + GD:]
        pooled = jnp.zeros((n_obj, GH), dtype=jnp.float32)
        pooled = pooled.at[s].add(new_s)                          # scatter-add
        pooled = pooled.at[o].add(new_o)                          # scatter-add
        counts = jnp.zeros((n_obj,), dtype=jnp.float32)
        counts = counts.at[s].add(1.0)
        counts = counts.at[o].add(1.0)
        pooled = pooled / jnp.clip(counts, 1.0, None)[:, None]    # 'avg' pooling
        obj_vecs = _mlp_apply(pooled, layer['net2'])              # [O, GD]
        pred_vecs = new_p
    boxes_pred = _mlp_apply(obj_vecs, params['box'])              # [O, 4]
    return boxes_pred


def reference(objs, triples, params):
    return _forward(params, objs, triples)


if False:  # reference __main__ guard neutralized (emitter)
    inp = setup_inputs()
    out = reference(**inp)
    print(out.shape, out.dtype)

if __name__ == "__main__":
    import jax
    _d = setup_inputs()
    print(jax.jit(kernel)(*tuple(_d.values())))

</pallas_src>

<mosaic_0001>
#map = affine_map<(d0, d1) -> (0)>
#map1 = affine_map<(d0, d1) -> (0, 0)>
#map2 = affine_map<(d0, d1) -> (0, 0, 0)>
module attributes {stable_mosaic.version = 14 : i64} {
  func.func @sc_count_pass(%arg0: i32, %arg1: i32, %arg2: memref<320000xi32, #tpu.memory_space<hbm>>, %arg3: memref<320000xi32, #tpu.memory_space<hbm>>, %arg4: memref<10112x128xf32, #tpu.memory_space<hbm>>, %arg5: memref<128x128xf32, #tpu.memory_space<hbm>>, %arg6: memref<2x10112x128xf32, #tpu.memory_space<hbm>>, %arg7: memref<10112x128xf32, #tpu.memory_space<vmem_shared>>, %arg8: memref<128xi32, #tpu.memory_space<vmem>>, %arg9: memref<32xi32, #tpu.memory_space<vmem>>, %arg10: memref<128x128xf32, #tpu.memory_space<vmem>>) attributes {dimension_semantics = [#tpu.dimension_semantics<core_parallel>, #tpu.dimension_semantics<subcore_parallel>], iteration_bounds = array<i64: 2, 16>, scalar_prefetch = 0 : i64, scratch_operands = 4 : i64, tpu.core_type = #tpu.core_type<sc_vector_subcore>, window_params = [{transform_indices = #map}, {transform_indices = #map}, {transform_indices = #map1}, {transform_indices = #map1}, {transform_indices = #map2}]} {
    %mul3A = arith.constant 632 : i32
    %mul3A_0 = arith.muli %arg1, %mul3A : i32
    "tpu.region"() ({
      %run_scoped3A = tpu.sem_alloc : memref<!tpu.dma_semaphore, #tpu.memory_space<semaphore_mem>>
      %dma_start3A = arith.constant 0 : i32
      %dma_start3A_18 = tpu.memref_slice %arg7[%mul3A_0, %dma_start3A] : memref<10112x128xf32, #tpu.memory_space<vmem_shared>> -> memref<632x128xf32, #tpu.memory_space<vmem_shared>>
      %dma_start3A_19 = arith.constant 0 : i32
      %dma_start3A_20 = tpu.memref_slice %arg4[%mul3A_0, %dma_start3A_19] : memref<10112x128xf32, #tpu.memory_space<hbm>> -> memref<632x128xf32, #tpu.memory_space<hbm>>
      tpu.enqueue_dma source(%dma_start3A_20 : memref<632x128xf32, #tpu.memory_space<hbm>>) target(%dma_start3A_18 : memref<632x128xf32, #tpu.memory_space<vmem_shared>>) target_semaphore(%run_scoped3A : memref<!tpu.dma_semaphore, #tpu.memory_space<semaphore_mem>>)
      %dma_wait3A = arith.constant 0 : i32
      %dma_wait3A_21 = tpu.memref_slice %arg7[%mul3A_0, %dma_wait3A] : memref<10112x128xf32, #tpu.memory_space<vmem_shared>> -> memref<632x128xf32, #tpu.memory_space<vmem_shared>>
      %dma_wait3A_22 = arith.constant 0 : i32
      %dma_wait3A_23 = tpu.memref_slice %arg4[%mul3A_0, %dma_wait3A_22] : memref<10112x128xf32, #tpu.memory_space<hbm>> -> memref<632x128xf32, #tpu.memory_space<hbm>>
      tpu.wait_dma2 semaphore(%run_scoped3A : memref<!tpu.dma_semaphore, #tpu.memory_space<semaphore_mem>>) src(%dma_wait3A_23 : memref<632x128xf32, #tpu.memory_space<hbm>>) dst(%dma_wait3A_21 : memref<632x128xf32, #tpu.memory_space<vmem_shared>>)
      tpu.yield
    }) : () -> ()
    "tpu.region"() ({
      %run_scoped3A = tpu.sem_alloc : memref<!tpu.dma_semaphore, #tpu.memory_space<semaphore_mem>>
      tpu.enqueue_dma source(%arg5 : memref<128x128xf32, #tpu.memory_space<hbm>>) target(%arg10 : memref<128x128xf32, #tpu.memory_space<vmem>>) target_semaphore(%run_scoped3A : memref<!tpu.dma_semaphore, #tpu.memory_space<semaphore_mem>>)
      tpu.wait_dma2 semaphore(%run_scoped3A : memref<!tpu.dma_semaphore, #tpu.memory_space<semaphore_mem>>) src(%arg5 : memref<128x128xf32, #tpu.memory_space<hbm>>) dst(%arg10 : memref<128x128xf32, #tpu.memory_space<vmem>>)
      tpu.yield
    }) : () -> ()
    %barrier3A = arith.constant 0 : index
    tpu.barrier barrier_id(%barrier3A)
    %scan3A = arith.constant 0 : i32
    %scan3A_1 = arith.constant 0 : i32
    %scan3A_2 = arith.constant 156 : i32
    %scan3A_3 = arith.addi %scan3A_1, %scan3A_2 : i32
    %scan3A_4 = arith.constant 1 : i32
    %scan3A_5 = scf.for %scan3A_18 = %scan3A_1 to %scan3A_3 step %scan3A_4 iter_args(%scan3A_19 = %scan3A) -> (i32)  : i32 {
      %mul3A_20 = arith.constant 20000 : i32
      %mul3A_21 = arith.muli %arg1, %mul3A_20 : i32
      %mul3A_22 = arith.constant 128 : i32
      %mul3A_23 = arith.muli %scan3A_18, %mul3A_22 : i32
      %add3A_24 = arith.addi %mul3A_21, %mul3A_23 : i32
      %eq3A_25 = arith.constant 0 : i32
      %eq3A_26 = arith.cmpi eq, %arg0, %eq3A_25 : i32
      %convert_element_type3A_27 = arith.extui %eq3A_26 : i1 to i32
      %cond3A_28 = arith.constant 0 : i32
      %cond3A_29 = arith.cmpi ne, %convert_element_type3A_27, %cond3A_28 : i32
      scf.if %cond3A_29 {
        "tpu.region"() ({
          %run_scoped3A = tpu.sem_alloc : memref<!tpu.dma_semaphore, #tpu.memory_space<semaphore_mem>>
          %dma_start3A = tpu.memref_slice %arg2[%add3A_24] : memref<320000xi32, #tpu.memory_space<hbm>> -> memref<128xi32, #tpu.memory_space<hbm>>
          %dma_start3A_36 = tpu.memref_slice %arg2[%add3A_24] : memref<320000xi32, #tpu.memory_space<hbm>> -> memref<128xi32, #tpu.memory_space<hbm>>
          tpu.enqueue_dma source(%dma_start3A_36 : memref<128xi32, #tpu.memory_space<hbm>>) target(%arg8 : memref<128xi32, #tpu.memory_space<vmem>>) target_semaphore(%run_scoped3A : memref<!tpu.dma_semaphore, #tpu.memory_space<semaphore_mem>>)
          %dma_wait3A = tpu.memref_slice %arg2[%add3A_24] : memref<320000xi32, #tpu.memory_space<hbm>> -> memref<128xi32, #tpu.memory_space<hbm>>
          %dma_wait3A_37 = tpu.memref_slice %arg2[%add3A_24] : memref<320000xi32, #tpu.memory_space<hbm>> -> memref<128xi32, #tpu.memory_space<hbm>>
          tpu.wait_dma2 semaphore(%run_scoped3A : memref<!tpu.dma_semaphore, #tpu.memory_space<semaphore_mem>>) src(%dma_wait3A_37 : memref<128xi32, #tpu.memory_space<hbm>>) dst(%arg8 : memref<128xi32, #tpu.memory_space<vmem>>)
          tpu.yield
        }) : () -> ()
      } else {
      }
      %eq3A_30 = arith.constant 1 : i32
      %eq3A_31 = arith.cmpi eq, %arg0, %eq3A_30 : i32
      %convert_element_type3A_32 = arith.extui %eq3A_31 : i1 to i32
      %cond3A_33 = arith.constant 0 : i32
      %cond3A_34 = arith.cmpi ne, %convert_element_type3A_32, %cond3A_33 : i32
      scf.if %cond3A_34 {
        "tpu.region"() ({
          %run_scoped3A = tpu.sem_alloc : memref<!tpu.dma_semaphore, #tpu.memory_space<semaphore_mem>>
          %dma_start3A = tpu.memref_slice %arg3[%add3A_24] : memref<320000xi32, #tpu.memory_space<hbm>> -> memref<128xi32, #tpu.memory_space<hbm>>
          %dma_start3A_36 = tpu.memref_slice %arg3[%add3A_24] : memref<320000xi32, #tpu.memory_space<hbm>> -> memref<128xi32, #tpu.memory_space<hbm>>
          tpu.enqueue_dma source(%dma_start3A_36 : memref<128xi32, #tpu.memory_space<hbm>>) target(%arg8 : memref<128xi32, #tpu.memory_space<vmem>>) target_semaphore(%run_scoped3A : memref<!tpu.dma_semaphore, #tpu.memory_space<semaphore_mem>>)
          %dma_wait3A = tpu.memref_slice %arg3[%add3A_24] : memref<320000xi32, #tpu.memory_space<hbm>> -> memref<128xi32, #tpu.memory_space<hbm>>
          %dma_wait3A_37 = tpu.memref_slice %arg3[%add3A_24] : memref<320000xi32, #tpu.memory_space<hbm>> -> memref<128xi32, #tpu.memory_space<hbm>>
          tpu.wait_dma2 semaphore(%run_scoped3A : memref<!tpu.dma_semaphore, #tpu.memory_space<semaphore_mem>>) src(%dma_wait3A_37 : memref<128xi32, #tpu.memory_space<hbm>>) dst(%arg8 : memref<128xi32, #tpu.memory_space<vmem>>)
          tpu.yield
        }) : () -> ()
      } else {
      }
      "tpu.region"() ({
        %run_scoped3A = tpu.sem_alloc : memref<!tpu.dma_semaphore, #tpu.memory_space<semaphore_mem>>
        %dma_start3A = arith.constant 0 : i32
        %dma_start3A_36 = arith.constant 0 : i32
        %dma_start3A_37 = tpu.memref_slice %arg10[%dma_start3A, %dma_start3A_36] : memref<128x128xf32, #tpu.memory_space<vmem>> -> memref<128x128xf32, #tpu.memory_space<vmem>>
        %dma_start3A_38 = arith.constant 0 : i32
        %dma_start3A_39 = arith.constant 0 : i32
        %dma_start3A_40 = tpu.memref_slice %arg7[%dma_start3A_38, %dma_start3A_39] : memref<10112x128xf32, #tpu.memory_space<vmem_shared>> -> memref<10112x128xf32, #tpu.memory_space<vmem_shared>>
        tpu.enqueue_indirect_dma source(%dma_start3A_37 : memref<128x128xf32, #tpu.memory_space<vmem>>) target(%dma_start3A_40 : memref<10112x128xf32, #tpu.memory_space<vmem_shared>>) offsets(%arg8 : memref<128xi32, #tpu.memory_space<vmem>>) semaphore(%run_scoped3A : memref<!tpu.dma_semaphore, #tpu.memory_space<semaphore_mem>>) {add = true}
        %dma_wait3A = arith.constant 0 : i32
        %dma_wait3A_41 = arith.constant 0 : i32
        %dma_wait3A_42 = tpu.memref_slice %arg10[%dma_wait3A, %dma_wait3A_41] : memref<128x128xf32, #tpu.memory_space<vmem>> -> memref<128x128xf32, #tpu.memory_space<vmem>>
        %dma_wait3A_43 = arith.constant 0 : i32
        %dma_wait3A_44 = arith.constant 0 : i32
        %dma_wait3A_45 = tpu.memref_slice %arg7[%dma_wait3A_43, %dma_wait3A_44] : memref<10112x128xf32, #tpu.memory_space<vmem_shared>> -> memref<10112x128xf32, #tpu.memory_space<vmem_shared>>
        tpu.wait_indirect_dma semaphore(%run_scoped3A : memref<!tpu.dma_semaphore, #tpu.memory_space<semaphore_mem>>) src(%dma_wait3A_42 : memref<128x128xf32, #tpu.memory_space<vmem>>) dst(%dma_wait3A_45 : memref<10112x128xf32, #tpu.memory_space<vmem_shared>>)
        tpu.yield
      }) : () -> ()
      %scan3A_35 = arith.constant 0 : i32
      scf.yield %scan3A_35 : i32
    }
    %scan3A_6 = arith.constant 156 : i32
    %mul3A_7 = arith.constant 20000 : i32
    %mul3A_8 = arith.muli %arg1, %mul3A_7 : i32
    %add3A = arith.constant 19968 : i32
    %add3A_9 = arith.addi %mul3A_8, %add3A : i32
    %eq3A = arith.constant 0 : i32
    %eq3A_10 = arith.cmpi eq, %arg0, %eq3A : i32
    %convert_element_type3A = arith.extui %eq3A_10 : i1 to i32
    %cond3A = arith.constant 0 : i32
    %cond3A_11 = arith.cmpi ne, %convert_element_type3A, %cond3A : i32
    scf.if %cond3A_11 {
      "tpu.region"() ({
        %run_scoped3A = tpu.sem_alloc : memref<!tpu.dma_semaphore, #tpu.memory_space<semaphore_mem>>
        %dma_start3A = tpu.memref_slice %arg2[%add3A_9] : memref<320000xi32, #tpu.memory_space<hbm>> -> memref<32xi32, #tpu.memory_space<hbm>>
        %dma_start3A_18 = tpu.memref_slice %arg2[%add3A_9] : memref<320000xi32, #tpu.memory_space<hbm>> -> memref<32xi32, #tpu.memory_space<hbm>>
        tpu.enqueue_dma source(%dma_start3A_18 : memref<32xi32, #tpu.memory_space<hbm>>) target(%arg9 : memref<32xi32, #tpu.memory_space<vmem>>) target_semaphore(%run_scoped3A : memref<!tpu.dma_semaphore, #tpu.memory_space<semaphore_mem>>)
        %dma_wait3A = tpu.memref_slice %arg2[%add3A_9] : memref<320000xi32, #tpu.memory_space<hbm>> -> memref<32xi32, #tpu.memory_space<hbm>>
        %dma_wait3A_19 = tpu.memref_slice %arg2[%add3A_9] : memref<320000xi32, #tpu.memory_space<hbm>> -> memref<32xi32, #tpu.memory_space<hbm>>
        tpu.wait_dma2 semaphore(%run_scoped3A : memref<!tpu.dma_semaphore, #tpu.memory_space<semaphore_mem>>) src(%dma_wait3A_19 : memref<32xi32, #tpu.memory_space<hbm>>) dst(%arg9 : memref<32xi32, #tpu.memory_space<vmem>>)
        tpu.yield
      }) : () -> ()
    } else {
    }
    %eq3A_12 = arith.constant 1 : i32
    %eq3A_13 = arith.cmpi eq, %arg0, %eq3A_12 : i32
    %convert_element_type3A_14 = arith.extui %eq3A_13 : i1 to i32
    %cond3A_15 = arith.constant 0 : i32
    %cond3A_16 = arith.cmpi ne, %convert_element_type3A_14, %cond3A_15 : i32
    scf.if %cond3A_16 {
      "tpu.region"() ({
        %run_scoped3A = tpu.sem_alloc : memref<!tpu.dma_semaphore, #tpu.memory_space<semaphore_mem>>
        %dma_start3A = tpu.memref_slice %arg3[%add3A_9] : memref<320000xi32, #tpu.memory_space<hbm>> -> memref<32xi32, #tpu.memory_space<hbm>>
        %dma_start3A_18 = tpu.memref_slice %arg3[%add3A_9] : memref<320000xi32, #tpu.memory_space<hbm>> -> memref<32xi32, #tpu.memory_space<hbm>>
        tpu.enqueue_dma source(%dma_start3A_18 : memref<32xi32, #tpu.memory_space<hbm>>) target(%arg9 : memref<32xi32, #tpu.memory_space<vmem>>) target_semaphore(%run_scoped3A : memref<!tpu.dma_semaphore, #tpu.memory_space<semaphore_mem>>)
        %dma_wait3A = tpu.memref_slice %arg3[%add3A_9] : memref<320000xi32, #tpu.memory_space<hbm>> -> memref<32xi32, #tpu.memory_space<hbm>>
        %dma_wait3A_19 = tpu.memref_slice %arg3[%add3A_9] : memref<320000xi32, #tpu.memory_space<hbm>> -> memref<32xi32, #tpu.memory_space<hbm>>
        tpu.wait_dma2 semaphore(%run_scoped3A : memref<!tpu.dma_semaphore, #tpu.memory_space<semaphore_mem>>) src(%dma_wait3A_19 : memref<32xi32, #tpu.memory_space<hbm>>) dst(%arg9 : memref<32xi32, #tpu.memory_space<vmem>>)
        tpu.yield
      }) : () -> ()
    } else {
    }
    "tpu.region"() ({
      %run_scoped3A = tpu.sem_alloc : memref<!tpu.dma_semaphore, #tpu.memory_space<semaphore_mem>>
      %dma_start3A = arith.constant 0 : i32
      %dma_start3A_18 = arith.constant 0 : i32
      %dma_start3A_19 = tpu.memref_slice %arg10[%dma_start3A, %dma_start3A_18] : memref<128x128xf32, #tpu.memory_space<vmem>> -> memref<32x128xf32, #tpu.memory_space<vmem>>
      %dma_start3A_20 = arith.constant 0 : i32
      %dma_start3A_21 = arith.constant 0 : i32
      %dma_start3A_22 = tpu.memref_slice %arg7[%dma_start3A_20, %dma_start3A_21] : memref<10112x128xf32, #tpu.memory_space<vmem_shared>> -> memref<10112x128xf32, #tpu.memory_space<vmem_shared>>
      tpu.enqueue_indirect_dma source(%dma_start3A_19 : memref<32x128xf32, #tpu.memory_space<vmem>>) target(%dma_start3A_22 : memref<10112x128xf32, #tpu.memory_space<vmem_shared>>) offsets(%arg9 : memref<32xi32, #tpu.memory_space<vmem>>) semaphore(%run_scoped3A : memref<!tpu.dma_semaphore, #tpu.memory_space<semaphore_mem>>) {add = true}
      %dma_wait3A = arith.constant 0 : i32
      %dma_wait3A_23 = arith.constant 0 : i32
      %dma_wait3A_24 = tpu.memref_slice %arg10[%dma_wait3A, %dma_wait3A_23] : memref<128x128xf32, #tpu.memory_space<vmem>> -> memref<32x128xf32, #tpu.memory_space<vmem>>
      %dma_wait3A_25 = arith.constant 0 : i32
      %dma_wait3A_26 = arith.constant 0 : i32
      %dma_wait3A_27 = tpu.memref_slice %arg7[%dma_wait3A_25, %dma_wait3A_26] : memref<10112x128xf32, #tpu.memory_space<vmem_shared>> -> memref<10112x128xf32, #tpu.memory_space<vmem_shared>>
      tpu.wait_indirect_dma semaphore(%run_scoped3A : memref<!tpu.dma_semaphore, #tpu.memory_space<semaphore_mem>>) src(%dma_wait3A_24 : memref<32x128xf32, #tpu.memory_space<vmem>>) dst(%dma_wait3A_27 : memref<10112x128xf32, #tpu.memory_space<vmem_shared>>)
      tpu.yield
    }) : () -> ()
    %barrier3A_17 = arith.constant 0 : index
    tpu.barrier barrier_id(%barrier3A_17)
    "tpu.region"() ({
      %run_scoped3A = tpu.sem_alloc : memref<!tpu.dma_semaphore, #tpu.memory_space<semaphore_mem>>
      %dma_start3A = arith.constant 0 : i32
      %dma_start3A_18 = tpu.memref_slice %arg6[%arg0, %mul3A_0, %dma_start3A] : memref<2x10112x128xf32, #tpu.memory_space<hbm>> -> memref<1x632x128xf32, #tpu.memory_space<hbm>>
      %dma_start3A_19 = tpu.memref_squeeze %dma_start3A_18 : memref<1x632x128xf32, #tpu.memory_space<hbm>> -> memref<632x128xf32, #tpu.memory_space<hbm>>
      %dma_start3A_20 = arith.constant 0 : i32
      %dma_start3A_21 = tpu.memref_slice %arg7[%mul3A_0, %dma_start3A_20] : memref<10112x128xf32, #tpu.memory_space<vmem_shared>> -> memref<632x128xf32, #tpu.memory_space<vmem_shared>>
      tpu.enqueue_dma source(%dma_start3A_21 : memref<632x128xf32, #tpu.memory_space<vmem_shared>>) target(%dma_start3A_19 : memref<632x128xf32, #tpu.memory_space<hbm>>) target_semaphore(%run_scoped3A : memref<!tpu.dma_semaphore, #tpu.memory_space<semaphore_mem>>)
      %dma_wait3A = arith.constant 0 : i32
      %dma_wait3A_22 = tpu.memref_slice %arg6[%arg0, %mul3A_0, %dma_wait3A] : memref<2x10112x128xf32, #tpu.memory_space<hbm>> -> memref<1x632x128xf32, #tpu.memory_space<hbm>>
      %dma_wait3A_23 = tpu.memref_squeeze %dma_wait3A_22 : memref<1x632x128xf32, #tpu.memory_space<hbm>> -> memref<632x128xf32, #tpu.memory_space<hbm>>
      %dma_wait3A_24 = arith.constant 0 : i32
      %dma_wait3A_25 = tpu.memref_slice %arg7[%mul3A_0, %dma_wait3A_24] : memref<10112x128xf32, #tpu.memory_space<vmem_shared>> -> memref<632x128xf32, #tpu.memory_space<vmem_shared>>
      tpu.wait_dma2 semaphore(%run_scoped3A : memref<!tpu.dma_semaphore, #tpu.memory_space<semaphore_mem>>) src(%dma_wait3A_25 : memref<632x128xf32, #tpu.memory_space<vmem_shared>>) dst(%dma_wait3A_23 : memref<632x128xf32, #tpu.memory_space<hbm>>)
      tpu.yield
    }) : () -> ()
    return
  }
}

#map = affine_map<(d0, d1) -> (0, 0)>
#map1 = affine_map<(d0, d1) -> (0)>
#map2 = affine_map<(d0, d1) -> (0, 0, 0)>
module attributes {stable_mosaic.version = 14 : i64} {
  func.func @sc_edge_pass_l0(%arg0: i32, %arg1: i32, %arg2: memref<10000x128xf32, #tpu.memory_space<hbm>>, %arg3: memref<10000x128xf32, #tpu.memory_space<hbm>>, %arg4: memref<320000xi32, #tpu.memory_space<hbm>>, %arg5: memref<320000xi32, #tpu.memory_space<hbm>>, %arg6: memref<320000x128xf32, #tpu.memory_space<hbm>>, %arg7: memref<10112x128xf32, #tpu.memory_space<hbm>>, %arg8: memref<2x10112x128xf32, #tpu.memory_space<hbm>>, %arg9: memref<320000x128xf32, #tpu.memory_space<hbm>>, %arg10: memref<10112x128xf32, #tpu.memory_space<vmem_shared>>, %arg11: memref<128xi32, #tpu.memory_space<vmem>>, %arg12: memref<128xi32, #tpu.memory_space<vmem>>, %arg13: memref<32xi32, #tpu.memory_space<vmem>>, %arg14: memref<32xi32, #tpu.memory_space<vmem>>, %arg15: memref<128x128xf32, #tpu.memory_space<vmem>>) attributes {dimension_semantics = [#tpu.dimension_semantics<core_parallel>, #tpu.dimension_semantics<subcore_parallel>], iteration_bounds = array<i64: 2, 16>, scalar_prefetch = 0 : i64, scratch_operands = 6 : i64, tpu.core_type = #tpu.core_type<sc_vector_subcore>, window_params = [{transform_indices = #map}, {transform_indices = #map}, {transform_indices = #map1}, {transform_indices = #map1}, {transform_indices = #map}, {transform_indices = #map}, {transform_indices = #map2}, {transform_indices = #map}]} {
    %mul3A = arith.constant 632 : i32
    %mul3A_0 = arith.muli %arg1, %mul3A : i32
    "tpu.region"() ({
      %run_scoped3A = tpu.sem_alloc : memref<!tpu.dma_semaphore, #tpu.memory_space<semaphore_mem>>
      %dma_start3A = arith.constant 0 : i32
      %dma_start3A_30 = tpu.memref_slice %arg10[%mul3A_0, %dma_start3A] : memref<10112x128xf32, #tpu.memory_space<vmem_shared>> -> memref<632x128xf32, #tpu.memory_space<vmem_shared>>
      %dma_start3A_31 = arith.constant 0 : i32
      %dma_start3A_32 = tpu.memref_slice %arg7[%mul3A_0, %dma_start3A_31] : memref<10112x128xf32, #tpu.memory_space<hbm>> -> memref<632x128xf32, #tpu.memory_space<hbm>>
      tpu.enqueue_dma source(%dma_start3A_32 : memref<632x128xf32, #tpu.memory_space<hbm>>) target(%dma_start3A_30 : memref<632x128xf32, #tpu.memory_space<vmem_shared>>) target_semaphore(%run_scoped3A : memref<!tpu.dma_semaphore, #tpu.memory_space<semaphore_mem>>)
      %dma_wait3A = arith.constant 0 : i32
      %dma_wait3A_33 = tpu.memref_slice %arg10[%mul3A_0, %dma_wait3A] : memref<10112x128xf32, #tpu.memory_space<vmem_shared>> -> memref<632x128xf32, #tpu.memory_space<vmem_shared>>
      %dma_wait3A_34 = arith.constant 0 : i32
      %dma_wait3A_35 = tpu.memref_slice %arg7[%mul3A_0, %dma_wait3A_34] : memref<10112x128xf32, #tpu.memory_space<hbm>> -> memref<632x128xf32, #tpu.memory_space<hbm>>
      tpu.wait_dma2 semaphore(%run_scoped3A : memref<!tpu.dma_semaphore, #tpu.memory_space<semaphore_mem>>) src(%dma_wait3A_35 : memref<632x128xf32, #tpu.memory_space<hbm>>) dst(%dma_wait3A_33 : memref<632x128xf32, #tpu.memory_space<vmem_shared>>)
      tpu.yield
    }) : () -> ()
    %barrier3A = arith.constant 0 : index
    tpu.barrier barrier_id(%barrier3A)
    %scan3A = arith.constant 0 : i32
    %scan3A_1 = arith.constant 0 : i32
    %scan3A_2 = arith.constant 156 : i32
    %scan3A_3 = arith.addi %scan3A_1, %scan3A_2 : i32
    %scan3A_4 = arith.constant 1 : i32
    %scan3A_5 = scf.for %scan3A_30 = %scan3A_1 to %scan3A_3 step %scan3A_4 iter_args(%scan3A_31 = %scan3A) -> (i32)  : i32 {
      %eq3A_32 = arith.constant 0 : i32
      %eq3A_33 = arith.cmpi eq, %arg0, %eq3A_32 : i32
      %lt3A = arith.constant 78 : i32
      %lt3A_34 = arith.cmpi slt, %scan3A_30, %lt3A : i32
      %ge3A = arith.constant 78 : i32
      %ge3A_35 = arith.cmpi sge, %scan3A_30, %ge3A : i32
      %select_n3A = arith.select %eq3A_33, %lt3A_34, %ge3A_35 : i1
      %mul3A_36 = arith.constant 20000 : i32
      %mul3A_37 = arith.muli %arg1, %mul3A_36 : i32
      %mul3A_38 = arith.constant 128 : i32
      %mul3A_39 = arith.muli %scan3A_30, %mul3A_38 : i32
      %add3A_40 = arith.addi %mul3A_37, %mul3A_39 : i32
      "tpu.region"() ({
        %run_scoped3A = tpu.sem_alloc : memref<!tpu.dma_semaphore, #tpu.memory_space<semaphore_mem>>
        %dma_start3A = tpu.memref_slice %arg4[%add3A_40] : memref<320000xi32, #tpu.memory_space<hbm>> -> memref<128xi32, #tpu.memory_space<hbm>>
        %dma_start3A_62 = tpu.memref_slice %arg4[%add3A_40] : memref<320000xi32, #tpu.memory_space<hbm>> -> memref<128xi32, #tpu.memory_space<hbm>>
        tpu.enqueue_dma source(%dma_start3A_62 : memref<128xi32, #tpu.memory_space<hbm>>) target(%arg11 : memref<128xi32, #tpu.memory_space<vmem>>) target_semaphore(%run_scoped3A : memref<!tpu.dma_semaphore, #tpu.memory_space<semaphore_mem>>)
        %dma_wait3A = tpu.memref_slice %arg4[%add3A_40] : memref<320000xi32, #tpu.memory_space<hbm>> -> memref<128xi32, #tpu.memory_space<hbm>>
        %dma_wait3A_63 = tpu.memref_slice %arg4[%add3A_40] : memref<320000xi32, #tpu.memory_space<hbm>> -> memref<128xi32, #tpu.memory_space<hbm>>
        tpu.wait_dma2 semaphore(%run_scoped3A : memref<!tpu.dma_semaphore, #tpu.memory_space<semaphore_mem>>) src(%dma_wait3A_63 : memref<128xi32, #tpu.memory_space<hbm>>) dst(%arg11 : memref<128xi32, #tpu.memory_space<vmem>>)
        tpu.yield
      }) : () -> ()
      "tpu.region"() ({
        %run_scoped3A = tpu.sem_alloc : memref<!tpu.dma_semaphore, #tpu.memory_space<semaphore_mem>>
        %dma_start3A = tpu.memref_slice %arg5[%add3A_40] : memref<320000xi32, #tpu.memory_space<hbm>> -> memref<128xi32, #tpu.memory_space<hbm>>
        %dma_start3A_62 = tpu.memref_slice %arg5[%add3A_40] : memref<320000xi32, #tpu.memory_space<hbm>> -> memref<128xi32, #tpu.memory_space<hbm>>
        tpu.enqueue_dma source(%dma_start3A_62 : memref<128xi32, #tpu.memory_space<hbm>>) target(%arg12 : memref<128xi32, #tpu.memory_space<vmem>>) target_semaphore(%run_scoped3A : memref<!tpu.dma_semaphore, #tpu.memory_space<semaphore_mem>>)
        %dma_wait3A = tpu.memref_slice %arg5[%add3A_40] : memref<320000xi32, #tpu.memory_space<hbm>> -> memref<128xi32, #tpu.memory_space<hbm>>
        %dma_wait3A_63 = tpu.memref_slice %arg5[%add3A_40] : memref<320000xi32, #tpu.memory_space<hbm>> -> memref<128xi32, #tpu.memory_space<hbm>>
        tpu.wait_dma2 semaphore(%run_scoped3A : memref<!tpu.dma_semaphore, #tpu.memory_space<semaphore_mem>>) src(%dma_wait3A_63 : memref<128xi32, #tpu.memory_space<hbm>>) dst(%arg12 : memref<128xi32, #tpu.memory_space<vmem>>)
        tpu.yield
      }) : () -> ()
      "tpu.region"() ({
        %run_scoped3A = tpu.sem_alloc : memref<!tpu.dma_semaphore, #tpu.memory_space<semaphore_mem>>
        %dma_start3A = arith.constant 0 : i32
        %dma_start3A_62 = arith.constant 0 : i32
        %dma_start3A_63 = tpu.memref_slice %arg15[%dma_start3A, %dma_start3A_62] : memref<128x128xf32, #tpu.memory_space<vmem>> -> memref<128x128xf32, #tpu.memory_space<vmem>>
        %dma_start3A_64 = arith.constant 0 : i32
        %dma_start3A_65 = tpu.memref_slice %arg6[%add3A_40, %dma_start3A_64] : memref<320000x128xf32, #tpu.memory_space<hbm>> -> memref<128x128xf32, #tpu.memory_space<hbm>>
        %dma_start3A_66 = arith.constant 0 : i32
        %dma_start3A_67 = arith.constant 0 : i32
        %dma_start3A_68 = tpu.memref_slice %arg15[%dma_start3A_66, %dma_start3A_67] : memref<128x128xf32, #tpu.memory_space<vmem>> -> memref<128x128xf32, #tpu.memory_space<vmem>>
        %dma_start3A_69 = arith.constant 0 : i32
        %dma_start3A_70 = tpu.memref_slice %arg6[%add3A_40, %dma_start3A_69] : memref<320000x128xf32, #tpu.memory_space<hbm>> -> memref<128x128xf32, #tpu.memory_space<hbm>>
        tpu.enqueue_dma source(%dma_start3A_70 : memref<128x128xf32, #tpu.memory_space<hbm>>) target(%dma_start3A_68 : memref<128x128xf32, #tpu.memory_space<vmem>>) target_semaphore(%run_scoped3A : memref<!tpu.dma_semaphore, #tpu.memory_space<semaphore_mem>>)
        %dma_wait3A = arith.constant 0 : i32
        %dma_wait3A_71 = arith.constant 0 : i32
        %dma_wait3A_72 = tpu.memref_slice %arg15[%dma_wait3A, %dma_wait3A_71] : memref<128x128xf32, #tpu.memory_space<vmem>> -> memref<128x128xf32, #tpu.memory_space<vmem>>
        %dma_wait3A_73 = arith.constant 0 : i32
        %dma_wait3A_74 = tpu.memref_slice %arg6[%add3A_40, %dma_wait3A_73] : memref<320000x128xf32, #tpu.memory_space<hbm>> -> memref<128x128xf32, #tpu.memory_space<hbm>>
        %dma_wait3A_75 = arith.constant 0 : i32
        %dma_wait3A_76 = arith.constant 0 : i32
        %dma_wait3A_77 = tpu.memref_slice %arg15[%dma_wait3A_75, %dma_wait3A_76] : memref<128x128xf32, #tpu.memory_space<vmem>> -> memref<128x128xf32, #tpu.memory_space<vmem>>
        %dma_wait3A_78 = arith.constant 0 : i32
        %dma_wait3A_79 = tpu.memref_slice %arg6[%add3A_40, %dma_wait3A_78] : memref<320000x128xf32, #tpu.memory_space<hbm>> -> memref<128x128xf32, #tpu.memory_space<hbm>>
        tpu.wait_dma2 semaphore(%run_scoped3A : memref<!tpu.dma_semaphore, #tpu.memory_space<semaphore_mem>>) src(%dma_wait3A_79 : memref<128x128xf32, #tpu.memory_space<hbm>>) dst(%dma_wait3A_77 : memref<128x128xf32, #tpu.memory_space<vmem>>)
        tpu.yield
      }) : () -> ()
      "tpu.region"() ({
        %run_scoped3A = tpu.sem_alloc : memref<!tpu.dma_semaphore, #tpu.memory_space<semaphore_mem>>
        %dma_start3A = arith.constant 0 : i32
        %dma_start3A_62 = arith.constant 0 : i32
        %dma_start3A_63 = tpu.memref_slice %arg15[%dma_start3A, %dma_start3A_62] : memref<128x128xf32, #tpu.memory_space<vmem>> -> memref<128x128xf32, #tpu.memory_space<vmem>>
        %dma_start3A_64 = arith.constant 0 : i32
        %dma_start3A_65 = arith.constant 0 : i32
        %dma_start3A_66 = tpu.memref_slice %arg2[%dma_start3A_64, %dma_start3A_65] : memref<10000x128xf32, #tpu.memory_space<hbm>> -> memref<10000x128xf32, #tpu.memory_space<hbm>>
        tpu.enqueue_indirect_dma source(%dma_start3A_66 : memref<10000x128xf32, #tpu.memory_space<hbm>>) target(%dma_start3A_63 : memref<128x128xf32, #tpu.memory_space<vmem>>) offsets(%arg11 : memref<128xi32, #tpu.memory_space<vmem>>) semaphore(%run_scoped3A : memref<!tpu.dma_semaphore, #tpu.memory_space<semaphore_mem>>) {add = true}
        %dma_wait3A = arith.constant 0 : i32
        %dma_wait3A_67 = arith.constant 0 : i32
        %dma_wait3A_68 = tpu.memref_slice %arg15[%dma_wait3A, %dma_wait3A_67] : memref<128x128xf32, #tpu.memory_space<vmem>> -> memref<128x128xf32, #tpu.memory_space<vmem>>
        %dma_wait3A_69 = arith.constant 0 : i32
        %dma_wait3A_70 = arith.constant 0 : i32
        %dma_wait3A_71 = tpu.memref_slice %arg2[%dma_wait3A_69, %dma_wait3A_70] : memref<10000x128xf32, #tpu.memory_space<hbm>> -> memref<10000x128xf32, #tpu.memory_space<hbm>>
        tpu.wait_indirect_dma semaphore(%run_scoped3A : memref<!tpu.dma_semaphore, #tpu.memory_space<semaphore_mem>>) src(%dma_wait3A_71 : memref<10000x128xf32, #tpu.memory_space<hbm>>) dst(%dma_wait3A_68 : memref<128x128xf32, #tpu.memory_space<vmem>>)
        tpu.yield
      }) : () -> ()
      "tpu.region"() ({
        %run_scoped3A = tpu.sem_alloc : memref<!tpu.dma_semaphore, #tpu.memory_space<semaphore_mem>>
        %dma_start3A = arith.constant 0 : i32
        %dma_start3A_62 = arith.constant 0 : i32
        %dma_start3A_63 = tpu.memref_slice %arg15[%dma_start3A, %dma_start3A_62] : memref<128x128xf32, #tpu.memory_space<vmem>> -> memref<128x128xf32, #tpu.memory_space<vmem>>
        %dma_start3A_64 = arith.constant 0 : i32
        %dma_start3A_65 = arith.constant 0 : i32
        %dma_start3A_66 = tpu.memref_slice %arg3[%dma_start3A_64, %dma_start3A_65] : memref<10000x128xf32, #tpu.memory_space<hbm>> -> memref<10000x128xf32, #tpu.memory_space<hbm>>
        tpu.enqueue_indirect_dma source(%dma_start3A_66 : memref<10000x128xf32, #tpu.memory_space<hbm>>) target(%dma_start3A_63 : memref<128x128xf32, #tpu.memory_space<vmem>>) offsets(%arg12 : memref<128xi32, #tpu.memory_space<vmem>>) semaphore(%run_scoped3A : memref<!tpu.dma_semaphore, #tpu.memory_space<semaphore_mem>>) {add = true}
        %dma_wait3A = arith.constant 0 : i32
        %dma_wait3A_67 = arith.constant 0 : i32
        %dma_wait3A_68 = tpu.memref_slice %arg15[%dma_wait3A, %dma_wait3A_67] : memref<128x128xf32, #tpu.memory_space<vmem>> -> memref<128x128xf32, #tpu.memory_space<vmem>>
        %dma_wait3A_69 = arith.constant 0 : i32
        %dma_wait3A_70 = arith.constant 0 : i32
        %dma_wait3A_71 = tpu.memref_slice %arg3[%dma_wait3A_69, %dma_wait3A_70] : memref<10000x128xf32, #tpu.memory_space<hbm>> -> memref<10000x128xf32, #tpu.memory_space<hbm>>
        tpu.wait_indirect_dma semaphore(%run_scoped3A : memref<!tpu.dma_semaphore, #tpu.memory_space<semaphore_mem>>) src(%dma_wait3A_71 : memref<10000x128xf32, #tpu.memory_space<hbm>>) dst(%dma_wait3A_68 : memref<128x128xf32, #tpu.memory_space<vmem>>)
        tpu.yield
      }) : () -> ()
      %scan3A_41 = arith.constant 0 : i32
      %scan3A_42 = arith.constant 0 : i32
      %scan3A_43 = arith.constant 128 : i32
      %scan3A_44 = arith.addi %scan3A_42, %scan3A_43 : i32
      %scan3A_45 = arith.constant 1 : i32
      %scan3A_46 = scf.for %scan3A_62 = %scan3A_42 to %scan3A_44 step %scan3A_45 iter_args(%scan3A_63 = %scan3A_41) -> (i32)  : i32 {
        %get3A = arith.index_cast %scan3A_62 : i32 to index
        %get3A_64 = arith.constant 0 : index
        %get3A_65 = tpu.vector_load %arg15[%get3A, %get3A_64] {strides = array<i32>} : memref<128x128xf32, #tpu.memory_space<vmem>>, vector<1x16xf32>,
        %get3A_66 = vector.shape_cast %get3A_65 : vector<1x16xf32> to vector<16xf32>
        %max3A = arith.constant 0.000000e+00 : f32
        %max3A_67 = vector.broadcast %max3A : f32 to vector<16xf32>
        %max3A_68 = arith.maximumf %get3A_66, %max3A_67 : vector<16xf32>
        %swap3A = arith.index_cast %scan3A_62 : i32 to index
        %swap3A_69 = arith.constant 0 : index
        %swap3A_70 = tpu.vector_load %arg15[%swap3A, %swap3A_69] {strides = array<i32>} : memref<128x128xf32, #tpu.memory_space<vmem>>, vector<1x16xf32>,
        %swap3A_71 = vector.shape_cast %swap3A_70 : vector<1x16xf32> to vector<16xf32>
        %swap3A_72 = vector.shape_cast %max3A_68 : vector<16xf32> to vector<1x16xf32>
        tpu.vector_store %arg15[%swap3A, %swap3A_69], %swap3A_72 {strides = array<i32>} : memref<128x128xf32, #tpu.memory_space<vmem>>, vector<1x16xf32>,
        %get3A_73 = arith.index_cast %scan3A_62 : i32 to index
        %get3A_74 = arith.constant 16 : index
        %get3A_75 = tpu.vector_load %arg15[%get3A_73, %get3A_74] {strides = array<i32>} : memref<128x128xf32, #tpu.memory_space<vmem>>, vector<1x16xf32>,
        %get3A_76 = vector.shape_cast %get3A_75 : vector<1x16xf32> to vector<16xf32>
        %max3A_77 = arith.constant 0.000000e+00 : f32
        %max3A_78 = vector.broadcast %max3A_77 : f32 to vector<16xf32>
        %max3A_79 = arith.maximumf %get3A_76, %max3A_78 : vector<16xf32>
        %swap3A_80 = arith.index_cast %scan3A_62 : i32 to index
        %swap3A_81 = arith.constant 16 : index
        %swap3A_82 = tpu.vector_load %arg15[%swap3A_80, %swap3A_81] {strides = array<i32>} : memref<128x128xf32, #tpu.memory_space<vmem>>, vector<1x16xf32>,
        %swap3A_83 = vector.shape_cast %swap3A_82 : vector<1x16xf32> to vector<16xf32>
        %swap3A_84 = vector.shape_cast %max3A_79 : vector<16xf32> to vector<1x16xf32>
        tpu.vector_store %arg15[%swap3A_80, %swap3A_81], %swap3A_84 {strides = array<i32>} : memref<128x128xf32, #tpu.memory_space<vmem>>, vector<1x16xf32>,
        %get3A_85 = arith.index_cast %scan3A_62 : i32 to index
        %get3A_86 = arith.constant 32 : index
        %get3A_87 = tpu.vector_load %arg15[%get3A_85, %get3A_86] {strides = array<i32>} : memref<128x128xf32, #tpu.memory_space<vmem>>, vector<1x16xf32>,
        %get3A_88 = vector.shape_cast %get3A_87 : vector<1x16xf32> to vector<16xf32>
        %max3A_89 = arith.constant 0.000000e+00 : f32
        %max3A_90 = vector.broadcast %max3A_89 : f32 to vector<16xf32>
        %max3A_91 = arith.maximumf %get3A_88, %max3A_90 : vector<16xf32>
        %swap3A_92 = arith.index_cast %scan3A_62 : i32 to index
        %swap3A_93 = arith.constant 32 : index
        %swap3A_94 = tpu.vector_load %arg15[%swap3A_92, %swap3A_93] {strides = array<i32>} : memref<128x128xf32, #tpu.memory_space<vmem>>, vector<1x16xf32>,
        %swap3A_95 = vector.shape_cast %swap3A_94 : vector<1x16xf32> to vector<16xf32>
        %swap3A_96 = vector.shape_cast %max3A_91 : vector<16xf32> to vector<1x16xf32>
        tpu.vector_store %arg15[%swap3A_92, %swap3A_93], %swap3A_96 {strides = array<i32>} : memref<128x128xf32, #tpu.memory_space<vmem>>, vector<1x16xf32>,
        %get3A_97 = arith.index_cast %scan3A_62 : i32 to index
        %get3A_98 = arith.constant 48 : index
        %get3A_99 = tpu.vector_load %arg15[%get3A_97, %get3A_98] {strides = array<i32>} : memref<128x128xf32, #tpu.memory_space<vmem>>, vector<1x16xf32>,
        %get3A_100 = vector.shape_cast %get3A_99 : vector<1x16xf32> to vector<16xf32>
        %max3A_101 = arith.constant 0.000000e+00 : f32
        %max3A_102 = vector.broadcast %max3A_101 : f32 to vector<16xf32>
        %max3A_103 = arith.maximumf %get3A_100, %max3A_102 : vector<16xf32>
        %swap3A_104 = arith.index_cast %scan3A_62 : i32 to index
        %swap3A_105 = arith.constant 48 : index
        %swap3A_106 = tpu.vector_load %arg15[%swap3A_104, %swap3A_105] {strides = array<i32>} : memref<128x128xf32, #tpu.memory_space<vmem>>, vector<1x16xf32>,
        %swap3A_107 = vector.shape_cast %swap3A_106 : vector<1x16xf32> to vector<16xf32>
        %swap3A_108 = vector.shape_cast %max3A_103 : vector<16xf32> to vector<1x16xf32>
        tpu.vector_store %arg15[%swap3A_104, %swap3A_105], %swap3A_108 {strides = array<i32>} : memref<128x128xf32, #tpu.memory_space<vmem>>, vector<1x16xf32>,
        %get3A_109 = arith.index_cast %scan3A_62 : i32 to index
        %get3A_110 = arith.constant 64 : index
        %get3A_111 = tpu.vector_load %arg15[%get3A_109, %get3A_110] {strides = array<i32>} : memref<128x128xf32, #tpu.memory_space<vmem>>, vector<1x16xf32>,
        %get3A_112 = vector.shape_cast %get3A_111 : vector<1x16xf32> to vector<16xf32>
        %max3A_113 = arith.constant 0.000000e+00 : f32
        %max3A_114 = vector.broadcast %max3A_113 : f32 to vector<16xf32>
        %max3A_115 = arith.maximumf %get3A_112, %max3A_114 : vector<16xf32>
        %swap3A_116 = arith.index_cast %scan3A_62 : i32 to index
        %swap3A_117 = arith.constant 64 : index
        %swap3A_118 = tpu.vector_load %arg15[%swap3A_116, %swap3A_117] {strides = array<i32>} : memref<128x128xf32, #tpu.memory_space<vmem>>, vector<1x16xf32>,
        %swap3A_119 = vector.shape_cast %swap3A_118 : vector<1x16xf32> to vector<16xf32>
        %swap3A_120 = vector.shape_cast %max3A_115 : vector<16xf32> to vector<1x16xf32>
        tpu.vector_store %arg15[%swap3A_116, %swap3A_117], %swap3A_120 {strides = array<i32>} : memref<128x128xf32, #tpu.memory_space<vmem>>, vector<1x16xf32>,
        %get3A_121 = arith.index_cast %scan3A_62 : i32 to index
        %get3A_122 = arith.constant 80 : index
        %get3A_123 = tpu.vector_load %arg15[%get3A_121, %get3A_122] {strides = array<i32>} : memref<128x128xf32, #tpu.memory_space<vmem>>, vector<1x16xf32>,
        %get3A_124 = vector.shape_cast %get3A_123 : vector<1x16xf32> to vector<16xf32>
        %max3A_125 = arith.constant 0.000000e+00 : f32
        %max3A_126 = vector.broadcast %max3A_125 : f32 to vector<16xf32>
        %max3A_127 = arith.maximumf %get3A_124, %max3A_126 : vector<16xf32>
        %swap3A_128 = arith.index_cast %scan3A_62 : i32 to index
        %swap3A_129 = arith.constant 80 : index
        %swap3A_130 = tpu.vector_load %arg15[%swap3A_128, %swap3A_129] {strides = array<i32>} : memref<128x128xf32, #tpu.memory_space<vmem>>, vector<1x16xf32>,
        %swap3A_131 = vector.shape_cast %swap3A_130 : vector<1x16xf32> to vector<16xf32>
        %swap3A_132 = vector.shape_cast %max3A_127 : vector<16xf32> to vector<1x16xf32>
        tpu.vector_store %arg15[%swap3A_128, %swap3A_129], %swap3A_132 {strides = array<i32>} : memref<128x128xf32, #tpu.memory_space<vmem>>, vector<1x16xf32>,
        %get3A_133 = arith.index_cast %scan3A_62 : i32 to index
        %get3A_134 = arith.constant 96 : index
        %get3A_135 = tpu.vector_load %arg15[%get3A_133, %get3A_134] {strides = array<i32>} : memref<128x128xf32, #tpu.memory_space<vmem>>, vector<1x16xf32>,
        %get3A_136 = vector.shape_cast %get3A_135 : vector<1x16xf32> to vector<16xf32>
        %max3A_137 = arith.constant 0.000000e+00 : f32
        %max3A_138 = vector.broadcast %max3A_137 : f32 to vector<16xf32>
        %max3A_139 = arith.maximumf %get3A_136, %max3A_138 : vector<16xf32>
        %swap3A_140 = arith.index_cast %scan3A_62 : i32 to index
        %swap3A_141 = arith.constant 96 : index
        %swap3A_142 = tpu.vector_load %arg15[%swap3A_140, %swap3A_141] {strides = array<i32>} : memref<128x128xf32, #tpu.memory_space<vmem>>, vector<1x16xf32>,
        %swap3A_143 = vector.shape_cast %swap3A_142 : vector<1x16xf32> to vector<16xf32>
        %swap3A_144 = vector.shape_cast %max3A_139 : vector<16xf32> to vector<1x16xf32>
        tpu.vector_store %arg15[%swap3A_140, %swap3A_141], %swap3A_144 {strides = array<i32>} : memref<128x128xf32, #tpu.memory_space<vmem>>, vector<1x16xf32>,
        %get3A_145 = arith.index_cast %scan3A_62 : i32 to index
        %get3A_146 = arith.constant 112 : index
        %get3A_147 = tpu.vector_load %arg15[%get3A_145, %get3A_146] {strides = array<i32>} : memref<128x128xf32, #tpu.memory_space<vmem>>, vector<1x16xf32>,
        %get3A_148 = vector.shape_cast %get3A_147 : vector<1x16xf32> to vector<16xf32>
        %max3A_149 = arith.constant 0.000000e+00 : f32
        %max3A_150 = vector.broadcast %max3A_149 : f32 to vector<16xf32>
        %max3A_151 = arith.maximumf %get3A_148, %max3A_150 : vector<16xf32>
        %swap3A_152 = arith.index_cast %scan3A_62 : i32 to index
        %swap3A_153 = arith.constant 112 : index
        %swap3A_154 = tpu.vector_load %arg15[%swap3A_152, %swap3A_153] {strides = array<i32>} : memref<128x128xf32, #tpu.memory_space<vmem>>, vector<1x16xf32>,
        %swap3A_155 = vector.shape_cast %swap3A_154 : vector<1x16xf32> to vector<16xf32>
        %swap3A_156 = vector.shape_cast %max3A_151 : vector<16xf32> to vector<1x16xf32>
        tpu.vector_store %arg15[%swap3A_152, %swap3A_153], %swap3A_156 {strides = array<i32>} : memref<128x128xf32, #tpu.memory_space<vmem>>, vector<1x16xf32>,
        %scan3A_157 = arith.constant 0 : i32
        scf.yield %scan3A_157 : i32
      }
      %scan3A_47 = arith.constant 128 : i32
      %convert_element_type3A_48 = arith.extui %select_n3A : i1 to i32
      %cond3A_49 = arith.constant 0 : i32
      %cond3A_50 = arith.cmpi ne, %convert_element_type3A_48, %cond3A_49 : i32
      scf.if %cond3A_50 {
        "tpu.region"() ({
          %run_scoped3A = tpu.sem_alloc : memref<!tpu.dma_semaphore, #tpu.memory_space<semaphore_mem>>
          %dma_start3A = arith.constant 0 : i32
          %dma_start3A_62 = arith.constant 0 : i32
          %dma_start3A_63 = tpu.memref_slice %arg15[%dma_start3A, %dma_start3A_62] : memref<128x128xf32, #tpu.memory_space<vmem>> -> memref<128x128xf32, #tpu.memory_space<vmem>>
          %dma_start3A_64 = arith.constant 0 : i32
          %dma_start3A_65 = tpu.memref_slice %arg9[%add3A_40, %dma_start3A_64] : memref<320000x128xf32, #tpu.memory_space<hbm>> -> memref<128x128xf32, #tpu.memory_space<hbm>>
          %dma_start3A_66 = arith.constant 0 : i32
          %dma_start3A_67 = tpu.memref_slice %arg9[%add3A_40, %dma_start3A_66] : memref<320000x128xf32, #tpu.memory_space<hbm>> -> memref<128x128xf32, #tpu.memory_space<hbm>>
          %dma_start3A_68 = arith.constant 0 : i32
          %dma_start3A_69 = arith.constant 0 : i32
          %dma_start3A_70 = tpu.memref_slice %arg15[%dma_start3A_68, %dma_start3A_69] : memref<128x128xf32, #tpu.memory_space<vmem>> -> memref<128x128xf32, #tpu.memory_space<vmem>>
          tpu.enqueue_dma source(%dma_start3A_70 : memref<128x128xf32, #tpu.memory_space<vmem>>) target(%dma_start3A_67 : memref<128x128xf32, #tpu.memory_space<hbm>>) target_semaphore(%run_scoped3A : memref<!tpu.dma_semaphore, #tpu.memory_space<semaphore_mem>>)
          %dma_wait3A = arith.constant 0 : i32
          %dma_wait3A_71 = arith.constant 0 : i32
          %dma_wait3A_72 = tpu.memref_slice %arg15[%dma_wait3A, %dma_wait3A_71] : memref<128x128xf32, #tpu.memory_space<vmem>> -> memref<128x128xf32, #tpu.memory_space<vmem>>
          %dma_wait3A_73 = arith.constant 0 : i32
          %dma_wait3A_74 = tpu.memref_slice %arg9[%add3A_40, %dma_wait3A_73] : memref<320000x128xf32, #tpu.memory_space<hbm>> -> memref<128x128xf32, #tpu.memory_space<hbm>>
          %dma_wait3A_75 = arith.constant 0 : i32
          %dma_wait3A_76 = tpu.memref_slice %arg9[%add3A_40, %dma_wait3A_75] : memref<320000x128xf32, #tpu.memory_space<hbm>> -> memref<128x128xf32, #tpu.memory_space<hbm>>
          %dma_wait3A_77 = arith.constant 0 : i32
          %dma_wait3A_78 = arith.constant 0 : i32
          %dma_wait3A_79 = tpu.memref_slice %arg15[%dma_wait3A_77, %dma_wait3A_78] : memref<128x128xf32, #tpu.memory_space<vmem>> -> memref<128x128xf32, #tpu.memory_space<vmem>>
          tpu.wait_dma2 semaphore(%run_scoped3A : memref<!tpu.dma_semaphore, #tpu.memory_space<semaphore_mem>>) src(%dma_wait3A_79 : memref<128x128xf32, #tpu.memory_space<vmem>>) dst(%dma_wait3A_76 : memref<128x128xf32, #tpu.memory_space<hbm>>)
          tpu.yield
        }) : () -> ()
      } else {
      }
      %eq3A_51 = arith.constant 0 : i32
      %eq3A_52 = arith.cmpi eq, %arg0, %eq3A_51 : i32
      %convert_element_type3A_53 = arith.extui %eq3A_52 : i1 to i32
      %cond3A_54 = arith.constant 0 : i32
      %cond3A_55 = arith.cmpi ne, %convert_element_type3A_53, %cond3A_54 : i32
      scf.if %cond3A_55 {
        "tpu.region"() ({
          %run_scoped3A = tpu.sem_alloc : memref<!tpu.dma_semaphore, #tpu.memory_space<semaphore_mem>>
          %dma_start3A = arith.constant 0 : i32
          %dma_start3A_62 = arith.constant 0 : i32
          %dma_start3A_63 = tpu.memref_slice %arg15[%dma_start3A, %dma_start3A_62] : memref<128x128xf32, #tpu.memory_space<vmem>> -> memref<128x128xf32, #tpu.memory_space<vmem>>
          %dma_start3A_64 = arith.constant 0 : i32
          %dma_start3A_65 = arith.constant 0 : i32
          %dma_start3A_66 = tpu.memref_slice %arg10[%dma_start3A_64, %dma_start3A_65] : memref<10112x128xf32, #tpu.memory_space<vmem_shared>> -> memref<10112x128xf32, #tpu.memory_space<vmem_shared>>
          tpu.enqueue_indirect_dma source(%dma_start3A_63 : memref<128x128xf32, #tpu.memory_space<vmem>>) target(%dma_start3A_66 : memref<10112x128xf32, #tpu.memory_space<vmem_shared>>) offsets(%arg11 : memref<128xi32, #tpu.memory_space<vmem>>) semaphore(%run_scoped3A : memref<!tpu.dma_semaphore, #tpu.memory_space<semaphore_mem>>) {add = true}
          %dma_wait3A = arith.constant 0 : i32
          %dma_wait3A_67 = arith.constant 0 : i32
          %dma_wait3A_68 = tpu.memref_slice %arg15[%dma_wait3A, %dma_wait3A_67] : memref<128x128xf32, #tpu.memory_space<vmem>> -> memref<128x128xf32, #tpu.memory_space<vmem>>
          %dma_wait3A_69 = arith.constant 0 : i32
          %dma_wait3A_70 = arith.constant 0 : i32
          %dma_wait3A_71 = tpu.memref_slice %arg10[%dma_wait3A_69, %dma_wait3A_70] : memref<10112x128xf32, #tpu.memory_space<vmem_shared>> -> memref<10112x128xf32, #tpu.memory_space<vmem_shared>>
          tpu.wait_indirect_dma semaphore(%run_scoped3A : memref<!tpu.dma_semaphore, #tpu.memory_space<semaphore_mem>>) src(%dma_wait3A_68 : memref<128x128xf32, #tpu.memory_space<vmem>>) dst(%dma_wait3A_71 : memref<10112x128xf32, #tpu.memory_space<vmem_shared>>)
          tpu.yield
        }) : () -> ()
      } else {
      }
      %eq3A_56 = arith.constant 1 : i32
      %eq3A_57 = arith.cmpi eq, %arg0, %eq3A_56 : i32
      %convert_element_type3A_58 = arith.extui %eq3A_57 : i1 to i32
      %cond3A_59 = arith.constant 0 : i32
      %cond3A_60 = arith.cmpi ne, %convert_element_type3A_58, %cond3A_59 : i32
      scf.if %cond3A_60 {
        "tpu.region"() ({
          %run_scoped3A = tpu.sem_alloc : memref<!tpu.dma_semaphore, #tpu.memory_space<semaphore_mem>>
          %dma_start3A = arith.constant 0 : i32
          %dma_start3A_62 = arith.constant 0 : i32
          %dma_start3A_63 = tpu.memref_slice %arg15[%dma_start3A, %dma_start3A_62] : memref<128x128xf32, #tpu.memory_space<vmem>> -> memref<128x128xf32, #tpu.memory_space<vmem>>
          %dma_start3A_64 = arith.constant 0 : i32
          %dma_start3A_65 = arith.constant 0 : i32
          %dma_start3A_66 = tpu.memref_slice %arg10[%dma_start3A_64, %dma_start3A_65] : memref<10112x128xf32, #tpu.memory_space<vmem_shared>> -> memref<10112x128xf32, #tpu.memory_space<vmem_shared>>
          tpu.enqueue_indirect_dma source(%dma_start3A_63 : memref<128x128xf32, #tpu.memory_space<vmem>>) target(%dma_start3A_66 : memref<10112x128xf32, #tpu.memory_space<vmem_shared>>) offsets(%arg12 : memref<128xi32, #tpu.memory_space<vmem>>) semaphore(%run_scoped3A : memref<!tpu.dma_semaphore, #tpu.memory_space<semaphore_mem>>) {add = true}
          %dma_wait3A = arith.constant 0 : i32
          %dma_wait3A_67 = arith.constant 0 : i32
          %dma_wait3A_68 = tpu.memref_slice %arg15[%dma_wait3A, %dma_wait3A_67] : memref<128x128xf32, #tpu.memory_space<vmem>> -> memref<128x128xf32, #tpu.memory_space<vmem>>
          %dma_wait3A_69 = arith.constant 0 : i32
          %dma_wait3A_70 = arith.constant 0 : i32
          %dma_wait3A_71 = tpu.memref_slice %arg10[%dma_wait3A_69, %dma_wait3A_70] : memref<10112x128xf32, #tpu.memory_space<vmem_shared>> -> memref<10112x128xf32, #tpu.memory_space<vmem_shared>>
          tpu.wait_indirect_dma semaphore(%run_scoped3A : memref<!tpu.dma_semaphore, #tpu.memory_space<semaphore_mem>>) src(%dma_wait3A_68 : memref<128x128xf32, #tpu.memory_space<vmem>>) dst(%dma_wait3A_71 : memref<10112x128xf32, #tpu.memory_space<vmem_shared>>)
          tpu.yield
        }) : () -> ()
      } else {
      }
      %scan3A_61 = arith.constant 0 : i32
      scf.yield %scan3A_61 : i32
    }
    %scan3A_6 = arith.constant 156 : i32
    %mul3A_7 = arith.constant 20000 : i32
    %mul3A_8 = arith.muli %arg1, %mul3A_7 : i32
    %add3A = arith.constant 19968 : i32
    %add3A_9 = arith.addi %mul3A_8, %add3A : i32
    %eq3A = arith.constant 1 : i32
    %eq3A_10 = arith.cmpi eq, %arg0, %eq3A : i32
    "tpu.region"() ({
      %run_scoped3A = tpu.sem_alloc : memref<!tpu.dma_semaphore, #tpu.memory_space<semaphore_mem>>
      %dma_start3A = tpu.memref_slice %arg4[%add3A_9] : memref<320000xi32, #tpu.memory_space<hbm>> -> memref<32xi32, #tpu.memory_space<hbm>>
      %dma_start3A_30 = tpu.memref_slice %arg4[%add3A_9] : memref<320000xi32, #tpu.memory_space<hbm>> -> memref<32xi32, #tpu.memory_space<hbm>>
      tpu.enqueue_dma source(%dma_start3A_30 : memref<32xi32, #tpu.memory_space<hbm>>) target(%arg13 : memref<32xi32, #tpu.memory_space<vmem>>) target_semaphore(%run_scoped3A : memref<!tpu.dma_semaphore, #tpu.memory_space<semaphore_mem>>)
      %dma_wait3A = tpu.memref_slice %arg4[%add3A_9] : memref<320000xi32, #tpu.memory_space<hbm>> -> memref<32xi32, #tpu.memory_space<hbm>>
      %dma_wait3A_31 = tpu.memref_slice %arg4[%add3A_9] : memref<320000xi32, #tpu.memory_space<hbm>> -> memref<32xi32, #tpu.memory_space<hbm>>
      tpu.wait_dma2 semaphore(%run_scoped3A : memref<!tpu.dma_semaphore, #tpu.memory_space<semaphore_mem>>) src(%dma_wait3A_31 : memref<32xi32, #tpu.memory_space<hbm>>) dst(%arg13 : memref<32xi32, #tpu.memory_space<vmem>>)
      tpu.yield
    }) : () -> ()
    "tpu.region"() ({
      %run_scoped3A = tpu.sem_alloc : memref<!tpu.dma_semaphore, #tpu.memory_space<semaphore_mem>>
      %dma_start3A = tpu.memref_slice %arg5[%add3A_9] : memref<320000xi32, #tpu.memory_space<hbm>> -> memref<32xi32, #tpu.memory_space<hbm>>
      %dma_start3A_30 = tpu.memref_slice %arg5[%add3A_9] : memref<320000xi32, #tpu.memory_space<hbm>> -> memref<32xi32, #tpu.memory_space<hbm>>
      tpu.enqueue_dma source(%dma_start3A_30 : memref<32xi32, #tpu.memory_space<hbm>>) target(%arg14 : memref<32xi32, #tpu.memory_space<vmem>>) target_semaphore(%run_scoped3A : memref<!tpu.dma_semaphore, #tpu.memory_space<semaphore_mem>>)
      %dma_wait3A = tpu.memref_slice %arg5[%add3A_9] : memref<320000xi32, #tpu.memory_space<hbm>> -> memref<32xi32, #tpu.memory_space<hbm>>
      %dma_wait3A_31 = tpu.memref_slice %arg5[%add3A_9] : memref<320000xi32, #tpu.memory_space<hbm>> -> memref<32xi32, #tpu.memory_space<hbm>>
      tpu.wait_dma2 semaphore(%run_scoped3A : memref<!tpu.dma_semaphore, #tpu.memory_space<semaphore_mem>>) src(%dma_wait3A_31 : memref<32xi32, #tpu.memory_space<hbm>>) dst(%arg14 : memref<32xi32, #tpu.memory_space<vmem>>)
      tpu.yield
    }) : () -> ()
    "tpu.region"() ({
      %run_scoped3A = tpu.sem_alloc : memref<!tpu.dma_semaphore, #tpu.memory_space<semaphore_mem>>
      %dma_start3A = arith.constant 0 : i32
      %dma_start3A_30 = arith.constant 0 : i32
      %dma_start3A_31 = tpu.memref_slice %arg15[%dma_start3A, %dma_start3A_30] : memref<128x128xf32, #tpu.memory_space<vmem>> -> memref<32x128xf32, #tpu.memory_space<vmem>>
      %dma_start3A_32 = arith.constant 0 : i32
      %dma_start3A_33 = tpu.memref_slice %arg6[%add3A_9, %dma_start3A_32] : memref<320000x128xf32, #tpu.memory_space<hbm>> -> memref<32x128xf32, #tpu.memory_space<hbm>>
      %dma_start3A_34 = arith.constant 0 : i32
      %dma_start3A_35 = arith.constant 0 : i32
      %dma_start3A_36 = tpu.memref_slice %arg15[%dma_start3A_34, %dma_start3A_35] : memref<128x128xf32, #tpu.memory_space<vmem>> -> memref<32x128xf32, #tpu.memory_space<vmem>>
      %dma_start3A_37 = arith.constant 0 : i32
      %dma_start3A_38 = tpu.memref_slice %arg6[%add3A_9, %dma_start3A_37] : memref<320000x128xf32, #tpu.memory_space<hbm>> -> memref<32x128xf32, #tpu.memory_space<hbm>>
      tpu.enqueue_dma source(%dma_start3A_38 : memref<32x128xf32, #tpu.memory_space<hbm>>) target(%dma_start3A_36 : memref<32x128xf32, #tpu.memory_space<vmem>>) target_semaphore(%run_scoped3A : memref<!tpu.dma_semaphore, #tpu.memory_space<semaphore_mem>>)
      %dma_wait3A = arith.constant 0 : i32
      %dma_wait3A_39 = arith.constant 0 : i32
      %dma_wait3A_40 = tpu.memref_slice %arg15[%dma_wait3A, %dma_wait3A_39] : memref<128x128xf32, #tpu.memory_space<vmem>> -> memref<32x128xf32, #tpu.memory_space<vmem>>
      %dma_wait3A_41 = arith.constant 0 : i32
      %dma_wait3A_42 = tpu.memref_slice %arg6[%add3A_9, %dma_wait3A_41] : memref<320000x128xf32, #tpu.memory_space<hbm>> -> memref<32x128xf32, #tpu.memory_space<hbm>>
      %dma_wait3A_43 = arith.constant 0 : i32
      %dma_wait3A_44 = arith.constant 0 : i32
      %dma_wait3A_45 = tpu.memref_slice %arg15[%dma_wait3A_43, %dma_wait3A_44] : memref<128x128xf32, #tpu.memory_space<vmem>> -> memref<32x128xf32, #tpu.memory_space<vmem>>
      %dma_wait3A_46 = arith.constant 0 : i32
      %dma_wait3A_47 = tpu.memref_slice %arg6[%add3A_9, %dma_wait3A_46] : memref<320000x128xf32, #tpu.memory_space<hbm>> -> memref<32x128xf32, #tpu.memory_space<hbm>>
      tpu.wait_dma2 semaphore(%run_scoped3A : memref<!tpu.dma_semaphore, #tpu.memory_space<semaphore_mem>>) src(%dma_wait3A_47 : memref<32x128xf32, #tpu.memory_space<hbm>>) dst(%dma_wait3A_45 : memref<32x128xf32, #tpu.memory_space<vmem>>)
      tpu.yield
    }) : () -> ()
    "tpu.region"() ({
      %run_scoped3A = tpu.sem_alloc : memref<!tpu.dma_semaphore, #tpu.memory_space<semaphore_mem>>
      %dma_start3A = arith.constant 0 : i32
      %dma_start3A_30 = arith.constant 0 : i32
      %dma_start3A_31 = tpu.memref_slice %arg15[%dma_start3A, %dma_start3A_30] : memref<128x128xf32, #tpu.memory_space<vmem>> -> memref<32x128xf32, #tpu.memory_space<vmem>>
      %dma_start3A_32 = arith.constant 0 : i32
      %dma_start3A_33 = arith.constant 0 : i32
      %dma_start3A_34 = tpu.memref_slice %arg2[%dma_start3A_32, %dma_start3A_33] : memref<10000x128xf32, #tpu.memory_space<hbm>> -> memref<10000x128xf32, #tpu.memory_space<hbm>>
      tpu.enqueue_indirect_dma source(%dma_start3A_34 : memref<10000x128xf32, #tpu.memory_space<hbm>>) target(%dma_start3A_31 : memref<32x128xf32, #tpu.memory_space<vmem>>) offsets(%arg13 : memref<32xi32, #tpu.memory_space<vmem>>) semaphore(%run_scoped3A : memref<!tpu.dma_semaphore, #tpu.memory_space<semaphore_mem>>) {add = true}
      %dma_wait3A = arith.constant 0 : i32
      %dma_wait3A_35 = arith.constant 0 : i32
      %dma_wait3A_36 = tpu.memref_slice %arg15[%dma_wait3A, %dma_wait3A_35] : memref<128x128xf32, #tpu.memory_space<vmem>> -> memref<32x128xf32, #tpu.memory_space<vmem>>
      %dma_wait3A_37 = arith.constant 0 : i32
      %dma_wait3A_38 = arith.constant 0 : i32
      %dma_wait3A_39 = tpu.memref_slice %arg2[%dma_wait3A_37, %dma_wait3A_38] : memref<10000x128xf32, #tpu.memory_space<hbm>> -> memref<10000x128xf32, #tpu.memory_space<hbm>>
      tpu.wait_indirect_dma semaphore(%run_scoped3A : memref<!tpu.dma_semaphore, #tpu.memory_space<semaphore_mem>>) src(%dma_wait3A_39 : memref<10000x128xf32, #tpu.memory_space<hbm>>) dst(%dma_wait3A_36 : memref<32x128xf32, #tpu.memory_space<vmem>>)
      tpu.yield
    }) : () -> ()
    "tpu.region"() ({
      %run_scoped3A = tpu.sem_alloc : memref<!tpu.dma_semaphore, #tpu.memory_space<semaphore_mem>>
      %dma_start3A = arith.constant 0 : i32
      %dma_start3A_30 = arith.constant 0 : i32
      %dma_start3A_31 = tpu.memref_slice %arg15[%dma_start3A, %dma_start3A_30] : memref<128x128xf32, #tpu.memory_space<vmem>> -> memref<32x128xf32, #tpu.memory_space<vmem>>
      %dma_start3A_32 = arith.constant 0 : i32
      %dma_start3A_33 = arith.constant 0 : i32
      %dma_start3A_34 = tpu.memref_slice %arg3[%dma_start3A_32, %dma_start3A_33] : memref<10000x128xf32, #tpu.memory_space<hbm>> -> memref<10000x128xf32, #tpu.memory_space<hbm>>
      tpu.enqueue_indirect_dma source(%dma_start3A_34 : memref<10000x128xf32, #tpu.memory_space<hbm>>) target(%dma_start3A_31 : memref<32x128xf32, #tpu.memory_space<vmem>>) offsets(%arg14 : memref<32xi32, #tpu.memory_space<vmem>>) semaphore(%run_scoped3A : memref<!tpu.dma_semaphore, #tpu.memory_space<semaphore_mem>>) {add = true}
      %dma_wait3A = arith.constant 0 : i32
      %dma_wait3A_35 = arith.constant 0 : i32
      %dma_wait3A_36 = tpu.memref_slice %arg15[%dma_wait3A, %dma_wait3A_35] : memref<128x128xf32, #tpu.memory_space<vmem>> -> memref<32x128xf32, #tpu.memory_space<vmem>>
      %dma_wait3A_37 = arith.constant 0 : i32
      %dma_wait3A_38 = arith.constant 0 : i32
      %dma_wait3A_39 = tpu.memref_slice %arg3[%dma_wait3A_37, %dma_wait3A_38] : memref<10000x128xf32, #tpu.memory_space<hbm>> -> memref<10000x128xf32, #tpu.memory_space<hbm>>
      tpu.wait_indirect_dma semaphore(%run_scoped3A : memref<!tpu.dma_semaphore, #tpu.memory_space<semaphore_mem>>) src(%dma_wait3A_39 : memref<10000x128xf32, #tpu.memory_space<hbm>>) dst(%dma_wait3A_36 : memref<32x128xf32, #tpu.memory_space<vmem>>)
      tpu.yield
    }) : () -> ()
    %scan3A_11 = arith.constant 0 : i32
    %scan3A_12 = arith.constant 0 : i32
    %scan3A_13 = arith.constant 32 : i32
    %scan3A_14 = arith.addi %scan3A_12, %scan3A_13 : i32
    %scan3A_15 = arith.constant 1 : i32
    %scan3A_16 = scf.for %scan3A_30 = %scan3A_12 to %scan3A_14 step %scan3A_15 iter_args(%scan3A_31 = %scan3A_11) -> (i32)  : i32 {
      %get3A = arith.index_cast %scan3A_30 : i32 to index
      %get3A_32 = arith.constant 0 : index
      %get3A_33 = tpu.vector_load %arg15[%get3A, %get3A_32] {strides = array<i32>} : memref<128x128xf32, #tpu.memory_space<vmem>>, vector<1x16xf32>,
      %get3A_34 = vector.shape_cast %get3A_33 : vector<1x16xf32> to vector<16xf32>
      %max3A = arith.constant 0.000000e+00 : f32
      %max3A_35 = vector.broadcast %max3A : f32 to vector<16xf32>
      %max3A_36 = arith.maximumf %get3A_34, %max3A_35 : vector<16xf32>
      %swap3A = arith.index_cast %scan3A_30 : i32 to index
      %swap3A_37 = arith.constant 0 : index
      %swap3A_38 = tpu.vector_load %arg15[%swap3A, %swap3A_37] {strides = array<i32>} : memref<128x128xf32, #tpu.memory_space<vmem>>, vector<1x16xf32>,
      %swap3A_39 = vector.shape_cast %swap3A_38 : vector<1x16xf32> to vector<16xf32>
      %swap3A_40 = vector.shape_cast %max3A_36 : vector<16xf32> to vector<1x16xf32>
      tpu.vector_store %arg15[%swap3A, %swap3A_37], %swap3A_40 {strides = array<i32>} : memref<128x128xf32, #tpu.memory_space<vmem>>, vector<1x16xf32>,
      %get3A_41 = arith.index_cast %scan3A_30 : i32 to index
      %get3A_42 = arith.constant 16 : index
      %get3A_43 = tpu.vector_load %arg15[%get3A_41, %get3A_42] {strides = array<i32>} : memref<128x128xf32, #tpu.memory_space<vmem>>, vector<1x16xf32>,
      %get3A_44 = vector.shape_cast %get3A_43 : vector<1x16xf32> to vector<16xf32>
      %max3A_45 = arith.constant 0.000000e+00 : f32
      %max3A_46 = vector.broadcast %max3A_45 : f32 to vector<16xf32>
      %max3A_47 = arith.maximumf %get3A_44, %max3A_46 : vector<16xf32>
      %swap3A_48 = arith.index_cast %scan3A_30 : i32 to index
      %swap3A_49 = arith.constant 16 : index
      %swap3A_50 = tpu.vector_load %arg15[%swap3A_48, %swap3A_49] {strides = array<i32>} : memref<128x128xf32, #tpu.memory_space<vmem>>, vector<1x16xf32>,
      %swap3A_51 = vector.shape_cast %swap3A_50 : vector<1x16xf32> to vector<16xf32>
      %swap3A_52 = vector.shape_cast %max3A_47 : vector<16xf32> to vector<1x16xf32>
      tpu.vector_store %arg15[%swap3A_48, %swap3A_49], %swap3A_52 {strides = array<i32>} : memref<128x128xf32, #tpu.memory_space<vmem>>, vector<1x16xf32>,
      %get3A_53 = arith.index_cast %scan3A_30 : i32 to index
      %get3A_54 = arith.constant 32 : index
      %get3A_55 = tpu.vector_load %arg15[%get3A_53, %get3A_54] {strides = array<i32>} : memref<128x128xf32, #tpu.memory_space<vmem>>, vector<1x16xf32>,
      %get3A_56 = vector.shape_cast %get3A_55 : vector<1x16xf32> to vector<16xf32>
      %max3A_57 = arith.constant 0.000000e+00 : f32
      %max3A_58 = vector.broadcast %max3A_57 : f32 to vector<16xf32>
      %max3A_59 = arith.maximumf %get3A_56, %max3A_58 : vector<16xf32>
      %swap3A_60 = arith.index_cast %scan3A_30 : i32 to index
      %swap3A_61 = arith.constant 32 : index
      %swap3A_62 = tpu.vector_load %arg15[%swap3A_60, %swap3A_61] {strides = array<i32>} : memref<128x128xf32, #tpu.memory_space<vmem>>, vector<1x16xf32>,
      %swap3A_63 = vector.shape_cast %swap3A_62 : vector<1x16xf32> to vector<16xf32>
      %swap3A_64 = vector.shape_cast %max3A_59 : vector<16xf32> to vector<1x16xf32>
      tpu.vector_store %arg15[%swap3A_60, %swap3A_61], %swap3A_64 {strides = array<i32>} : memref<128x128xf32, #tpu.memory_space<vmem>>, vector<1x16xf32>,
      %get3A_65 = arith.index_cast %scan3A_30 : i32 to index
      %get3A_66 = arith.constant 48 : index
      %get3A_67 = tpu.vector_load %arg15[%get3A_65, %get3A_66] {strides = array<i32>} : memref<128x128xf32, #tpu.memory_space<vmem>>, vector<1x16xf32>,
      %get3A_68 = vector.shape_cast %get3A_67 : vector<1x16xf32> to vector<16xf32>
      %max3A_69 = arith.constant 0.000000e+00 : f32
      %max3A_70 = vector.broadcast %max3A_69 : f32 to vector<16xf32>
      %max3A_71 = arith.maximumf %get3A_68, %max3A_70 : vector<16xf32>
      %swap3A_72 = arith.index_cast %scan3A_30 : i32 to index
      %swap3A_73 = arith.constant 48 : index
      %swap3A_74 = tpu.vector_load %arg15[%swap3A_72, %swap3A_73] {strides = array<i32>} : memref<128x128xf32, #tpu.memory_space<vmem>>, vector<1x16xf32>,
      %swap3A_75 = vector.shape_cast %swap3A_74 : vector<1x16xf32> to vector<16xf32>
      %swap3A_76 = vector.shape_cast %max3A_71 : vector<16xf32> to vector<1x16xf32>
      tpu.vector_store %arg15[%swap3A_72, %swap3A_73], %swap3A_76 {strides = array<i32>} : memref<128x128xf32, #tpu.memory_space<vmem>>, vector<1x16xf32>,
      %get3A_77 = arith.index_cast %scan3A_30 : i32 to index
      %get3A_78 = arith.constant 64 : index
      %get3A_79 = tpu.vector_load %arg15[%get3A_77, %get3A_78] {strides = array<i32>} : memref<128x128xf32, #tpu.memory_space<vmem>>, vector<1x16xf32>,
      %get3A_80 = vector.shape_cast %get3A_79 : vector<1x16xf32> to vector<16xf32>
      %max3A_81 = arith.constant 0.000000e+00 : f32
      %max3A_82 = vector.broadcast %max3A_81 : f32 to vector<16xf32>
      %max3A_83 = arith.maximumf %get3A_80, %max3A_82 : vector<16xf32>
      %swap3A_84 = arith.index_cast %scan3A_30 : i32 to index
      %swap3A_85 = arith.constant 64 : index
      %swap3A_86 = tpu.vector_load %arg15[%swap3A_84, %swap3A_85] {strides = array<i32>} : memref<128x128xf32, #tpu.memory_space<vmem>>, vector<1x16xf32>,
      %swap3A_87 = vector.shape_cast %swap3A_86 : vector<1x16xf32> to vector<16xf32>
      %swap3A_88 = vector.shape_cast %max3A_83 : vector<16xf32> to vector<1x16xf32>
      tpu.vector_store %arg15[%swap3A_84, %swap3A_85], %swap3A_88 {strides = array<i32>} : memref<128x128xf32, #tpu.memory_space<vmem>>, vector<1x16xf32>,
      %get3A_89 = arith.index_cast %scan3A_30 : i32 to index
      %get3A_90 = arith.constant 80 : index
      %get3A_91 = tpu.vector_load %arg15[%get3A_89, %get3A_90] {strides = array<i32>} : memref<128x128xf32, #tpu.memory_space<vmem>>, vector<1x16xf32>,
      %get3A_92 = vector.shape_cast %get3A_91 : vector<1x16xf32> to vector<16xf32>
      %max3A_93 = arith.constant 0.000000e+00 : f32
      %max3A_94 = vector.broadcast %max3A_93 : f32 to vector<16xf32>
      %max3A_95 = arith.maximumf %get3A_92, %max3A_94 : vector<16xf32>
      %swap3A_96 = arith.index_cast %scan3A_30 : i32 to index
      %swap3A_97 = arith.constant 80 : index
      %swap3A_98 = tpu.vector_load %arg15[%swap3A_96, %swap3A_97] {strides = array<i32>} : memref<128x128xf32, #tpu.memory_space<vmem>>, vector<1x16xf32>,
      %swap3A_99 = vector.shape_cast %swap3A_98 : vector<1x16xf32> to vector<16xf32>
      %swap3A_100 = vector.shape_cast %max3A_95 : vector<16xf32> to vector<1x16xf32>
      tpu.vector_store %arg15[%swap3A_96, %swap3A_97], %swap3A_100 {strides = array<i32>} : memref<128x128xf32, #tpu.memory_space<vmem>>, vector<1x16xf32>,
      %get3A_101 = arith.index_cast %scan3A_30 : i32 to index
      %get3A_102 = arith.constant 96 : index
      %get3A_103 = tpu.vector_load %arg15[%get3A_101, %get3A_102] {strides = array<i32>} : memref<128x128xf32, #tpu.memory_space<vmem>>, vector<1x16xf32>,
      %get3A_104 = vector.shape_cast %get3A_103 : vector<1x16xf32> to vector<16xf32>
      %max3A_105 = arith.constant 0.000000e+00 : f32
      %max3A_106 = vector.broadcast %max3A_105 : f32 to vector<16xf32>
      %max3A_107 = arith.maximumf %get3A_104, %max3A_106 : vector<16xf32>
      %swap3A_108 = arith.index_cast %scan3A_30 : i32 to index
      %swap3A_109 = arith.constant 96 : index
      %swap3A_110 = tpu.vector_load %arg15[%swap3A_108, %swap3A_109] {strides = array<i32>} : memref<128x128xf32, #tpu.memory_space<vmem>>, vector<1x16xf32>,
      %swap3A_111 = vector.shape_cast %swap3A_110 : vector<1x16xf32> to vector<16xf32>
      %swap3A_112 = vector.shape_cast %max3A_107 : vector<16xf32> to vector<1x16xf32>
      tpu.vector_store %arg15[%swap3A_108, %swap3A_109], %swap3A_112 {strides = array<i32>} : memref<128x128xf32, #tpu.memory_space<vmem>>, vector<1x16xf32>,
      %get3A_113 = arith.index_cast %scan3A_30 : i32 to index
      %get3A_114 = arith.constant 112 : index
      %get3A_115 = tpu.vector_load %arg15[%get3A_113, %get3A_114] {strides = array<i32>} : memref<128x128xf32, #tpu.memory_space<vmem>>, vector<1x16xf32>,
      %get3A_116 = vector.shape_cast %get3A_115 : vector<1x16xf32> to vector<16xf32>
      %max3A_117 = arith.constant 0.000000e+00 : f32
      %max3A_118 = vector.broadcast %max3A_117 : f32 to vector<16xf32>
      %max3A_119 = arith.maximumf %get3A_116, %max3A_118 : vector<16xf32>
      %swap3A_120 = arith.index_cast %scan3A_30 : i32 to index
      %swap3A_121 = arith.constant 112 : index
      %swap3A_122 = tpu.vector_load %arg15[%swap3A_120, %swap3A_121] {strides = array<i32>} : memref<128x128xf32, #tpu.memory_space<vmem>>, vector<1x16xf32>,
      %swap3A_123 = vector.shape_cast %swap3A_122 : vector<1x16xf32> to vector<16xf32>
      %swap3A_124 = vector.shape_cast %max3A_119 : vector<16xf32> to vector<1x16xf32>
      tpu.vector_store %arg15[%swap3A_120, %swap3A_121], %swap3A_124 {strides = array<i32>} : memref<128x128xf32, #tpu.memory_space<vmem>>, vector<1x16xf32>,
      %scan3A_125 = arith.constant 0 : i32
      scf.yield %scan3A_125 : i32
    }
    %scan3A_17 = arith.constant 32 : i32
    %convert_element_type3A = arith.extui %eq3A_10 : i1 to i32
    %cond3A = arith.constant 0 : i32
    %cond3A_18 = arith.cmpi ne, %convert_element_type3A, %cond3A : i32
    scf.if %cond3A_18 {
      "tpu.region"() ({
        %run_scoped3A = tpu.sem_alloc : memref<!tpu.dma_semaphore, #tpu.memory_space<semaphore_mem>>
        %dma_start3A = arith.constant 0 : i32
        %dma_start3A_30 = arith.constant 0 : i32
        %dma_start3A_31 = tpu.memref_slice %arg15[%dma_start3A, %dma_start3A_30] : memref<128x128xf32, #tpu.memory_space<vmem>> -> memref<32x128xf32, #tpu.memory_space<vmem>>
        %dma_start3A_32 = arith.constant 0 : i32
        %dma_start3A_33 = tpu.memref_slice %arg9[%add3A_9, %dma_start3A_32] : memref<320000x128xf32, #tpu.memory_space<hbm>> -> memref<32x128xf32, #tpu.memory_space<hbm>>
        %dma_start3A_34 = arith.constant 0 : i32
        %dma_start3A_35 = tpu.memref_slice %arg9[%add3A_9, %dma_start3A_34] : memref<320000x128xf32, #tpu.memory_space<hbm>> -> memref<32x128xf32, #tpu.memory_space<hbm>>
        %dma_start3A_36 = arith.constant 0 : i32
        %dma_start3A_37 = arith.constant 0 : i32
        %dma_start3A_38 = tpu.memref_slice %arg15[%dma_start3A_36, %dma_start3A_37] : memref<128x128xf32, #tpu.memory_space<vmem>> -> memref<32x128xf32, #tpu.memory_space<vmem>>
        tpu.enqueue_dma source(%dma_start3A_38 : memref<32x128xf32, #tpu.memory_space<vmem>>) target(%dma_start3A_35 : memref<32x128xf32, #tpu.memory_space<hbm>>) target_semaphore(%run_scoped3A : memref<!tpu.dma_semaphore, #tpu.memory_space<semaphore_mem>>)
        %dma_wait3A = arith.constant 0 : i32
        %dma_wait3A_39 = arith.constant 0 : i32
        %dma_wait3A_40 = tpu.memref_slice %arg15[%dma_wait3A, %dma_wait3A_39] : memref<128x128xf32, #tpu.memory_space<vmem>> -> memref<32x128xf32, #tpu.memory_space<vmem>>
        %dma_wait3A_41 = arith.constant 0 : i32
        %dma_wait3A_42 = tpu.memref_slice %arg9[%add3A_9, %dma_wait3A_41] : memref<320000x128xf32, #tpu.memory_space<hbm>> -> memref<32x128xf32, #tpu.memory_space<hbm>>
        %dma_wait3A_43 = arith.constant 0 : i32
        %dma_wait3A_44 = tpu.memref_slice %arg9[%add3A_9, %dma_wait3A_43] : memref<320000x128xf32, #tpu.memory_space<hbm>> -> memref<32x128xf32, #tpu.memory_space<hbm>>
        %dma_wait3A_45 = arith.constant 0 : i32
        %dma_wait3A_46 = arith.constant 0 : i32
        %dma_wait3A_47 = tpu.memref_slice %arg15[%dma_wait3A_45, %dma_wait3A_46] : memref<128x128xf32, #tpu.memory_space<vmem>> -> memref<32x128xf32, #tpu.memory_space<vmem>>
        tpu.wait_dma2 semaphore(%run_scoped3A : memref<!tpu.dma_semaphore, #tpu.memory_space<semaphore_mem>>) src(%dma_wait3A_47 : memref<32x128xf32, #tpu.memory_space<vmem>>) dst(%dma_wait3A_44 : memref<32x128xf32, #tpu.memory_space<hbm>>)
        tpu.yield
      }) : () -> ()
    } else {
    }
    %eq3A_19 = arith.constant 0 : i32
    %eq3A_20 = arith.cmpi eq, %arg0, %eq3A_19 : i32
    %convert_element_type3A_21 = arith.extui %eq3A_20 : i1 to i32
    %cond3A_22 = arith.constant 0 : i32
    %cond3A_23 = arith.cmpi ne, %convert_element_type3A_21, %cond3A_22 : i32
    scf.if %cond3A_23 {
      "tpu.region"() ({
        %run_scoped3A = tpu.sem_alloc : memref<!tpu.dma_semaphore, #tpu.memory_space<semaphore_mem>>
        %dma_start3A = arith.constant 0 : i32
        %dma_start3A_30 = arith.constant 0 : i32
        %dma_start3A_31 = tpu.memref_slice %arg15[%dma_start3A, %dma_start3A_30] : memref<128x128xf32, #tpu.memory_space<vmem>> -> memref<32x128xf32, #tpu.memory_space<vmem>>
        %dma_start3A_32 = arith.constant 0 : i32
        %dma_start3A_33 = arith.constant 0 : i32
        %dma_start3A_34 = tpu.memref_slice %arg10[%dma_start3A_32, %dma_start3A_33] : memref<10112x128xf32, #tpu.memory_space<vmem_shared>> -> memref<10112x128xf32, #tpu.memory_space<vmem_shared>>
        tpu.enqueue_indirect_dma source(%dma_start3A_31 : memref<32x128xf32, #tpu.memory_space<vmem>>) target(%dma_start3A_34 : memref<10112x128xf32, #tpu.memory_space<vmem_shared>>) offsets(%arg13 : memref<32xi32, #tpu.memory_space<vmem>>) semaphore(%run_scoped3A : memref<!tpu.dma_semaphore, #tpu.memory_space<semaphore_mem>>) {add = true}
        %dma_wait3A = arith.constant 0 : i32
        %dma_wait3A_35 = arith.constant 0 : i32
        %dma_wait3A_36 = tpu.memref_slice %arg15[%dma_wait3A, %dma_wait3A_35] : memref<128x128xf32, #tpu.memory_space<vmem>> -> memref<32x128xf32, #tpu.memory_space<vmem>>
        %dma_wait3A_37 = arith.constant 0 : i32
        %dma_wait3A_38 = arith.constant 0 : i32
        %dma_wait3A_39 = tpu.memref_slice %arg10[%dma_wait3A_37, %dma_wait3A_38] : memref<10112x128xf32, #tpu.memory_space<vmem_shared>> -> memref<10112x128xf32, #tpu.memory_space<vmem_shared>>
        tpu.wait_indirect_dma semaphore(%run_scoped3A : memref<!tpu.dma_semaphore, #tpu.memory_space<semaphore_mem>>) src(%dma_wait3A_36 : memref<32x128xf32, #tpu.memory_space<vmem>>) dst(%dma_wait3A_39 : memref<10112x128xf32, #tpu.memory_space<vmem_shared>>)
        tpu.yield
      }) : () -> ()
    } else {
    }
    %eq3A_24 = arith.constant 1 : i32
    %eq3A_25 = arith.cmpi eq, %arg0, %eq3A_24 : i32
    %convert_element_type3A_26 = arith.extui %eq3A_25 : i1 to i32
    %cond3A_27 = arith.constant 0 : i32
    %cond3A_28 = arith.cmpi ne, %convert_element_type3A_26, %cond3A_27 : i32
    scf.if %cond3A_28 {
      "tpu.region"() ({
        %run_scoped3A = tpu.sem_alloc : memref<!tpu.dma_semaphore, #tpu.memory_space<semaphore_mem>>
        %dma_start3A = arith.constant 0 : i32
        %dma_start3A_30 = arith.constant 0 : i32
        %dma_start3A_31 = tpu.memref_slice %arg15[%dma_start3A, %dma_start3A_30] : memref<128x128xf32, #tpu.memory_space<vmem>> -> memref<32x128xf32, #tpu.memory_space<vmem>>
        %dma_start3A_32 = arith.constant 0 : i32
        %dma_start3A_33 = arith.constant 0 : i32
        %dma_start3A_34 = tpu.memref_slice %arg10[%dma_start3A_32, %dma_start3A_33] : memref<10112x128xf32, #tpu.memory_space<vmem_shared>> -> memref<10112x128xf32, #tpu.memory_space<vmem_shared>>
        tpu.enqueue_indirect_dma source(%dma_start3A_31 : memref<32x128xf32, #tpu.memory_space<vmem>>) target(%dma_start3A_34 : memref<10112x128xf32, #tpu.memory_space<vmem_shared>>) offsets(%arg14 : memref<32xi32, #tpu.memory_space<vmem>>) semaphore(%run_scoped3A : memref<!tpu.dma_semaphore, #tpu.memory_space<semaphore_mem>>) {add = true}
        %dma_wait3A = arith.constant 0 : i32
        %dma_wait3A_35 = arith.constant 0 : i32
        %dma_wait3A_36 = tpu.memref_slice %arg15[%dma_wait3A, %dma_wait3A_35] : memref<128x128xf32, #tpu.memory_space<vmem>> -> memref<32x128xf32, #tpu.memory_space<vmem>>
        %dma_wait3A_37 = arith.constant 0 : i32
        %dma_wait3A_38 = arith.constant 0 : i32
        %dma_wait3A_39 = tpu.memref_slice %arg10[%dma_wait3A_37, %dma_wait3A_38] : memref<10112x128xf32, #tpu.memory_space<vmem_shared>> -> memref<10112x128xf32, #tpu.memory_space<vmem_shared>>
        tpu.wait_indirect_dma semaphore(%run_scoped3A : memref<!tpu.dma_semaphore, #tpu.memory_space<semaphore_mem>>) src(%dma_wait3A_36 : memref<32x128xf32, #tpu.memory_space<vmem>>) dst(%dma_wait3A_39 : memref<10112x128xf32, #tpu.memory_space<vmem_shared>>)
        tpu.yield
      }) : () -> ()
    } else {
    }
    %barrier3A_29 = arith.constant 0 : index
    tpu.barrier barrier_id(%barrier3A_29)
    "tpu.region"() ({
      %run_scoped3A = tpu.sem_alloc : memref<!tpu.dma_semaphore, #tpu.memory_space<semaphore_mem>>
      %dma_start3A = arith.constant 0 : i32
      %dma_start3A_30 = tpu.memref_slice %arg8[%arg0, %mul3A_0, %dma_start3A] : memref<2x10112x128xf32, #tpu.memory_space<hbm>> -> memref<1x632x128xf32, #tpu.memory_space<hbm>>
      %dma_start3A_31 = tpu.memref_squeeze %dma_start3A_30 : memref<1x632x128xf32, #tpu.memory_space<hbm>> -> memref<632x128xf32, #tpu.memory_space<hbm>>
      %dma_start3A_32 = arith.constant 0 : i32
      %dma_start3A_33 = tpu.memref_slice %arg10[%mul3A_0, %dma_start3A_32] : memref<10112x128xf32, #tpu.memory_space<vmem_shared>> -> memref<632x128xf32, #tpu.memory_space<vmem_shared>>
      tpu.enqueue_dma source(%dma_start3A_33 : memref<632x128xf32, #tpu.memory_space<vmem_shared>>) target(%dma_start3A_31 : memref<632x128xf32, #tpu.memory_space<hbm>>) target_semaphore(%run_scoped3A : memref<!tpu.dma_semaphore, #tpu.memory_space<semaphore_mem>>)
      %dma_wait3A = arith.constant 0 : i32
      %dma_wait3A_34 = tpu.memref_slice %arg8[%arg0, %mul3A_0, %dma_wait3A] : memref<2x10112x128xf32, #tpu.memory_space<hbm>> -> memref<1x632x128xf32, #tpu.memory_space<hbm>>
      %dma_wait3A_35 = tpu.memref_squeeze %dma_wait3A_34 : memref<1x632x128xf32, #tpu.memory_space<hbm>> -> memref<632x128xf32, #tpu.memory_space<hbm>>
      %dma_wait3A_36 = arith.constant 0 : i32
      %dma_wait3A_37 = tpu.memref_slice %arg10[%mul3A_0, %dma_wait3A_36] : memref<10112x128xf32, #tpu.memory_space<vmem_shared>> -> memref<632x128xf32, #tpu.memory_space<vmem_shared>>
      tpu.wait_dma2 semaphore(%run_scoped3A : memref<!tpu.dma_semaphore, #tpu.memory_space<semaphore_mem>>) src(%dma_wait3A_37 : memref<632x128xf32, #tpu.memory_space<vmem_shared>>) dst(%dma_wait3A_35 : memref<632x128xf32, #tpu.memory_space<hbm>>)
      tpu.yield
    }) : () -> ()
    return
  }
}

#map = affine_map<(d0, d1) -> (0, 0)>
#map1 = affine_map<(d0, d1) -> (0)>
#map2 = affine_map<(d0, d1) -> (0, 0, 0)>
module attributes {stable_mosaic.version = 14 : i64} {
  func.func @sc_edge_pass_l2(%arg0: i32, %arg1: i32, %arg2: memref<10000x128xf32, #tpu.memory_space<hbm>>, %arg3: memref<10000x128xf32, #tpu.memory_space<hbm>>, %arg4: memref<320000xi32, #tpu.memory_space<hbm>>, %arg5: memref<320000xi32, #tpu.memory_space<hbm>>, %arg6: memref<320000x128xf32, #tpu.memory_space<hbm>>, %arg7: memref<10112x128xf32, #tpu.memory_space<hbm>>, %arg8: memref<2x10112x128xf32, #tpu.memory_space<hbm>>, %arg9: memref<320000x128xf32, #tpu.memory_space<hbm>>, %arg10: memref<10112x128xf32, #tpu.memory_space<vmem_shared>>, %arg11: memref<128xi32, #tpu.memory_space<vmem>>, %arg12: memref<128xi32, #tpu.memory_space<vmem>>, %arg13: memref<32xi32, #tpu.memory_space<vmem>>, %arg14: memref<32xi32, #tpu.memory_space<vmem>>, %arg15: memref<128x128xf32, #tpu.memory_space<vmem>>) attributes {dimension_semantics = [#tpu.dimension_semantics<core_parallel>, #tpu.dimension_semantics<subcore_parallel>], iteration_bounds = array<i64: 2, 16>, scalar_prefetch = 0 : i64, scratch_operands = 6 : i64, tpu.core_type = #tpu.core_type<sc_vector_subcore>, window_params = [{transform_indices = #map}, {transform_indices = #map}, {transform_indices = #map1}, {transform_indices = #map1}, {transform_indices = #map}, {transform_indices = #map}, {transform_indices = #map2}, {transform_indices = #map}]} {
    %mul3A = arith.constant 632 : i32
    %mul3A_0 = arith.muli %arg1, %mul3A : i32
    "tpu.region"() ({
      %run_scoped3A = tpu.sem_alloc : memref<!tpu.dma_semaphore, #tpu.memory_space<semaphore_mem>>
      %dma_start3A = arith.constant 0 : i32
      %dma_start3A_30 = tpu.memref_slice %arg10[%mul3A_0, %dma_start3A] : memref<10112x128xf32, #tpu.memory_space<vmem_shared>> -> memref<632x128xf32, #tpu.memory_space<vmem_shared>>
      %dma_start3A_31 = arith.constant 0 : i32
      %dma_start3A_32 = tpu.memref_slice %arg7[%mul3A_0, %dma_start3A_31] : memref<10112x128xf32, #tpu.memory_space<hbm>> -> memref<632x128xf32, #tpu.memory_space<hbm>>
      tpu.enqueue_dma source(%dma_start3A_32 : memref<632x128xf32, #tpu.memory_space<hbm>>) target(%dma_start3A_30 : memref<632x128xf32, #tpu.memory_space<vmem_shared>>) target_semaphore(%run_scoped3A : memref<!tpu.dma_semaphore, #tpu.memory_space<semaphore_mem>>)
      %dma_wait3A = arith.constant 0 : i32
      %dma_wait3A_33 = tpu.memref_slice %arg10[%mul3A_0, %dma_wait3A] : memref<10112x128xf32, #tpu.memory_space<vmem_shared>> -> memref<632x128xf32, #tpu.memory_space<vmem_shared>>
      %dma_wait3A_34 = arith.constant 0 : i32
      %dma_wait3A_35 = tpu.memref_slice %arg7[%mul3A_0, %dma_wait3A_34] : memref<10112x128xf32, #tpu.memory_space<hbm>> -> memref<632x128xf32, #tpu.memory_space<hbm>>
      tpu.wait_dma2 semaphore(%run_scoped3A : memref<!tpu.dma_semaphore, #tpu.memory_space<semaphore_mem>>) src(%dma_wait3A_35 : memref<632x128xf32, #tpu.memory_space<hbm>>) dst(%dma_wait3A_33 : memref<632x128xf32, #tpu.memory_space<vmem_shared>>)
      tpu.yield
    }) : () -> ()
    %barrier3A = arith.constant 0 : index
    tpu.barrier barrier_id(%barrier3A)
    %scan3A = arith.constant 0 : i32
    %scan3A_1 = arith.constant 0 : i32
    %scan3A_2 = arith.constant 156 : i32
    %scan3A_3 = arith.addi %scan3A_1, %scan3A_2 : i32
    %scan3A_4 = arith.constant 1 : i32
    %scan3A_5 = scf.for %scan3A_30 = %scan3A_1 to %scan3A_3 step %scan3A_4 iter_args(%scan3A_31 = %scan3A) -> (i32)  : i32 {
      %eq3A_32 = arith.constant 0 : i32
      %eq3A_33 = arith.cmpi eq, %arg0, %eq3A_32 : i32
      %lt3A = arith.constant 78 : i32
      %lt3A_34 = arith.cmpi slt, %scan3A_30, %lt3A : i32
      %ge3A = arith.constant 78 : i32
      %ge3A_35 = arith.cmpi sge, %scan3A_30, %ge3A : i32
      %select_n3A = arith.select %eq3A_33, %lt3A_34, %ge3A_35 : i1
      %mul3A_36 = arith.constant 20000 : i32
      %mul3A_37 = arith.muli %arg1, %mul3A_36 : i32
      %mul3A_38 = arith.constant 128 : i32
      %mul3A_39 = arith.muli %scan3A_30, %mul3A_38 : i32
      %add3A_40 = arith.addi %mul3A_37, %mul3A_39 : i32
      "tpu.region"() ({
        %run_scoped3A = tpu.sem_alloc : memref<!tpu.dma_semaphore, #tpu.memory_space<semaphore_mem>>
        %dma_start3A = tpu.memref_slice %arg4[%add3A_40] : memref<320000xi32, #tpu.memory_space<hbm>> -> memref<128xi32, #tpu.memory_space<hbm>>
        %dma_start3A_62 = tpu.memref_slice %arg4[%add3A_40] : memref<320000xi32, #tpu.memory_space<hbm>> -> memref<128xi32, #tpu.memory_space<hbm>>
        tpu.enqueue_dma source(%dma_start3A_62 : memref<128xi32, #tpu.memory_space<hbm>>) target(%arg11 : memref<128xi32, #tpu.memory_space<vmem>>) target_semaphore(%run_scoped3A : memref<!tpu.dma_semaphore, #tpu.memory_space<semaphore_mem>>)
        %dma_wait3A = tpu.memref_slice %arg4[%add3A_40] : memref<320000xi32, #tpu.memory_space<hbm>> -> memref<128xi32, #tpu.memory_space<hbm>>
        %dma_wait3A_63 = tpu.memref_slice %arg4[%add3A_40] : memref<320000xi32, #tpu.memory_space<hbm>> -> memref<128xi32, #tpu.memory_space<hbm>>
        tpu.wait_dma2 semaphore(%run_scoped3A : memref<!tpu.dma_semaphore, #tpu.memory_space<semaphore_mem>>) src(%dma_wait3A_63 : memref<128xi32, #tpu.memory_space<hbm>>) dst(%arg11 : memref<128xi32, #tpu.memory_space<vmem>>)
        tpu.yield
      }) : () -> ()
      "tpu.region"() ({
        %run_scoped3A = tpu.sem_alloc : memref<!tpu.dma_semaphore, #tpu.memory_space<semaphore_mem>>
        %dma_start3A = tpu.memref_slice %arg5[%add3A_40] : memref<320000xi32, #tpu.memory_space<hbm>> -> memref<128xi32, #tpu.memory_space<hbm>>
        %dma_start3A_62 = tpu.memref_slice %arg5[%add3A_40] : memref<320000xi32, #tpu.memory_space<hbm>> -> memref<128xi32, #tpu.memory_space<hbm>>
        tpu.enqueue_dma source(%dma_start3A_62 : memref<128xi32, #tpu.memory_space<hbm>>) target(%arg12 : memref<128xi32, #tpu.memory_space<vmem>>) target_semaphore(%run_scoped3A : memref<!tpu.dma_semaphore, #tpu.memory_space<semaphore_mem>>)
        %dma_wait3A = tpu.memref_slice %arg5[%add3A_40] : memref<320000xi32, #tpu.memory_space<hbm>> -> memref<128xi32, #tpu.memory_space<hbm>>
        %dma_wait3A_63 = tpu.memref_slice %arg5[%add3A_40] : memref<320000xi32, #tpu.memory_space<hbm>> -> memref<128xi32, #tpu.memory_space<hbm>>
        tpu.wait_dma2 semaphore(%run_scoped3A : memref<!tpu.dma_semaphore, #tpu.memory_space<semaphore_mem>>) src(%dma_wait3A_63 : memref<128xi32, #tpu.memory_space<hbm>>) dst(%arg12 : memref<128xi32, #tpu.memory_space<vmem>>)
        tpu.yield
      }) : () -> ()
      "tpu.region"() ({
        %run_scoped3A = tpu.sem_alloc : memref<!tpu.dma_semaphore, #tpu.memory_space<semaphore_mem>>
        %dma_start3A = arith.constant 0 : i32
        %dma_start3A_62 = arith.constant 0 : i32
        %dma_start3A_63 = tpu.memref_slice %arg15[%dma_start3A, %dma_start3A_62] : memref<128x128xf32, #tpu.memory_space<vmem>> -> memref<128x128xf32, #tpu.memory_space<vmem>>
        %dma_start3A_64 = arith.constant 0 : i32
        %dma_start3A_65 = tpu.memref_slice %arg6[%add3A_40, %dma_start3A_64] : memref<320000x128xf32, #tpu.memory_space<hbm>> -> memref<128x128xf32, #tpu.memory_space<hbm>>
        %dma_start3A_66 = arith.constant 0 : i32
        %dma_start3A_67 = arith.constant 0 : i32
        %dma_start3A_68 = tpu.memref_slice %arg15[%dma_start3A_66, %dma_start3A_67] : memref<128x128xf32, #tpu.memory_space<vmem>> -> memref<128x128xf32, #tpu.memory_space<vmem>>
        %dma_start3A_69 = arith.constant 0 : i32
        %dma_start3A_70 = tpu.memref_slice %arg6[%add3A_40, %dma_start3A_69] : memref<320000x128xf32, #tpu.memory_space<hbm>> -> memref<128x128xf32, #tpu.memory_space<hbm>>
        tpu.enqueue_dma source(%dma_start3A_70 : memref<128x128xf32, #tpu.memory_space<hbm>>) target(%dma_start3A_68 : memref<128x128xf32, #tpu.memory_space<vmem>>) target_semaphore(%run_scoped3A : memref<!tpu.dma_semaphore, #tpu.memory_space<semaphore_mem>>)
        %dma_wait3A = arith.constant 0 : i32
        %dma_wait3A_71 = arith.constant 0 : i32
        %dma_wait3A_72 = tpu.memref_slice %arg15[%dma_wait3A, %dma_wait3A_71] : memref<128x128xf32, #tpu.memory_space<vmem>> -> memref<128x128xf32, #tpu.memory_space<vmem>>
        %dma_wait3A_73 = arith.constant 0 : i32
        %dma_wait3A_74 = tpu.memref_slice %arg6[%add3A_40, %dma_wait3A_73] : memref<320000x128xf32, #tpu.memory_space<hbm>> -> memref<128x128xf32, #tpu.memory_space<hbm>>
        %dma_wait3A_75 = arith.constant 0 : i32
        %dma_wait3A_76 = arith.constant 0 : i32
        %dma_wait3A_77 = tpu.memref_slice %arg15[%dma_wait3A_75, %dma_wait3A_76] : memref<128x128xf32, #tpu.memory_space<vmem>> -> memref<128x128xf32, #tpu.memory_space<vmem>>
        %dma_wait3A_78 = arith.constant 0 : i32
        %dma_wait3A_79 = tpu.memref_slice %arg6[%add3A_40, %dma_wait3A_78] : memref<320000x128xf32, #tpu.memory_space<hbm>> -> memref<128x128xf32, #tpu.memory_space<hbm>>
        tpu.wait_dma2 semaphore(%run_scoped3A : memref<!tpu.dma_semaphore, #tpu.memory_space<semaphore_mem>>) src(%dma_wait3A_79 : memref<128x128xf32, #tpu.memory_space<hbm>>) dst(%dma_wait3A_77 : memref<128x128xf32, #tpu.memory_space<vmem>>)
        tpu.yield
      }) : () -> ()
      "tpu.region"() ({
        %run_scoped3A = tpu.sem_alloc : memref<!tpu.dma_semaphore, #tpu.memory_space<semaphore_mem>>
        %dma_start3A = arith.constant 0 : i32
        %dma_start3A_62 = arith.constant 0 : i32
        %dma_start3A_63 = tpu.memref_slice %arg15[%dma_start3A, %dma_start3A_62] : memref<128x128xf32, #tpu.memory_space<vmem>> -> memref<128x128xf32, #tpu.memory_space<vmem>>
        %dma_start3A_64 = arith.constant 0 : i32
        %dma_start3A_65 = arith.constant 0 : i32
        %dma_start3A_66 = tpu.memref_slice %arg2[%dma_start3A_64, %dma_start3A_65] : memref<10000x128xf32, #tpu.memory_space<hbm>> -> memref<10000x128xf32, #tpu.memory_space<hbm>>
        tpu.enqueue_indirect_dma source(%dma_start3A_66 : memref<10000x128xf32, #tpu.memory_space<hbm>>) target(%dma_start3A_63 : memref<128x128xf32, #tpu.memory_space<vmem>>) offsets(%arg11 : memref<128xi32, #tpu.memory_space<vmem>>) semaphore(%run_scoped3A : memref<!tpu.dma_semaphore, #tpu.memory_space<semaphore_mem>>) {add = true}
        %dma_wait3A = arith.constant 0 : i32
        %dma_wait3A_67 = arith.constant 0 : i32
        %dma_wait3A_68 = tpu.memref_slice %arg15[%dma_wait3A, %dma_wait3A_67] : memref<128x128xf32, #tpu.memory_space<vmem>> -> memref<128x128xf32, #tpu.memory_space<vmem>>
        %dma_wait3A_69 = arith.constant 0 : i32
        %dma_wait3A_70 = arith.constant 0 : i32
        %dma_wait3A_71 = tpu.memref_slice %arg2[%dma_wait3A_69, %dma_wait3A_70] : memref<10000x128xf32, #tpu.memory_space<hbm>> -> memref<10000x128xf32, #tpu.memory_space<hbm>>
        tpu.wait_indirect_dma semaphore(%run_scoped3A : memref<!tpu.dma_semaphore, #tpu.memory_space<semaphore_mem>>) src(%dma_wait3A_71 : memref<10000x128xf32, #tpu.memory_space<hbm>>) dst(%dma_wait3A_68 : memref<128x128xf32, #tpu.memory_space<vmem>>)
        tpu.yield
      }) : () -> ()
      "tpu.region"() ({
        %run_scoped3A = tpu.sem_alloc : memref<!tpu.dma_semaphore, #tpu.memory_space<semaphore_mem>>
        %dma_start3A = arith.constant 0 : i32
        %dma_start3A_62 = arith.constant 0 : i32
        %dma_start3A_63 = tpu.memref_slice %arg15[%dma_start3A, %dma_start3A_62] : memref<128x128xf32, #tpu.memory_space<vmem>> -> memref<128x128xf32, #tpu.memory_space<vmem>>
        %dma_start3A_64 = arith.constant 0 : i32
        %dma_start3A_65 = arith.constant 0 : i32
        %dma_start3A_66 = tpu.memref_slice %arg3[%dma_start3A_64, %dma_start3A_65] : memref<10000x128xf32, #tpu.memory_space<hbm>> -> memref<10000x128xf32, #tpu.memory_space<hbm>>
        tpu.enqueue_indirect_dma source(%dma_start3A_66 : memref<10000x128xf32, #tpu.memory_space<hbm>>) target(%dma_start3A_63 : memref<128x128xf32, #tpu.memory_space<vmem>>) offsets(%arg12 : memref<128xi32, #tpu.memory_space<vmem>>) semaphore(%run_scoped3A : memref<!tpu.dma_semaphore, #tpu.memory_space<semaphore_mem>>) {add = true}
        %dma_wait3A = arith.constant 0 : i32
        %dma_wait3A_67 = arith.constant 0 : i32
        %dma_wait3A_68 = tpu.memref_slice %arg15[%dma_wait3A, %dma_wait3A_67] : memref<128x128xf32, #tpu.memory_space<vmem>> -> memref<128x128xf32, #tpu.memory_space<vmem>>
        %dma_wait3A_69 = arith.constant 0 : i32
        %dma_wait3A_70 = arith.constant 0 : i32
        %dma_wait3A_71 = tpu.memref_slice %arg3[%dma_wait3A_69, %dma_wait3A_70] : memref<10000x128xf32, #tpu.memory_space<hbm>> -> memref<10000x128xf32, #tpu.memory_space<hbm>>
        tpu.wait_indirect_dma semaphore(%run_scoped3A : memref<!tpu.dma_semaphore, #tpu.memory_space<semaphore_mem>>) src(%dma_wait3A_71 : memref<10000x128xf32, #tpu.memory_space<hbm>>) dst(%dma_wait3A_68 : memref<128x128xf32, #tpu.memory_space<vmem>>)
        tpu.yield
      }) : () -> ()
      %scan3A_41 = arith.constant 0 : i32
      %scan3A_42 = arith.constant 0 : i32
      %scan3A_43 = arith.constant 128 : i32
      %scan3A_44 = arith.addi %scan3A_42, %scan3A_43 : i32
      %scan3A_45 = arith.constant 1 : i32
      %scan3A_46 = scf.for %scan3A_62 = %scan3A_42 to %scan3A_44 step %scan3A_45 iter_args(%scan3A_63 = %scan3A_41) -> (i32)  : i32 {
        %get3A = arith.index_cast %scan3A_62 : i32 to index
        %get3A_64 = arith.constant 0 : index
        %get3A_65 = tpu.vector_load %arg15[%get3A, %get3A_64] {strides = array<i32>} : memref<128x128xf32, #tpu.memory_space<vmem>>, vector<1x16xf32>,
        %get3A_66 = vector.shape_cast %get3A_65 : vector<1x16xf32> to vector<16xf32>
        %max3A = arith.constant 0.000000e+00 : f32
        %max3A_67 = vector.broadcast %max3A : f32 to vector<16xf32>
        %max3A_68 = arith.maximumf %get3A_66, %max3A_67 : vector<16xf32>
        %swap3A = arith.index_cast %scan3A_62 : i32 to index
        %swap3A_69 = arith.constant 0 : index
        %swap3A_70 = tpu.vector_load %arg15[%swap3A, %swap3A_69] {strides = array<i32>} : memref<128x128xf32, #tpu.memory_space<vmem>>, vector<1x16xf32>,
        %swap3A_71 = vector.shape_cast %swap3A_70 : vector<1x16xf32> to vector<16xf32>
        %swap3A_72 = vector.shape_cast %max3A_68 : vector<16xf32> to vector<1x16xf32>
        tpu.vector_store %arg15[%swap3A, %swap3A_69], %swap3A_72 {strides = array<i32>} : memref<128x128xf32, #tpu.memory_space<vmem>>, vector<1x16xf32>,
        %get3A_73 = arith.index_cast %scan3A_62 : i32 to index
        %get3A_74 = arith.constant 16 : index
        %get3A_75 = tpu.vector_load %arg15[%get3A_73, %get3A_74] {strides = array<i32>} : memref<128x128xf32, #tpu.memory_space<vmem>>, vector<1x16xf32>,
        %get3A_76 = vector.shape_cast %get3A_75 : vector<1x16xf32> to vector<16xf32>
        %max3A_77 = arith.constant 0.000000e+00 : f32
        %max3A_78 = vector.broadcast %max3A_77 : f32 to vector<16xf32>
        %max3A_79 = arith.maximumf %get3A_76, %max3A_78 : vector<16xf32>
        %swap3A_80 = arith.index_cast %scan3A_62 : i32 to index
        %swap3A_81 = arith.constant 16 : index
        %swap3A_82 = tpu.vector_load %arg15[%swap3A_80, %swap3A_81] {strides = array<i32>} : memref<128x128xf32, #tpu.memory_space<vmem>>, vector<1x16xf32>,
        %swap3A_83 = vector.shape_cast %swap3A_82 : vector<1x16xf32> to vector<16xf32>
        %swap3A_84 = vector.shape_cast %max3A_79 : vector<16xf32> to vector<1x16xf32>
        tpu.vector_store %arg15[%swap3A_80, %swap3A_81], %swap3A_84 {strides = array<i32>} : memref<128x128xf32, #tpu.memory_space<vmem>>, vector<1x16xf32>,
        %get3A_85 = arith.index_cast %scan3A_62 : i32 to index
        %get3A_86 = arith.constant 32 : index
        %get3A_87 = tpu.vector_load %arg15[%get3A_85, %get3A_86] {strides = array<i32>} : memref<128x128xf32, #tpu.memory_space<vmem>>, vector<1x16xf32>,
        %get3A_88 = vector.shape_cast %get3A_87 : vector<1x16xf32> to vector<16xf32>
        %max3A_89 = arith.constant 0.000000e+00 : f32
        %max3A_90 = vector.broadcast %max3A_89 : f32 to vector<16xf32>
        %max3A_91 = arith.maximumf %get3A_88, %max3A_90 : vector<16xf32>
        %swap3A_92 = arith.index_cast %scan3A_62 : i32 to index
        %swap3A_93 = arith.constant 32 : index
        %swap3A_94 = tpu.vector_load %arg15[%swap3A_92, %swap3A_93] {strides = array<i32>} : memref<128x128xf32, #tpu.memory_space<vmem>>, vector<1x16xf32>,
        %swap3A_95 = vector.shape_cast %swap3A_94 : vector<1x16xf32> to vector<16xf32>
        %swap3A_96 = vector.shape_cast %max3A_91 : vector<16xf32> to vector<1x16xf32>
        tpu.vector_store %arg15[%swap3A_92, %swap3A_93], %swap3A_96 {strides = array<i32>} : memref<128x128xf32, #tpu.memory_space<vmem>>, vector<1x16xf32>,
        %get3A_97 = arith.index_cast %scan3A_62 : i32 to index
        %get3A_98 = arith.constant 48 : index
        %get3A_99 = tpu.vector_load %arg15[%get3A_97, %get3A_98] {strides = array<i32>} : memref<128x128xf32, #tpu.memory_space<vmem>>, vector<1x16xf32>,
        %get3A_100 = vector.shape_cast %get3A_99 : vector<1x16xf32> to vector<16xf32>
        %max3A_101 = arith.constant 0.000000e+00 : f32
        %max3A_102 = vector.broadcast %max3A_101 : f32 to vector<16xf32>
        %max3A_103 = arith.maximumf %get3A_100, %max3A_102 : vector<16xf32>
        %swap3A_104 = arith.index_cast %scan3A_62 : i32 to index
        %swap3A_105 = arith.constant 48 : index
        %swap3A_106 = tpu.vector_load %arg15[%swap3A_104, %swap3A_105] {strides = array<i32>} : memref<128x128xf32, #tpu.memory_space<vmem>>, vector<1x16xf32>,
        %swap3A_107 = vector.shape_cast %swap3A_106 : vector<1x16xf32> to vector<16xf32>
        %swap3A_108 = vector.shape_cast %max3A_103 : vector<16xf32> to vector<1x16xf32>
        tpu.vector_store %arg15[%swap3A_104, %swap3A_105], %swap3A_108 {strides = array<i32>} : memref<128x128xf32, #tpu.memory_space<vmem>>, vector<1x16xf32>,
        %get3A_109 = arith.index_cast %scan3A_62 : i32 to index
        %get3A_110 = arith.constant 64 : index
        %get3A_111 = tpu.vector_load %arg15[%get3A_109, %get3A_110] {strides = array<i32>} : memref<128x128xf32, #tpu.memory_space<vmem>>, vector<1x16xf32>,
        %get3A_112 = vector.shape_cast %get3A_111 : vector<1x16xf32> to vector<16xf32>
        %max3A_113 = arith.constant 0.000000e+00 : f32
        %max3A_114 = vector.broadcast %max3A_113 : f32 to vector<16xf32>
        %max3A_115 = arith.maximumf %get3A_112, %max3A_114 : vector<16xf32>
        %swap3A_116 = arith.index_cast %scan3A_62 : i32 to index
        %swap3A_117 = arith.constant 64 : index
        %swap3A_118 = tpu.vector_load %arg15[%swap3A_116, %swap3A_117] {strides = array<i32>} : memref<128x128xf32, #tpu.memory_space<vmem>>, vector<1x16xf32>,
        %swap3A_119 = vector.shape_cast %swap3A_118 : vector<1x16xf32> to vector<16xf32>
        %swap3A_120 = vector.shape_cast %max3A_115 : vector<16xf32> to vector<1x16xf32>
        tpu.vector_store %arg15[%swap3A_116, %swap3A_117], %swap3A_120 {strides = array<i32>} : memref<128x128xf32, #tpu.memory_space<vmem>>, vector<1x16xf32>,
        %get3A_121 = arith.index_cast %scan3A_62 : i32 to index
        %get3A_122 = arith.constant 80 : index
        %get3A_123 = tpu.vector_load %arg15[%get3A_121, %get3A_122] {strides = array<i32>} : memref<128x128xf32, #tpu.memory_space<vmem>>, vector<1x16xf32>,
        %get3A_124 = vector.shape_cast %get3A_123 : vector<1x16xf32> to vector<16xf32>
        %max3A_125 = arith.constant 0.000000e+00 : f32
        %max3A_126 = vector.broadcast %max3A_125 : f32 to vector<16xf32>
        %max3A_127 = arith.maximumf %get3A_124, %max3A_126 : vector<16xf32>
        %swap3A_128 = arith.index_cast %scan3A_62 : i32 to index
        %swap3A_129 = arith.constant 80 : index
        %swap3A_130 = tpu.vector_load %arg15[%swap3A_128, %swap3A_129] {strides = array<i32>} : memref<128x128xf32, #tpu.memory_space<vmem>>, vector<1x16xf32>,
        %swap3A_131 = vector.shape_cast %swap3A_130 : vector<1x16xf32> to vector<16xf32>
        %swap3A_132 = vector.shape_cast %max3A_127 : vector<16xf32> to vector<1x16xf32>
        tpu.vector_store %arg15[%swap3A_128, %swap3A_129], %swap3A_132 {strides = array<i32>} : memref<128x128xf32, #tpu.memory_space<vmem>>, vector<1x16xf32>,
        %get3A_133 = arith.index_cast %scan3A_62 : i32 to index
        %get3A_134 = arith.constant 96 : index
        %get3A_135 = tpu.vector_load %arg15[%get3A_133, %get3A_134] {strides = array<i32>} : memref<128x128xf32, #tpu.memory_space<vmem>>, vector<1x16xf32>,
        %get3A_136 = vector.shape_cast %get3A_135 : vector<1x16xf32> to vector<16xf32>
        %max3A_137 = arith.constant 0.000000e+00 : f32
        %max3A_138 = vector.broadcast %max3A_137 : f32 to vector<16xf32>
        %max3A_139 = arith.maximumf %get3A_136, %max3A_138 : vector<16xf32>
        %swap3A_140 = arith.index_cast %scan3A_62 : i32 to index
        %swap3A_141 = arith.constant 96 : index
        %swap3A_142 = tpu.vector_load %arg15[%swap3A_140, %swap3A_141] {strides = array<i32>} : memref<128x128xf32, #tpu.memory_space<vmem>>, vector<1x16xf32>,
        %swap3A_143 = vector.shape_cast %swap3A_142 : vector<1x16xf32> to vector<16xf32>
        %swap3A_144 = vector.shape_cast %max3A_139 : vector<16xf32> to vector<1x16xf32>
        tpu.vector_store %arg15[%swap3A_140, %swap3A_141], %swap3A_144 {strides = array<i32>} : memref<128x128xf32, #tpu.memory_space<vmem>>, vector<1x16xf32>,
        %get3A_145 = arith.index_cast %scan3A_62 : i32 to index
        %get3A_146 = arith.constant 112 : index
        %get3A_147 = tpu.vector_load %arg15[%get3A_145, %get3A_146] {strides = array<i32>} : memref<128x128xf32, #tpu.memory_space<vmem>>, vector<1x16xf32>,
        %get3A_148 = vector.shape_cast %get3A_147 : vector<1x16xf32> to vector<16xf32>
        %max3A_149 = arith.constant 0.000000e+00 : f32
        %max3A_150 = vector.broadcast %max3A_149 : f32 to vector<16xf32>
        %max3A_151 = arith.maximumf %get3A_148, %max3A_150 : vector<16xf32>
        %swap3A_152 = arith.index_cast %scan3A_62 : i32 to index
        %swap3A_153 = arith.constant 112 : index
        %swap3A_154 = tpu.vector_load %arg15[%swap3A_152, %swap3A_153] {strides = array<i32>} : memref<128x128xf32, #tpu.memory_space<vmem>>, vector<1x16xf32>,
        %swap3A_155 = vector.shape_cast %swap3A_154 : vector<1x16xf32> to vector<16xf32>
        %swap3A_156 = vector.shape_cast %max3A_151 : vector<16xf32> to vector<1x16xf32>
        tpu.vector_store %arg15[%swap3A_152, %swap3A_153], %swap3A_156 {strides = array<i32>} : memref<128x128xf32, #tpu.memory_space<vmem>>, vector<1x16xf32>,
        %scan3A_157 = arith.constant 0 : i32
        scf.yield %scan3A_157 : i32
      }
      %scan3A_47 = arith.constant 128 : i32
      %convert_element_type3A_48 = arith.extui %select_n3A : i1 to i32
      %cond3A_49 = arith.constant 0 : i32
      %cond3A_50 = arith.cmpi ne, %convert_element_type3A_48, %cond3A_49 : i32
      scf.if %cond3A_50 {
        "tpu.region"() ({
          %run_scoped3A = tpu.sem_alloc : memref<!tpu.dma_semaphore, #tpu.memory_space<semaphore_mem>>
          %dma_start3A = arith.constant 0 : i32
          %dma_start3A_62 = arith.constant 0 : i32
          %dma_start3A_63 = tpu.memref_slice %arg15[%dma_start3A, %dma_start3A_62] : memref<128x128xf32, #tpu.memory_space<vmem>> -> memref<128x128xf32, #tpu.memory_space<vmem>>
          %dma_start3A_64 = arith.constant 0 : i32
          %dma_start3A_65 = tpu.memref_slice %arg9[%add3A_40, %dma_start3A_64] : memref<320000x128xf32, #tpu.memory_space<hbm>> -> memref<128x128xf32, #tpu.memory_space<hbm>>
          %dma_start3A_66 = arith.constant 0 : i32
          %dma_start3A_67 = tpu.memref_slice %arg9[%add3A_40, %dma_start3A_66] : memref<320000x128xf32, #tpu.memory_space<hbm>> -> memref<128x128xf32, #tpu.memory_space<hbm>>
          %dma_start3A_68 = arith.constant 0 : i32
          %dma_start3A_69 = arith.constant 0 : i32
          %dma_start3A_70 = tpu.memref_slice %arg15[%dma_start3A_68, %dma_start3A_69] : memref<128x128xf32, #tpu.memory_space<vmem>> -> memref<128x128xf32, #tpu.memory_space<vmem>>
          tpu.enqueue_dma source(%dma_start3A_70 : memref<128x128xf32, #tpu.memory_space<vmem>>) target(%dma_start3A_67 : memref<128x128xf32, #tpu.memory_space<hbm>>) target_semaphore(%run_scoped3A : memref<!tpu.dma_semaphore, #tpu.memory_space<semaphore_mem>>)
          %dma_wait3A = arith.constant 0 : i32
          %dma_wait3A_71 = arith.constant 0 : i32
          %dma_wait3A_72 = tpu.memref_slice %arg15[%dma_wait3A, %dma_wait3A_71] : memref<128x128xf32, #tpu.memory_space<vmem>> -> memref<128x128xf32, #tpu.memory_space<vmem>>
          %dma_wait3A_73 = arith.constant 0 : i32
          %dma_wait3A_74 = tpu.memref_slice %arg9[%add3A_40, %dma_wait3A_73] : memref<320000x128xf32, #tpu.memory_space<hbm>> -> memref<128x128xf32, #tpu.memory_space<hbm>>
          %dma_wait3A_75 = arith.constant 0 : i32
          %dma_wait3A_76 = tpu.memref_slice %arg9[%add3A_40, %dma_wait3A_75] : memref<320000x128xf32, #tpu.memory_space<hbm>> -> memref<128x128xf32, #tpu.memory_space<hbm>>
          %dma_wait3A_77 = arith.constant 0 : i32
          %dma_wait3A_78 = arith.constant 0 : i32
          %dma_wait3A_79 = tpu.memref_slice %arg15[%dma_wait3A_77, %dma_wait3A_78] : memref<128x128xf32, #tpu.memory_space<vmem>> -> memref<128x128xf32, #tpu.memory_space<vmem>>
          tpu.wait_dma2 semaphore(%run_scoped3A : memref<!tpu.dma_semaphore, #tpu.memory_space<semaphore_mem>>) src(%dma_wait3A_79 : memref<128x128xf32, #tpu.memory_space<vmem>>) dst(%dma_wait3A_76 : memref<128x128xf32, #tpu.memory_space<hbm>>)
          tpu.yield
        }) : () -> ()
      } else {
      }
      %eq3A_51 = arith.constant 0 : i32
      %eq3A_52 = arith.cmpi eq, %arg0, %eq3A_51 : i32
      %convert_element_type3A_53 = arith.extui %eq3A_52 : i1 to i32
      %cond3A_54 = arith.constant 0 : i32
      %cond3A_55 = arith.cmpi ne, %convert_element_type3A_53, %cond3A_54 : i32
      scf.if %cond3A_55 {
        "tpu.region"() ({
          %run_scoped3A = tpu.sem_alloc : memref<!tpu.dma_semaphore, #tpu.memory_space<semaphore_mem>>
          %dma_start3A = arith.constant 0 : i32
          %dma_start3A_62 = arith.constant 0 : i32
          %dma_start3A_63 = tpu.memref_slice %arg15[%dma_start3A, %dma_start3A_62] : memref<128x128xf32, #tpu.memory_space<vmem>> -> memref<128x128xf32, #tpu.memory_space<vmem>>
          %dma_start3A_64 = arith.constant 0 : i32
          %dma_start3A_65 = arith.constant 0 : i32
          %dma_start3A_66 = tpu.memref_slice %arg10[%dma_start3A_64, %dma_start3A_65] : memref<10112x128xf32, #tpu.memory_space<vmem_shared>> -> memref<10112x128xf32, #tpu.memory_space<vmem_shared>>
          tpu.enqueue_indirect_dma source(%dma_start3A_63 : memref<128x128xf32, #tpu.memory_space<vmem>>) target(%dma_start3A_66 : memref<10112x128xf32, #tpu.memory_space<vmem_shared>>) offsets(%arg11 : memref<128xi32, #tpu.memory_space<vmem>>) semaphore(%run_scoped3A : memref<!tpu.dma_semaphore, #tpu.memory_space<semaphore_mem>>) {add = true}
          %dma_wait3A = arith.constant 0 : i32
          %dma_wait3A_67 = arith.constant 0 : i32
          %dma_wait3A_68 = tpu.memref_slice %arg15[%dma_wait3A, %dma_wait3A_67] : memref<128x128xf32, #tpu.memory_space<vmem>> -> memref<128x128xf32, #tpu.memory_space<vmem>>
          %dma_wait3A_69 = arith.constant 0 : i32
          %dma_wait3A_70 = arith.constant 0 : i32
          %dma_wait3A_71 = tpu.memref_slice %arg10[%dma_wait3A_69, %dma_wait3A_70] : memref<10112x128xf32, #tpu.memory_space<vmem_shared>> -> memref<10112x128xf32, #tpu.memory_space<vmem_shared>>
          tpu.wait_indirect_dma semaphore(%run_scoped3A : memref<!tpu.dma_semaphore, #tpu.memory_space<semaphore_mem>>) src(%dma_wait3A_68 : memref<128x128xf32, #tpu.memory_space<vmem>>) dst(%dma_wait3A_71 : memref<10112x128xf32, #tpu.memory_space<vmem_shared>>)
          tpu.yield
        }) : () -> ()
      } else {
      }
      %eq3A_56 = arith.constant 1 : i32
      %eq3A_57 = arith.cmpi eq, %arg0, %eq3A_56 : i32
      %convert_element_type3A_58 = arith.extui %eq3A_57 : i1 to i32
      %cond3A_59 = arith.constant 0 : i32
      %cond3A_60 = arith.cmpi ne, %convert_element_type3A_58, %cond3A_59 : i32
      scf.if %cond3A_60 {
        "tpu.region"() ({
          %run_scoped3A = tpu.sem_alloc : memref<!tpu.dma_semaphore, #tpu.memory_space<semaphore_mem>>
          %dma_start3A = arith.constant 0 : i32
          %dma_start3A_62 = arith.constant 0 : i32
          %dma_start3A_63 = tpu.memref_slice %arg15[%dma_start3A, %dma_start3A_62] : memref<128x128xf32, #tpu.memory_space<vmem>> -> memref<128x128xf32, #tpu.memory_space<vmem>>
          %dma_start3A_64 = arith.constant 0 : i32
          %dma_start3A_65 = arith.constant 0 : i32
          %dma_start3A_66 = tpu.memref_slice %arg10[%dma_start3A_64, %dma_start3A_65] : memref<10112x128xf32, #tpu.memory_space<vmem_shared>> -> memref<10112x128xf32, #tpu.memory_space<vmem_shared>>
          tpu.enqueue_indirect_dma source(%dma_start3A_63 : memref<128x128xf32, #tpu.memory_space<vmem>>) target(%dma_start3A_66 : memref<10112x128xf32, #tpu.memory_space<vmem_shared>>) offsets(%arg12 : memref<128xi32, #tpu.memory_space<vmem>>) semaphore(%run_scoped3A : memref<!tpu.dma_semaphore, #tpu.memory_space<semaphore_mem>>) {add = true}
          %dma_wait3A = arith.constant 0 : i32
          %dma_wait3A_67 = arith.constant 0 : i32
          %dma_wait3A_68 = tpu.memref_slice %arg15[%dma_wait3A, %dma_wait3A_67] : memref<128x128xf32, #tpu.memory_space<vmem>> -> memref<128x128xf32, #tpu.memory_space<vmem>>
          %dma_wait3A_69 = arith.constant 0 : i32
          %dma_wait3A_70 = arith.constant 0 : i32
          %dma_wait3A_71 = tpu.memref_slice %arg10[%dma_wait3A_69, %dma_wait3A_70] : memref<10112x128xf32, #tpu.memory_space<vmem_shared>> -> memref<10112x128xf32, #tpu.memory_space<vmem_shared>>
          tpu.wait_indirect_dma semaphore(%run_scoped3A : memref<!tpu.dma_semaphore, #tpu.memory_space<semaphore_mem>>) src(%dma_wait3A_68 : memref<128x128xf32, #tpu.memory_space<vmem>>) dst(%dma_wait3A_71 : memref<10112x128xf32, #tpu.memory_space<vmem_shared>>)
          tpu.yield
        }) : () -> ()
      } else {
      }
      %scan3A_61 = arith.constant 0 : i32
      scf.yield %scan3A_61 : i32
    }
    %scan3A_6 = arith.constant 156 : i32
    %mul3A_7 = arith.constant 20000 : i32
    %mul3A_8 = arith.muli %arg1, %mul3A_7 : i32
    %add3A = arith.constant 19968 : i32
    %add3A_9 = arith.addi %mul3A_8, %add3A : i32
    %eq3A = arith.constant 1 : i32
    %eq3A_10 = arith.cmpi eq, %arg0, %eq3A : i32
    "tpu.region"() ({
      %run_scoped3A = tpu.sem_alloc : memref<!tpu.dma_semaphore, #tpu.memory_space<semaphore_mem>>
      %dma_start3A = tpu.memref_slice %arg4[%add3A_9] : memref<320000xi32, #tpu.memory_space<hbm>> -> memref<32xi32, #tpu.memory_space<hbm>>
      %dma_start3A_30 = tpu.memref_slice %arg4[%add3A_9] : memref<320000xi32, #tpu.memory_space<hbm>> -> memref<32xi32, #tpu.memory_space<hbm>>
      tpu.enqueue_dma source(%dma_start3A_30 : memref<32xi32, #tpu.memory_space<hbm>>) target(%arg13 : memref<32xi32, #tpu.memory_space<vmem>>) target_semaphore(%run_scoped3A : memref<!tpu.dma_semaphore, #tpu.memory_space<semaphore_mem>>)
      %dma_wait3A = tpu.memref_slice %arg4[%add3A_9] : memref<320000xi32, #tpu.memory_space<hbm>> -> memref<32xi32, #tpu.memory_space<hbm>>
      %dma_wait3A_31 = tpu.memref_slice %arg4[%add3A_9] : memref<320000xi32, #tpu.memory_space<hbm>> -> memref<32xi32, #tpu.memory_space<hbm>>
      tpu.wait_dma2 semaphore(%run_scoped3A : memref<!tpu.dma_semaphore, #tpu.memory_space<semaphore_mem>>) src(%dma_wait3A_31 : memref<32xi32, #tpu.memory_space<hbm>>) dst(%arg13 : memref<32xi32, #tpu.memory_space<vmem>>)
      tpu.yield
    }) : () -> ()
    "tpu.region"() ({
      %run_scoped3A = tpu.sem_alloc : memref<!tpu.dma_semaphore, #tpu.memory_space<semaphore_mem>>
      %dma_start3A = tpu.memref_slice %arg5[%add3A_9] : memref<320000xi32, #tpu.memory_space<hbm>> -> memref<32xi32, #tpu.memory_space<hbm>>
      %dma_start3A_30 = tpu.memref_slice %arg5[%add3A_9] : memref<320000xi32, #tpu.memory_space<hbm>> -> memref<32xi32, #tpu.memory_space<hbm>>
      tpu.enqueue_dma source(%dma_start3A_30 : memref<32xi32, #tpu.memory_space<hbm>>) target(%arg14 : memref<32xi32, #tpu.memory_space<vmem>>) target_semaphore(%run_scoped3A : memref<!tpu.dma_semaphore, #tpu.memory_space<semaphore_mem>>)
      %dma_wait3A = tpu.memref_slice %arg5[%add3A_9] : memref<320000xi32, #tpu.memory_space<hbm>> -> memref<32xi32, #tpu.memory_space<hbm>>
      %dma_wait3A_31 = tpu.memref_slice %arg5[%add3A_9] : memref<320000xi32, #tpu.memory_space<hbm>> -> memref<32xi32, #tpu.memory_space<hbm>>
      tpu.wait_dma2 semaphore(%run_scoped3A : memref<!tpu.dma_semaphore, #tpu.memory_space<semaphore_mem>>) src(%dma_wait3A_31 : memref<32xi32, #tpu.memory_space<hbm>>) dst(%arg14 : memref<32xi32, #tpu.memory_space<vmem>>)
      tpu.yield
    }) : () -> ()
    "tpu.region"() ({
      %run_scoped3A = tpu.sem_alloc : memref<!tpu.dma_semaphore, #tpu.memory_space<semaphore_mem>>
      %dma_start3A = arith.constant 0 : i32
      %dma_start3A_30 = arith.constant 0 : i32
      %dma_start3A_31 = tpu.memref_slice %arg15[%dma_start3A, %dma_start3A_30] : memref<128x128xf32, #tpu.memory_space<vmem>> -> memref<32x128xf32, #tpu.memory_space<vmem>>
      %dma_start3A_32 = arith.constant 0 : i32
      %dma_start3A_33 = tpu.memref_slice %arg6[%add3A_9, %dma_start3A_32] : memref<320000x128xf32, #tpu.memory_space<hbm>> -> memref<32x128xf32, #tpu.memory_space<hbm>>
      %dma_start3A_34 = arith.constant 0 : i32
      %dma_start3A_35 = arith.constant 0 : i32
      %dma_start3A_36 = tpu.memref_slice %arg15[%dma_start3A_34, %dma_start3A_35] : memref<128x128xf32, #tpu.memory_space<vmem>> -> memref<32x128xf32, #tpu.memory_space<vmem>>
      %dma_start3A_37 = arith.constant 0 : i32
      %dma_start3A_38 = tpu.memref_slice %arg6[%add3A_9, %dma_start3A_37] : memref<320000x128xf32, #tpu.memory_space<hbm>> -> memref<32x128xf32, #tpu.memory_space<hbm>>
      tpu.enqueue_dma source(%dma_start3A_38 : memref<32x128xf32, #tpu.memory_space<hbm>>) target(%dma_start3A_36 : memref<32x128xf32, #tpu.memory_space<vmem>>) target_semaphore(%run_scoped3A : memref<!tpu.dma_semaphore, #tpu.memory_space<semaphore_mem>>)
      %dma_wait3A = arith.constant 0 : i32
      %dma_wait3A_39 = arith.constant 0 : i32
      %dma_wait3A_40 = tpu.memref_slice %arg15[%dma_wait3A, %dma_wait3A_39] : memref<128x128xf32, #tpu.memory_space<vmem>> -> memref<32x128xf32, #tpu.memory_space<vmem>>
      %dma_wait3A_41 = arith.constant 0 : i32
      %dma_wait3A_42 = tpu.memref_slice %arg6[%add3A_9, %dma_wait3A_41] : memref<320000x128xf32, #tpu.memory_space<hbm>> -> memref<32x128xf32, #tpu.memory_space<hbm>>
      %dma_wait3A_43 = arith.constant 0 : i32
      %dma_wait3A_44 = arith.constant 0 : i32
      %dma_wait3A_45 = tpu.memref_slice %arg15[%dma_wait3A_43, %dma_wait3A_44] : memref<128x128xf32, #tpu.memory_space<vmem>> -> memref<32x128xf32, #tpu.memory_space<vmem>>
      %dma_wait3A_46 = arith.constant 0 : i32
      %dma_wait3A_47 = tpu.memref_slice %arg6[%add3A_9, %dma_wait3A_46] : memref<320000x128xf32, #tpu.memory_space<hbm>> -> memref<32x128xf32, #tpu.memory_space<hbm>>
      tpu.wait_dma2 semaphore(%run_scoped3A : memref<!tpu.dma_semaphore, #tpu.memory_space<semaphore_mem>>) src(%dma_wait3A_47 : memref<32x128xf32, #tpu.memory_space<hbm>>) dst(%dma_wait3A_45 : memref<32x128xf32, #tpu.memory_space<vmem>>)
      tpu.yield
    }) : () -> ()
    "tpu.region"() ({
      %run_scoped3A = tpu.sem_alloc : memref<!tpu.dma_semaphore, #tpu.memory_space<semaphore_mem>>
      %dma_start3A = arith.constant 0 : i32
      %dma_start3A_30 = arith.constant 0 : i32
      %dma_start3A_31 = tpu.memref_slice %arg15[%dma_start3A, %dma_start3A_30] : memref<128x128xf32, #tpu.memory_space<vmem>> -> memref<32x128xf32, #tpu.memory_space<vmem>>
      %dma_start3A_32 = arith.constant 0 : i32
      %dma_start3A_33 = arith.constant 0 : i32
      %dma_start3A_34 = tpu.memref_slice %arg2[%dma_start3A_32, %dma_start3A_33] : memref<10000x128xf32, #tpu.memory_space<hbm>> -> memref<10000x128xf32, #tpu.memory_space<hbm>>
      tpu.enqueue_indirect_dma source(%dma_start3A_34 : memref<10000x128xf32, #tpu.memory_space<hbm>>) target(%dma_start3A_31 : memref<32x128xf32, #tpu.memory_space<vmem>>) offsets(%arg13 : memref<32xi32, #tpu.memory_space<vmem>>) semaphore(%run_scoped3A : memref<!tpu.dma_semaphore, #tpu.memory_space<semaphore_mem>>) {add = true}
      %dma_wait3A = arith.constant 0 : i32
      %dma_wait3A_35 = arith.constant 0 : i32
      %dma_wait3A_36 = tpu.memref_slice %arg15[%dma_wait3A, %dma_wait3A_35] : memref<128x128xf32, #tpu.memory_space<vmem>> -> memref<32x128xf32, #tpu.memory_space<vmem>>
      %dma_wait3A_37 = arith.constant 0 : i32
      %dma_wait3A_38 = arith.constant 0 : i32
      %dma_wait3A_39 = tpu.memref_slice %arg2[%dma_wait3A_37, %dma_wait3A_38] : memref<10000x128xf32, #tpu.memory_space<hbm>> -> memref<10000x128xf32, #tpu.memory_space<hbm>>
      tpu.wait_indirect_dma semaphore(%run_scoped3A : memref<!tpu.dma_semaphore, #tpu.memory_space<semaphore_mem>>) src(%dma_wait3A_39 : memref<10000x128xf32, #tpu.memory_space<hbm>>) dst(%dma_wait3A_36 : memref<32x128xf32, #tpu.memory_space<vmem>>)
      tpu.yield
    }) : () -> ()
    "tpu.region"() ({
      %run_scoped3A = tpu.sem_alloc : memref<!tpu.dma_semaphore, #tpu.memory_space<semaphore_mem>>
      %dma_start3A = arith.constant 0 : i32
      %dma_start3A_30 = arith.constant 0 : i32
      %dma_start3A_31 = tpu.memref_slice %arg15[%dma_start3A, %dma_start3A_30] : memref<128x128xf32, #tpu.memory_space<vmem>> -> memref<32x128xf32, #tpu.memory_space<vmem>>
      %dma_start3A_32 = arith.constant 0 : i32
      %dma_start3A_33 = arith.constant 0 : i32
      %dma_start3A_34 = tpu.memref_slice %arg3[%dma_start3A_32, %dma_start3A_33] : memref<10000x128xf32, #tpu.memory_space<hbm>> -> memref<10000x128xf32, #tpu.memory_space<hbm>>
      tpu.enqueue_indirect_dma source(%dma_start3A_34 : memref<10000x128xf32, #tpu.memory_space<hbm>>) target(%dma_start3A_31 : memref<32x128xf32, #tpu.memory_space<vmem>>) offsets(%arg14 : memref<32xi32, #tpu.memory_space<vmem>>) semaphore(%run_scoped3A : memref<!tpu.dma_semaphore, #tpu.memory_space<semaphore_mem>>) {add = true}
      %dma_wait3A = arith.constant 0 : i32
      %dma_wait3A_35 = arith.constant 0 : i32
      %dma_wait3A_36 = tpu.memref_slice %arg15[%dma_wait3A, %dma_wait3A_35] : memref<128x128xf32, #tpu.memory_space<vmem>> -> memref<32x128xf32, #tpu.memory_space<vmem>>
      %dma_wait3A_37 = arith.constant 0 : i32
      %dma_wait3A_38 = arith.constant 0 : i32
      %dma_wait3A_39 = tpu.memref_slice %arg3[%dma_wait3A_37, %dma_wait3A_38] : memref<10000x128xf32, #tpu.memory_space<hbm>> -> memref<10000x128xf32, #tpu.memory_space<hbm>>
      tpu.wait_indirect_dma semaphore(%run_scoped3A : memref<!tpu.dma_semaphore, #tpu.memory_space<semaphore_mem>>) src(%dma_wait3A_39 : memref<10000x128xf32, #tpu.memory_space<hbm>>) dst(%dma_wait3A_36 : memref<32x128xf32, #tpu.memory_space<vmem>>)
      tpu.yield
    }) : () -> ()
    %scan3A_11 = arith.constant 0 : i32
    %scan3A_12 = arith.constant 0 : i32
    %scan3A_13 = arith.constant 32 : i32
    %scan3A_14 = arith.addi %scan3A_12, %scan3A_13 : i32
    %scan3A_15 = arith.constant 1 : i32
    %scan3A_16 = scf.for %scan3A_30 = %scan3A_12 to %scan3A_14 step %scan3A_15 iter_args(%scan3A_31 = %scan3A_11) -> (i32)  : i32 {
      %get3A = arith.index_cast %scan3A_30 : i32 to index
      %get3A_32 = arith.constant 0 : index
      %get3A_33 = tpu.vector_load %arg15[%get3A, %get3A_32] {strides = array<i32>} : memref<128x128xf32, #tpu.memory_space<vmem>>, vector<1x16xf32>,
      %get3A_34 = vector.shape_cast %get3A_33 : vector<1x16xf32> to vector<16xf32>
      %max3A = arith.constant 0.000000e+00 : f32
      %max3A_35 = vector.broadcast %max3A : f32 to vector<16xf32>
      %max3A_36 = arith.maximumf %get3A_34, %max3A_35 : vector<16xf32>
      %swap3A = arith.index_cast %scan3A_30 : i32 to index
      %swap3A_37 = arith.constant 0 : index
      %swap3A_38 = tpu.vector_load %arg15[%swap3A, %swap3A_37] {strides = array<i32>} : memref<128x128xf32, #tpu.memory_space<vmem>>, vector<1x16xf32>,
      %swap3A_39 = vector.shape_cast %swap3A_38 : vector<1x16xf32> to vector<16xf32>
      %swap3A_40 = vector.shape_cast %max3A_36 : vector<16xf32> to vector<1x16xf32>
      tpu.vector_store %arg15[%swap3A, %swap3A_37], %swap3A_40 {strides = array<i32>} : memref<128x128xf32, #tpu.memory_space<vmem>>, vector<1x16xf32>,
      %get3A_41 = arith.index_cast %scan3A_30 : i32 to index
      %get3A_42 = arith.constant 16 : index
      %get3A_43 = tpu.vector_load %arg15[%get3A_41, %get3A_42] {strides = array<i32>} : memref<128x128xf32, #tpu.memory_space<vmem>>, vector<1x16xf32>,
      %get3A_44 = vector.shape_cast %get3A_43 : vector<1x16xf32> to vector<16xf32>
      %max3A_45 = arith.constant 0.000000e+00 : f32
      %max3A_46 = vector.broadcast %max3A_45 : f32 to vector<16xf32>
      %max3A_47 = arith.maximumf %get3A_44, %max3A_46 : vector<16xf32>
      %swap3A_48 = arith.index_cast %scan3A_30 : i32 to index
      %swap3A_49 = arith.constant 16 : index
      %swap3A_50 = tpu.vector_load %arg15[%swap3A_48, %swap3A_49] {strides = array<i32>} : memref<128x128xf32, #tpu.memory_space<vmem>>, vector<1x16xf32>,
      %swap3A_51 = vector.shape_cast %swap3A_50 : vector<1x16xf32> to vector<16xf32>
      %swap3A_52 = vector.shape_cast %max3A_47 : vector<16xf32> to vector<1x16xf32>
      tpu.vector_store %arg15[%swap3A_48, %swap3A_49], %swap3A_52 {strides = array<i32>} : memref<128x128xf32, #tpu.memory_space<vmem>>, vector<1x16xf32>,
      %get3A_53 = arith.index_cast %scan3A_30 : i32 to index
      %get3A_54 = arith.constant 32 : index
      %get3A_55 = tpu.vector_load %arg15[%get3A_53, %get3A_54] {strides = array<i32>} : memref<128x128xf32, #tpu.memory_space<vmem>>, vector<1x16xf32>,
      %get3A_56 = vector.shape_cast %get3A_55 : vector<1x16xf32> to vector<16xf32>
      %max3A_57 = arith.constant 0.000000e+00 : f32
      %max3A_58 = vector.broadcast %max3A_57 : f32 to vector<16xf32>
      %max3A_59 = arith.maximumf %get3A_56, %max3A_58 : vector<16xf32>
      %swap3A_60 = arith.index_cast %scan3A_30 : i32 to index
      %swap3A_61 = arith.constant 32 : index
      %swap3A_62 = tpu.vector_load %arg15[%swap3A_60, %swap3A_61] {strides = array<i32>} : memref<128x128xf32, #tpu.memory_space<vmem>>, vector<1x16xf32>,
      %swap3A_63 = vector.shape_cast %swap3A_62 : vector<1x16xf32> to vector<16xf32>
      %swap3A_64 = vector.shape_cast %max3A_59 : vector<16xf32> to vector<1x16xf32>
      tpu.vector_store %arg15[%swap3A_60, %swap3A_61], %swap3A_64 {strides = array<i32>} : memref<128x128xf32, #tpu.memory_space<vmem>>, vector<1x16xf32>,
      %get3A_65 = arith.index_cast %scan3A_30 : i32 to index
      %get3A_66 = arith.constant 48 : index
      %get3A_67 = tpu.vector_load %arg15[%get3A_65, %get3A_66] {strides = array<i32>} : memref<128x128xf32, #tpu.memory_space<vmem>>, vector<1x16xf32>,
      %get3A_68 = vector.shape_cast %get3A_67 : vector<1x16xf32> to vector<16xf32>
      %max3A_69 = arith.constant 0.000000e+00 : f32
      %max3A_70 = vector.broadcast %max3A_69 : f32 to vector<16xf32>
      %max3A_71 = arith.maximumf %get3A_68, %max3A_70 : vector<16xf32>
      %swap3A_72 = arith.index_cast %scan3A_30 : i32 to index
      %swap3A_73 = arith.constant 48 : index
      %swap3A_74 = tpu.vector_load %arg15[%swap3A_72, %swap3A_73] {strides = array<i32>} : memref<128x128xf32, #tpu.memory_space<vmem>>, vector<1x16xf32>,
      %swap3A_75 = vector.shape_cast %swap3A_74 : vector<1x16xf32> to vector<16xf32>
      %swap3A_76 = vector.shape_cast %max3A_71 : vector<16xf32> to vector<1x16xf32>
      tpu.vector_store %arg15[%swap3A_72, %swap3A_73], %swap3A_76 {strides = array<i32>} : memref<128x128xf32, #tpu.memory_space<vmem>>, vector<1x16xf32>,
      %get3A_77 = arith.index_cast %scan3A_30 : i32 to index
      %get3A_78 = arith.constant 64 : index
      %get3A_79 = tpu.vector_load %arg15[%get3A_77, %get3A_78] {strides = array<i32>} : memref<128x128xf32, #tpu.memory_space<vmem>>, vector<1x16xf32>,
      %get3A_80 = vector.shape_cast %get3A_79 : vector<1x16xf32> to vector<16xf32>
      %max3A_81 = arith.constant 0.000000e+00 : f32
      %max3A_82 = vector.broadcast %max3A_81 : f32 to vector<16xf32>
      %max3A_83 = arith.maximumf %get3A_80, %max3A_82 : vector<16xf32>
      %swap3A_84 = arith.index_cast %scan3A_30 : i32 to index
      %swap3A_85 = arith.constant 64 : index
      %swap3A_86 = tpu.vector_load %arg15[%swap3A_84, %swap3A_85] {strides = array<i32>} : memref<128x128xf32, #tpu.memory_space<vmem>>, vector<1x16xf32>,
      %swap3A_87 = vector.shape_cast %swap3A_86 : vector<1x16xf32> to vector<16xf32>
      %swap3A_88 = vector.shape_cast %max3A_83 : vector<16xf32> to vector<1x16xf32>
      tpu.vector_store %arg15[%swap3A_84, %swap3A_85], %swap3A_88 {strides = array<i32>} : memref<128x128xf32, #tpu.memory_space<vmem>>, vector<1x16xf32>,
      %get3A_89 = arith.index_cast %scan3A_30 : i32 to index
      %get3A_90 = arith.constant 80 : index
      %get3A_91 = tpu.vector_load %arg15[%get3A_89, %get3A_90] {strides = array<i32>} : memref<128x128xf32, #tpu.memory_space<vmem>>, vector<1x16xf32>,
      %get3A_92 = vector.shape_cast %get3A_91 : vector<1x16xf32> to vector<16xf32>
      %max3A_93 = arith.constant 0.000000e+00 : f32
      %max3A_94 = vector.broadcast %max3A_93 : f32 to vector<16xf32>
      %max3A_95 = arith.maximumf %get3A_92, %max3A_94 : vector<16xf32>
      %swap3A_96 = arith.index_cast %scan3A_30 : i32 to index
      %swap3A_97 = arith.constant 80 : index
      %swap3A_98 = tpu.vector_load %arg15[%swap3A_96, %swap3A_97] {strides = array<i32>} : memref<128x128xf32, #tpu.memory_space<vmem>>, vector<1x16xf32>,
      %swap3A_99 = vector.shape_cast %swap3A_98 : vector<1x16xf32> to vector<16xf32>
      %swap3A_100 = vector.shape_cast %max3A_95 : vector<16xf32> to vector<1x16xf32>
      tpu.vector_store %arg15[%swap3A_96, %swap3A_97], %swap3A_100 {strides = array<i32>} : memref<128x128xf32, #tpu.memory_space<vmem>>, vector<1x16xf32>,
      %get3A_101 = arith.index_cast %scan3A_30 : i32 to index
      %get3A_102 = arith.constant 96 : index
      %get3A_103 = tpu.vector_load %arg15[%get3A_101, %get3A_102] {strides = array<i32>} : memref<128x128xf32, #tpu.memory_space<vmem>>, vector<1x16xf32>,
      %get3A_104 = vector.shape_cast %get3A_103 : vector<1x16xf32> to vector<16xf32>
      %max3A_105 = arith.constant 0.000000e+00 : f32
      %max3A_106 = vector.broadcast %max3A_105 : f32 to vector<16xf32>
      %max3A_107 = arith.maximumf %get3A_104, %max3A_106 : vector<16xf32>
      %swap3A_108 = arith.index_cast %scan3A_30 : i32 to index
      %swap3A_109 = arith.constant 96 : index
      %swap3A_110 = tpu.vector_load %arg15[%swap3A_108, %swap3A_109] {strides = array<i32>} : memref<128x128xf32, #tpu.memory_space<vmem>>, vector<1x16xf32>,
      %swap3A_111 = vector.shape_cast %swap3A_110 : vector<1x16xf32> to vector<16xf32>
      %swap3A_112 = vector.shape_cast %max3A_107 : vector<16xf32> to vector<1x16xf32>
      tpu.vector_store %arg15[%swap3A_108, %swap3A_109], %swap3A_112 {strides = array<i32>} : memref<128x128xf32, #tpu.memory_space<vmem>>, vector<1x16xf32>,
      %get3A_113 = arith.index_cast %scan3A_30 : i32 to index
      %get3A_114 = arith.constant 112 : index
      %get3A_115 = tpu.vector_load %arg15[%get3A_113, %get3A_114] {strides = array<i32>} : memref<128x128xf32, #tpu.memory_space<vmem>>, vector<1x16xf32>,
      %get3A_116 = vector.shape_cast %get3A_115 : vector<1x16xf32> to vector<16xf32>
      %max3A_117 = arith.constant 0.000000e+00 : f32
      %max3A_118 = vector.broadcast %max3A_117 : f32 to vector<16xf32>
      %max3A_119 = arith.maximumf %get3A_116, %max3A_118 : vector<16xf32>
      %swap3A_120 = arith.index_cast %scan3A_30 : i32 to index
      %swap3A_121 = arith.constant 112 : index
      %swap3A_122 = tpu.vector_load %arg15[%swap3A_120, %swap3A_121] {strides = array<i32>} : memref<128x128xf32, #tpu.memory_space<vmem>>, vector<1x16xf32>,
      %swap3A_123 = vector.shape_cast %swap3A_122 : vector<1x16xf32> to vector<16xf32>
      %swap3A_124 = vector.shape_cast %max3A_119 : vector<16xf32> to vector<1x16xf32>
      tpu.vector_store %arg15[%swap3A_120, %swap3A_121], %swap3A_124 {strides = array<i32>} : memref<128x128xf32, #tpu.memory_space<vmem>>, vector<1x16xf32>,
      %scan3A_125 = arith.constant 0 : i32
      scf.yield %scan3A_125 : i32
    }
    %scan3A_17 = arith.constant 32 : i32
    %convert_element_type3A = arith.extui %eq3A_10 : i1 to i32
    %cond3A = arith.constant 0 : i32
    %cond3A_18 = arith.cmpi ne, %convert_element_type3A, %cond3A : i32
    scf.if %cond3A_18 {
      "tpu.region"() ({
        %run_scoped3A = tpu.sem_alloc : memref<!tpu.dma_semaphore, #tpu.memory_space<semaphore_mem>>
        %dma_start3A = arith.constant 0 : i32
        %dma_start3A_30 = arith.constant 0 : i32
        %dma_start3A_31 = tpu.memref_slice %arg15[%dma_start3A, %dma_start3A_30] : memref<128x128xf32, #tpu.memory_space<vmem>> -> memref<32x128xf32, #tpu.memory_space<vmem>>
        %dma_start3A_32 = arith.constant 0 : i32
        %dma_start3A_33 = tpu.memref_slice %arg9[%add3A_9, %dma_start3A_32] : memref<320000x128xf32, #tpu.memory_space<hbm>> -> memref<32x128xf32, #tpu.memory_space<hbm>>
        %dma_start3A_34 = arith.constant 0 : i32
        %dma_start3A_35 = tpu.memref_slice %arg9[%add3A_9, %dma_start3A_34] : memref<320000x128xf32, #tpu.memory_space<hbm>> -> memref<32x128xf32, #tpu.memory_space<hbm>>
        %dma_start3A_36 = arith.constant 0 : i32
        %dma_start3A_37 = arith.constant 0 : i32
        %dma_start3A_38 = tpu.memref_slice %arg15[%dma_start3A_36, %dma_start3A_37] : memref<128x128xf32, #tpu.memory_space<vmem>> -> memref<32x128xf32, #tpu.memory_space<vmem>>
        tpu.enqueue_dma source(%dma_start3A_38 : memref<32x128xf32, #tpu.memory_space<vmem>>) target(%dma_start3A_35 : memref<32x128xf32, #tpu.memory_space<hbm>>) target_semaphore(%run_scoped3A : memref<!tpu.dma_semaphore, #tpu.memory_space<semaphore_mem>>)
        %dma_wait3A = arith.constant 0 : i32
        %dma_wait3A_39 = arith.constant 0 : i32
        %dma_wait3A_40 = tpu.memref_slice %arg15[%dma_wait3A, %dma_wait3A_39] : memref<128x128xf32, #tpu.memory_space<vmem>> -> memref<32x128xf32, #tpu.memory_space<vmem>>
        %dma_wait3A_41 = arith.constant 0 : i32
        %dma_wait3A_42 = tpu.memref_slice %arg9[%add3A_9, %dma_wait3A_41] : memref<320000x128xf32, #tpu.memory_space<hbm>> -> memref<32x128xf32, #tpu.memory_space<hbm>>
        %dma_wait3A_43 = arith.constant 0 : i32
        %dma_wait3A_44 = tpu.memref_slice %arg9[%add3A_9, %dma_wait3A_43] : memref<320000x128xf32, #tpu.memory_space<hbm>> -> memref<32x128xf32, #tpu.memory_space<hbm>>
        %dma_wait3A_45 = arith.constant 0 : i32
        %dma_wait3A_46 = arith.constant 0 : i32
        %dma_wait3A_47 = tpu.memref_slice %arg15[%dma_wait3A_45, %dma_wait3A_46] : memref<128x128xf32, #tpu.memory_space<vmem>> -> memref<32x128xf32, #tpu.memory_space<vmem>>
        tpu.wait_dma2 semaphore(%run_scoped3A : memref<!tpu.dma_semaphore, #tpu.memory_space<semaphore_mem>>) src(%dma_wait3A_47 : memref<32x128xf32, #tpu.memory_space<vmem>>) dst(%dma_wait3A_44 : memref<32x128xf32, #tpu.memory_space<hbm>>)
        tpu.yield
      }) : () -> ()
    } else {
    }
    %eq3A_19 = arith.constant 0 : i32
    %eq3A_20 = arith.cmpi eq, %arg0, %eq3A_19 : i32
    %convert_element_type3A_21 = arith.extui %eq3A_20 : i1 to i32
    %cond3A_22 = arith.constant 0 : i32
    %cond3A_23 = arith.cmpi ne, %convert_element_type3A_21, %cond3A_22 : i32
    scf.if %cond3A_23 {
      "tpu.region"() ({
        %run_scoped3A = tpu.sem_alloc : memref<!tpu.dma_semaphore, #tpu.memory_space<semaphore_mem>>
        %dma_start3A = arith.constant 0 : i32
        %dma_start3A_30 = arith.constant 0 : i32
        %dma_start3A_31 = tpu.memref_slice %arg15[%dma_start3A, %dma_start3A_30] : memref<128x128xf32, #tpu.memory_space<vmem>> -> memref<32x128xf32, #tpu.memory_space<vmem>>
        %dma_start3A_32 = arith.constant 0 : i32
        %dma_start3A_33 = arith.constant 0 : i32
        %dma_start3A_34 = tpu.memref_slice %arg10[%dma_start3A_32, %dma_start3A_33] : memref<10112x128xf32, #tpu.memory_space<vmem_shared>> -> memref<10112x128xf32, #tpu.memory_space<vmem_shared>>
        tpu.enqueue_indirect_dma source(%dma_start3A_31 : memref<32x128xf32, #tpu.memory_space<vmem>>) target(%dma_start3A_34 : memref<10112x128xf32, #tpu.memory_space<vmem_shared>>) offsets(%arg13 : memref<32xi32, #tpu.memory_space<vmem>>) semaphore(%run_scoped3A : memref<!tpu.dma_semaphore, #tpu.memory_space<semaphore_mem>>) {add = true}
        %dma_wait3A = arith.constant 0 : i32
        %dma_wait3A_35 = arith.constant 0 : i32
        %dma_wait3A_36 = tpu.memref_slice %arg15[%dma_wait3A, %dma_wait3A_35] : memref<128x128xf32, #tpu.memory_space<vmem>> -> memref<32x128xf32, #tpu.memory_space<vmem>>
        %dma_wait3A_37 = arith.constant 0 : i32
        %dma_wait3A_38 = arith.constant 0 : i32
        %dma_wait3A_39 = tpu.memref_slice %arg10[%dma_wait3A_37, %dma_wait3A_38] : memref<10112x128xf32, #tpu.memory_space<vmem_shared>> -> memref<10112x128xf32, #tpu.memory_space<vmem_shared>>
        tpu.wait_indirect_dma semaphore(%run_scoped3A : memref<!tpu.dma_semaphore, #tpu.memory_space<semaphore_mem>>) src(%dma_wait3A_36 : memref<32x128xf32, #tpu.memory_space<vmem>>) dst(%dma_wait3A_39 : memref<10112x128xf32, #tpu.memory_space<vmem_shared>>)
        tpu.yield
      }) : () -> ()
    } else {
    }
    %eq3A_24 = arith.constant 1 : i32
    %eq3A_25 = arith.cmpi eq, %arg0, %eq3A_24 : i32
    %convert_element_type3A_26 = arith.extui %eq3A_25 : i1 to i32
    %cond3A_27 = arith.constant 0 : i32
    %cond3A_28 = arith.cmpi ne, %convert_element_type3A_26, %cond3A_27 : i32
    scf.if %cond3A_28 {
      "tpu.region"() ({
        %run_scoped3A = tpu.sem_alloc : memref<!tpu.dma_semaphore, #tpu.memory_space<semaphore_mem>>
        %dma_start3A = arith.constant 0 : i32
        %dma_start3A_30 = arith.constant 0 : i32
        %dma_start3A_31 = tpu.memref_slice %arg15[%dma_start3A, %dma_start3A_30] : memref<128x128xf32, #tpu.memory_space<vmem>> -> memref<32x128xf32, #tpu.memory_space<vmem>>
        %dma_start3A_32 = arith.constant 0 : i32
        %dma_start3A_33 = arith.constant 0 : i32
        %dma_start3A_34 = tpu.memref_slice %arg10[%dma_start3A_32, %dma_start3A_33] : memref<10112x128xf32, #tpu.memory_space<vmem_shared>> -> memref<10112x128xf32, #tpu.memory_space<vmem_shared>>
        tpu.enqueue_indirect_dma source(%dma_start3A_31 : memref<32x128xf32, #tpu.memory_space<vmem>>) target(%dma_start3A_34 : memref<10112x128xf32, #tpu.memory_space<vmem_shared>>) offsets(%arg14 : memref<32xi32, #tpu.memory_space<vmem>>) semaphore(%run_scoped3A : memref<!tpu.dma_semaphore, #tpu.memory_space<semaphore_mem>>) {add = true}
        %dma_wait3A = arith.constant 0 : i32
        %dma_wait3A_35 = arith.constant 0 : i32
        %dma_wait3A_36 = tpu.memref_slice %arg15[%dma_wait3A, %dma_wait3A_35] : memref<128x128xf32, #tpu.memory_space<vmem>> -> memref<32x128xf32, #tpu.memory_space<vmem>>
        %dma_wait3A_37 = arith.constant 0 : i32
        %dma_wait3A_38 = arith.constant 0 : i32
        %dma_wait3A_39 = tpu.memref_slice %arg10[%dma_wait3A_37, %dma_wait3A_38] : memref<10112x128xf32, #tpu.memory_space<vmem_shared>> -> memref<10112x128xf32, #tpu.memory_space<vmem_shared>>
        tpu.wait_indirect_dma semaphore(%run_scoped3A : memref<!tpu.dma_semaphore, #tpu.memory_space<semaphore_mem>>) src(%dma_wait3A_36 : memref<32x128xf32, #tpu.memory_space<vmem>>) dst(%dma_wait3A_39 : memref<10112x128xf32, #tpu.memory_space<vmem_shared>>)
        tpu.yield
      }) : () -> ()
    } else {
    }
    %barrier3A_29 = arith.constant 0 : index
    tpu.barrier barrier_id(%barrier3A_29)
    "tpu.region"() ({
      %run_scoped3A = tpu.sem_alloc : memref<!tpu.dma_semaphore, #tpu.memory_space<semaphore_mem>>
      %dma_start3A = arith.constant 0 : i32
      %dma_start3A_30 = tpu.memref_slice %arg8[%arg0, %mul3A_0, %dma_start3A] : memref<2x10112x128xf32, #tpu.memory_space<hbm>> -> memref<1x632x128xf32, #tpu.memory_space<hbm>>
      %dma_start3A_31 = tpu.memref_squeeze %dma_start3A_30 : memref<1x632x128xf32, #tpu.memory_space<hbm>> -> memref<632x128xf32, #tpu.memory_space<hbm>>
      %dma_start3A_32 = arith.constant 0 : i32
      %dma_start3A_33 = tpu.memref_slice %arg10[%mul3A_0, %dma_start3A_32] : memref<10112x128xf32, #tpu.memory_space<vmem_shared>> -> memref<632x128xf32, #tpu.memory_space<vmem_shared>>
      tpu.enqueue_dma source(%dma_start3A_33 : memref<632x128xf32, #tpu.memory_space<vmem_shared>>) target(%dma_start3A_31 : memref<632x128xf32, #tpu.memory_space<hbm>>) target_semaphore(%run_scoped3A : memref<!tpu.dma_semaphore, #tpu.memory_space<semaphore_mem>>)
      %dma_wait3A = arith.constant 0 : i32
      %dma_wait3A_34 = tpu.memref_slice %arg8[%arg0, %mul3A_0, %dma_wait3A] : memref<2x10112x128xf32, #tpu.memory_space<hbm>> -> memref<1x632x128xf32, #tpu.memory_space<hbm>>
      %dma_wait3A_35 = tpu.memref_squeeze %dma_wait3A_34 : memref<1x632x128xf32, #tpu.memory_space<hbm>> -> memref<632x128xf32, #tpu.memory_space<hbm>>
      %dma_wait3A_36 = arith.constant 0 : i32
      %dma_wait3A_37 = tpu.memref_slice %arg10[%mul3A_0, %dma_wait3A_36] : memref<10112x128xf32, #tpu.memory_space<vmem_shared>> -> memref<632x128xf32, #tpu.memory_space<vmem_shared>>
      tpu.wait_dma2 semaphore(%run_scoped3A : memref<!tpu.dma_semaphore, #tpu.memory_space<semaphore_mem>>) src(%dma_wait3A_37 : memref<632x128xf32, #tpu.memory_space<vmem_shared>>) dst(%dma_wait3A_35 : memref<632x128xf32, #tpu.memory_space<hbm>>)
      tpu.yield
    }) : () -> ()
    return
  }
}

#map = affine_map<(d0, d1) -> (0, 0)>
#map1 = affine_map<(d0, d1) -> (0)>
#map2 = affine_map<(d0, d1) -> (0, 0, 0)>
module attributes {stable_mosaic.version = 14 : i64} {
  func.func @sc_edge_pass_l1(%arg0: i32, %arg1: i32, %arg2: memref<10000x128xf32, #tpu.memory_space<hbm>>, %arg3: memref<10000x128xf32, #tpu.memory_space<hbm>>, %arg4: memref<320000xi32, #tpu.memory_space<hbm>>, %arg5: memref<320000xi32, #tpu.memory_space<hbm>>, %arg6: memref<320000x128xf32, #tpu.memory_space<hbm>>, %arg7: memref<10112x128xf32, #tpu.memory_space<hbm>>, %arg8: memref<2x10112x128xf32, #tpu.memory_space<hbm>>, %arg9: memref<320000x128xf32, #tpu.memory_space<hbm>>, %arg10: memref<10112x128xf32, #tpu.memory_space<vmem_shared>>, %arg11: memref<128xi32, #tpu.memory_space<vmem>>, %arg12: memref<128xi32, #tpu.memory_space<vmem>>, %arg13: memref<32xi32, #tpu.memory_space<vmem>>, %arg14: memref<32xi32, #tpu.memory_space<vmem>>, %arg15: memref<128x128xf32, #tpu.memory_space<vmem>>) attributes {dimension_semantics = [#tpu.dimension_semantics<core_parallel>, #tpu.dimension_semantics<subcore_parallel>], iteration_bounds = array<i64: 2, 16>, scalar_prefetch = 0 : i64, scratch_operands = 6 : i64, tpu.core_type = #tpu.core_type<sc_vector_subcore>, window_params = [{transform_indices = #map}, {transform_indices = #map}, {transform_indices = #map1}, {transform_indices = #map1}, {transform_indices = #map}, {transform_indices = #map}, {transform_indices = #map2}, {transform_indices = #map}]} {
    %mul3A = arith.constant 632 : i32
    %mul3A_0 = arith.muli %arg1, %mul3A : i32
    "tpu.region"() ({
      %run_scoped3A = tpu.sem_alloc : memref<!tpu.dma_semaphore, #tpu.memory_space<semaphore_mem>>
      %dma_start3A = arith.constant 0 : i32
      %dma_start3A_30 = tpu.memref_slice %arg10[%mul3A_0, %dma_start3A] : memref<10112x128xf32, #tpu.memory_space<vmem_shared>> -> memref<632x128xf32, #tpu.memory_space<vmem_shared>>
      %dma_start3A_31 = arith.constant 0 : i32
      %dma_start3A_32 = tpu.memref_slice %arg7[%mul3A_0, %dma_start3A_31] : memref<10112x128xf32, #tpu.memory_space<hbm>> -> memref<632x128xf32, #tpu.memory_space<hbm>>
      tpu.enqueue_dma source(%dma_start3A_32 : memref<632x128xf32, #tpu.memory_space<hbm>>) target(%dma_start3A_30 : memref<632x128xf32, #tpu.memory_space<vmem_shared>>) target_semaphore(%run_scoped3A : memref<!tpu.dma_semaphore, #tpu.memory_space<semaphore_mem>>)
      %dma_wait3A = arith.constant 0 : i32
      %dma_wait3A_33 = tpu.memref_slice %arg10[%mul3A_0, %dma_wait3A] : memref<10112x128xf32, #tpu.memory_space<vmem_shared>> -> memref<632x128xf32, #tpu.memory_space<vmem_shared>>
      %dma_wait3A_34 = arith.constant 0 : i32
      %dma_wait3A_35 = tpu.memref_slice %arg7[%mul3A_0, %dma_wait3A_34] : memref<10112x128xf32, #tpu.memory_space<hbm>> -> memref<632x128xf32, #tpu.memory_space<hbm>>
      tpu.wait_dma2 semaphore(%run_scoped3A : memref<!tpu.dma_semaphore, #tpu.memory_space<semaphore_mem>>) src(%dma_wait3A_35 : memref<632x128xf32, #tpu.memory_space<hbm>>) dst(%dma_wait3A_33 : memref<632x128xf32, #tpu.memory_space<vmem_shared>>)
      tpu.yield
    }) : () -> ()
    %barrier3A = arith.constant 0 : index
    tpu.barrier barrier_id(%barrier3A)
    %scan3A = arith.constant 0 : i32
    %scan3A_1 = arith.constant 0 : i32
    %scan3A_2 = arith.constant 156 : i32
    %scan3A_3 = arith.addi %scan3A_1, %scan3A_2 : i32
    %scan3A_4 = arith.constant 1 : i32
    %scan3A_5 = scf.for %scan3A_30 = %scan3A_1 to %scan3A_3 step %scan3A_4 iter_args(%scan3A_31 = %scan3A) -> (i32)  : i32 {
      %eq3A_32 = arith.constant 0 : i32
      %eq3A_33 = arith.cmpi eq, %arg0, %eq3A_32 : i32
      %lt3A = arith.constant 78 : i32
      %lt3A_34 = arith.cmpi slt, %scan3A_30, %lt3A : i32
      %ge3A = arith.constant 78 : i32
      %ge3A_35 = arith.cmpi sge, %scan3A_30, %ge3A : i32
      %select_n3A = arith.select %eq3A_33, %lt3A_34, %ge3A_35 : i1
      %mul3A_36 = arith.constant 20000 : i32
      %mul3A_37 = arith.muli %arg1, %mul3A_36 : i32
      %mul3A_38 = arith.constant 128 : i32
      %mul3A_39 = arith.muli %scan3A_30, %mul3A_38 : i32
      %add3A_40 = arith.addi %mul3A_37, %mul3A_39 : i32
      "tpu.region"() ({
        %run_scoped3A = tpu.sem_alloc : memref<!tpu.dma_semaphore, #tpu.memory_space<semaphore_mem>>
        %dma_start3A = tpu.memref_slice %arg4[%add3A_40] : memref<320000xi32, #tpu.memory_space<hbm>> -> memref<128xi32, #tpu.memory_space<hbm>>
        %dma_start3A_62 = tpu.memref_slice %arg4[%add3A_40] : memref<320000xi32, #tpu.memory_space<hbm>> -> memref<128xi32, #tpu.memory_space<hbm>>
        tpu.enqueue_dma source(%dma_start3A_62 : memref<128xi32, #tpu.memory_space<hbm>>) target(%arg11 : memref<128xi32, #tpu.memory_space<vmem>>) target_semaphore(%run_scoped3A : memref<!tpu.dma_semaphore, #tpu.memory_space<semaphore_mem>>)
        %dma_wait3A = tpu.memref_slice %arg4[%add3A_40] : memref<320000xi32, #tpu.memory_space<hbm>> -> memref<128xi32, #tpu.memory_space<hbm>>
        %dma_wait3A_63 = tpu.memref_slice %arg4[%add3A_40] : memref<320000xi32, #tpu.memory_space<hbm>> -> memref<128xi32, #tpu.memory_space<hbm>>
        tpu.wait_dma2 semaphore(%run_scoped3A : memref<!tpu.dma_semaphore, #tpu.memory_space<semaphore_mem>>) src(%dma_wait3A_63 : memref<128xi32, #tpu.memory_space<hbm>>) dst(%arg11 : memref<128xi32, #tpu.memory_space<vmem>>)
        tpu.yield
      }) : () -> ()
      "tpu.region"() ({
        %run_scoped3A = tpu.sem_alloc : memref<!tpu.dma_semaphore, #tpu.memory_space<semaphore_mem>>
        %dma_start3A = tpu.memref_slice %arg5[%add3A_40] : memref<320000xi32, #tpu.memory_space<hbm>> -> memref<128xi32, #tpu.memory_space<hbm>>
        %dma_start3A_62 = tpu.memref_slice %arg5[%add3A_40] : memref<320000xi32, #tpu.memory_space<hbm>> -> memref<128xi32, #tpu.memory_space<hbm>>
        tpu.enqueue_dma source(%dma_start3A_62 : memref<128xi32, #tpu.memory_space<hbm>>) target(%arg12 : memref<128xi32, #tpu.memory_space<vmem>>) target_semaphore(%run_scoped3A : memref<!tpu.dma_semaphore, #tpu.memory_space<semaphore_mem>>)
        %dma_wait3A = tpu.memref_slice %arg5[%add3A_40] : memref<320000xi32, #tpu.memory_space<hbm>> -> memref<128xi32, #tpu.memory_space<hbm>>
        %dma_wait3A_63 = tpu.memref_slice %arg5[%add3A_40] : memref<320000xi32, #tpu.memory_space<hbm>> -> memref<128xi32, #tpu.memory_space<hbm>>
        tpu.wait_dma2 semaphore(%run_scoped3A : memref<!tpu.dma_semaphore, #tpu.memory_space<semaphore_mem>>) src(%dma_wait3A_63 : memref<128xi32, #tpu.memory_space<hbm>>) dst(%arg12 : memref<128xi32, #tpu.memory_space<vmem>>)
        tpu.yield
      }) : () -> ()
      "tpu.region"() ({
        %run_scoped3A = tpu.sem_alloc : memref<!tpu.dma_semaphore, #tpu.memory_space<semaphore_mem>>
        %dma_start3A = arith.constant 0 : i32
        %dma_start3A_62 = arith.constant 0 : i32
        %dma_start3A_63 = tpu.memref_slice %arg15[%dma_start3A, %dma_start3A_62] : memref<128x128xf32, #tpu.memory_space<vmem>> -> memref<128x128xf32, #tpu.memory_space<vmem>>
        %dma_start3A_64 = arith.constant 0 : i32
        %dma_start3A_65 = tpu.memref_slice %arg6[%add3A_40, %dma_start3A_64] : memref<320000x128xf32, #tpu.memory_space<hbm>> -> memref<128x128xf32, #tpu.memory_space<hbm>>
        %dma_start3A_66 = arith.constant 0 : i32
        %dma_start3A_67 = arith.constant 0 : i32
        %dma_start3A_68 = tpu.memref_slice %arg15[%dma_start3A_66, %dma_start3A_67] : memref<128x128xf32, #tpu.memory_space<vmem>> -> memref<128x128xf32, #tpu.memory_space<vmem>>
        %dma_start3A_69 = arith.constant 0 : i32
        %dma_start3A_70 = tpu.memref_slice %arg6[%add3A_40, %dma_start3A_69] : memref<320000x128xf32, #tpu.memory_space<hbm>> -> memref<128x128xf32, #tpu.memory_space<hbm>>
        tpu.enqueue_dma source(%dma_start3A_70 : memref<128x128xf32, #tpu.memory_space<hbm>>) target(%dma_start3A_68 : memref<128x128xf32, #tpu.memory_space<vmem>>) target_semaphore(%run_scoped3A : memref<!tpu.dma_semaphore, #tpu.memory_space<semaphore_mem>>)
        %dma_wait3A = arith.constant 0 : i32
        %dma_wait3A_71 = arith.constant 0 : i32
        %dma_wait3A_72 = tpu.memref_slice %arg15[%dma_wait3A, %dma_wait3A_71] : memref<128x128xf32, #tpu.memory_space<vmem>> -> memref<128x128xf32, #tpu.memory_space<vmem>>
        %dma_wait3A_73 = arith.constant 0 : i32
        %dma_wait3A_74 = tpu.memref_slice %arg6[%add3A_40, %dma_wait3A_73] : memref<320000x128xf32, #tpu.memory_space<hbm>> -> memref<128x128xf32, #tpu.memory_space<hbm>>
        %dma_wait3A_75 = arith.constant 0 : i32
        %dma_wait3A_76 = arith.constant 0 : i32
        %dma_wait3A_77 = tpu.memref_slice %arg15[%dma_wait3A_75, %dma_wait3A_76] : memref<128x128xf32, #tpu.memory_space<vmem>> -> memref<128x128xf32, #tpu.memory_space<vmem>>
        %dma_wait3A_78 = arith.constant 0 : i32
        %dma_wait3A_79 = tpu.memref_slice %arg6[%add3A_40, %dma_wait3A_78] : memref<320000x128xf32, #tpu.memory_space<hbm>> -> memref<128x128xf32, #tpu.memory_space<hbm>>
        tpu.wait_dma2 semaphore(%run_scoped3A : memref<!tpu.dma_semaphore, #tpu.memory_space<semaphore_mem>>) src(%dma_wait3A_79 : memref<128x128xf32, #tpu.memory_space<hbm>>) dst(%dma_wait3A_77 : memref<128x128xf32, #tpu.memory_space<vmem>>)
        tpu.yield
      }) : () -> ()
      "tpu.region"() ({
        %run_scoped3A = tpu.sem_alloc : memref<!tpu.dma_semaphore, #tpu.memory_space<semaphore_mem>>
        %dma_start3A = arith.constant 0 : i32
        %dma_start3A_62 = arith.constant 0 : i32
        %dma_start3A_63 = tpu.memref_slice %arg15[%dma_start3A, %dma_start3A_62] : memref<128x128xf32, #tpu.memory_space<vmem>> -> memref<128x128xf32, #tpu.memory_space<vmem>>
        %dma_start3A_64 = arith.constant 0 : i32
        %dma_start3A_65 = arith.constant 0 : i32
        %dma_start3A_66 = tpu.memref_slice %arg2[%dma_start3A_64, %dma_start3A_65] : memref<10000x128xf32, #tpu.memory_space<hbm>> -> memref<10000x128xf32, #tpu.memory_space<hbm>>
        tpu.enqueue_indirect_dma source(%dma_start3A_66 : memref<10000x128xf32, #tpu.memory_space<hbm>>) target(%dma_start3A_63 : memref<128x128xf32, #tpu.memory_space<vmem>>) offsets(%arg11 : memref<128xi32, #tpu.memory_space<vmem>>) semaphore(%run_scoped3A : memref<!tpu.dma_semaphore, #tpu.memory_space<semaphore_mem>>) {add = true}
        %dma_wait3A = arith.constant 0 : i32
        %dma_wait3A_67 = arith.constant 0 : i32
        %dma_wait3A_68 = tpu.memref_slice %arg15[%dma_wait3A, %dma_wait3A_67] : memref<128x128xf32, #tpu.memory_space<vmem>> -> memref<128x128xf32, #tpu.memory_space<vmem>>
        %dma_wait3A_69 = arith.constant 0 : i32
        %dma_wait3A_70 = arith.constant 0 : i32
        %dma_wait3A_71 = tpu.memref_slice %arg2[%dma_wait3A_69, %dma_wait3A_70] : memref<10000x128xf32, #tpu.memory_space<hbm>> -> memref<10000x128xf32, #tpu.memory_space<hbm>>
        tpu.wait_indirect_dma semaphore(%run_scoped3A : memref<!tpu.dma_semaphore, #tpu.memory_space<semaphore_mem>>) src(%dma_wait3A_71 : memref<10000x128xf32, #tpu.memory_space<hbm>>) dst(%dma_wait3A_68 : memref<128x128xf32, #tpu.memory_space<vmem>>)
        tpu.yield
      }) : () -> ()
      "tpu.region"() ({
        %run_scoped3A = tpu.sem_alloc : memref<!tpu.dma_semaphore, #tpu.memory_space<semaphore_mem>>
        %dma_start3A = arith.constant 0 : i32
        %dma_start3A_62 = arith.constant 0 : i32
        %dma_start3A_63 = tpu.memref_slice %arg15[%dma_start3A, %dma_start3A_62] : memref<128x128xf32, #tpu.memory_space<vmem>> -> memref<128x128xf32, #tpu.memory_space<vmem>>
        %dma_start3A_64 = arith.constant 0 : i32
        %dma_start3A_65 = arith.constant 0 : i32
        %dma_start3A_66 = tpu.memref_slice %arg3[%dma_start3A_64, %dma_start3A_65] : memref<10000x128xf32, #tpu.memory_space<hbm>> -> memref<10000x128xf32, #tpu.memory_space<hbm>>
        tpu.enqueue_indirect_dma source(%dma_start3A_66 : memref<10000x128xf32, #tpu.memory_space<hbm>>) target(%dma_start3A_63 : memref<128x128xf32, #tpu.memory_space<vmem>>) offsets(%arg12 : memref<128xi32, #tpu.memory_space<vmem>>) semaphore(%run_scoped3A : memref<!tpu.dma_semaphore, #tpu.memory_space<semaphore_mem>>) {add = true}
        %dma_wait3A = arith.constant 0 : i32
        %dma_wait3A_67 = arith.constant 0 : i32
        %dma_wait3A_68 = tpu.memref_slice %arg15[%dma_wait3A, %dma_wait3A_67] : memref<128x128xf32, #tpu.memory_space<vmem>> -> memref<128x128xf32, #tpu.memory_space<vmem>>
        %dma_wait3A_69 = arith.constant 0 : i32
        %dma_wait3A_70 = arith.constant 0 : i32
        %dma_wait3A_71 = tpu.memref_slice %arg3[%dma_wait3A_69, %dma_wait3A_70] : memref<10000x128xf32, #tpu.memory_space<hbm>> -> memref<10000x128xf32, #tpu.memory_space<hbm>>
        tpu.wait_indirect_dma semaphore(%run_scoped3A : memref<!tpu.dma_semaphore, #tpu.memory_space<semaphore_mem>>) src(%dma_wait3A_71 : memref<10000x128xf32, #tpu.memory_space<hbm>>) dst(%dma_wait3A_68 : memref<128x128xf32, #tpu.memory_space<vmem>>)
        tpu.yield
      }) : () -> ()
      %scan3A_41 = arith.constant 0 : i32
      %scan3A_42 = arith.constant 0 : i32
      %scan3A_43 = arith.constant 128 : i32
      %scan3A_44 = arith.addi %scan3A_42, %scan3A_43 : i32
      %scan3A_45 = arith.constant 1 : i32
      %scan3A_46 = scf.for %scan3A_62 = %scan3A_42 to %scan3A_44 step %scan3A_45 iter_args(%scan3A_63 = %scan3A_41) -> (i32)  : i32 {
        %get3A = arith.index_cast %scan3A_62 : i32 to index
        %get3A_64 = arith.constant 0 : index
        %get3A_65 = tpu.vector_load %arg15[%get3A, %get3A_64] {strides = array<i32>} : memref<128x128xf32, #tpu.memory_space<vmem>>, vector<1x16xf32>,
        %get3A_66 = vector.shape_cast %get3A_65 : vector<1x16xf32> to vector<16xf32>
        %max3A = arith.constant 0.000000e+00 : f32
        %max3A_67 = vector.broadcast %max3A : f32 to vector<16xf32>
        %max3A_68 = arith.maximumf %get3A_66, %max3A_67 : vector<16xf32>
        %swap3A = arith.index_cast %scan3A_62 : i32 to index
        %swap3A_69 = arith.constant 0 : index
        %swap3A_70 = tpu.vector_load %arg15[%swap3A, %swap3A_69] {strides = array<i32>} : memref<128x128xf32, #tpu.memory_space<vmem>>, vector<1x16xf32>,
        %swap3A_71 = vector.shape_cast %swap3A_70 : vector<1x16xf32> to vector<16xf32>
        %swap3A_72 = vector.shape_cast %max3A_68 : vector<16xf32> to vector<1x16xf32>
        tpu.vector_store %arg15[%swap3A, %swap3A_69], %swap3A_72 {strides = array<i32>} : memref<128x128xf32, #tpu.memory_space<vmem>>, vector<1x16xf32>,
        %get3A_73 = arith.index_cast %scan3A_62 : i32 to index
        %get3A_74 = arith.constant 16 : index
        %get3A_75 = tpu.vector_load %arg15[%get3A_73, %get3A_74] {strides = array<i32>} : memref<128x128xf32, #tpu.memory_space<vmem>>, vector<1x16xf32>,
        %get3A_76 = vector.shape_cast %get3A_75 : vector<1x16xf32> to vector<16xf32>
        %max3A_77 = arith.constant 0.000000e+00 : f32
        %max3A_78 = vector.broadcast %max3A_77 : f32 to vector<16xf32>
        %max3A_79 = arith.maximumf %get3A_76, %max3A_78 : vector<16xf32>
        %swap3A_80 = arith.index_cast %scan3A_62 : i32 to index
        %swap3A_81 = arith.constant 16 : index
        %swap3A_82 = tpu.vector_load %arg15[%swap3A_80, %swap3A_81] {strides = array<i32>} : memref<128x128xf32, #tpu.memory_space<vmem>>, vector<1x16xf32>,
        %swap3A_83 = vector.shape_cast %swap3A_82 : vector<1x16xf32> to vector<16xf32>
        %swap3A_84 = vector.shape_cast %max3A_79 : vector<16xf32> to vector<1x16xf32>
        tpu.vector_store %arg15[%swap3A_80, %swap3A_81], %swap3A_84 {strides = array<i32>} : memref<128x128xf32, #tpu.memory_space<vmem>>, vector<1x16xf32>,
        %get3A_85 = arith.index_cast %scan3A_62 : i32 to index
        %get3A_86 = arith.constant 32 : index
        %get3A_87 = tpu.vector_load %arg15[%get3A_85, %get3A_86] {strides = array<i32>} : memref<128x128xf32, #tpu.memory_space<vmem>>, vector<1x16xf32>,
        %get3A_88 = vector.shape_cast %get3A_87 : vector<1x16xf32> to vector<16xf32>
        %max3A_89 = arith.constant 0.000000e+00 : f32
        %max3A_90 = vector.broadcast %max3A_89 : f32 to vector<16xf32>
        %max3A_91 = arith.maximumf %get3A_88, %max3A_90 : vector<16xf32>
        %swap3A_92 = arith.index_cast %scan3A_62 : i32 to index
        %swap3A_93 = arith.constant 32 : index
        %swap3A_94 = tpu.vector_load %arg15[%swap3A_92, %swap3A_93] {strides = array<i32>} : memref<128x128xf32, #tpu.memory_space<vmem>>, vector<1x16xf32>,
        %swap3A_95 = vector.shape_cast %swap3A_94 : vector<1x16xf32> to vector<16xf32>
        %swap3A_96 = vector.shape_cast %max3A_91 : vector<16xf32> to vector<1x16xf32>
        tpu.vector_store %arg15[%swap3A_92, %swap3A_93], %swap3A_96 {strides = array<i32>} : memref<128x128xf32, #tpu.memory_space<vmem>>, vector<1x16xf32>,
        %get3A_97 = arith.index_cast %scan3A_62 : i32 to index
        %get3A_98 = arith.constant 48 : index
        %get3A_99 = tpu.vector_load %arg15[%get3A_97, %get3A_98] {strides = array<i32>} : memref<128x128xf32, #tpu.memory_space<vmem>>, vector<1x16xf32>,
        %get3A_100 = vector.shape_cast %get3A_99 : vector<1x16xf32> to vector<16xf32>
        %max3A_101 = arith.constant 0.000000e+00 : f32
        %max3A_102 = vector.broadcast %max3A_101 : f32 to vector<16xf32>
        %max3A_103 = arith.maximumf %get3A_100, %max3A_102 : vector<16xf32>
        %swap3A_104 = arith.index_cast %scan3A_62 : i32 to index
        %swap3A_105 = arith.constant 48 : index
        %swap3A_106 = tpu.vector_load %arg15[%swap3A_104, %swap3A_105] {strides = array<i32>} : memref<128x128xf32, #tpu.memory_space<vmem>>, vector<1x16xf32>,
        %swap3A_107 = vector.shape_cast %swap3A_106 : vector<1x16xf32> to vector<16xf32>
        %swap3A_108 = vector.shape_cast %max3A_103 : vector<16xf32> to vector<1x16xf32>
        tpu.vector_store %arg15[%swap3A_104, %swap3A_105], %swap3A_108 {strides = array<i32>} : memref<128x128xf32, #tpu.memory_space<vmem>>, vector<1x16xf32>,
        %get3A_109 = arith.index_cast %scan3A_62 : i32 to index
        %get3A_110 = arith.constant 64 : index
        %get3A_111 = tpu.vector_load %arg15[%get3A_109, %get3A_110] {strides = array<i32>} : memref<128x128xf32, #tpu.memory_space<vmem>>, vector<1x16xf32>,
        %get3A_112 = vector.shape_cast %get3A_111 : vector<1x16xf32> to vector<16xf32>
        %max3A_113 = arith.constant 0.000000e+00 : f32
        %max3A_114 = vector.broadcast %max3A_113 : f32 to vector<16xf32>
        %max3A_115 = arith.maximumf %get3A_112, %max3A_114 : vector<16xf32>
        %swap3A_116 = arith.index_cast %scan3A_62 : i32 to index
        %swap3A_117 = arith.constant 64 : index
        %swap3A_118 = tpu.vector_load %arg15[%swap3A_116, %swap3A_117] {strides = array<i32>} : memref<128x128xf32, #tpu.memory_space<vmem>>, vector<1x16xf32>,
        %swap3A_119 = vector.shape_cast %swap3A_118 : vector<1x16xf32> to vector<16xf32>
        %swap3A_120 = vector.shape_cast %max3A_115 : vector<16xf32> to vector<1x16xf32>
        tpu.vector_store %arg15[%swap3A_116, %swap3A_117], %swap3A_120 {strides = array<i32>} : memref<128x128xf32, #tpu.memory_space<vmem>>, vector<1x16xf32>,
        %get3A_121 = arith.index_cast %scan3A_62 : i32 to index
        %get3A_122 = arith.constant 80 : index
        %get3A_123 = tpu.vector_load %arg15[%get3A_121, %get3A_122] {strides = array<i32>} : memref<128x128xf32, #tpu.memory_space<vmem>>, vector<1x16xf32>,
        %get3A_124 = vector.shape_cast %get3A_123 : vector<1x16xf32> to vector<16xf32>
        %max3A_125 = arith.constant 0.000000e+00 : f32
        %max3A_126 = vector.broadcast %max3A_125 : f32 to vector<16xf32>
        %max3A_127 = arith.maximumf %get3A_124, %max3A_126 : vector<16xf32>
        %swap3A_128 = arith.index_cast %scan3A_62 : i32 to index
        %swap3A_129 = arith.constant 80 : index
        %swap3A_130 = tpu.vector_load %arg15[%swap3A_128, %swap3A_129] {strides = array<i32>} : memref<128x128xf32, #tpu.memory_space<vmem>>, vector<1x16xf32>,
        %swap3A_131 = vector.shape_cast %swap3A_130 : vector<1x16xf32> to vector<16xf32>
        %swap3A_132 = vector.shape_cast %max3A_127 : vector<16xf32> to vector<1x16xf32>
        tpu.vector_store %arg15[%swap3A_128, %swap3A_129], %swap3A_132 {strides = array<i32>} : memref<128x128xf32, #tpu.memory_space<vmem>>, vector<1x16xf32>,
        %get3A_133 = arith.index_cast %scan3A_62 : i32 to index
        %get3A_134 = arith.constant 96 : index
        %get3A_135 = tpu.vector_load %arg15[%get3A_133, %get3A_134] {strides = array<i32>} : memref<128x128xf32, #tpu.memory_space<vmem>>, vector<1x16xf32>,
        %get3A_136 = vector.shape_cast %get3A_135 : vector<1x16xf32> to vector<16xf32>
        %max3A_137 = arith.constant 0.000000e+00 : f32
        %max3A_138 = vector.broadcast %max3A_137 : f32 to vector<16xf32>
        %max3A_139 = arith.maximumf %get3A_136, %max3A_138 : vector<16xf32>
        %swap3A_140 = arith.index_cast %scan3A_62 : i32 to index
        %swap3A_141 = arith.constant 96 : index
        %swap3A_142 = tpu.vector_load %arg15[%swap3A_140, %swap3A_141] {strides = array<i32>} : memref<128x128xf32, #tpu.memory_space<vmem>>, vector<1x16xf32>,
        %swap3A_143 = vector.shape_cast %swap3A_142 : vector<1x16xf32> to vector<16xf32>
        %swap3A_144 = vector.shape_cast %max3A_139 : vector<16xf32> to vector<1x16xf32>
        tpu.vector_store %arg15[%swap3A_140, %swap3A_141], %swap3A_144 {strides = array<i32>} : memref<128x128xf32, #tpu.memory_space<vmem>>, vector<1x16xf32>,
        %get3A_145 = arith.index_cast %scan3A_62 : i32 to index
        %get3A_146 = arith.constant 112 : index
        %get3A_147 = tpu.vector_load %arg15[%get3A_145, %get3A_146] {strides = array<i32>} : memref<128x128xf32, #tpu.memory_space<vmem>>, vector<1x16xf32>,
        %get3A_148 = vector.shape_cast %get3A_147 : vector<1x16xf32> to vector<16xf32>
        %max3A_149 = arith.constant 0.000000e+00 : f32
        %max3A_150 = vector.broadcast %max3A_149 : f32 to vector<16xf32>
        %max3A_151 = arith.maximumf %get3A_148, %max3A_150 : vector<16xf32>
        %swap3A_152 = arith.index_cast %scan3A_62 : i32 to index
        %swap3A_153 = arith.constant 112 : index
        %swap3A_154 = tpu.vector_load %arg15[%swap3A_152, %swap3A_153] {strides = array<i32>} : memref<128x128xf32, #tpu.memory_space<vmem>>, vector<1x16xf32>,
        %swap3A_155 = vector.shape_cast %swap3A_154 : vector<1x16xf32> to vector<16xf32>
        %swap3A_156 = vector.shape_cast %max3A_151 : vector<16xf32> to vector<1x16xf32>
        tpu.vector_store %arg15[%swap3A_152, %swap3A_153], %swap3A_156 {strides = array<i32>} : memref<128x128xf32, #tpu.memory_space<vmem>>, vector<1x16xf32>,
        %scan3A_157 = arith.constant 0 : i32
        scf.yield %scan3A_157 : i32
      }
      %scan3A_47 = arith.constant 128 : i32
      %convert_element_type3A_48 = arith.extui %select_n3A : i1 to i32
      %cond3A_49 = arith.constant 0 : i32
      %cond3A_50 = arith.cmpi ne, %convert_element_type3A_48, %cond3A_49 : i32
      scf.if %cond3A_50 {
        "tpu.region"() ({
          %run_scoped3A = tpu.sem_alloc : memref<!tpu.dma_semaphore, #tpu.memory_space<semaphore_mem>>
          %dma_start3A = arith.constant 0 : i32
          %dma_start3A_62 = arith.constant 0 : i32
          %dma_start3A_63 = tpu.memref_slice %arg15[%dma_start3A, %dma_start3A_62] : memref<128x128xf32, #tpu.memory_space<vmem>> -> memref<128x128xf32, #tpu.memory_space<vmem>>
          %dma_start3A_64 = arith.constant 0 : i32
          %dma_start3A_65 = tpu.memref_slice %arg9[%add3A_40, %dma_start3A_64] : memref<320000x128xf32, #tpu.memory_space<hbm>> -> memref<128x128xf32, #tpu.memory_space<hbm>>
          %dma_start3A_66 = arith.constant 0 : i32
          %dma_start3A_67 = tpu.memref_slice %arg9[%add3A_40, %dma_start3A_66] : memref<320000x128xf32, #tpu.memory_space<hbm>> -> memref<128x128xf32, #tpu.memory_space<hbm>>
          %dma_start3A_68 = arith.constant 0 : i32
          %dma_start3A_69 = arith.constant 0 : i32
          %dma_start3A_70 = tpu.memref_slice %arg15[%dma_start3A_68, %dma_start3A_69] : memref<128x128xf32, #tpu.memory_space<vmem>> -> memref<128x128xf32, #tpu.memory_space<vmem>>
          tpu.enqueue_dma source(%dma_start3A_70 : memref<128x128xf32, #tpu.memory_space<vmem>>) target(%dma_start3A_67 : memref<128x128xf32, #tpu.memory_space<hbm>>) target_semaphore(%run_scoped3A : memref<!tpu.dma_semaphore, #tpu.memory_space<semaphore_mem>>)
          %dma_wait3A = arith.constant 0 : i32
          %dma_wait3A_71 = arith.constant 0 : i32
          %dma_wait3A_72 = tpu.memref_slice %arg15[%dma_wait3A, %dma_wait3A_71] : memref<128x128xf32, #tpu.memory_space<vmem>> -> memref<128x128xf32, #tpu.memory_space<vmem>>
          %dma_wait3A_73 = arith.constant 0 : i32
          %dma_wait3A_74 = tpu.memref_slice %arg9[%add3A_40, %dma_wait3A_73] : memref<320000x128xf32, #tpu.memory_space<hbm>> -> memref<128x128xf32, #tpu.memory_space<hbm>>
          %dma_wait3A_75 = arith.constant 0 : i32
          %dma_wait3A_76 = tpu.memref_slice %arg9[%add3A_40, %dma_wait3A_75] : memref<320000x128xf32, #tpu.memory_space<hbm>> -> memref<128x128xf32, #tpu.memory_space<hbm>>
          %dma_wait3A_77 = arith.constant 0 : i32
          %dma_wait3A_78 = arith.constant 0 : i32
          %dma_wait3A_79 = tpu.memref_slice %arg15[%dma_wait3A_77, %dma_wait3A_78] : memref<128x128xf32, #tpu.memory_space<vmem>> -> memref<128x128xf32, #tpu.memory_space<vmem>>
          tpu.wait_dma2 semaphore(%run_scoped3A : memref<!tpu.dma_semaphore, #tpu.memory_space<semaphore_mem>>) src(%dma_wait3A_79 : memref<128x128xf32, #tpu.memory_space<vmem>>) dst(%dma_wait3A_76 : memref<128x128xf32, #tpu.memory_space<hbm>>)
          tpu.yield
        }) : () -> ()
      } else {
      }
      %eq3A_51 = arith.constant 0 : i32
      %eq3A_52 = arith.cmpi eq, %arg0, %eq3A_51 : i32
      %convert_element_type3A_53 = arith.extui %eq3A_52 : i1 to i32
      %cond3A_54 = arith.constant 0 : i32
      %cond3A_55 = arith.cmpi ne, %convert_element_type3A_53, %cond3A_54 : i32
      scf.if %cond3A_55 {
        "tpu.region"() ({
          %run_scoped3A = tpu.sem_alloc : memref<!tpu.dma_semaphore, #tpu.memory_space<semaphore_mem>>
          %dma_start3A = arith.constant 0 : i32
          %dma_start3A_62 = arith.constant 0 : i32
          %dma_start3A_63 = tpu.memref_slice %arg15[%dma_start3A, %dma_start3A_62] : memref<128x128xf32, #tpu.memory_space<vmem>> -> memref<128x128xf32, #tpu.memory_space<vmem>>
          %dma_start3A_64 = arith.constant 0 : i32
          %dma_start3A_65 = arith.constant 0 : i32
          %dma_start3A_66 = tpu.memref_slice %arg10[%dma_start3A_64, %dma_start3A_65] : memref<10112x128xf32, #tpu.memory_space<vmem_shared>> -> memref<10112x128xf32, #tpu.memory_space<vmem_shared>>
          tpu.enqueue_indirect_dma source(%dma_start3A_63 : memref<128x128xf32, #tpu.memory_space<vmem>>) target(%dma_start3A_66 : memref<10112x128xf32, #tpu.memory_space<vmem_shared>>) offsets(%arg11 : memref<128xi32, #tpu.memory_space<vmem>>) semaphore(%run_scoped3A : memref<!tpu.dma_semaphore, #tpu.memory_space<semaphore_mem>>) {add = true}
          %dma_wait3A = arith.constant 0 : i32
          %dma_wait3A_67 = arith.constant 0 : i32
          %dma_wait3A_68 = tpu.memref_slice %arg15[%dma_wait3A, %dma_wait3A_67] : memref<128x128xf32, #tpu.memory_space<vmem>> -> memref<128x128xf32, #tpu.memory_space<vmem>>
          %dma_wait3A_69 = arith.constant 0 : i32
          %dma_wait3A_70 = arith.constant 0 : i32
          %dma_wait3A_71 = tpu.memref_slice %arg10[%dma_wait3A_69, %dma_wait3A_70] : memref<10112x128xf32, #tpu.memory_space<vmem_shared>> -> memref<10112x128xf32, #tpu.memory_space<vmem_shared>>
          tpu.wait_indirect_dma semaphore(%run_scoped3A : memref<!tpu.dma_semaphore, #tpu.memory_space<semaphore_mem>>) src(%dma_wait3A_68 : memref<128x128xf32, #tpu.memory_space<vmem>>) dst(%dma_wait3A_71 : memref<10112x128xf32, #tpu.memory_space<vmem_shared>>)
          tpu.yield
        }) : () -> ()
      } else {
      }
      %eq3A_56 = arith.constant 1 : i32
      %eq3A_57 = arith.cmpi eq, %arg0, %eq3A_56 : i32
      %convert_element_type3A_58 = arith.extui %eq3A_57 : i1 to i32
      %cond3A_59 = arith.constant 0 : i32
      %cond3A_60 = arith.cmpi ne, %convert_element_type3A_58, %cond3A_59 : i32
      scf.if %cond3A_60 {
        "tpu.region"() ({
          %run_scoped3A = tpu.sem_alloc : memref<!tpu.dma_semaphore, #tpu.memory_space<semaphore_mem>>
          %dma_start3A = arith.constant 0 : i32
          %dma_start3A_62 = arith.constant 0 : i32
          %dma_start3A_63 = tpu.memref_slice %arg15[%dma_start3A, %dma_start3A_62] : memref<128x128xf32, #tpu.memory_space<vmem>> -> memref<128x128xf32, #tpu.memory_space<vmem>>
          %dma_start3A_64 = arith.constant 0 : i32
          %dma_start3A_65 = arith.constant 0 : i32
          %dma_start3A_66 = tpu.memref_slice %arg10[%dma_start3A_64, %dma_start3A_65] : memref<10112x128xf32, #tpu.memory_space<vmem_shared>> -> memref<10112x128xf32, #tpu.memory_space<vmem_shared>>
          tpu.enqueue_indirect_dma source(%dma_start3A_63 : memref<128x128xf32, #tpu.memory_space<vmem>>) target(%dma_start3A_66 : memref<10112x128xf32, #tpu.memory_space<vmem_shared>>) offsets(%arg12 : memref<128xi32, #tpu.memory_space<vmem>>) semaphore(%run_scoped3A : memref<!tpu.dma_semaphore, #tpu.memory_space<semaphore_mem>>) {add = true}
          %dma_wait3A = arith.constant 0 : i32
          %dma_wait3A_67 = arith.constant 0 : i32
          %dma_wait3A_68 = tpu.memref_slice %arg15[%dma_wait3A, %dma_wait3A_67] : memref<128x128xf32, #tpu.memory_space<vmem>> -> memref<128x128xf32, #tpu.memory_space<vmem>>
          %dma_wait3A_69 = arith.constant 0 : i32
          %dma_wait3A_70 = arith.constant 0 : i32
          %dma_wait3A_71 = tpu.memref_slice %arg10[%dma_wait3A_69, %dma_wait3A_70] : memref<10112x128xf32, #tpu.memory_space<vmem_shared>> -> memref<10112x128xf32, #tpu.memory_space<vmem_shared>>
          tpu.wait_indirect_dma semaphore(%run_scoped3A : memref<!tpu.dma_semaphore, #tpu.memory_space<semaphore_mem>>) src(%dma_wait3A_68 : memref<128x128xf32, #tpu.memory_space<vmem>>) dst(%dma_wait3A_71 : memref<10112x128xf32, #tpu.memory_space<vmem_shared>>)
          tpu.yield
        }) : () -> ()
      } else {
      }
      %scan3A_61 = arith.constant 0 : i32
      scf.yield %scan3A_61 : i32
    }
    %scan3A_6 = arith.constant 156 : i32
    %mul3A_7 = arith.constant 20000 : i32
    %mul3A_8 = arith.muli %arg1, %mul3A_7 : i32
    %add3A = arith.constant 19968 : i32
    %add3A_9 = arith.addi %mul3A_8, %add3A : i32
    %eq3A = arith.constant 1 : i32
    %eq3A_10 = arith.cmpi eq, %arg0, %eq3A : i32
    "tpu.region"() ({
      %run_scoped3A = tpu.sem_alloc : memref<!tpu.dma_semaphore, #tpu.memory_space<semaphore_mem>>
      %dma_start3A = tpu.memref_slice %arg4[%add3A_9] : memref<320000xi32, #tpu.memory_space<hbm>> -> memref<32xi32, #tpu.memory_space<hbm>>
      %dma_start3A_30 = tpu.memref_slice %arg4[%add3A_9] : memref<320000xi32, #tpu.memory_space<hbm>> -> memref<32xi32, #tpu.memory_space<hbm>>
      tpu.enqueue_dma source(%dma_start3A_30 : memref<32xi32, #tpu.memory_space<hbm>>) target(%arg13 : memref<32xi32, #tpu.memory_space<vmem>>) target_semaphore(%run_scoped3A : memref<!tpu.dma_semaphore, #tpu.memory_space<semaphore_mem>>)
      %dma_wait3A = tpu.memref_slice %arg4[%add3A_9] : memref<320000xi32, #tpu.memory_space<hbm>> -> memref<32xi32, #tpu.memory_space<hbm>>
      %dma_wait3A_31 = tpu.memref_slice %arg4[%add3A_9] : memref<320000xi32, #tpu.memory_space<hbm>> -> memref<32xi32, #tpu.memory_space<hbm>>
      tpu.wait_dma2 semaphore(%run_scoped3A : memref<!tpu.dma_semaphore, #tpu.memory_space<semaphore_mem>>) src(%dma_wait3A_31 : memref<32xi32, #tpu.memory_space<hbm>>) dst(%arg13 : memref<32xi32, #tpu.memory_space<vmem>>)
      tpu.yield
    }) : () -> ()
    "tpu.region"() ({
      %run_scoped3A = tpu.sem_alloc : memref<!tpu.dma_semaphore, #tpu.memory_space<semaphore_mem>>
      %dma_start3A = tpu.memref_slice %arg5[%add3A_9] : memref<320000xi32, #tpu.memory_space<hbm>> -> memref<32xi32, #tpu.memory_space<hbm>>
      %dma_start3A_30 = tpu.memref_slice %arg5[%add3A_9] : memref<320000xi32, #tpu.memory_space<hbm>> -> memref<32xi32, #tpu.memory_space<hbm>>
      tpu.enqueue_dma source(%dma_start3A_30 : memref<32xi32, #tpu.memory_space<hbm>>) target(%arg14 : memref<32xi32, #tpu.memory_space<vmem>>) target_semaphore(%run_scoped3A : memref<!tpu.dma_semaphore, #tpu.memory_space<semaphore_mem>>)
      %dma_wait3A = tpu.memref_slice %arg5[%add3A_9] : memref<320000xi32, #tpu.memory_space<hbm>> -> memref<32xi32, #tpu.memory_space<hbm>>
      %dma_wait3A_31 = tpu.memref_slice %arg5[%add3A_9] : memref<320000xi32, #tpu.memory_space<hbm>> -> memref<32xi32, #tpu.memory_space<hbm>>
      tpu.wait_dma2 semaphore(%run_scoped3A : memref<!tpu.dma_semaphore, #tpu.memory_space<semaphore_mem>>) src(%dma_wait3A_31 : memref<32xi32, #tpu.memory_space<hbm>>) dst(%arg14 : memref<32xi32, #tpu.memory_space<vmem>>)
      tpu.yield
    }) : () -> ()
    "tpu.region"() ({
      %run_scoped3A = tpu.sem_alloc : memref<!tpu.dma_semaphore, #tpu.memory_space<semaphore_mem>>
      %dma_start3A = arith.constant 0 : i32
      %dma_start3A_30 = arith.constant 0 : i32
      %dma_start3A_31 = tpu.memref_slice %arg15[%dma_start3A, %dma_start3A_30] : memref<128x128xf32, #tpu.memory_space<vmem>> -> memref<32x128xf32, #tpu.memory_space<vmem>>
      %dma_start3A_32 = arith.constant 0 : i32
      %dma_start3A_33 = tpu.memref_slice %arg6[%add3A_9, %dma_start3A_32] : memref<320000x128xf32, #tpu.memory_space<hbm>> -> memref<32x128xf32, #tpu.memory_space<hbm>>
      %dma_start3A_34 = arith.constant 0 : i32
      %dma_start3A_35 = arith.constant 0 : i32
      %dma_start3A_36 = tpu.memref_slice %arg15[%dma_start3A_34, %dma_start3A_35] : memref<128x128xf32, #tpu.memory_space<vmem>> -> memref<32x128xf32, #tpu.memory_space<vmem>>
      %dma_start3A_37 = arith.constant 0 : i32
      %dma_start3A_38 = tpu.memref_slice %arg6[%add3A_9, %dma_start3A_37] : memref<320000x128xf32, #tpu.memory_space<hbm>> -> memref<32x128xf32, #tpu.memory_space<hbm>>
      tpu.enqueue_dma source(%dma_start3A_38 : memref<32x128xf32, #tpu.memory_space<hbm>>) target(%dma_start3A_36 : memref<32x128xf32, #tpu.memory_space<vmem>>) target_semaphore(%run_scoped3A : memref<!tpu.dma_semaphore, #tpu.memory_space<semaphore_mem>>)
      %dma_wait3A = arith.constant 0 : i32
      %dma_wait3A_39 = arith.constant 0 : i32
      %dma_wait3A_40 = tpu.memref_slice %arg15[%dma_wait3A, %dma_wait3A_39] : memref<128x128xf32, #tpu.memory_space<vmem>> -> memref<32x128xf32, #tpu.memory_space<vmem>>
      %dma_wait3A_41 = arith.constant 0 : i32
      %dma_wait3A_42 = tpu.memref_slice %arg6[%add3A_9, %dma_wait3A_41] : memref<320000x128xf32, #tpu.memory_space<hbm>> -> memref<32x128xf32, #tpu.memory_space<hbm>>
      %dma_wait3A_43 = arith.constant 0 : i32
      %dma_wait3A_44 = arith.constant 0 : i32
      %dma_wait3A_45 = tpu.memref_slice %arg15[%dma_wait3A_43, %dma_wait3A_44] : memref<128x128xf32, #tpu.memory_space<vmem>> -> memref<32x128xf32, #tpu.memory_space<vmem>>
      %dma_wait3A_46 = arith.constant 0 : i32
      %dma_wait3A_47 = tpu.memref_slice %arg6[%add3A_9, %dma_wait3A_46] : memref<320000x128xf32, #tpu.memory_space<hbm>> -> memref<32x128xf32, #tpu.memory_space<hbm>>
      tpu.wait_dma2 semaphore(%run_scoped3A : memref<!tpu.dma_semaphore, #tpu.memory_space<semaphore_mem>>) src(%dma_wait3A_47 : memref<32x128xf32, #tpu.memory_space<hbm>>) dst(%dma_wait3A_45 : memref<32x128xf32, #tpu.memory_space<vmem>>)
      tpu.yield
    }) : () -> ()
    "tpu.region"() ({
      %run_scoped3A = tpu.sem_alloc : memref<!tpu.dma_semaphore, #tpu.memory_space<semaphore_mem>>
      %dma_start3A = arith.constant 0 : i32
      %dma_start3A_30 = arith.constant 0 : i32
      %dma_start3A_31 = tpu.memref_slice %arg15[%dma_start3A, %dma_start3A_30] : memref<128x128xf32, #tpu.memory_space<vmem>> -> memref<32x128xf32, #tpu.memory_space<vmem>>
      %dma_start3A_32 = arith.constant 0 : i32
      %dma_start3A_33 = arith.constant 0 : i32
      %dma_start3A_34 = tpu.memref_slice %arg2[%dma_start3A_32, %dma_start3A_33] : memref<10000x128xf32, #tpu.memory_space<hbm>> -> memref<10000x128xf32, #tpu.memory_space<hbm>>
      tpu.enqueue_indirect_dma source(%dma_start3A_34 : memref<10000x128xf32, #tpu.memory_space<hbm>>) target(%dma_start3A_31 : memref<32x128xf32, #tpu.memory_space<vmem>>) offsets(%arg13 : memref<32xi32, #tpu.memory_space<vmem>>) semaphore(%run_scoped3A : memref<!tpu.dma_semaphore, #tpu.memory_space<semaphore_mem>>) {add = true}
      %dma_wait3A = arith.constant 0 : i32
      %dma_wait3A_35 = arith.constant 0 : i32
      %dma_wait3A_36 = tpu.memref_slice %arg15[%dma_wait3A, %dma_wait3A_35] : memref<128x128xf32, #tpu.memory_space<vmem>> -> memref<32x128xf32, #tpu.memory_space<vmem>>
      %dma_wait3A_37 = arith.constant 0 : i32
      %dma_wait3A_38 = arith.constant 0 : i32
      %dma_wait3A_39 = tpu.memref_slice %arg2[%dma_wait3A_37, %dma_wait3A_38] : memref<10000x128xf32, #tpu.memory_space<hbm>> -> memref<10000x128xf32, #tpu.memory_space<hbm>>
      tpu.wait_indirect_dma semaphore(%run_scoped3A : memref<!tpu.dma_semaphore, #tpu.memory_space<semaphore_mem>>) src(%dma_wait3A_39 : memref<10000x128xf32, #tpu.memory_space<hbm>>) dst(%dma_wait3A_36 : memref<32x128xf32, #tpu.memory_space<vmem>>)
      tpu.yield
    }) : () -> ()
    "tpu.region"() ({
      %run_scoped3A = tpu.sem_alloc : memref<!tpu.dma_semaphore, #tpu.memory_space<semaphore_mem>>
      %dma_start3A = arith.constant 0 : i32
      %dma_start3A_30 = arith.constant 0 : i32
      %dma_start3A_31 = tpu.memref_slice %arg15[%dma_start3A, %dma_start3A_30] : memref<128x128xf32, #tpu.memory_space<vmem>> -> memref<32x128xf32, #tpu.memory_space<vmem>>
      %dma_start3A_32 = arith.constant 0 : i32
      %dma_start3A_33 = arith.constant 0 : i32
      %dma_start3A_34 = tpu.memref_slice %arg3[%dma_start3A_32, %dma_start3A_33] : memref<10000x128xf32, #tpu.memory_space<hbm>> -> memref<10000x128xf32, #tpu.memory_space<hbm>>
      tpu.enqueue_indirect_dma source(%dma_start3A_34 : memref<10000x128xf32, #tpu.memory_space<hbm>>) target(%dma_start3A_31 : memref<32x128xf32, #tpu.memory_space<vmem>>) offsets(%arg14 : memref<32xi32, #tpu.memory_space<vmem>>) semaphore(%run_scoped3A : memref<!tpu.dma_semaphore, #tpu.memory_space<semaphore_mem>>) {add = true}
      %dma_wait3A = arith.constant 0 : i32
      %dma_wait3A_35 = arith.constant 0 : i32
      %dma_wait3A_36 = tpu.memref_slice %arg15[%dma_wait3A, %dma_wait3A_35] : memref<128x128xf32, #tpu.memory_space<vmem>> -> memref<32x128xf32, #tpu.memory_space<vmem>>
      %dma_wait3A_37 = arith.constant 0 : i32
      %dma_wait3A_38 = arith.constant 0 : i32
      %dma_wait3A_39 = tpu.memref_slice %arg3[%dma_wait3A_37, %dma_wait3A_38] : memref<10000x128xf32, #tpu.memory_space<hbm>> -> memref<10000x128xf32, #tpu.memory_space<hbm>>
      tpu.wait_indirect_dma semaphore(%run_scoped3A : memref<!tpu.dma_semaphore, #tpu.memory_space<semaphore_mem>>) src(%dma_wait3A_39 : memref<10000x128xf32, #tpu.memory_space<hbm>>) dst(%dma_wait3A_36 : memref<32x128xf32, #tpu.memory_space<vmem>>)
      tpu.yield
    }) : () -> ()
    %scan3A_11 = arith.constant 0 : i32
    %scan3A_12 = arith.constant 0 : i32
    %scan3A_13 = arith.constant 32 : i32
    %scan3A_14 = arith.addi %scan3A_12, %scan3A_13 : i32
    %scan3A_15 = arith.constant 1 : i32
    %scan3A_16 = scf.for %scan3A_30 = %scan3A_12 to %scan3A_14 step %scan3A_15 iter_args(%scan3A_31 = %scan3A_11) -> (i32)  : i32 {
      %get3A = arith.index_cast %scan3A_30 : i32 to index
      %get3A_32 = arith.constant 0 : index
      %get3A_33 = tpu.vector_load %arg15[%get3A, %get3A_32] {strides = array<i32>} : memref<128x128xf32, #tpu.memory_space<vmem>>, vector<1x16xf32>,
      %get3A_34 = vector.shape_cast %get3A_33 : vector<1x16xf32> to vector<16xf32>
      %max3A = arith.constant 0.000000e+00 : f32
      %max3A_35 = vector.broadcast %max3A : f32 to vector<16xf32>
      %max3A_36 = arith.maximumf %get3A_34, %max3A_35 : vector<16xf32>
      %swap3A = arith.index_cast %scan3A_30 : i32 to index
      %swap3A_37 = arith.constant 0 : index
      %swap3A_38 = tpu.vector_load %arg15[%swap3A, %swap3A_37] {strides = array<i32>} : memref<128x128xf32, #tpu.memory_space<vmem>>, vector<1x16xf32>,
      %swap3A_39 = vector.shape_cast %swap3A_38 : vector<1x16xf32> to vector<16xf32>
      %swap3A_40 = vector.shape_cast %max3A_36 : vector<16xf32> to vector<1x16xf32>
      tpu.vector_store %arg15[%swap3A, %swap3A_37], %swap3A_40 {strides = array<i32>} : memref<128x128xf32, #tpu.memory_space<vmem>>, vector<1x16xf32>,
      %get3A_41 = arith.index_cast %scan3A_30 : i32 to index
      %get3A_42 = arith.constant 16 : index
      %get3A_43 = tpu.vector_load %arg15[%get3A_41, %get3A_42] {strides = array<i32>} : memref<128x128xf32, #tpu.memory_space<vmem>>, vector<1x16xf32>,
      %get3A_44 = vector.shape_cast %get3A_43 : vector<1x16xf32> to vector<16xf32>
      %max3A_45 = arith.constant 0.000000e+00 : f32
      %max3A_46 = vector.broadcast %max3A_45 : f32 to vector<16xf32>
      %max3A_47 = arith.maximumf %get3A_44, %max3A_46 : vector<16xf32>
      %swap3A_48 = arith.index_cast %scan3A_30 : i32 to index
      %swap3A_49 = arith.constant 16 : index
      %swap3A_50 = tpu.vector_load %arg15[%swap3A_48, %swap3A_49] {strides = array<i32>} : memref<128x128xf32, #tpu.memory_space<vmem>>, vector<1x16xf32>,
      %swap3A_51 = vector.shape_cast %swap3A_50 : vector<1x16xf32> to vector<16xf32>
      %swap3A_52 = vector.shape_cast %max3A_47 : vector<16xf32> to vector<1x16xf32>
      tpu.vector_store %arg15[%swap3A_48, %swap3A_49], %swap3A_52 {strides = array<i32>} : memref<128x128xf32, #tpu.memory_space<vmem>>, vector<1x16xf32>,
      %get3A_53 = arith.index_cast %scan3A_30 : i32 to index
      %get3A_54 = arith.constant 32 : index
      %get3A_55 = tpu.vector_load %arg15[%get3A_53, %get3A_54] {strides = array<i32>} : memref<128x128xf32, #tpu.memory_space<vmem>>, vector<1x16xf32>,
      %get3A_56 = vector.shape_cast %get3A_55 : vector<1x16xf32> to vector<16xf32>
      %max3A_57 = arith.constant 0.000000e+00 : f32
      %max3A_58 = vector.broadcast %max3A_57 : f32 to vector<16xf32>
      %max3A_59 = arith.maximumf %get3A_56, %max3A_58 : vector<16xf32>
      %swap3A_60 = arith.index_cast %scan3A_30 : i32 to index
      %swap3A_61 = arith.constant 32 : index
      %swap3A_62 = tpu.vector_load %arg15[%swap3A_60, %swap3A_61] {strides = array<i32>} : memref<128x128xf32, #tpu.memory_space<vmem>>, vector<1x16xf32>,
      %swap3A_63 = vector.shape_cast %swap3A_62 : vector<1x16xf32> to vector<16xf32>
      %swap3A_64 = vector.shape_cast %max3A_59 : vector<16xf32> to vector<1x16xf32>
      tpu.vector_store %arg15[%swap3A_60, %swap3A_61], %swap3A_64 {strides = array<i32>} : memref<128x128xf32, #tpu.memory_space<vmem>>, vector<1x16xf32>,
      %get3A_65 = arith.index_cast %scan3A_30 : i32 to index
      %get3A_66 = arith.constant 48 : index
      %get3A_67 = tpu.vector_load %arg15[%get3A_65, %get3A_66] {strides = array<i32>} : memref<128x128xf32, #tpu.memory_space<vmem>>, vector<1x16xf32>,
      %get3A_68 = vector.shape_cast %get3A_67 : vector<1x16xf32> to vector<16xf32>
      %max3A_69 = arith.constant 0.000000e+00 : f32
      %max3A_70 = vector.broadcast %max3A_69 : f32 to vector<16xf32>
      %max3A_71 = arith.maximumf %get3A_68, %max3A_70 : vector<16xf32>
      %swap3A_72 = arith.index_cast %scan3A_30 : i32 to index
      %swap3A_73 = arith.constant 48 : index
      %swap3A_74 = tpu.vector_load %arg15[%swap3A_72, %swap3A_73] {strides = array<i32>} : memref<128x128xf32, #tpu.memory_space<vmem>>, vector<1x16xf32>,
      %swap3A_75 = vector.shape_cast %swap3A_74 : vector<1x16xf32> to vector<16xf32>
      %swap3A_76 = vector.shape_cast %max3A_71 : vector<16xf32> to vector<1x16xf32>
      tpu.vector_store %arg15[%swap3A_72, %swap3A_73], %swap3A_76 {strides = array<i32>} : memref<128x128xf32, #tpu.memory_space<vmem>>, vector<1x16xf32>,
      %get3A_77 = arith.index_cast %scan3A_30 : i32 to index
      %get3A_78 = arith.constant 64 : index
      %get3A_79 = tpu.vector_load %arg15[%get3A_77, %get3A_78] {strides = array<i32>} : memref<128x128xf32, #tpu.memory_space<vmem>>, vector<1x16xf32>,
      %get3A_80 = vector.shape_cast %get3A_79 : vector<1x16xf32> to vector<16xf32>
      %max3A_81 = arith.constant 0.000000e+00 : f32
      %max3A_82 = vector.broadcast %max3A_81 : f32 to vector<16xf32>
      %max3A_83 = arith.maximumf %get3A_80, %max3A_82 : vector<16xf32>
      %swap3A_84 = arith.index_cast %scan3A_30 : i32 to index
      %swap3A_85 = arith.constant 64 : index
      %swap3A_86 = tpu.vector_load %arg15[%swap3A_84, %swap3A_85] {strides = array<i32>} : memref<128x128xf32, #tpu.memory_space<vmem>>, vector<1x16xf32>,
      %swap3A_87 = vector.shape_cast %swap3A_86 : vector<1x16xf32> to vector<16xf32>
      %swap3A_88 = vector.shape_cast %max3A_83 : vector<16xf32> to vector<1x16xf32>
      tpu.vector_store %arg15[%swap3A_84, %swap3A_85], %swap3A_88 {strides = array<i32>} : memref<128x128xf32, #tpu.memory_space<vmem>>, vector<1x16xf32>,
      %get3A_89 = arith.index_cast %scan3A_30 : i32 to index
      %get3A_90 = arith.constant 80 : index
      %get3A_91 = tpu.vector_load %arg15[%get3A_89, %get3A_90] {strides = array<i32>} : memref<128x128xf32, #tpu.memory_space<vmem>>, vector<1x16xf32>,
      %get3A_92 = vector.shape_cast %get3A_91 : vector<1x16xf32> to vector<16xf32>
      %max3A_93 = arith.constant 0.000000e+00 : f32
      %max3A_94 = vector.broadcast %max3A_93 : f32 to vector<16xf32>
      %max3A_95 = arith.maximumf %get3A_92, %max3A_94 : vector<16xf32>
      %swap3A_96 = arith.index_cast %scan3A_30 : i32 to index
      %swap3A_97 = arith.constant 80 : index
      %swap3A_98 = tpu.vector_load %arg15[%swap3A_96, %swap3A_97] {strides = array<i32>} : memref<128x128xf32, #tpu.memory_space<vmem>>, vector<1x16xf32>,
      %swap3A_99 = vector.shape_cast %swap3A_98 : vector<1x16xf32> to vector<16xf32>
      %swap3A_100 = vector.shape_cast %max3A_95 : vector<16xf32> to vector<1x16xf32>
      tpu.vector_store %arg15[%swap3A_96, %swap3A_97], %swap3A_100 {strides = array<i32>} : memref<128x128xf32, #tpu.memory_space<vmem>>, vector<1x16xf32>,
      %get3A_101 = arith.index_cast %scan3A_30 : i32 to index
      %get3A_102 = arith.constant 96 : index
      %get3A_103 = tpu.vector_load %arg15[%get3A_101, %get3A_102] {strides = array<i32>} : memref<128x128xf32, #tpu.memory_space<vmem>>, vector<1x16xf32>,
      %get3A_104 = vector.shape_cast %get3A_103 : vector<1x16xf32> to vector<16xf32>
      %max3A_105 = arith.constant 0.000000e+00 : f32
      %max3A_106 = vector.broadcast %max3A_105 : f32 to vector<16xf32>
      %max3A_107 = arith.maximumf %get3A_104, %max3A_106 : vector<16xf32>
      %swap3A_108 = arith.index_cast %scan3A_30 : i32 to index
      %swap3A_109 = arith.constant 96 : index
      %swap3A_110 = tpu.vector_load %arg15[%swap3A_108, %swap3A_109] {strides = array<i32>} : memref<128x128xf32, #tpu.memory_space<vmem>>, vector<1x16xf32>,
      %swap3A_111 = vector.shape_cast %swap3A_110 : vector<1x16xf32> to vector<16xf32>
      %swap3A_112 = vector.shape_cast %max3A_107 : vector<16xf32> to vector<1x16xf32>
      tpu.vector_store %arg15[%swap3A_108, %swap3A_109], %swap3A_112 {strides = array<i32>} : memref<128x128xf32, #tpu.memory_space<vmem>>, vector<1x16xf32>,
      %get3A_113 = arith.index_cast %scan3A_30 : i32 to index
      %get3A_114 = arith.constant 112 : index
      %get3A_115 = tpu.vector_load %arg15[%get3A_113, %get3A_114] {strides = array<i32>} : memref<128x128xf32, #tpu.memory_space<vmem>>, vector<1x16xf32>,
      %get3A_116 = vector.shape_cast %get3A_115 : vector<1x16xf32> to vector<16xf32>
      %max3A_117 = arith.constant 0.000000e+00 : f32
      %max3A_118 = vector.broadcast %max3A_117 : f32 to vector<16xf32>
      %max3A_119 = arith.maximumf %get3A_116, %max3A_118 : vector<16xf32>
      %swap3A_120 = arith.index_cast %scan3A_30 : i32 to index
      %swap3A_121 = arith.constant 112 : index
      %swap3A_122 = tpu.vector_load %arg15[%swap3A_120, %swap3A_121] {strides = array<i32>} : memref<128x128xf32, #tpu.memory_space<vmem>>, vector<1x16xf32>,
      %swap3A_123 = vector.shape_cast %swap3A_122 : vector<1x16xf32> to vector<16xf32>
      %swap3A_124 = vector.shape_cast %max3A_119 : vector<16xf32> to vector<1x16xf32>
      tpu.vector_store %arg15[%swap3A_120, %swap3A_121], %swap3A_124 {strides = array<i32>} : memref<128x128xf32, #tpu.memory_space<vmem>>, vector<1x16xf32>,
      %scan3A_125 = arith.constant 0 : i32
      scf.yield %scan3A_125 : i32
    }
    %scan3A_17 = arith.constant 32 : i32
    %convert_element_type3A = arith.extui %eq3A_10 : i1 to i32
    %cond3A = arith.constant 0 : i32
    %cond3A_18 = arith.cmpi ne, %convert_element_type3A, %cond3A : i32
    scf.if %cond3A_18 {
      "tpu.region"() ({
        %run_scoped3A = tpu.sem_alloc : memref<!tpu.dma_semaphore, #tpu.memory_space<semaphore_mem>>
        %dma_start3A = arith.constant 0 : i32
        %dma_start3A_30 = arith.constant 0 : i32
        %dma_start3A_31 = tpu.memref_slice %arg15[%dma_start3A, %dma_start3A_30] : memref<128x128xf32, #tpu.memory_space<vmem>> -> memref<32x128xf32, #tpu.memory_space<vmem>>
        %dma_start3A_32 = arith.constant 0 : i32
        %dma_start3A_33 = tpu.memref_slice %arg9[%add3A_9, %dma_start3A_32] : memref<320000x128xf32, #tpu.memory_space<hbm>> -> memref<32x128xf32, #tpu.memory_space<hbm>>
        %dma_start3A_34 = arith.constant 0 : i32
        %dma_start3A_35 = tpu.memref_slice %arg9[%add3A_9, %dma_start3A_34] : memref<320000x128xf32, #tpu.memory_space<hbm>> -> memref<32x128xf32, #tpu.memory_space<hbm>>
        %dma_start3A_36 = arith.constant 0 : i32
        %dma_start3A_37 = arith.constant 0 : i32
        %dma_start3A_38 = tpu.memref_slice %arg15[%dma_start3A_36, %dma_start3A_37] : memref<128x128xf32, #tpu.memory_space<vmem>> -> memref<32x128xf32, #tpu.memory_space<vmem>>
        tpu.enqueue_dma source(%dma_start3A_38 : memref<32x128xf32, #tpu.memory_space<vmem>>) target(%dma_start3A_35 : memref<32x128xf32, #tpu.memory_space<hbm>>) target_semaphore(%run_scoped3A : memref<!tpu.dma_semaphore, #tpu.memory_space<semaphore_mem>>)
        %dma_wait3A = arith.constant 0 : i32
        %dma_wait3A_39 = arith.constant 0 : i32
        %dma_wait3A_40 = tpu.memref_slice %arg15[%dma_wait3A, %dma_wait3A_39] : memref<128x128xf32, #tpu.memory_space<vmem>> -> memref<32x128xf32, #tpu.memory_space<vmem>>
        %dma_wait3A_41 = arith.constant 0 : i32
        %dma_wait3A_42 = tpu.memref_slice %arg9[%add3A_9, %dma_wait3A_41] : memref<320000x128xf32, #tpu.memory_space<hbm>> -> memref<32x128xf32, #tpu.memory_space<hbm>>
        %dma_wait3A_43 = arith.constant 0 : i32
        %dma_wait3A_44 = tpu.memref_slice %arg9[%add3A_9, %dma_wait3A_43] : memref<320000x128xf32, #tpu.memory_space<hbm>> -> memref<32x128xf32, #tpu.memory_space<hbm>>
        %dma_wait3A_45 = arith.constant 0 : i32
        %dma_wait3A_46 = arith.constant 0 : i32
        %dma_wait3A_47 = tpu.memref_slice %arg15[%dma_wait3A_45, %dma_wait3A_46] : memref<128x128xf32, #tpu.memory_space<vmem>> -> memref<32x128xf32, #tpu.memory_space<vmem>>
        tpu.wait_dma2 semaphore(%run_scoped3A : memref<!tpu.dma_semaphore, #tpu.memory_space<semaphore_mem>>) src(%dma_wait3A_47 : memref<32x128xf32, #tpu.memory_space<vmem>>) dst(%dma_wait3A_44 : memref<32x128xf32, #tpu.memory_space<hbm>>)
        tpu.yield
      }) : () -> ()
    } else {
    }
    %eq3A_19 = arith.constant 0 : i32
    %eq3A_20 = arith.cmpi eq, %arg0, %eq3A_19 : i32
    %convert_element_type3A_21 = arith.extui %eq3A_20 : i1 to i32
    %cond3A_22 = arith.constant 0 : i32
    %cond3A_23 = arith.cmpi ne, %convert_element_type3A_21, %cond3A_22 : i32
    scf.if %cond3A_23 {
      "tpu.region"() ({
        %run_scoped3A = tpu.sem_alloc : memref<!tpu.dma_semaphore, #tpu.memory_space<semaphore_mem>>
        %dma_start3A = arith.constant 0 : i32
        %dma_start3A_30 = arith.constant 0 : i32
        %dma_start3A_31 = tpu.memref_slice %arg15[%dma_start3A, %dma_start3A_30] : memref<128x128xf32, #tpu.memory_space<vmem>> -> memref<32x128xf32, #tpu.memory_space<vmem>>
        %dma_start3A_32 = arith.constant 0 : i32
        %dma_start3A_33 = arith.constant 0 : i32
        %dma_start3A_34 = tpu.memref_slice %arg10[%dma_start3A_32, %dma_start3A_33] : memref<10112x128xf32, #tpu.memory_space<vmem_shared>> -> memref<10112x128xf32, #tpu.memory_space<vmem_shared>>
        tpu.enqueue_indirect_dma source(%dma_start3A_31 : memref<32x128xf32, #tpu.memory_space<vmem>>) target(%dma_start3A_34 : memref<10112x128xf32, #tpu.memory_space<vmem_shared>>) offsets(%arg13 : memref<32xi32, #tpu.memory_space<vmem>>) semaphore(%run_scoped3A : memref<!tpu.dma_semaphore, #tpu.memory_space<semaphore_mem>>) {add = true}
        %dma_wait3A = arith.constant 0 : i32
        %dma_wait3A_35 = arith.constant 0 : i32
        %dma_wait3A_36 = tpu.memref_slice %arg15[%dma_wait3A, %dma_wait3A_35] : memref<128x128xf32, #tpu.memory_space<vmem>> -> memref<32x128xf32, #tpu.memory_space<vmem>>
        %dma_wait3A_37 = arith.constant 0 : i32
        %dma_wait3A_38 = arith.constant 0 : i32
        %dma_wait3A_39 = tpu.memref_slice %arg10[%dma_wait3A_37, %dma_wait3A_38] : memref<10112x128xf32, #tpu.memory_space<vmem_shared>> -> memref<10112x128xf32, #tpu.memory_space<vmem_shared>>
        tpu.wait_indirect_dma semaphore(%run_scoped3A : memref<!tpu.dma_semaphore, #tpu.memory_space<semaphore_mem>>) src(%dma_wait3A_36 : memref<32x128xf32, #tpu.memory_space<vmem>>) dst(%dma_wait3A_39 : memref<10112x128xf32, #tpu.memory_space<vmem_shared>>)
        tpu.yield
      }) : () -> ()
    } else {
    }
    %eq3A_24 = arith.constant 1 : i32
    %eq3A_25 = arith.cmpi eq, %arg0, %eq3A_24 : i32
    %convert_element_type3A_26 = arith.extui %eq3A_25 : i1 to i32
    %cond3A_27 = arith.constant 0 : i32
    %cond3A_28 = arith.cmpi ne, %convert_element_type3A_26, %cond3A_27 : i32
    scf.if %cond3A_28 {
      "tpu.region"() ({
        %run_scoped3A = tpu.sem_alloc : memref<!tpu.dma_semaphore, #tpu.memory_space<semaphore_mem>>
        %dma_start3A = arith.constant 0 : i32
        %dma_start3A_30 = arith.constant 0 : i32
        %dma_start3A_31 = tpu.memref_slice %arg15[%dma_start3A, %dma_start3A_30] : memref<128x128xf32, #tpu.memory_space<vmem>> -> memref<32x128xf32, #tpu.memory_space<vmem>>
        %dma_start3A_32 = arith.constant 0 : i32
        %dma_start3A_33 = arith.constant 0 : i32
        %dma_start3A_34 = tpu.memref_slice %arg10[%dma_start3A_32, %dma_start3A_33] : memref<10112x128xf32, #tpu.memory_space<vmem_shared>> -> memref<10112x128xf32, #tpu.memory_space<vmem_shared>>
        tpu.enqueue_indirect_dma source(%dma_start3A_31 : memref<32x128xf32, #tpu.memory_space<vmem>>) target(%dma_start3A_34 : memref<10112x128xf32, #tpu.memory_space<vmem_shared>>) offsets(%arg14 : memref<32xi32, #tpu.memory_space<vmem>>) semaphore(%run_scoped3A : memref<!tpu.dma_semaphore, #tpu.memory_space<semaphore_mem>>) {add = true}
        %dma_wait3A = arith.constant 0 : i32
        %dma_wait3A_35 = arith.constant 0 : i32
        %dma_wait3A_36 = tpu.memref_slice %arg15[%dma_wait3A, %dma_wait3A_35] : memref<128x128xf32, #tpu.memory_space<vmem>> -> memref<32x128xf32, #tpu.memory_space<vmem>>
        %dma_wait3A_37 = arith.constant 0 : i32
        %dma_wait3A_38 = arith.constant 0 : i32
        %dma_wait3A_39 = tpu.memref_slice %arg10[%dma_wait3A_37, %dma_wait3A_38] : memref<10112x128xf32, #tpu.memory_space<vmem_shared>> -> memref<10112x128xf32, #tpu.memory_space<vmem_shared>>
        tpu.wait_indirect_dma semaphore(%run_scoped3A : memref<!tpu.dma_semaphore, #tpu.memory_space<semaphore_mem>>) src(%dma_wait3A_36 : memref<32x128xf32, #tpu.memory_space<vmem>>) dst(%dma_wait3A_39 : memref<10112x128xf32, #tpu.memory_space<vmem_shared>>)
        tpu.yield
      }) : () -> ()
    } else {
    }
    %barrier3A_29 = arith.constant 0 : index
    tpu.barrier barrier_id(%barrier3A_29)
    "tpu.region"() ({
      %run_scoped3A = tpu.sem_alloc : memref<!tpu.dma_semaphore, #tpu.memory_space<semaphore_mem>>
      %dma_start3A = arith.constant 0 : i32
      %dma_start3A_30 = tpu.memref_slice %arg8[%arg0, %mul3A_0, %dma_start3A] : memref<2x10112x128xf32, #tpu.memory_space<hbm>> -> memref<1x632x128xf32, #tpu.memory_space<hbm>>
      %dma_start3A_31 = tpu.memref_squeeze %dma_start3A_30 : memref<1x632x128xf32, #tpu.memory_space<hbm>> -> memref<632x128xf32, #tpu.memory_space<hbm>>
      %dma_start3A_32 = arith.constant 0 : i32
      %dma_start3A_33 = tpu.memref_slice %arg10[%mul3A_0, %dma_start3A_32] : memref<10112x128xf32, #tpu.memory_space<vmem_shared>> -> memref<632x128xf32, #tpu.memory_space<vmem_shared>>
      tpu.enqueue_dma source(%dma_start3A_33 : memref<632x128xf32, #tpu.memory_space<vmem_shared>>) target(%dma_start3A_31 : memref<632x128xf32, #tpu.memory_space<hbm>>) target_semaphore(%run_scoped3A : memref<!tpu.dma_semaphore, #tpu.memory_space<semaphore_mem>>)
      %dma_wait3A = arith.constant 0 : i32
      %dma_wait3A_34 = tpu.memref_slice %arg8[%arg0, %mul3A_0, %dma_wait3A] : memref<2x10112x128xf32, #tpu.memory_space<hbm>> -> memref<1x632x128xf32, #tpu.memory_space<hbm>>
      %dma_wait3A_35 = tpu.memref_squeeze %dma_wait3A_34 : memref<1x632x128xf32, #tpu.memory_space<hbm>> -> memref<632x128xf32, #tpu.memory_space<hbm>>
      %dma_wait3A_36 = arith.constant 0 : i32
      %dma_wait3A_37 = tpu.memref_slice %arg10[%mul3A_0, %dma_wait3A_36] : memref<10112x128xf32, #tpu.memory_space<vmem_shared>> -> memref<632x128xf32, #tpu.memory_space<vmem_shared>>
      tpu.wait_dma2 semaphore(%run_scoped3A : memref<!tpu.dma_semaphore, #tpu.memory_space<semaphore_mem>>) src(%dma_wait3A_37 : memref<632x128xf32, #tpu.memory_space<vmem_shared>>) dst(%dma_wait3A_35 : memref<632x128xf32, #tpu.memory_space<hbm>>)
      tpu.yield
    }) : () -> ()
    return
  }
}

#map = affine_map<(d0, d1) -> (0, 0)>
#map1 = affine_map<(d0, d1) -> (0)>
#map2 = affine_map<(d0, d1) -> (0, 0, 0)>
module attributes {stable_mosaic.version = 14 : i64} {
  func.func @sc_edge_pass_l3(%arg0: i32, %arg1: i32, %arg2: memref<10000x128xf32, #tpu.memory_space<hbm>>, %arg3: memref<10000x128xf32, #tpu.memory_space<hbm>>, %arg4: memref<320000xi32, #tpu.memory_space<hbm>>, %arg5: memref<320000xi32, #tpu.memory_space<hbm>>, %arg6: memref<320000x128xf32, #tpu.memory_space<hbm>>, %arg7: memref<10112x128xf32, #tpu.memory_space<hbm>>, %arg8: memref<2x10112x128xf32, #tpu.memory_space<hbm>>, %arg9: memref<320000x128xf32, #tpu.memory_space<hbm>>, %arg10: memref<10112x128xf32, #tpu.memory_space<vmem_shared>>, %arg11: memref<128xi32, #tpu.memory_space<vmem>>, %arg12: memref<128xi32, #tpu.memory_space<vmem>>, %arg13: memref<32xi32, #tpu.memory_space<vmem>>, %arg14: memref<32xi32, #tpu.memory_space<vmem>>, %arg15: memref<128x128xf32, #tpu.memory_space<vmem>>) attributes {dimension_semantics = [#tpu.dimension_semantics<core_parallel>, #tpu.dimension_semantics<subcore_parallel>], iteration_bounds = array<i64: 2, 16>, scalar_prefetch = 0 : i64, scratch_operands = 6 : i64, tpu.core_type = #tpu.core_type<sc_vector_subcore>, window_params = [{transform_indices = #map}, {transform_indices = #map}, {transform_indices = #map1}, {transform_indices = #map1}, {transform_indices = #map}, {transform_indices = #map}, {transform_indices = #map2}, {transform_indices = #map}]} {
    %mul3A = arith.constant 632 : i32
    %mul3A_0 = arith.muli %arg1, %mul3A : i32
    "tpu.region"() ({
      %run_scoped3A = tpu.sem_alloc : memref<!tpu.dma_semaphore, #tpu.memory_space<semaphore_mem>>
      %dma_start3A = arith.constant 0 : i32
      %dma_start3A_30 = tpu.memref_slice %arg10[%mul3A_0, %dma_start3A] : memref<10112x128xf32, #tpu.memory_space<vmem_shared>> -> memref<632x128xf32, #tpu.memory_space<vmem_shared>>
      %dma_start3A_31 = arith.constant 0 : i32
      %dma_start3A_32 = tpu.memref_slice %arg7[%mul3A_0, %dma_start3A_31] : memref<10112x128xf32, #tpu.memory_space<hbm>> -> memref<632x128xf32, #tpu.memory_space<hbm>>
      tpu.enqueue_dma source(%dma_start3A_32 : memref<632x128xf32, #tpu.memory_space<hbm>>) target(%dma_start3A_30 : memref<632x128xf32, #tpu.memory_space<vmem_shared>>) target_semaphore(%run_scoped3A : memref<!tpu.dma_semaphore, #tpu.memory_space<semaphore_mem>>)
      %dma_wait3A = arith.constant 0 : i32
      %dma_wait3A_33 = tpu.memref_slice %arg10[%mul3A_0, %dma_wait3A] : memref<10112x128xf32, #tpu.memory_space<vmem_shared>> -> memref<632x128xf32, #tpu.memory_space<vmem_shared>>
      %dma_wait3A_34 = arith.constant 0 : i32
      %dma_wait3A_35 = tpu.memref_slice %arg7[%mul3A_0, %dma_wait3A_34] : memref<10112x128xf32, #tpu.memory_space<hbm>> -> memref<632x128xf32, #tpu.memory_space<hbm>>
      tpu.wait_dma2 semaphore(%run_scoped3A : memref<!tpu.dma_semaphore, #tpu.memory_space<semaphore_mem>>) src(%dma_wait3A_35 : memref<632x128xf32, #tpu.memory_space<hbm>>) dst(%dma_wait3A_33 : memref<632x128xf32, #tpu.memory_space<vmem_shared>>)
      tpu.yield
    }) : () -> ()
    %barrier3A = arith.constant 0 : index
    tpu.barrier barrier_id(%barrier3A)
    %scan3A = arith.constant 0 : i32
    %scan3A_1 = arith.constant 0 : i32
    %scan3A_2 = arith.constant 156 : i32
    %scan3A_3 = arith.addi %scan3A_1, %scan3A_2 : i32
    %scan3A_4 = arith.constant 1 : i32
    %scan3A_5 = scf.for %scan3A_30 = %scan3A_1 to %scan3A_3 step %scan3A_4 iter_args(%scan3A_31 = %scan3A) -> (i32)  : i32 {
      %eq3A_32 = arith.constant 0 : i32
      %eq3A_33 = arith.cmpi eq, %arg0, %eq3A_32 : i32
      %lt3A = arith.constant 78 : i32
      %lt3A_34 = arith.cmpi slt, %scan3A_30, %lt3A : i32
      %ge3A = arith.constant 78 : i32
      %ge3A_35 = arith.cmpi sge, %scan3A_30, %ge3A : i32
      %select_n3A = arith.select %eq3A_33, %lt3A_34, %ge3A_35 : i1
      %mul3A_36 = arith.constant 20000 : i32
      %mul3A_37 = arith.muli %arg1, %mul3A_36 : i32
      %mul3A_38 = arith.constant 128 : i32
      %mul3A_39 = arith.muli %scan3A_30, %mul3A_38 : i32
      %add3A_40 = arith.addi %mul3A_37, %mul3A_39 : i32
      "tpu.region"() ({
        %run_scoped3A = tpu.sem_alloc : memref<!tpu.dma_semaphore, #tpu.memory_space<semaphore_mem>>
        %dma_start3A = tpu.memref_slice %arg4[%add3A_40] : memref<320000xi32, #tpu.memory_space<hbm>> -> memref<128xi32, #tpu.memory_space<hbm>>
        %dma_start3A_62 = tpu.memref_slice %arg4[%add3A_40] : memref<320000xi32, #tpu.memory_space<hbm>> -> memref<128xi32, #tpu.memory_space<hbm>>
        tpu.enqueue_dma source(%dma_start3A_62 : memref<128xi32, #tpu.memory_space<hbm>>) target(%arg11 : memref<128xi32, #tpu.memory_space<vmem>>) target_semaphore(%run_scoped3A : memref<!tpu.dma_semaphore, #tpu.memory_space<semaphore_mem>>)
        %dma_wait3A = tpu.memref_slice %arg4[%add3A_40] : memref<320000xi32, #tpu.memory_space<hbm>> -> memref<128xi32, #tpu.memory_space<hbm>>
        %dma_wait3A_63 = tpu.memref_slice %arg4[%add3A_40] : memref<320000xi32, #tpu.memory_space<hbm>> -> memref<128xi32, #tpu.memory_space<hbm>>
        tpu.wait_dma2 semaphore(%run_scoped3A : memref<!tpu.dma_semaphore, #tpu.memory_space<semaphore_mem>>) src(%dma_wait3A_63 : memref<128xi32, #tpu.memory_space<hbm>>) dst(%arg11 : memref<128xi32, #tpu.memory_space<vmem>>)
        tpu.yield
      }) : () -> ()
      "tpu.region"() ({
        %run_scoped3A = tpu.sem_alloc : memref<!tpu.dma_semaphore, #tpu.memory_space<semaphore_mem>>
        %dma_start3A = tpu.memref_slice %arg5[%add3A_40] : memref<320000xi32, #tpu.memory_space<hbm>> -> memref<128xi32, #tpu.memory_space<hbm>>
        %dma_start3A_62 = tpu.memref_slice %arg5[%add3A_40] : memref<320000xi32, #tpu.memory_space<hbm>> -> memref<128xi32, #tpu.memory_space<hbm>>
        tpu.enqueue_dma source(%dma_start3A_62 : memref<128xi32, #tpu.memory_space<hbm>>) target(%arg12 : memref<128xi32, #tpu.memory_space<vmem>>) target_semaphore(%run_scoped3A : memref<!tpu.dma_semaphore, #tpu.memory_space<semaphore_mem>>)
        %dma_wait3A = tpu.memref_slice %arg5[%add3A_40] : memref<320000xi32, #tpu.memory_space<hbm>> -> memref<128xi32, #tpu.memory_space<hbm>>
        %dma_wait3A_63 = tpu.memref_slice %arg5[%add3A_40] : memref<320000xi32, #tpu.memory_space<hbm>> -> memref<128xi32, #tpu.memory_space<hbm>>
        tpu.wait_dma2 semaphore(%run_scoped3A : memref<!tpu.dma_semaphore, #tpu.memory_space<semaphore_mem>>) src(%dma_wait3A_63 : memref<128xi32, #tpu.memory_space<hbm>>) dst(%arg12 : memref<128xi32, #tpu.memory_space<vmem>>)
        tpu.yield
      }) : () -> ()
      "tpu.region"() ({
        %run_scoped3A = tpu.sem_alloc : memref<!tpu.dma_semaphore, #tpu.memory_space<semaphore_mem>>
        %dma_start3A = arith.constant 0 : i32
        %dma_start3A_62 = arith.constant 0 : i32
        %dma_start3A_63 = tpu.memref_slice %arg15[%dma_start3A, %dma_start3A_62] : memref<128x128xf32, #tpu.memory_space<vmem>> -> memref<128x128xf32, #tpu.memory_space<vmem>>
        %dma_start3A_64 = arith.constant 0 : i32
        %dma_start3A_65 = tpu.memref_slice %arg6[%add3A_40, %dma_start3A_64] : memref<320000x128xf32, #tpu.memory_space<hbm>> -> memref<128x128xf32, #tpu.memory_space<hbm>>
        %dma_start3A_66 = arith.constant 0 : i32
        %dma_start3A_67 = arith.constant 0 : i32
        %dma_start3A_68 = tpu.memref_slice %arg15[%dma_start3A_66, %dma_start3A_67] : memref<128x128xf32, #tpu.memory_space<vmem>> -> memref<128x128xf32, #tpu.memory_space<vmem>>
        %dma_start3A_69 = arith.constant 0 : i32
        %dma_start3A_70 = tpu.memref_slice %arg6[%add3A_40, %dma_start3A_69] : memref<320000x128xf32, #tpu.memory_space<hbm>> -> memref<128x128xf32, #tpu.memory_space<hbm>>
        tpu.enqueue_dma source(%dma_start3A_70 : memref<128x128xf32, #tpu.memory_space<hbm>>) target(%dma_start3A_68 : memref<128x128xf32, #tpu.memory_space<vmem>>) target_semaphore(%run_scoped3A : memref<!tpu.dma_semaphore, #tpu.memory_space<semaphore_mem>>)
        %dma_wait3A = arith.constant 0 : i32
        %dma_wait3A_71 = arith.constant 0 : i32
        %dma_wait3A_72 = tpu.memref_slice %arg15[%dma_wait3A, %dma_wait3A_71] : memref<128x128xf32, #tpu.memory_space<vmem>> -> memref<128x128xf32, #tpu.memory_space<vmem>>
        %dma_wait3A_73 = arith.constant 0 : i32
        %dma_wait3A_74 = tpu.memref_slice %arg6[%add3A_40, %dma_wait3A_73] : memref<320000x128xf32, #tpu.memory_space<hbm>> -> memref<128x128xf32, #tpu.memory_space<hbm>>
        %dma_wait3A_75 = arith.constant 0 : i32
        %dma_wait3A_76 = arith.constant 0 : i32
        %dma_wait3A_77 = tpu.memref_slice %arg15[%dma_wait3A_75, %dma_wait3A_76] : memref<128x128xf32, #tpu.memory_space<vmem>> -> memref<128x128xf32, #tpu.memory_space<vmem>>
        %dma_wait3A_78 = arith.constant 0 : i32
        %dma_wait3A_79 = tpu.memref_slice %arg6[%add3A_40, %dma_wait3A_78] : memref<320000x128xf32, #tpu.memory_space<hbm>> -> memref<128x128xf32, #tpu.memory_space<hbm>>
        tpu.wait_dma2 semaphore(%run_scoped3A : memref<!tpu.dma_semaphore, #tpu.memory_space<semaphore_mem>>) src(%dma_wait3A_79 : memref<128x128xf32, #tpu.memory_space<hbm>>) dst(%dma_wait3A_77 : memref<128x128xf32, #tpu.memory_space<vmem>>)
        tpu.yield
      }) : () -> ()
      "tpu.region"() ({
        %run_scoped3A = tpu.sem_alloc : memref<!tpu.dma_semaphore, #tpu.memory_space<semaphore_mem>>
        %dma_start3A = arith.constant 0 : i32
        %dma_start3A_62 = arith.constant 0 : i32
        %dma_start3A_63 = tpu.memref_slice %arg15[%dma_start3A, %dma_start3A_62] : memref<128x128xf32, #tpu.memory_space<vmem>> -> memref<128x128xf32, #tpu.memory_space<vmem>>
        %dma_start3A_64 = arith.constant 0 : i32
        %dma_start3A_65 = arith.constant 0 : i32
        %dma_start3A_66 = tpu.memref_slice %arg2[%dma_start3A_64, %dma_start3A_65] : memref<10000x128xf32, #tpu.memory_space<hbm>> -> memref<10000x128xf32, #tpu.memory_space<hbm>>
        tpu.enqueue_indirect_dma source(%dma_start3A_66 : memref<10000x128xf32, #tpu.memory_space<hbm>>) target(%dma_start3A_63 : memref<128x128xf32, #tpu.memory_space<vmem>>) offsets(%arg11 : memref<128xi32, #tpu.memory_space<vmem>>) semaphore(%run_scoped3A : memref<!tpu.dma_semaphore, #tpu.memory_space<semaphore_mem>>) {add = true}
        %dma_wait3A = arith.constant 0 : i32
        %dma_wait3A_67 = arith.constant 0 : i32
        %dma_wait3A_68 = tpu.memref_slice %arg15[%dma_wait3A, %dma_wait3A_67] : memref<128x128xf32, #tpu.memory_space<vmem>> -> memref<128x128xf32, #tpu.memory_space<vmem>>
        %dma_wait3A_69 = arith.constant 0 : i32
        %dma_wait3A_70 = arith.constant 0 : i32
        %dma_wait3A_71 = tpu.memref_slice %arg2[%dma_wait3A_69, %dma_wait3A_70] : memref<10000x128xf32, #tpu.memory_space<hbm>> -> memref<10000x128xf32, #tpu.memory_space<hbm>>
        tpu.wait_indirect_dma semaphore(%run_scoped3A : memref<!tpu.dma_semaphore, #tpu.memory_space<semaphore_mem>>) src(%dma_wait3A_71 : memref<10000x128xf32, #tpu.memory_space<hbm>>) dst(%dma_wait3A_68 : memref<128x128xf32, #tpu.memory_space<vmem>>)
        tpu.yield
      }) : () -> ()
      "tpu.region"() ({
        %run_scoped3A = tpu.sem_alloc : memref<!tpu.dma_semaphore, #tpu.memory_space<semaphore_mem>>
        %dma_start3A = arith.constant 0 : i32
        %dma_start3A_62 = arith.constant 0 : i32
        %dma_start3A_63 = tpu.memref_slice %arg15[%dma_start3A, %dma_start3A_62] : memref<128x128xf32, #tpu.memory_space<vmem>> -> memref<128x128xf32, #tpu.memory_space<vmem>>
        %dma_start3A_64 = arith.constant 0 : i32
        %dma_start3A_65 = arith.constant 0 : i32
        %dma_start3A_66 = tpu.memref_slice %arg3[%dma_start3A_64, %dma_start3A_65] : memref<10000x128xf32, #tpu.memory_space<hbm>> -> memref<10000x128xf32, #tpu.memory_space<hbm>>
        tpu.enqueue_indirect_dma source(%dma_start3A_66 : memref<10000x128xf32, #tpu.memory_space<hbm>>) target(%dma_start3A_63 : memref<128x128xf32, #tpu.memory_space<vmem>>) offsets(%arg12 : memref<128xi32, #tpu.memory_space<vmem>>) semaphore(%run_scoped3A : memref<!tpu.dma_semaphore, #tpu.memory_space<semaphore_mem>>) {add = true}
        %dma_wait3A = arith.constant 0 : i32
        %dma_wait3A_67 = arith.constant 0 : i32
        %dma_wait3A_68 = tpu.memref_slice %arg15[%dma_wait3A, %dma_wait3A_67] : memref<128x128xf32, #tpu.memory_space<vmem>> -> memref<128x128xf32, #tpu.memory_space<vmem>>
        %dma_wait3A_69 = arith.constant 0 : i32
        %dma_wait3A_70 = arith.constant 0 : i32
        %dma_wait3A_71 = tpu.memref_slice %arg3[%dma_wait3A_69, %dma_wait3A_70] : memref<10000x128xf32, #tpu.memory_space<hbm>> -> memref<10000x128xf32, #tpu.memory_space<hbm>>
        tpu.wait_indirect_dma semaphore(%run_scoped3A : memref<!tpu.dma_semaphore, #tpu.memory_space<semaphore_mem>>) src(%dma_wait3A_71 : memref<10000x128xf32, #tpu.memory_space<hbm>>) dst(%dma_wait3A_68 : memref<128x128xf32, #tpu.memory_space<vmem>>)
        tpu.yield
      }) : () -> ()
      %scan3A_41 = arith.constant 0 : i32
      %scan3A_42 = arith.constant 0 : i32
      %scan3A_43 = arith.constant 128 : i32
      %scan3A_44 = arith.addi %scan3A_42, %scan3A_43 : i32
      %scan3A_45 = arith.constant 1 : i32
      %scan3A_46 = scf.for %scan3A_62 = %scan3A_42 to %scan3A_44 step %scan3A_45 iter_args(%scan3A_63 = %scan3A_41) -> (i32)  : i32 {
        %get3A = arith.index_cast %scan3A_62 : i32 to index
        %get3A_64 = arith.constant 0 : index
        %get3A_65 = tpu.vector_load %arg15[%get3A, %get3A_64] {strides = array<i32>} : memref<128x128xf32, #tpu.memory_space<vmem>>, vector<1x16xf32>,
        %get3A_66 = vector.shape_cast %get3A_65 : vector<1x16xf32> to vector<16xf32>
        %max3A = arith.constant 0.000000e+00 : f32
        %max3A_67 = vector.broadcast %max3A : f32 to vector<16xf32>
        %max3A_68 = arith.maximumf %get3A_66, %max3A_67 : vector<16xf32>
        %swap3A = arith.index_cast %scan3A_62 : i32 to index
        %swap3A_69 = arith.constant 0 : index
        %swap3A_70 = tpu.vector_load %arg15[%swap3A, %swap3A_69] {strides = array<i32>} : memref<128x128xf32, #tpu.memory_space<vmem>>, vector<1x16xf32>,
        %swap3A_71 = vector.shape_cast %swap3A_70 : vector<1x16xf32> to vector<16xf32>
        %swap3A_72 = vector.shape_cast %max3A_68 : vector<16xf32> to vector<1x16xf32>
        tpu.vector_store %arg15[%swap3A, %swap3A_69], %swap3A_72 {strides = array<i32>} : memref<128x128xf32, #tpu.memory_space<vmem>>, vector<1x16xf32>,
        %get3A_73 = arith.index_cast %scan3A_62 : i32 to index
        %get3A_74 = arith.constant 16 : index
        %get3A_75 = tpu.vector_load %arg15[%get3A_73, %get3A_74] {strides = array<i32>} : memref<128x128xf32, #tpu.memory_space<vmem>>, vector<1x16xf32>,
        %get3A_76 = vector.shape_cast %get3A_75 : vector<1x16xf32> to vector<16xf32>
        %max3A_77 = arith.constant 0.000000e+00 : f32
        %max3A_78 = vector.broadcast %max3A_77 : f32 to vector<16xf32>
        %max3A_79 = arith.maximumf %get3A_76, %max3A_78 : vector<16xf32>
        %swap3A_80 = arith.index_cast %scan3A_62 : i32 to index
        %swap3A_81 = arith.constant 16 : index
        %swap3A_82 = tpu.vector_load %arg15[%swap3A_80, %swap3A_81] {strides = array<i32>} : memref<128x128xf32, #tpu.memory_space<vmem>>, vector<1x16xf32>,
        %swap3A_83 = vector.shape_cast %swap3A_82 : vector<1x16xf32> to vector<16xf32>
        %swap3A_84 = vector.shape_cast %max3A_79 : vector<16xf32> to vector<1x16xf32>
        tpu.vector_store %arg15[%swap3A_80, %swap3A_81], %swap3A_84 {strides = array<i32>} : memref<128x128xf32, #tpu.memory_space<vmem>>, vector<1x16xf32>,
        %get3A_85 = arith.index_cast %scan3A_62 : i32 to index
        %get3A_86 = arith.constant 32 : index
        %get3A_87 = tpu.vector_load %arg15[%get3A_85, %get3A_86] {strides = array<i32>} : memref<128x128xf32, #tpu.memory_space<vmem>>, vector<1x16xf32>,
        %get3A_88 = vector.shape_cast %get3A_87 : vector<1x16xf32> to vector<16xf32>
        %max3A_89 = arith.constant 0.000000e+00 : f32
        %max3A_90 = vector.broadcast %max3A_89 : f32 to vector<16xf32>
        %max3A_91 = arith.maximumf %get3A_88, %max3A_90 : vector<16xf32>
        %swap3A_92 = arith.index_cast %scan3A_62 : i32 to index
        %swap3A_93 = arith.constant 32 : index
        %swap3A_94 = tpu.vector_load %arg15[%swap3A_92, %swap3A_93] {strides = array<i32>} : memref<128x128xf32, #tpu.memory_space<vmem>>, vector<1x16xf32>,
        %swap3A_95 = vector.shape_cast %swap3A_94 : vector<1x16xf32> to vector<16xf32>
        %swap3A_96 = vector.shape_cast %max3A_91 : vector<16xf32> to vector<1x16xf32>
        tpu.vector_store %arg15[%swap3A_92, %swap3A_93], %swap3A_96 {strides = array<i32>} : memref<128x128xf32, #tpu.memory_space<vmem>>, vector<1x16xf32>,
        %get3A_97 = arith.index_cast %scan3A_62 : i32 to index
        %get3A_98 = arith.constant 48 : index
        %get3A_99 = tpu.vector_load %arg15[%get3A_97, %get3A_98] {strides = array<i32>} : memref<128x128xf32, #tpu.memory_space<vmem>>, vector<1x16xf32>,
        %get3A_100 = vector.shape_cast %get3A_99 : vector<1x16xf32> to vector<16xf32>
        %max3A_101 = arith.constant 0.000000e+00 : f32
        %max3A_102 = vector.broadcast %max3A_101 : f32 to vector<16xf32>
        %max3A_103 = arith.maximumf %get3A_100, %max3A_102 : vector<16xf32>
        %swap3A_104 = arith.index_cast %scan3A_62 : i32 to index
        %swap3A_105 = arith.constant 48 : index
        %swap3A_106 = tpu.vector_load %arg15[%swap3A_104, %swap3A_105] {strides = array<i32>} : memref<128x128xf32, #tpu.memory_space<vmem>>, vector<1x16xf32>,
        %swap3A_107 = vector.shape_cast %swap3A_106 : vector<1x16xf32> to vector<16xf32>
        %swap3A_108 = vector.shape_cast %max3A_103 : vector<16xf32> to vector<1x16xf32>
        tpu.vector_store %arg15[%swap3A_104, %swap3A_105], %swap3A_108 {strides = array<i32>} : memref<128x128xf32, #tpu.memory_space<vmem>>, vector<1x16xf32>,
        %get3A_109 = arith.index_cast %scan3A_62 : i32 to index
        %get3A_110 = arith.constant 64 : index
        %get3A_111 = tpu.vector_load %arg15[%get3A_109, %get3A_110] {strides = array<i32>} : memref<128x128xf32, #tpu.memory_space<vmem>>, vector<1x16xf32>,
        %get3A_112 = vector.shape_cast %get3A_111 : vector<1x16xf32> to vector<16xf32>
        %max3A_113 = arith.constant 0.000000e+00 : f32
        %max3A_114 = vector.broadcast %max3A_113 : f32 to vector<16xf32>
        %max3A_115 = arith.maximumf %get3A_112, %max3A_114 : vector<16xf32>
        %swap3A_116 = arith.index_cast %scan3A_62 : i32 to index
        %swap3A_117 = arith.constant 64 : index
        %swap3A_118 = tpu.vector_load %arg15[%swap3A_116, %swap3A_117] {strides = array<i32>} : memref<128x128xf32, #tpu.memory_space<vmem>>, vector<1x16xf32>,
        %swap3A_119 = vector.shape_cast %swap3A_118 : vector<1x16xf32> to vector<16xf32>
        %swap3A_120 = vector.shape_cast %max3A_115 : vector<16xf32> to vector<1x16xf32>
        tpu.vector_store %arg15[%swap3A_116, %swap3A_117], %swap3A_120 {strides = array<i32>} : memref<128x128xf32, #tpu.memory_space<vmem>>, vector<1x16xf32>,
        %get3A_121 = arith.index_cast %scan3A_62 : i32 to index
        %get3A_122 = arith.constant 80 : index
        %get3A_123 = tpu.vector_load %arg15[%get3A_121, %get3A_122] {strides = array<i32>} : memref<128x128xf32, #tpu.memory_space<vmem>>, vector<1x16xf32>,
        %get3A_124 = vector.shape_cast %get3A_123 : vector<1x16xf32> to vector<16xf32>
        %max3A_125 = arith.constant 0.000000e+00 : f32
        %max3A_126 = vector.broadcast %max3A_125 : f32 to vector<16xf32>
        %max3A_127 = arith.maximumf %get3A_124, %max3A_126 : vector<16xf32>
        %swap3A_128 = arith.index_cast %scan3A_62 : i32 to index
        %swap3A_129 = arith.constant 80 : index
        %swap3A_130 = tpu.vector_load %arg15[%swap3A_128, %swap3A_129] {strides = array<i32>} : memref<128x128xf32, #tpu.memory_space<vmem>>, vector<1x16xf32>,
        %swap3A_131 = vector.shape_cast %swap3A_130 : vector<1x16xf32> to vector<16xf32>
        %swap3A_132 = vector.shape_cast %max3A_127 : vector<16xf32> to vector<1x16xf32>
        tpu.vector_store %arg15[%swap3A_128, %swap3A_129], %swap3A_132 {strides = array<i32>} : memref<128x128xf32, #tpu.memory_space<vmem>>, vector<1x16xf32>,
        %get3A_133 = arith.index_cast %scan3A_62 : i32 to index
        %get3A_134 = arith.constant 96 : index
        %get3A_135 = tpu.vector_load %arg15[%get3A_133, %get3A_134] {strides = array<i32>} : memref<128x128xf32, #tpu.memory_space<vmem>>, vector<1x16xf32>,
        %get3A_136 = vector.shape_cast %get3A_135 : vector<1x16xf32> to vector<16xf32>
        %max3A_137 = arith.constant 0.000000e+00 : f32
        %max3A_138 = vector.broadcast %max3A_137 : f32 to vector<16xf32>
        %max3A_139 = arith.maximumf %get3A_136, %max3A_138 : vector<16xf32>
        %swap3A_140 = arith.index_cast %scan3A_62 : i32 to index
        %swap3A_141 = arith.constant 96 : index
        %swap3A_142 = tpu.vector_load %arg15[%swap3A_140, %swap3A_141] {strides = array<i32>} : memref<128x128xf32, #tpu.memory_space<vmem>>, vector<1x16xf32>,
        %swap3A_143 = vector.shape_cast %swap3A_142 : vector<1x16xf32> to vector<16xf32>
        %swap3A_144 = vector.shape_cast %max3A_139 : vector<16xf32> to vector<1x16xf32>
        tpu.vector_store %arg15[%swap3A_140, %swap3A_141], %swap3A_144 {strides = array<i32>} : memref<128x128xf32, #tpu.memory_space<vmem>>, vector<1x16xf32>,
        %get3A_145 = arith.index_cast %scan3A_62 : i32 to index
        %get3A_146 = arith.constant 112 : index
        %get3A_147 = tpu.vector_load %arg15[%get3A_145, %get3A_146] {strides = array<i32>} : memref<128x128xf32, #tpu.memory_space<vmem>>, vector<1x16xf32>,
        %get3A_148 = vector.shape_cast %get3A_147 : vector<1x16xf32> to vector<16xf32>
        %max3A_149 = arith.constant 0.000000e+00 : f32
        %max3A_150 = vector.broadcast %max3A_149 : f32 to vector<16xf32>
        %max3A_151 = arith.maximumf %get3A_148, %max3A_150 : vector<16xf32>
        %swap3A_152 = arith.index_cast %scan3A_62 : i32 to index
        %swap3A_153 = arith.constant 112 : index
        %swap3A_154 = tpu.vector_load %arg15[%swap3A_152, %swap3A_153] {strides = array<i32>} : memref<128x128xf32, #tpu.memory_space<vmem>>, vector<1x16xf32>,
        %swap3A_155 = vector.shape_cast %swap3A_154 : vector<1x16xf32> to vector<16xf32>
        %swap3A_156 = vector.shape_cast %max3A_151 : vector<16xf32> to vector<1x16xf32>
        tpu.vector_store %arg15[%swap3A_152, %swap3A_153], %swap3A_156 {strides = array<i32>} : memref<128x128xf32, #tpu.memory_space<vmem>>, vector<1x16xf32>,
        %scan3A_157 = arith.constant 0 : i32
        scf.yield %scan3A_157 : i32
      }
      %scan3A_47 = arith.constant 128 : i32
      %convert_element_type3A_48 = arith.extui %select_n3A : i1 to i32
      %cond3A_49 = arith.constant 0 : i32
      %cond3A_50 = arith.cmpi ne, %convert_element_type3A_48, %cond3A_49 : i32
      scf.if %cond3A_50 {
        "tpu.region"() ({
          %run_scoped3A = tpu.sem_alloc : memref<!tpu.dma_semaphore, #tpu.memory_space<semaphore_mem>>
          %dma_start3A = arith.constant 0 : i32
          %dma_start3A_62 = arith.constant 0 : i32
          %dma_start3A_63 = tpu.memref_slice %arg15[%dma_start3A, %dma_start3A_62] : memref<128x128xf32, #tpu.memory_space<vmem>> -> memref<128x128xf32, #tpu.memory_space<vmem>>
          %dma_start3A_64 = arith.constant 0 : i32
          %dma_start3A_65 = tpu.memref_slice %arg9[%add3A_40, %dma_start3A_64] : memref<320000x128xf32, #tpu.memory_space<hbm>> -> memref<128x128xf32, #tpu.memory_space<hbm>>
          %dma_start3A_66 = arith.constant 0 : i32
          %dma_start3A_67 = tpu.memref_slice %arg9[%add3A_40, %dma_start3A_66] : memref<320000x128xf32, #tpu.memory_space<hbm>> -> memref<128x128xf32, #tpu.memory_space<hbm>>
          %dma_start3A_68 = arith.constant 0 : i32
          %dma_start3A_69 = arith.constant 0 : i32
          %dma_start3A_70 = tpu.memref_slice %arg15[%dma_start3A_68, %dma_start3A_69] : memref<128x128xf32, #tpu.memory_space<vmem>> -> memref<128x128xf32, #tpu.memory_space<vmem>>
          tpu.enqueue_dma source(%dma_start3A_70 : memref<128x128xf32, #tpu.memory_space<vmem>>) target(%dma_start3A_67 : memref<128x128xf32, #tpu.memory_space<hbm>>) target_semaphore(%run_scoped3A : memref<!tpu.dma_semaphore, #tpu.memory_space<semaphore_mem>>)
          %dma_wait3A = arith.constant 0 : i32
          %dma_wait3A_71 = arith.constant 0 : i32
          %dma_wait3A_72 = tpu.memref_slice %arg15[%dma_wait3A, %dma_wait3A_71] : memref<128x128xf32, #tpu.memory_space<vmem>> -> memref<128x128xf32, #tpu.memory_space<vmem>>
          %dma_wait3A_73 = arith.constant 0 : i32
          %dma_wait3A_74 = tpu.memref_slice %arg9[%add3A_40, %dma_wait3A_73] : memref<320000x128xf32, #tpu.memory_space<hbm>> -> memref<128x128xf32, #tpu.memory_space<hbm>>
          %dma_wait3A_75 = arith.constant 0 : i32
          %dma_wait3A_76 = tpu.memref_slice %arg9[%add3A_40, %dma_wait3A_75] : memref<320000x128xf32, #tpu.memory_space<hbm>> -> memref<128x128xf32, #tpu.memory_space<hbm>>
          %dma_wait3A_77 = arith.constant 0 : i32
          %dma_wait3A_78 = arith.constant 0 : i32
          %dma_wait3A_79 = tpu.memref_slice %arg15[%dma_wait3A_77, %dma_wait3A_78] : memref<128x128xf32, #tpu.memory_space<vmem>> -> memref<128x128xf32, #tpu.memory_space<vmem>>
          tpu.wait_dma2 semaphore(%run_scoped3A : memref<!tpu.dma_semaphore, #tpu.memory_space<semaphore_mem>>) src(%dma_wait3A_79 : memref<128x128xf32, #tpu.memory_space<vmem>>) dst(%dma_wait3A_76 : memref<128x128xf32, #tpu.memory_space<hbm>>)
          tpu.yield
        }) : () -> ()
      } else {
      }
      %eq3A_51 = arith.constant 0 : i32
      %eq3A_52 = arith.cmpi eq, %arg0, %eq3A_51 : i32
      %convert_element_type3A_53 = arith.extui %eq3A_52 : i1 to i32
      %cond3A_54 = arith.constant 0 : i32
      %cond3A_55 = arith.cmpi ne, %convert_element_type3A_53, %cond3A_54 : i32
      scf.if %cond3A_55 {
        "tpu.region"() ({
          %run_scoped3A = tpu.sem_alloc : memref<!tpu.dma_semaphore, #tpu.memory_space<semaphore_mem>>
          %dma_start3A = arith.constant 0 : i32
          %dma_start3A_62 = arith.constant 0 : i32
          %dma_start3A_63 = tpu.memref_slice %arg15[%dma_start3A, %dma_start3A_62] : memref<128x128xf32, #tpu.memory_space<vmem>> -> memref<128x128xf32, #tpu.memory_space<vmem>>
          %dma_start3A_64 = arith.constant 0 : i32
          %dma_start3A_65 = arith.constant 0 : i32
          %dma_start3A_66 = tpu.memref_slice %arg10[%dma_start3A_64, %dma_start3A_65] : memref<10112x128xf32, #tpu.memory_space<vmem_shared>> -> memref<10112x128xf32, #tpu.memory_space<vmem_shared>>
          tpu.enqueue_indirect_dma source(%dma_start3A_63 : memref<128x128xf32, #tpu.memory_space<vmem>>) target(%dma_start3A_66 : memref<10112x128xf32, #tpu.memory_space<vmem_shared>>) offsets(%arg11 : memref<128xi32, #tpu.memory_space<vmem>>) semaphore(%run_scoped3A : memref<!tpu.dma_semaphore, #tpu.memory_space<semaphore_mem>>) {add = true}
          %dma_wait3A = arith.constant 0 : i32
          %dma_wait3A_67 = arith.constant 0 : i32
          %dma_wait3A_68 = tpu.memref_slice %arg15[%dma_wait3A, %dma_wait3A_67] : memref<128x128xf32, #tpu.memory_space<vmem>> -> memref<128x128xf32, #tpu.memory_space<vmem>>
          %dma_wait3A_69 = arith.constant 0 : i32
          %dma_wait3A_70 = arith.constant 0 : i32
          %dma_wait3A_71 = tpu.memref_slice %arg10[%dma_wait3A_69, %dma_wait3A_70] : memref<10112x128xf32, #tpu.memory_space<vmem_shared>> -> memref<10112x128xf32, #tpu.memory_space<vmem_shared>>
          tpu.wait_indirect_dma semaphore(%run_scoped3A : memref<!tpu.dma_semaphore, #tpu.memory_space<semaphore_mem>>) src(%dma_wait3A_68 : memref<128x128xf32, #tpu.memory_space<vmem>>) dst(%dma_wait3A_71 : memref<10112x128xf32, #tpu.memory_space<vmem_shared>>)
          tpu.yield
        }) : () -> ()
      } else {
      }
      %eq3A_56 = arith.constant 1 : i32
      %eq3A_57 = arith.cmpi eq, %arg0, %eq3A_56 : i32
      %convert_element_type3A_58 = arith.extui %eq3A_57 : i1 to i32
      %cond3A_59 = arith.constant 0 : i32
      %cond3A_60 = arith.cmpi ne, %convert_element_type3A_58, %cond3A_59 : i32
      scf.if %cond3A_60 {
        "tpu.region"() ({
          %run_scoped3A = tpu.sem_alloc : memref<!tpu.dma_semaphore, #tpu.memory_space<semaphore_mem>>
          %dma_start3A = arith.constant 0 : i32
          %dma_start3A_62 = arith.constant 0 : i32
          %dma_start3A_63 = tpu.memref_slice %arg15[%dma_start3A, %dma_start3A_62] : memref<128x128xf32, #tpu.memory_space<vmem>> -> memref<128x128xf32, #tpu.memory_space<vmem>>
          %dma_start3A_64 = arith.constant 0 : i32
          %dma_start3A_65 = arith.constant 0 : i32
          %dma_start3A_66 = tpu.memref_slice %arg10[%dma_start3A_64, %dma_start3A_65] : memref<10112x128xf32, #tpu.memory_space<vmem_shared>> -> memref<10112x128xf32, #tpu.memory_space<vmem_shared>>
          tpu.enqueue_indirect_dma source(%dma_start3A_63 : memref<128x128xf32, #tpu.memory_space<vmem>>) target(%dma_start3A_66 : memref<10112x128xf32, #tpu.memory_space<vmem_shared>>) offsets(%arg12 : memref<128xi32, #tpu.memory_space<vmem>>) semaphore(%run_scoped3A : memref<!tpu.dma_semaphore, #tpu.memory_space<semaphore_mem>>) {add = true}
          %dma_wait3A = arith.constant 0 : i32
          %dma_wait3A_67 = arith.constant 0 : i32
          %dma_wait3A_68 = tpu.memref_slice %arg15[%dma_wait3A, %dma_wait3A_67] : memref<128x128xf32, #tpu.memory_space<vmem>> -> memref<128x128xf32, #tpu.memory_space<vmem>>
          %dma_wait3A_69 = arith.constant 0 : i32
          %dma_wait3A_70 = arith.constant 0 : i32
          %dma_wait3A_71 = tpu.memref_slice %arg10[%dma_wait3A_69, %dma_wait3A_70] : memref<10112x128xf32, #tpu.memory_space<vmem_shared>> -> memref<10112x128xf32, #tpu.memory_space<vmem_shared>>
          tpu.wait_indirect_dma semaphore(%run_scoped3A : memref<!tpu.dma_semaphore, #tpu.memory_space<semaphore_mem>>) src(%dma_wait3A_68 : memref<128x128xf32, #tpu.memory_space<vmem>>) dst(%dma_wait3A_71 : memref<10112x128xf32, #tpu.memory_space<vmem_shared>>)
          tpu.yield
        }) : () -> ()
      } else {
      }
      %scan3A_61 = arith.constant 0 : i32
      scf.yield %scan3A_61 : i32
    }
    %scan3A_6 = arith.constant 156 : i32
    %mul3A_7 = arith.constant 20000 : i32
    %mul3A_8 = arith.muli %arg1, %mul3A_7 : i32
    %add3A = arith.constant 19968 : i32
    %add3A_9 = arith.addi %mul3A_8, %add3A : i32
    %eq3A = arith.constant 1 : i32
    %eq3A_10 = arith.cmpi eq, %arg0, %eq3A : i32
    "tpu.region"() ({
      %run_scoped3A = tpu.sem_alloc : memref<!tpu.dma_semaphore, #tpu.memory_space<semaphore_mem>>
      %dma_start3A = tpu.memref_slice %arg4[%add3A_9] : memref<320000xi32, #tpu.memory_space<hbm>> -> memref<32xi32, #tpu.memory_space<hbm>>
      %dma_start3A_30 = tpu.memref_slice %arg4[%add3A_9] : memref<320000xi32, #tpu.memory_space<hbm>> -> memref<32xi32, #tpu.memory_space<hbm>>
      tpu.enqueue_dma source(%dma_start3A_30 : memref<32xi32, #tpu.memory_space<hbm>>) target(%arg13 : memref<32xi32, #tpu.memory_space<vmem>>) target_semaphore(%run_scoped3A : memref<!tpu.dma_semaphore, #tpu.memory_space<semaphore_mem>>)
      %dma_wait3A = tpu.memref_slice %arg4[%add3A_9] : memref<320000xi32, #tpu.memory_space<hbm>> -> memref<32xi32, #tpu.memory_space<hbm>>
      %dma_wait3A_31 = tpu.memref_slice %arg4[%add3A_9] : memref<320000xi32, #tpu.memory_space<hbm>> -> memref<32xi32, #tpu.memory_space<hbm>>
      tpu.wait_dma2 semaphore(%run_scoped3A : memref<!tpu.dma_semaphore, #tpu.memory_space<semaphore_mem>>) src(%dma_wait3A_31 : memref<32xi32, #tpu.memory_space<hbm>>) dst(%arg13 : memref<32xi32, #tpu.memory_space<vmem>>)
      tpu.yield
    }) : () -> ()
    "tpu.region"() ({
      %run_scoped3A = tpu.sem_alloc : memref<!tpu.dma_semaphore, #tpu.memory_space<semaphore_mem>>
      %dma_start3A = tpu.memref_slice %arg5[%add3A_9] : memref<320000xi32, #tpu.memory_space<hbm>> -> memref<32xi32, #tpu.memory_space<hbm>>
      %dma_start3A_30 = tpu.memref_slice %arg5[%add3A_9] : memref<320000xi32, #tpu.memory_space<hbm>> -> memref<32xi32, #tpu.memory_space<hbm>>
      tpu.enqueue_dma source(%dma_start3A_30 : memref<32xi32, #tpu.memory_space<hbm>>) target(%arg14 : memref<32xi32, #tpu.memory_space<vmem>>) target_semaphore(%run_scoped3A : memref<!tpu.dma_semaphore, #tpu.memory_space<semaphore_mem>>)
      %dma_wait3A = tpu.memref_slice %arg5[%add3A_9] : memref<320000xi32, #tpu.memory_space<hbm>> -> memref<32xi32, #tpu.memory_space<hbm>>
      %dma_wait3A_31 = tpu.memref_slice %arg5[%add3A_9] : memref<320000xi32, #tpu.memory_space<hbm>> -> memref<32xi32, #tpu.memory_space<hbm>>
      tpu.wait_dma2 semaphore(%run_scoped3A : memref<!tpu.dma_semaphore, #tpu.memory_space<semaphore_mem>>) src(%dma_wait3A_31 : memref<32xi32, #tpu.memory_space<hbm>>) dst(%arg14 : memref<32xi32, #tpu.memory_space<vmem>>)
      tpu.yield
    }) : () -> ()
    "tpu.region"() ({
      %run_scoped3A = tpu.sem_alloc : memref<!tpu.dma_semaphore, #tpu.memory_space<semaphore_mem>>
      %dma_start3A = arith.constant 0 : i32
      %dma_start3A_30 = arith.constant 0 : i32
      %dma_start3A_31 = tpu.memref_slice %arg15[%dma_start3A, %dma_start3A_30] : memref<128x128xf32, #tpu.memory_space<vmem>> -> memref<32x128xf32, #tpu.memory_space<vmem>>
      %dma_start3A_32 = arith.constant 0 : i32
      %dma_start3A_33 = tpu.memref_slice %arg6[%add3A_9, %dma_start3A_32] : memref<320000x128xf32, #tpu.memory_space<hbm>> -> memref<32x128xf32, #tpu.memory_space<hbm>>
      %dma_start3A_34 = arith.constant 0 : i32
      %dma_start3A_35 = arith.constant 0 : i32
      %dma_start3A_36 = tpu.memref_slice %arg15[%dma_start3A_34, %dma_start3A_35] : memref<128x128xf32, #tpu.memory_space<vmem>> -> memref<32x128xf32, #tpu.memory_space<vmem>>
      %dma_start3A_37 = arith.constant 0 : i32
      %dma_start3A_38 = tpu.memref_slice %arg6[%add3A_9, %dma_start3A_37] : memref<320000x128xf32, #tpu.memory_space<hbm>> -> memref<32x128xf32, #tpu.memory_space<hbm>>
      tpu.enqueue_dma source(%dma_start3A_38 : memref<32x128xf32, #tpu.memory_space<hbm>>) target(%dma_start3A_36 : memref<32x128xf32, #tpu.memory_space<vmem>>) target_semaphore(%run_scoped3A : memref<!tpu.dma_semaphore, #tpu.memory_space<semaphore_mem>>)
      %dma_wait3A = arith.constant 0 : i32
      %dma_wait3A_39 = arith.constant 0 : i32
      %dma_wait3A_40 = tpu.memref_slice %arg15[%dma_wait3A, %dma_wait3A_39] : memref<128x128xf32, #tpu.memory_space<vmem>> -> memref<32x128xf32, #tpu.memory_space<vmem>>
      %dma_wait3A_41 = arith.constant 0 : i32
      %dma_wait3A_42 = tpu.memref_slice %arg6[%add3A_9, %dma_wait3A_41] : memref<320000x128xf32, #tpu.memory_space<hbm>> -> memref<32x128xf32, #tpu.memory_space<hbm>>
      %dma_wait3A_43 = arith.constant 0 : i32
      %dma_wait3A_44 = arith.constant 0 : i32
      %dma_wait3A_45 = tpu.memref_slice %arg15[%dma_wait3A_43, %dma_wait3A_44] : memref<128x128xf32, #tpu.memory_space<vmem>> -> memref<32x128xf32, #tpu.memory_space<vmem>>
      %dma_wait3A_46 = arith.constant 0 : i32
      %dma_wait3A_47 = tpu.memref_slice %arg6[%add3A_9, %dma_wait3A_46] : memref<320000x128xf32, #tpu.memory_space<hbm>> -> memref<32x128xf32, #tpu.memory_space<hbm>>
      tpu.wait_dma2 semaphore(%run_scoped3A : memref<!tpu.dma_semaphore, #tpu.memory_space<semaphore_mem>>) src(%dma_wait3A_47 : memref<32x128xf32, #tpu.memory_space<hbm>>) dst(%dma_wait3A_45 : memref<32x128xf32, #tpu.memory_space<vmem>>)
      tpu.yield
    }) : () -> ()
    "tpu.region"() ({
      %run_scoped3A = tpu.sem_alloc : memref<!tpu.dma_semaphore, #tpu.memory_space<semaphore_mem>>
      %dma_start3A = arith.constant 0 : i32
      %dma_start3A_30 = arith.constant 0 : i32
      %dma_start3A_31 = tpu.memref_slice %arg15[%dma_start3A, %dma_start3A_30] : memref<128x128xf32, #tpu.memory_space<vmem>> -> memref<32x128xf32, #tpu.memory_space<vmem>>
      %dma_start3A_32 = arith.constant 0 : i32
      %dma_start3A_33 = arith.constant 0 : i32
      %dma_start3A_34 = tpu.memref_slice %arg2[%dma_start3A_32, %dma_start3A_33] : memref<10000x128xf32, #tpu.memory_space<hbm>> -> memref<10000x128xf32, #tpu.memory_space<hbm>>
      tpu.enqueue_indirect_dma source(%dma_start3A_34 : memref<10000x128xf32, #tpu.memory_space<hbm>>) target(%dma_start3A_31 : memref<32x128xf32, #tpu.memory_space<vmem>>) offsets(%arg13 : memref<32xi32, #tpu.memory_space<vmem>>) semaphore(%run_scoped3A : memref<!tpu.dma_semaphore, #tpu.memory_space<semaphore_mem>>) {add = true}
      %dma_wait3A = arith.constant 0 : i32
      %dma_wait3A_35 = arith.constant 0 : i32
      %dma_wait3A_36 = tpu.memref_slice %arg15[%dma_wait3A, %dma_wait3A_35] : memref<128x128xf32, #tpu.memory_space<vmem>> -> memref<32x128xf32, #tpu.memory_space<vmem>>
      %dma_wait3A_37 = arith.constant 0 : i32
      %dma_wait3A_38 = arith.constant 0 : i32
      %dma_wait3A_39 = tpu.memref_slice %arg2[%dma_wait3A_37, %dma_wait3A_38] : memref<10000x128xf32, #tpu.memory_space<hbm>> -> memref<10000x128xf32, #tpu.memory_space<hbm>>
      tpu.wait_indirect_dma semaphore(%run_scoped3A : memref<!tpu.dma_semaphore, #tpu.memory_space<semaphore_mem>>) src(%dma_wait3A_39 : memref<10000x128xf32, #tpu.memory_space<hbm>>) dst(%dma_wait3A_36 : memref<32x128xf32, #tpu.memory_space<vmem>>)
      tpu.yield
    }) : () -> ()
    "tpu.region"() ({
      %run_scoped3A = tpu.sem_alloc : memref<!tpu.dma_semaphore, #tpu.memory_space<semaphore_mem>>
      %dma_start3A = arith.constant 0 : i32
      %dma_start3A_30 = arith.constant 0 : i32
      %dma_start3A_31 = tpu.memref_slice %arg15[%dma_start3A, %dma_start3A_30] : memref<128x128xf32, #tpu.memory_space<vmem>> -> memref<32x128xf32, #tpu.memory_space<vmem>>
      %dma_start3A_32 = arith.constant 0 : i32
      %dma_start3A_33 = arith.constant 0 : i32
      %dma_start3A_34 = tpu.memref_slice %arg3[%dma_start3A_32, %dma_start3A_33] : memref<10000x128xf32, #tpu.memory_space<hbm>> -> memref<10000x128xf32, #tpu.memory_space<hbm>>
      tpu.enqueue_indirect_dma source(%dma_start3A_34 : memref<10000x128xf32, #tpu.memory_space<hbm>>) target(%dma_start3A_31 : memref<32x128xf32, #tpu.memory_space<vmem>>) offsets(%arg14 : memref<32xi32, #tpu.memory_space<vmem>>) semaphore(%run_scoped3A : memref<!tpu.dma_semaphore, #tpu.memory_space<semaphore_mem>>) {add = true}
      %dma_wait3A = arith.constant 0 : i32
      %dma_wait3A_35 = arith.constant 0 : i32
      %dma_wait3A_36 = tpu.memref_slice %arg15[%dma_wait3A, %dma_wait3A_35] : memref<128x128xf32, #tpu.memory_space<vmem>> -> memref<32x128xf32, #tpu.memory_space<vmem>>
      %dma_wait3A_37 = arith.constant 0 : i32
      %dma_wait3A_38 = arith.constant 0 : i32
      %dma_wait3A_39 = tpu.memref_slice %arg3[%dma_wait3A_37, %dma_wait3A_38] : memref<10000x128xf32, #tpu.memory_space<hbm>> -> memref<10000x128xf32, #tpu.memory_space<hbm>>
      tpu.wait_indirect_dma semaphore(%run_scoped3A : memref<!tpu.dma_semaphore, #tpu.memory_space<semaphore_mem>>) src(%dma_wait3A_39 : memref<10000x128xf32, #tpu.memory_space<hbm>>) dst(%dma_wait3A_36 : memref<32x128xf32, #tpu.memory_space<vmem>>)
      tpu.yield
    }) : () -> ()
    %scan3A_11 = arith.constant 0 : i32
    %scan3A_12 = arith.constant 0 : i32
    %scan3A_13 = arith.constant 32 : i32
    %scan3A_14 = arith.addi %scan3A_12, %scan3A_13 : i32
    %scan3A_15 = arith.constant 1 : i32
    %scan3A_16 = scf.for %scan3A_30 = %scan3A_12 to %scan3A_14 step %scan3A_15 iter_args(%scan3A_31 = %scan3A_11) -> (i32)  : i32 {
      %get3A = arith.index_cast %scan3A_30 : i32 to index
      %get3A_32 = arith.constant 0 : index
      %get3A_33 = tpu.vector_load %arg15[%get3A, %get3A_32] {strides = array<i32>} : memref<128x128xf32, #tpu.memory_space<vmem>>, vector<1x16xf32>,
      %get3A_34 = vector.shape_cast %get3A_33 : vector<1x16xf32> to vector<16xf32>
      %max3A = arith.constant 0.000000e+00 : f32
      %max3A_35 = vector.broadcast %max3A : f32 to vector<16xf32>
      %max3A_36 = arith.maximumf %get3A_34, %max3A_35 : vector<16xf32>
      %swap3A = arith.index_cast %scan3A_30 : i32 to index
      %swap3A_37 = arith.constant 0 : index
      %swap3A_38 = tpu.vector_load %arg15[%swap3A, %swap3A_37] {strides = array<i32>} : memref<128x128xf32, #tpu.memory_space<vmem>>, vector<1x16xf32>,
      %swap3A_39 = vector.shape_cast %swap3A_38 : vector<1x16xf32> to vector<16xf32>
      %swap3A_40 = vector.shape_cast %max3A_36 : vector<16xf32> to vector<1x16xf32>
      tpu.vector_store %arg15[%swap3A, %swap3A_37], %swap3A_40 {strides = array<i32>} : memref<128x128xf32, #tpu.memory_space<vmem>>, vector<1x16xf32>,
      %get3A_41 = arith.index_cast %scan3A_30 : i32 to index
      %get3A_42 = arith.constant 16 : index
      %get3A_43 = tpu.vector_load %arg15[%get3A_41, %get3A_42] {strides = array<i32>} : memref<128x128xf32, #tpu.memory_space<vmem>>, vector<1x16xf32>,
      %get3A_44 = vector.shape_cast %get3A_43 : vector<1x16xf32> to vector<16xf32>
      %max3A_45 = arith.constant 0.000000e+00 : f32
      %max3A_46 = vector.broadcast %max3A_45 : f32 to vector<16xf32>
      %max3A_47 = arith.maximumf %get3A_44, %max3A_46 : vector<16xf32>
      %swap3A_48 = arith.index_cast %scan3A_30 : i32 to index
      %swap3A_49 = arith.constant 16 : index
      %swap3A_50 = tpu.vector_load %arg15[%swap3A_48, %swap3A_49] {strides = array<i32>} : memref<128x128xf32, #tpu.memory_space<vmem>>, vector<1x16xf32>,
      %swap3A_51 = vector.shape_cast %swap3A_50 : vector<1x16xf32> to vector<16xf32>
      %swap3A_52 = vector.shape_cast %max3A_47 : vector<16xf32> to vector<1x16xf32>
      tpu.vector_store %arg15[%swap3A_48, %swap3A_49], %swap3A_52 {strides = array<i32>} : memref<128x128xf32, #tpu.memory_space<vmem>>, vector<1x16xf32>,
      %get3A_53 = arith.index_cast %scan3A_30 : i32 to index
      %get3A_54 = arith.constant 32 : index
      %get3A_55 = tpu.vector_load %arg15[%get3A_53, %get3A_54] {strides = array<i32>} : memref<128x128xf32, #tpu.memory_space<vmem>>, vector<1x16xf32>,
      %get3A_56 = vector.shape_cast %get3A_55 : vector<1x16xf32> to vector<16xf32>
      %max3A_57 = arith.constant 0.000000e+00 : f32
      %max3A_58 = vector.broadcast %max3A_57 : f32 to vector<16xf32>
      %max3A_59 = arith.maximumf %get3A_56, %max3A_58 : vector<16xf32>
      %swap3A_60 = arith.index_cast %scan3A_30 : i32 to index
      %swap3A_61 = arith.constant 32 : index
      %swap3A_62 = tpu.vector_load %arg15[%swap3A_60, %swap3A_61] {strides = array<i32>} : memref<128x128xf32, #tpu.memory_space<vmem>>, vector<1x16xf32>,
      %swap3A_63 = vector.shape_cast %swap3A_62 : vector<1x16xf32> to vector<16xf32>
      %swap3A_64 = vector.shape_cast %max3A_59 : vector<16xf32> to vector<1x16xf32>
      tpu.vector_store %arg15[%swap3A_60, %swap3A_61], %swap3A_64 {strides = array<i32>} : memref<128x128xf32, #tpu.memory_space<vmem>>, vector<1x16xf32>,
      %get3A_65 = arith.index_cast %scan3A_30 : i32 to index
      %get3A_66 = arith.constant 48 : index
      %get3A_67 = tpu.vector_load %arg15[%get3A_65, %get3A_66] {strides = array<i32>} : memref<128x128xf32, #tpu.memory_space<vmem>>, vector<1x16xf32>,
      %get3A_68 = vector.shape_cast %get3A_67 : vector<1x16xf32> to vector<16xf32>
      %max3A_69 = arith.constant 0.000000e+00 : f32
      %max3A_70 = vector.broadcast %max3A_69 : f32 to vector<16xf32>
      %max3A_71 = arith.maximumf %get3A_68, %max3A_70 : vector<16xf32>
      %swap3A_72 = arith.index_cast %scan3A_30 : i32 to index
      %swap3A_73 = arith.constant 48 : index
      %swap3A_74 = tpu.vector_load %arg15[%swap3A_72, %swap3A_73] {strides = array<i32>} : memref<128x128xf32, #tpu.memory_space<vmem>>, vector<1x16xf32>,
      %swap3A_75 = vector.shape_cast %swap3A_74 : vector<1x16xf32> to vector<16xf32>
      %swap3A_76 = vector.shape_cast %max3A_71 : vector<16xf32> to vector<1x16xf32>
      tpu.vector_store %arg15[%swap3A_72, %swap3A_73], %swap3A_76 {strides = array<i32>} : memref<128x128xf32, #tpu.memory_space<vmem>>, vector<1x16xf32>,
      %get3A_77 = arith.index_cast %scan3A_30 : i32 to index
      %get3A_78 = arith.constant 64 : index
      %get3A_79 = tpu.vector_load %arg15[%get3A_77, %get3A_78] {strides = array<i32>} : memref<128x128xf32, #tpu.memory_space<vmem>>, vector<1x16xf32>,
      %get3A_80 = vector.shape_cast %get3A_79 : vector<1x16xf32> to vector<16xf32>
      %max3A_81 = arith.constant 0.000000e+00 : f32
      %max3A_82 = vector.broadcast %max3A_81 : f32 to vector<16xf32>
      %max3A_83 = arith.maximumf %get3A_80, %max3A_82 : vector<16xf32>
      %swap3A_84 = arith.index_cast %scan3A_30 : i32 to index
      %swap3A_85 = arith.constant 64 : index
      %swap3A_86 = tpu.vector_load %arg15[%swap3A_84, %swap3A_85] {strides = array<i32>} : memref<128x128xf32, #tpu.memory_space<vmem>>, vector<1x16xf32>,
      %swap3A_87 = vector.shape_cast %swap3A_86 : vector<1x16xf32> to vector<16xf32>
      %swap3A_88 = vector.shape_cast %max3A_83 : vector<16xf32> to vector<1x16xf32>
      tpu.vector_store %arg15[%swap3A_84, %swap3A_85], %swap3A_88 {strides = array<i32>} : memref<128x128xf32, #tpu.memory_space<vmem>>, vector<1x16xf32>,
      %get3A_89 = arith.index_cast %scan3A_30 : i32 to index
      %get3A_90 = arith.constant 80 : index
      %get3A_91 = tpu.vector_load %arg15[%get3A_89, %get3A_90] {strides = array<i32>} : memref<128x128xf32, #tpu.memory_space<vmem>>, vector<1x16xf32>,
      %get3A_92 = vector.shape_cast %get3A_91 : vector<1x16xf32> to vector<16xf32>
      %max3A_93 = arith.constant 0.000000e+00 : f32
      %max3A_94 = vector.broadcast %max3A_93 : f32 to vector<16xf32>
      %max3A_95 = arith.maximumf %get3A_92, %max3A_94 : vector<16xf32>
      %swap3A_96 = arith.index_cast %scan3A_30 : i32 to index
      %swap3A_97 = arith.constant 80 : index
      %swap3A_98 = tpu.vector_load %arg15[%swap3A_96, %swap3A_97] {strides = array<i32>} : memref<128x128xf32, #tpu.memory_space<vmem>>, vector<1x16xf32>,
      %swap3A_99 = vector.shape_cast %swap3A_98 : vector<1x16xf32> to vector<16xf32>
      %swap3A_100 = vector.shape_cast %max3A_95 : vector<16xf32> to vector<1x16xf32>
      tpu.vector_store %arg15[%swap3A_96, %swap3A_97], %swap3A_100 {strides = array<i32>} : memref<128x128xf32, #tpu.memory_space<vmem>>, vector<1x16xf32>,
      %get3A_101 = arith.index_cast %scan3A_30 : i32 to index
      %get3A_102 = arith.constant 96 : index
      %get3A_103 = tpu.vector_load %arg15[%get3A_101, %get3A_102] {strides = array<i32>} : memref<128x128xf32, #tpu.memory_space<vmem>>, vector<1x16xf32>,
      %get3A_104 = vector.shape_cast %get3A_103 : vector<1x16xf32> to vector<16xf32>
      %max3A_105 = arith.constant 0.000000e+00 : f32
      %max3A_106 = vector.broadcast %max3A_105 : f32 to vector<16xf32>
      %max3A_107 = arith.maximumf %get3A_104, %max3A_106 : vector<16xf32>
      %swap3A_108 = arith.index_cast %scan3A_30 : i32 to index
      %swap3A_109 = arith.constant 96 : index
      %swap3A_110 = tpu.vector_load %arg15[%swap3A_108, %swap3A_109] {strides = array<i32>} : memref<128x128xf32, #tpu.memory_space<vmem>>, vector<1x16xf32>,
      %swap3A_111 = vector.shape_cast %swap3A_110 : vector<1x16xf32> to vector<16xf32>
      %swap3A_112 = vector.shape_cast %max3A_107 : vector<16xf32> to vector<1x16xf32>
      tpu.vector_store %arg15[%swap3A_108, %swap3A_109], %swap3A_112 {strides = array<i32>} : memref<128x128xf32, #tpu.memory_space<vmem>>, vector<1x16xf32>,
      %get3A_113 = arith.index_cast %scan3A_30 : i32 to index
      %get3A_114 = arith.constant 112 : index
      %get3A_115 = tpu.vector_load %arg15[%get3A_113, %get3A_114] {strides = array<i32>} : memref<128x128xf32, #tpu.memory_space<vmem>>, vector<1x16xf32>,
      %get3A_116 = vector.shape_cast %get3A_115 : vector<1x16xf32> to vector<16xf32>
      %max3A_117 = arith.constant 0.000000e+00 : f32
      %max3A_118 = vector.broadcast %max3A_117 : f32 to vector<16xf32>
      %max3A_119 = arith.maximumf %get3A_116, %max3A_118 : vector<16xf32>
      %swap3A_120 = arith.index_cast %scan3A_30 : i32 to index
      %swap3A_121 = arith.constant 112 : index
      %swap3A_122 = tpu.vector_load %arg15[%swap3A_120, %swap3A_121] {strides = array<i32>} : memref<128x128xf32, #tpu.memory_space<vmem>>, vector<1x16xf32>,
      %swap3A_123 = vector.shape_cast %swap3A_122 : vector<1x16xf32> to vector<16xf32>
      %swap3A_124 = vector.shape_cast %max3A_119 : vector<16xf32> to vector<1x16xf32>
      tpu.vector_store %arg15[%swap3A_120, %swap3A_121], %swap3A_124 {strides = array<i32>} : memref<128x128xf32, #tpu.memory_space<vmem>>, vector<1x16xf32>,
      %scan3A_125 = arith.constant 0 : i32
      scf.yield %scan3A_125 : i32
    }
    %scan3A_17 = arith.constant 32 : i32
    %convert_element_type3A = arith.extui %eq3A_10 : i1 to i32
    %cond3A = arith.constant 0 : i32
    %cond3A_18 = arith.cmpi ne, %convert_element_type3A, %cond3A : i32
    scf.if %cond3A_18 {
      "tpu.region"() ({
        %run_scoped3A = tpu.sem_alloc : memref<!tpu.dma_semaphore, #tpu.memory_space<semaphore_mem>>
        %dma_start3A = arith.constant 0 : i32
        %dma_start3A_30 = arith.constant 0 : i32
        %dma_start3A_31 = tpu.memref_slice %arg15[%dma_start3A, %dma_start3A_30] : memref<128x128xf32, #tpu.memory_space<vmem>> -> memref<32x128xf32, #tpu.memory_space<vmem>>
        %dma_start3A_32 = arith.constant 0 : i32
        %dma_start3A_33 = tpu.memref_slice %arg9[%add3A_9, %dma_start3A_32] : memref<320000x128xf32, #tpu.memory_space<hbm>> -> memref<32x128xf32, #tpu.memory_space<hbm>>
        %dma_start3A_34 = arith.constant 0 : i32
        %dma_start3A_35 = tpu.memref_slice %arg9[%add3A_9, %dma_start3A_34] : memref<320000x128xf32, #tpu.memory_space<hbm>> -> memref<32x128xf32, #tpu.memory_space<hbm>>
        %dma_start3A_36 = arith.constant 0 : i32
        %dma_start3A_37 = arith.constant 0 : i32
        %dma_start3A_38 = tpu.memref_slice %arg15[%dma_start3A_36, %dma_start3A_37] : memref<128x128xf32, #tpu.memory_space<vmem>> -> memref<32x128xf32, #tpu.memory_space<vmem>>
        tpu.enqueue_dma source(%dma_start3A_38 : memref<32x128xf32, #tpu.memory_space<vmem>>) target(%dma_start3A_35 : memref<32x128xf32, #tpu.memory_space<hbm>>) target_semaphore(%run_scoped3A : memref<!tpu.dma_semaphore, #tpu.memory_space<semaphore_mem>>)
        %dma_wait3A = arith.constant 0 : i32
        %dma_wait3A_39 = arith.constant 0 : i32
        %dma_wait3A_40 = tpu.memref_slice %arg15[%dma_wait3A, %dma_wait3A_39] : memref<128x128xf32, #tpu.memory_space<vmem>> -> memref<32x128xf32, #tpu.memory_space<vmem>>
        %dma_wait3A_41 = arith.constant 0 : i32
        %dma_wait3A_42 = tpu.memref_slice %arg9[%add3A_9, %dma_wait3A_41] : memref<320000x128xf32, #tpu.memory_space<hbm>> -> memref<32x128xf32, #tpu.memory_space<hbm>>
        %dma_wait3A_43 = arith.constant 0 : i32
        %dma_wait3A_44 = tpu.memref_slice %arg9[%add3A_9, %dma_wait3A_43] : memref<320000x128xf32, #tpu.memory_space<hbm>> -> memref<32x128xf32, #tpu.memory_space<hbm>>
        %dma_wait3A_45 = arith.constant 0 : i32
        %dma_wait3A_46 = arith.constant 0 : i32
        %dma_wait3A_47 = tpu.memref_slice %arg15[%dma_wait3A_45, %dma_wait3A_46] : memref<128x128xf32, #tpu.memory_space<vmem>> -> memref<32x128xf32, #tpu.memory_space<vmem>>
        tpu.wait_dma2 semaphore(%run_scoped3A : memref<!tpu.dma_semaphore, #tpu.memory_space<semaphore_mem>>) src(%dma_wait3A_47 : memref<32x128xf32, #tpu.memory_space<vmem>>) dst(%dma_wait3A_44 : memref<32x128xf32, #tpu.memory_space<hbm>>)
        tpu.yield
      }) : () -> ()
    } else {
    }
    %eq3A_19 = arith.constant 0 : i32
    %eq3A_20 = arith.cmpi eq, %arg0, %eq3A_19 : i32
    %convert_element_type3A_21 = arith.extui %eq3A_20 : i1 to i32
    %cond3A_22 = arith.constant 0 : i32
    %cond3A_23 = arith.cmpi ne, %convert_element_type3A_21, %cond3A_22 : i32
    scf.if %cond3A_23 {
      "tpu.region"() ({
        %run_scoped3A = tpu.sem_alloc : memref<!tpu.dma_semaphore, #tpu.memory_space<semaphore_mem>>
        %dma_start3A = arith.constant 0 : i32
        %dma_start3A_30 = arith.constant 0 : i32
        %dma_start3A_31 = tpu.memref_slice %arg15[%dma_start3A, %dma_start3A_30] : memref<128x128xf32, #tpu.memory_space<vmem>> -> memref<32x128xf32, #tpu.memory_space<vmem>>
        %dma_start3A_32 = arith.constant 0 : i32
        %dma_start3A_33 = arith.constant 0 : i32
        %dma_start3A_34 = tpu.memref_slice %arg10[%dma_start3A_32, %dma_start3A_33] : memref<10112x128xf32, #tpu.memory_space<vmem_shared>> -> memref<10112x128xf32, #tpu.memory_space<vmem_shared>>
        tpu.enqueue_indirect_dma source(%dma_start3A_31 : memref<32x128xf32, #tpu.memory_space<vmem>>) target(%dma_start3A_34 : memref<10112x128xf32, #tpu.memory_space<vmem_shared>>) offsets(%arg13 : memref<32xi32, #tpu.memory_space<vmem>>) semaphore(%run_scoped3A : memref<!tpu.dma_semaphore, #tpu.memory_space<semaphore_mem>>) {add = true}
        %dma_wait3A = arith.constant 0 : i32
        %dma_wait3A_35 = arith.constant 0 : i32
        %dma_wait3A_36 = tpu.memref_slice %arg15[%dma_wait3A, %dma_wait3A_35] : memref<128x128xf32, #tpu.memory_space<vmem>> -> memref<32x128xf32, #tpu.memory_space<vmem>>
        %dma_wait3A_37 = arith.constant 0 : i32
        %dma_wait3A_38 = arith.constant 0 : i32
        %dma_wait3A_39 = tpu.memref_slice %arg10[%dma_wait3A_37, %dma_wait3A_38] : memref<10112x128xf32, #tpu.memory_space<vmem_shared>> -> memref<10112x128xf32, #tpu.memory_space<vmem_shared>>
        tpu.wait_indirect_dma semaphore(%run_scoped3A : memref<!tpu.dma_semaphore, #tpu.memory_space<semaphore_mem>>) src(%dma_wait3A_36 : memref<32x128xf32, #tpu.memory_space<vmem>>) dst(%dma_wait3A_39 : memref<10112x128xf32, #tpu.memory_space<vmem_shared>>)
        tpu.yield
      }) : () -> ()
    } else {
    }
    %eq3A_24 = arith.constant 1 : i32
    %eq3A_25 = arith.cmpi eq, %arg0, %eq3A_24 : i32
    %convert_element_type3A_26 = arith.extui %eq3A_25 : i1 to i32
    %cond3A_27 = arith.constant 0 : i32
    %cond3A_28 = arith.cmpi ne, %convert_element_type3A_26, %cond3A_27 : i32
    scf.if %cond3A_28 {
      "tpu.region"() ({
        %run_scoped3A = tpu.sem_alloc : memref<!tpu.dma_semaphore, #tpu.memory_space<semaphore_mem>>
        %dma_start3A = arith.constant 0 : i32
        %dma_start3A_30 = arith.constant 0 : i32
        %dma_start3A_31 = tpu.memref_slice %arg15[%dma_start3A, %dma_start3A_30] : memref<128x128xf32, #tpu.memory_space<vmem>> -> memref<32x128xf32, #tpu.memory_space<vmem>>
        %dma_start3A_32 = arith.constant 0 : i32
        %dma_start3A_33 = arith.constant 0 : i32
        %dma_start3A_34 = tpu.memref_slice %arg10[%dma_start3A_32, %dma_start3A_33] : memref<10112x128xf32, #tpu.memory_space<vmem_shared>> -> memref<10112x128xf32, #tpu.memory_space<vmem_shared>>
        tpu.enqueue_indirect_dma source(%dma_start3A_31 : memref<32x128xf32, #tpu.memory_space<vmem>>) target(%dma_start3A_34 : memref<10112x128xf32, #tpu.memory_space<vmem_shared>>) offsets(%arg14 : memref<32xi32, #tpu.memory_space<vmem>>) semaphore(%run_scoped3A : memref<!tpu.dma_semaphore, #tpu.memory_space<semaphore_mem>>) {add = true}
        %dma_wait3A = arith.constant 0 : i32
        %dma_wait3A_35 = arith.constant 0 : i32
        %dma_wait3A_36 = tpu.memref_slice %arg15[%dma_wait3A, %dma_wait3A_35] : memref<128x128xf32, #tpu.memory_space<vmem>> -> memref<32x128xf32, #tpu.memory_space<vmem>>
        %dma_wait3A_37 = arith.constant 0 : i32
        %dma_wait3A_38 = arith.constant 0 : i32
        %dma_wait3A_39 = tpu.memref_slice %arg10[%dma_wait3A_37, %dma_wait3A_38] : memref<10112x128xf32, #tpu.memory_space<vmem_shared>> -> memref<10112x128xf32, #tpu.memory_space<vmem_shared>>
        tpu.wait_indirect_dma semaphore(%run_scoped3A : memref<!tpu.dma_semaphore, #tpu.memory_space<semaphore_mem>>) src(%dma_wait3A_36 : memref<32x128xf32, #tpu.memory_space<vmem>>) dst(%dma_wait3A_39 : memref<10112x128xf32, #tpu.memory_space<vmem_shared>>)
        tpu.yield
      }) : () -> ()
    } else {
    }
    %barrier3A_29 = arith.constant 0 : index
    tpu.barrier barrier_id(%barrier3A_29)
    "tpu.region"() ({
      %run_scoped3A = tpu.sem_alloc : memref<!tpu.dma_semaphore, #tpu.memory_space<semaphore_mem>>
      %dma_start3A = arith.constant 0 : i32
      %dma_start3A_30 = tpu.memref_slice %arg8[%arg0, %mul3A_0, %dma_start3A] : memref<2x10112x128xf32, #tpu.memory_space<hbm>> -> memref<1x632x128xf32, #tpu.memory_space<hbm>>
      %dma_start3A_31 = tpu.memref_squeeze %dma_start3A_30 : memref<1x632x128xf32, #tpu.memory_space<hbm>> -> memref<632x128xf32, #tpu.memory_space<hbm>>
      %dma_start3A_32 = arith.constant 0 : i32
      %dma_start3A_33 = tpu.memref_slice %arg10[%mul3A_0, %dma_start3A_32] : memref<10112x128xf32, #tpu.memory_space<vmem_shared>> -> memref<632x128xf32, #tpu.memory_space<vmem_shared>>
      tpu.enqueue_dma source(%dma_start3A_33 : memref<632x128xf32, #tpu.memory_space<vmem_shared>>) target(%dma_start3A_31 : memref<632x128xf32, #tpu.memory_space<hbm>>) target_semaphore(%run_scoped3A : memref<!tpu.dma_semaphore, #tpu.memory_space<semaphore_mem>>)
      %dma_wait3A = arith.constant 0 : i32
      %dma_wait3A_34 = tpu.memref_slice %arg8[%arg0, %mul3A_0, %dma_wait3A] : memref<2x10112x128xf32, #tpu.memory_space<hbm>> -> memref<1x632x128xf32, #tpu.memory_space<hbm>>
      %dma_wait3A_35 = tpu.memref_squeeze %dma_wait3A_34 : memref<1x632x128xf32, #tpu.memory_space<hbm>> -> memref<632x128xf32, #tpu.memory_space<hbm>>
      %dma_wait3A_36 = arith.constant 0 : i32
      %dma_wait3A_37 = tpu.memref_slice %arg10[%mul3A_0, %dma_wait3A_36] : memref<10112x128xf32, #tpu.memory_space<vmem_shared>> -> memref<632x128xf32, #tpu.memory_space<vmem_shared>>
      tpu.wait_dma2 semaphore(%run_scoped3A : memref<!tpu.dma_semaphore, #tpu.memory_space<semaphore_mem>>) src(%dma_wait3A_37 : memref<632x128xf32, #tpu.memory_space<vmem_shared>>) dst(%dma_wait3A_35 : memref<632x128xf32, #tpu.memory_space<hbm>>)
      tpu.yield
    }) : () -> ()
    return
  }
}

#map = affine_map<(d0, d1) -> (0, 0)>
#map1 = affine_map<(d0, d1) -> (0)>
#map2 = affine_map<(d0, d1) -> (0, 0, 0)>
module attributes {stable_mosaic.version = 14 : i64} {
  func.func @sc_edge_pass_l4(%arg0: i32, %arg1: i32, %arg2: memref<10000x128xf32, #tpu.memory_space<hbm>>, %arg3: memref<10000x128xf32, #tpu.memory_space<hbm>>, %arg4: memref<320000xi32, #tpu.memory_space<hbm>>, %arg5: memref<320000xi32, #tpu.memory_space<hbm>>, %arg6: memref<320000x128xf32, #tpu.memory_space<hbm>>, %arg7: memref<10112x128xf32, #tpu.memory_space<hbm>>, %arg8: memref<2x10112x128xf32, #tpu.memory_space<hbm>>, %arg9: memref<10112x128xf32, #tpu.memory_space<vmem_shared>>, %arg10: memref<128xi32, #tpu.memory_space<vmem>>, %arg11: memref<128xi32, #tpu.memory_space<vmem>>, %arg12: memref<32xi32, #tpu.memory_space<vmem>>, %arg13: memref<32xi32, #tpu.memory_space<vmem>>, %arg14: memref<128x128xf32, #tpu.memory_space<vmem>>) attributes {dimension_semantics = [#tpu.dimension_semantics<core_parallel>, #tpu.dimension_semantics<subcore_parallel>], iteration_bounds = array<i64: 2, 16>, scalar_prefetch = 0 : i64, scratch_operands = 6 : i64, tpu.core_type = #tpu.core_type<sc_vector_subcore>, window_params = [{transform_indices = #map}, {transform_indices = #map}, {transform_indices = #map1}, {transform_indices = #map1}, {transform_indices = #map}, {transform_indices = #map}, {transform_indices = #map2}]} {
    %mul3A = arith.constant 632 : i32
    %mul3A_0 = arith.muli %arg1, %mul3A : i32
    "tpu.region"() ({
      %run_scoped3A = tpu.sem_alloc : memref<!tpu.dma_semaphore, #tpu.memory_space<semaphore_mem>>
      %dma_start3A = arith.constant 0 : i32
      %dma_start3A_27 = tpu.memref_slice %arg9[%mul3A_0, %dma_start3A] : memref<10112x128xf32, #tpu.memory_space<vmem_shared>> -> memref<632x128xf32, #tpu.memory_space<vmem_shared>>
      %dma_start3A_28 = arith.constant 0 : i32
      %dma_start3A_29 = tpu.memref_slice %arg7[%mul3A_0, %dma_start3A_28] : memref<10112x128xf32, #tpu.memory_space<hbm>> -> memref<632x128xf32, #tpu.memory_space<hbm>>
      tpu.enqueue_dma source(%dma_start3A_29 : memref<632x128xf32, #tpu.memory_space<hbm>>) target(%dma_start3A_27 : memref<632x128xf32, #tpu.memory_space<vmem_shared>>) target_semaphore(%run_scoped3A : memref<!tpu.dma_semaphore, #tpu.memory_space<semaphore_mem>>)
      %dma_wait3A = arith.constant 0 : i32
      %dma_wait3A_30 = tpu.memref_slice %arg9[%mul3A_0, %dma_wait3A] : memref<10112x128xf32, #tpu.memory_space<vmem_shared>> -> memref<632x128xf32, #tpu.memory_space<vmem_shared>>
      %dma_wait3A_31 = arith.constant 0 : i32
      %dma_wait3A_32 = tpu.memref_slice %arg7[%mul3A_0, %dma_wait3A_31] : memref<10112x128xf32, #tpu.memory_space<hbm>> -> memref<632x128xf32, #tpu.memory_space<hbm>>
      tpu.wait_dma2 semaphore(%run_scoped3A : memref<!tpu.dma_semaphore, #tpu.memory_space<semaphore_mem>>) src(%dma_wait3A_32 : memref<632x128xf32, #tpu.memory_space<hbm>>) dst(%dma_wait3A_30 : memref<632x128xf32, #tpu.memory_space<vmem_shared>>)
      tpu.yield
    }) : () -> ()
    %barrier3A = arith.constant 0 : index
    tpu.barrier barrier_id(%barrier3A)
    %scan3A = arith.constant 0 : i32
    %scan3A_1 = arith.constant 0 : i32
    %scan3A_2 = arith.constant 156 : i32
    %scan3A_3 = arith.addi %scan3A_1, %scan3A_2 : i32
    %scan3A_4 = arith.constant 1 : i32
    %scan3A_5 = scf.for %scan3A_27 = %scan3A_1 to %scan3A_3 step %scan3A_4 iter_args(%scan3A_28 = %scan3A) -> (i32)  : i32 {
      %eq3A_29 = arith.constant 0 : i32
      %eq3A_30 = arith.cmpi eq, %arg0, %eq3A_29 : i32
      %lt3A = arith.constant 78 : i32
      %lt3A_31 = arith.cmpi slt, %scan3A_27, %lt3A : i32
      %ge3A = arith.constant 78 : i32
      %ge3A_32 = arith.cmpi sge, %scan3A_27, %ge3A : i32
      %select_n3A = arith.select %eq3A_30, %lt3A_31, %ge3A_32 : i1
      %mul3A_33 = arith.constant 20000 : i32
      %mul3A_34 = arith.muli %arg1, %mul3A_33 : i32
      %mul3A_35 = arith.constant 128 : i32
      %mul3A_36 = arith.muli %scan3A_27, %mul3A_35 : i32
      %add3A_37 = arith.addi %mul3A_34, %mul3A_36 : i32
      "tpu.region"() ({
        %run_scoped3A = tpu.sem_alloc : memref<!tpu.dma_semaphore, #tpu.memory_space<semaphore_mem>>
        %dma_start3A = tpu.memref_slice %arg4[%add3A_37] : memref<320000xi32, #tpu.memory_space<hbm>> -> memref<128xi32, #tpu.memory_space<hbm>>
        %dma_start3A_56 = tpu.memref_slice %arg4[%add3A_37] : memref<320000xi32, #tpu.memory_space<hbm>> -> memref<128xi32, #tpu.memory_space<hbm>>
        tpu.enqueue_dma source(%dma_start3A_56 : memref<128xi32, #tpu.memory_space<hbm>>) target(%arg10 : memref<128xi32, #tpu.memory_space<vmem>>) target_semaphore(%run_scoped3A : memref<!tpu.dma_semaphore, #tpu.memory_space<semaphore_mem>>)
        %dma_wait3A = tpu.memref_slice %arg4[%add3A_37] : memref<320000xi32, #tpu.memory_space<hbm>> -> memref<128xi32, #tpu.memory_space<hbm>>
        %dma_wait3A_57 = tpu.memref_slice %arg4[%add3A_37] : memref<320000xi32, #tpu.memory_space<hbm>> -> memref<128xi32, #tpu.memory_space<hbm>>
        tpu.wait_dma2 semaphore(%run_scoped3A : memref<!tpu.dma_semaphore, #tpu.memory_space<semaphore_mem>>) src(%dma_wait3A_57 : memref<128xi32, #tpu.memory_space<hbm>>) dst(%arg10 : memref<128xi32, #tpu.memory_space<vmem>>)
        tpu.yield
      }) : () -> ()
      "tpu.region"() ({
        %run_scoped3A = tpu.sem_alloc : memref<!tpu.dma_semaphore, #tpu.memory_space<semaphore_mem>>
        %dma_start3A = tpu.memref_slice %arg5[%add3A_37] : memref<320000xi32, #tpu.memory_space<hbm>> -> memref<128xi32, #tpu.memory_space<hbm>>
        %dma_start3A_56 = tpu.memref_slice %arg5[%add3A_37] : memref<320000xi32, #tpu.memory_space<hbm>> -> memref<128xi32, #tpu.memory_space<hbm>>
        tpu.enqueue_dma source(%dma_start3A_56 : memref<128xi32, #tpu.memory_space<hbm>>) target(%arg11 : memref<128xi32, #tpu.memory_space<vmem>>) target_semaphore(%run_scoped3A : memref<!tpu.dma_semaphore, #tpu.memory_space<semaphore_mem>>)
        %dma_wait3A = tpu.memref_slice %arg5[%add3A_37] : memref<320000xi32, #tpu.memory_space<hbm>> -> memref<128xi32, #tpu.memory_space<hbm>>
        %dma_wait3A_57 = tpu.memref_slice %arg5[%add3A_37] : memref<320000xi32, #tpu.memory_space<hbm>> -> memref<128xi32, #tpu.memory_space<hbm>>
        tpu.wait_dma2 semaphore(%run_scoped3A : memref<!tpu.dma_semaphore, #tpu.memory_space<semaphore_mem>>) src(%dma_wait3A_57 : memref<128xi32, #tpu.memory_space<hbm>>) dst(%arg11 : memref<128xi32, #tpu.memory_space<vmem>>)
        tpu.yield
      }) : () -> ()
      "tpu.region"() ({
        %run_scoped3A = tpu.sem_alloc : memref<!tpu.dma_semaphore, #tpu.memory_space<semaphore_mem>>
        %dma_start3A = arith.constant 0 : i32
        %dma_start3A_56 = arith.constant 0 : i32
        %dma_start3A_57 = tpu.memref_slice %arg14[%dma_start3A, %dma_start3A_56] : memref<128x128xf32, #tpu.memory_space<vmem>> -> memref<128x128xf32, #tpu.memory_space<vmem>>
        %dma_start3A_58 = arith.constant 0 : i32
        %dma_start3A_59 = tpu.memref_slice %arg6[%add3A_37, %dma_start3A_58] : memref<320000x128xf32, #tpu.memory_space<hbm>> -> memref<128x128xf32, #tpu.memory_space<hbm>>
        %dma_start3A_60 = arith.constant 0 : i32
        %dma_start3A_61 = arith.constant 0 : i32
        %dma_start3A_62 = tpu.memref_slice %arg14[%dma_start3A_60, %dma_start3A_61] : memref<128x128xf32, #tpu.memory_space<vmem>> -> memref<128x128xf32, #tpu.memory_space<vmem>>
        %dma_start3A_63 = arith.constant 0 : i32
        %dma_start3A_64 = tpu.memref_slice %arg6[%add3A_37, %dma_start3A_63] : memref<320000x128xf32, #tpu.memory_space<hbm>> -> memref<128x128xf32, #tpu.memory_space<hbm>>
        tpu.enqueue_dma source(%dma_start3A_64 : memref<128x128xf32, #tpu.memory_space<hbm>>) target(%dma_start3A_62 : memref<128x128xf32, #tpu.memory_space<vmem>>) target_semaphore(%run_scoped3A : memref<!tpu.dma_semaphore, #tpu.memory_space<semaphore_mem>>)
        %dma_wait3A = arith.constant 0 : i32
        %dma_wait3A_65 = arith.constant 0 : i32
        %dma_wait3A_66 = tpu.memref_slice %arg14[%dma_wait3A, %dma_wait3A_65] : memref<128x128xf32, #tpu.memory_space<vmem>> -> memref<128x128xf32, #tpu.memory_space<vmem>>
        %dma_wait3A_67 = arith.constant 0 : i32
        %dma_wait3A_68 = tpu.memref_slice %arg6[%add3A_37, %dma_wait3A_67] : memref<320000x128xf32, #tpu.memory_space<hbm>> -> memref<128x128xf32, #tpu.memory_space<hbm>>
        %dma_wait3A_69 = arith.constant 0 : i32
        %dma_wait3A_70 = arith.constant 0 : i32
        %dma_wait3A_71 = tpu.memref_slice %arg14[%dma_wait3A_69, %dma_wait3A_70] : memref<128x128xf32, #tpu.memory_space<vmem>> -> memref<128x128xf32, #tpu.memory_space<vmem>>
        %dma_wait3A_72 = arith.constant 0 : i32
        %dma_wait3A_73 = tpu.memref_slice %arg6[%add3A_37, %dma_wait3A_72] : memref<320000x128xf32, #tpu.memory_space<hbm>> -> memref<128x128xf32, #tpu.memory_space<hbm>>
        tpu.wait_dma2 semaphore(%run_scoped3A : memref<!tpu.dma_semaphore, #tpu.memory_space<semaphore_mem>>) src(%dma_wait3A_73 : memref<128x128xf32, #tpu.memory_space<hbm>>) dst(%dma_wait3A_71 : memref<128x128xf32, #tpu.memory_space<vmem>>)
        tpu.yield
      }) : () -> ()
      "tpu.region"() ({
        %run_scoped3A = tpu.sem_alloc : memref<!tpu.dma_semaphore, #tpu.memory_space<semaphore_mem>>
        %dma_start3A = arith.constant 0 : i32
        %dma_start3A_56 = arith.constant 0 : i32
        %dma_start3A_57 = tpu.memref_slice %arg14[%dma_start3A, %dma_start3A_56] : memref<128x128xf32, #tpu.memory_space<vmem>> -> memref<128x128xf32, #tpu.memory_space<vmem>>
        %dma_start3A_58 = arith.constant 0 : i32
        %dma_start3A_59 = arith.constant 0 : i32
        %dma_start3A_60 = tpu.memref_slice %arg2[%dma_start3A_58, %dma_start3A_59] : memref<10000x128xf32, #tpu.memory_space<hbm>> -> memref<10000x128xf32, #tpu.memory_space<hbm>>
        tpu.enqueue_indirect_dma source(%dma_start3A_60 : memref<10000x128xf32, #tpu.memory_space<hbm>>) target(%dma_start3A_57 : memref<128x128xf32, #tpu.memory_space<vmem>>) offsets(%arg10 : memref<128xi32, #tpu.memory_space<vmem>>) semaphore(%run_scoped3A : memref<!tpu.dma_semaphore, #tpu.memory_space<semaphore_mem>>) {add = true}
        %dma_wait3A = arith.constant 0 : i32
        %dma_wait3A_61 = arith.constant 0 : i32
        %dma_wait3A_62 = tpu.memref_slice %arg14[%dma_wait3A, %dma_wait3A_61] : memref<128x128xf32, #tpu.memory_space<vmem>> -> memref<128x128xf32, #tpu.memory_space<vmem>>
        %dma_wait3A_63 = arith.constant 0 : i32
        %dma_wait3A_64 = arith.constant 0 : i32
        %dma_wait3A_65 = tpu.memref_slice %arg2[%dma_wait3A_63, %dma_wait3A_64] : memref<10000x128xf32, #tpu.memory_space<hbm>> -> memref<10000x128xf32, #tpu.memory_space<hbm>>
        tpu.wait_indirect_dma semaphore(%run_scoped3A : memref<!tpu.dma_semaphore, #tpu.memory_space<semaphore_mem>>) src(%dma_wait3A_65 : memref<10000x128xf32, #tpu.memory_space<hbm>>) dst(%dma_wait3A_62 : memref<128x128xf32, #tpu.memory_space<vmem>>)
        tpu.yield
      }) : () -> ()
      "tpu.region"() ({
        %run_scoped3A = tpu.sem_alloc : memref<!tpu.dma_semaphore, #tpu.memory_space<semaphore_mem>>
        %dma_start3A = arith.constant 0 : i32
        %dma_start3A_56 = arith.constant 0 : i32
        %dma_start3A_57 = tpu.memref_slice %arg14[%dma_start3A, %dma_start3A_56] : memref<128x128xf32, #tpu.memory_space<vmem>> -> memref<128x128xf32, #tpu.memory_space<vmem>>
        %dma_start3A_58 = arith.constant 0 : i32
        %dma_start3A_59 = arith.constant 0 : i32
        %dma_start3A_60 = tpu.memref_slice %arg3[%dma_start3A_58, %dma_start3A_59] : memref<10000x128xf32, #tpu.memory_space<hbm>> -> memref<10000x128xf32, #tpu.memory_space<hbm>>
        tpu.enqueue_indirect_dma source(%dma_start3A_60 : memref<10000x128xf32, #tpu.memory_space<hbm>>) target(%dma_start3A_57 : memref<128x128xf32, #tpu.memory_space<vmem>>) offsets(%arg11 : memref<128xi32, #tpu.memory_space<vmem>>) semaphore(%run_scoped3A : memref<!tpu.dma_semaphore, #tpu.memory_space<semaphore_mem>>) {add = true}
        %dma_wait3A = arith.constant 0 : i32
        %dma_wait3A_61 = arith.constant 0 : i32
        %dma_wait3A_62 = tpu.memref_slice %arg14[%dma_wait3A, %dma_wait3A_61] : memref<128x128xf32, #tpu.memory_space<vmem>> -> memref<128x128xf32, #tpu.memory_space<vmem>>
        %dma_wait3A_63 = arith.constant 0 : i32
        %dma_wait3A_64 = arith.constant 0 : i32
        %dma_wait3A_65 = tpu.memref_slice %arg3[%dma_wait3A_63, %dma_wait3A_64] : memref<10000x128xf32, #tpu.memory_space<hbm>> -> memref<10000x128xf32, #tpu.memory_space<hbm>>
        tpu.wait_indirect_dma semaphore(%run_scoped3A : memref<!tpu.dma_semaphore, #tpu.memory_space<semaphore_mem>>) src(%dma_wait3A_65 : memref<10000x128xf32, #tpu.memory_space<hbm>>) dst(%dma_wait3A_62 : memref<128x128xf32, #tpu.memory_space<vmem>>)
        tpu.yield
      }) : () -> ()
      %scan3A_38 = arith.constant 0 : i32
      %scan3A_39 = arith.constant 0 : i32
      %scan3A_40 = arith.constant 128 : i32
      %scan3A_41 = arith.addi %scan3A_39, %scan3A_40 : i32
      %scan3A_42 = arith.constant 1 : i32
      %scan3A_43 = scf.for %scan3A_56 = %scan3A_39 to %scan3A_41 step %scan3A_42 iter_args(%scan3A_57 = %scan3A_38) -> (i32)  : i32 {
        %get3A = arith.index_cast %scan3A_56 : i32 to index
        %get3A_58 = arith.constant 0 : index
        %get3A_59 = tpu.vector_load %arg14[%get3A, %get3A_58] {strides = array<i32>} : memref<128x128xf32, #tpu.memory_space<vmem>>, vector<1x16xf32>,
        %get3A_60 = vector.shape_cast %get3A_59 : vector<1x16xf32> to vector<16xf32>
        %max3A = arith.constant 0.000000e+00 : f32
        %max3A_61 = vector.broadcast %max3A : f32 to vector<16xf32>
        %max3A_62 = arith.maximumf %get3A_60, %max3A_61 : vector<16xf32>
        %swap3A = arith.index_cast %scan3A_56 : i32 to index
        %swap3A_63 = arith.constant 0 : index
        %swap3A_64 = tpu.vector_load %arg14[%swap3A, %swap3A_63] {strides = array<i32>} : memref<128x128xf32, #tpu.memory_space<vmem>>, vector<1x16xf32>,
        %swap3A_65 = vector.shape_cast %swap3A_64 : vector<1x16xf32> to vector<16xf32>
        %swap3A_66 = vector.shape_cast %max3A_62 : vector<16xf32> to vector<1x16xf32>
        tpu.vector_store %arg14[%swap3A, %swap3A_63], %swap3A_66 {strides = array<i32>} : memref<128x128xf32, #tpu.memory_space<vmem>>, vector<1x16xf32>,
        %get3A_67 = arith.index_cast %scan3A_56 : i32 to index
        %get3A_68 = arith.constant 16 : index
        %get3A_69 = tpu.vector_load %arg14[%get3A_67, %get3A_68] {strides = array<i32>} : memref<128x128xf32, #tpu.memory_space<vmem>>, vector<1x16xf32>,
        %get3A_70 = vector.shape_cast %get3A_69 : vector<1x16xf32> to vector<16xf32>
        %max3A_71 = arith.constant 0.000000e+00 : f32
        %max3A_72 = vector.broadcast %max3A_71 : f32 to vector<16xf32>
        %max3A_73 = arith.maximumf %get3A_70, %max3A_72 : vector<16xf32>
        %swap3A_74 = arith.index_cast %scan3A_56 : i32 to index
        %swap3A_75 = arith.constant 16 : index
        %swap3A_76 = tpu.vector_load %arg14[%swap3A_74, %swap3A_75] {strides = array<i32>} : memref<128x128xf32, #tpu.memory_space<vmem>>, vector<1x16xf32>,
        %swap3A_77 = vector.shape_cast %swap3A_76 : vector<1x16xf32> to vector<16xf32>
        %swap3A_78 = vector.shape_cast %max3A_73 : vector<16xf32> to vector<1x16xf32>
        tpu.vector_store %arg14[%swap3A_74, %swap3A_75], %swap3A_78 {strides = array<i32>} : memref<128x128xf32, #tpu.memory_space<vmem>>, vector<1x16xf32>,
        %get3A_79 = arith.index_cast %scan3A_56 : i32 to index
        %get3A_80 = arith.constant 32 : index
        %get3A_81 = tpu.vector_load %arg14[%get3A_79, %get3A_80] {strides = array<i32>} : memref<128x128xf32, #tpu.memory_space<vmem>>, vector<1x16xf32>,
        %get3A_82 = vector.shape_cast %get3A_81 : vector<1x16xf32> to vector<16xf32>
        %max3A_83 = arith.constant 0.000000e+00 : f32
        %max3A_84 = vector.broadcast %max3A_83 : f32 to vector<16xf32>
        %max3A_85 = arith.maximumf %get3A_82, %max3A_84 : vector<16xf32>
        %swap3A_86 = arith.index_cast %scan3A_56 : i32 to index
        %swap3A_87 = arith.constant 32 : index
        %swap3A_88 = tpu.vector_load %arg14[%swap3A_86, %swap3A_87] {strides = array<i32>} : memref<128x128xf32, #tpu.memory_space<vmem>>, vector<1x16xf32>,
        %swap3A_89 = vector.shape_cast %swap3A_88 : vector<1x16xf32> to vector<16xf32>
        %swap3A_90 = vector.shape_cast %max3A_85 : vector<16xf32> to vector<1x16xf32>
        tpu.vector_store %arg14[%swap3A_86, %swap3A_87], %swap3A_90 {strides = array<i32>} : memref<128x128xf32, #tpu.memory_space<vmem>>, vector<1x16xf32>,
        %get3A_91 = arith.index_cast %scan3A_56 : i32 to index
        %get3A_92 = arith.constant 48 : index
        %get3A_93 = tpu.vector_load %arg14[%get3A_91, %get3A_92] {strides = array<i32>} : memref<128x128xf32, #tpu.memory_space<vmem>>, vector<1x16xf32>,
        %get3A_94 = vector.shape_cast %get3A_93 : vector<1x16xf32> to vector<16xf32>
        %max3A_95 = arith.constant 0.000000e+00 : f32
        %max3A_96 = vector.broadcast %max3A_95 : f32 to vector<16xf32>
        %max3A_97 = arith.maximumf %get3A_94, %max3A_96 : vector<16xf32>
        %swap3A_98 = arith.index_cast %scan3A_56 : i32 to index
        %swap3A_99 = arith.constant 48 : index
        %swap3A_100 = tpu.vector_load %arg14[%swap3A_98, %swap3A_99] {strides = array<i32>} : memref<128x128xf32, #tpu.memory_space<vmem>>, vector<1x16xf32>,
        %swap3A_101 = vector.shape_cast %swap3A_100 : vector<1x16xf32> to vector<16xf32>
        %swap3A_102 = vector.shape_cast %max3A_97 : vector<16xf32> to vector<1x16xf32>
        tpu.vector_store %arg14[%swap3A_98, %swap3A_99], %swap3A_102 {strides = array<i32>} : memref<128x128xf32, #tpu.memory_space<vmem>>, vector<1x16xf32>,
        %get3A_103 = arith.index_cast %scan3A_56 : i32 to index
        %get3A_104 = arith.constant 64 : index
        %get3A_105 = tpu.vector_load %arg14[%get3A_103, %get3A_104] {strides = array<i32>} : memref<128x128xf32, #tpu.memory_space<vmem>>, vector<1x16xf32>,
        %get3A_106 = vector.shape_cast %get3A_105 : vector<1x16xf32> to vector<16xf32>
        %max3A_107 = arith.constant 0.000000e+00 : f32
        %max3A_108 = vector.broadcast %max3A_107 : f32 to vector<16xf32>
        %max3A_109 = arith.maximumf %get3A_106, %max3A_108 : vector<16xf32>
        %swap3A_110 = arith.index_cast %scan3A_56 : i32 to index
        %swap3A_111 = arith.constant 64 : index
        %swap3A_112 = tpu.vector_load %arg14[%swap3A_110, %swap3A_111] {strides = array<i32>} : memref<128x128xf32, #tpu.memory_space<vmem>>, vector<1x16xf32>,
        %swap3A_113 = vector.shape_cast %swap3A_112 : vector<1x16xf32> to vector<16xf32>
        %swap3A_114 = vector.shape_cast %max3A_109 : vector<16xf32> to vector<1x16xf32>
        tpu.vector_store %arg14[%swap3A_110, %swap3A_111], %swap3A_114 {strides = array<i32>} : memref<128x128xf32, #tpu.memory_space<vmem>>, vector<1x16xf32>,
        %get3A_115 = arith.index_cast %scan3A_56 : i32 to index
        %get3A_116 = arith.constant 80 : index
        %get3A_117 = tpu.vector_load %arg14[%get3A_115, %get3A_116] {strides = array<i32>} : memref<128x128xf32, #tpu.memory_space<vmem>>, vector<1x16xf32>,
        %get3A_118 = vector.shape_cast %get3A_117 : vector<1x16xf32> to vector<16xf32>
        %max3A_119 = arith.constant 0.000000e+00 : f32
        %max3A_120 = vector.broadcast %max3A_119 : f32 to vector<16xf32>
        %max3A_121 = arith.maximumf %get3A_118, %max3A_120 : vector<16xf32>
        %swap3A_122 = arith.index_cast %scan3A_56 : i32 to index
        %swap3A_123 = arith.constant 80 : index
        %swap3A_124 = tpu.vector_load %arg14[%swap3A_122, %swap3A_123] {strides = array<i32>} : memref<128x128xf32, #tpu.memory_space<vmem>>, vector<1x16xf32>,
        %swap3A_125 = vector.shape_cast %swap3A_124 : vector<1x16xf32> to vector<16xf32>
        %swap3A_126 = vector.shape_cast %max3A_121 : vector<16xf32> to vector<1x16xf32>
        tpu.vector_store %arg14[%swap3A_122, %swap3A_123], %swap3A_126 {strides = array<i32>} : memref<128x128xf32, #tpu.memory_space<vmem>>, vector<1x16xf32>,
        %get3A_127 = arith.index_cast %scan3A_56 : i32 to index
        %get3A_128 = arith.constant 96 : index
        %get3A_129 = tpu.vector_load %arg14[%get3A_127, %get3A_128] {strides = array<i32>} : memref<128x128xf32, #tpu.memory_space<vmem>>, vector<1x16xf32>,
        %get3A_130 = vector.shape_cast %get3A_129 : vector<1x16xf32> to vector<16xf32>
        %max3A_131 = arith.constant 0.000000e+00 : f32
        %max3A_132 = vector.broadcast %max3A_131 : f32 to vector<16xf32>
        %max3A_133 = arith.maximumf %get3A_130, %max3A_132 : vector<16xf32>
        %swap3A_134 = arith.index_cast %scan3A_56 : i32 to index
        %swap3A_135 = arith.constant 96 : index
        %swap3A_136 = tpu.vector_load %arg14[%swap3A_134, %swap3A_135] {strides = array<i32>} : memref<128x128xf32, #tpu.memory_space<vmem>>, vector<1x16xf32>,
        %swap3A_137 = vector.shape_cast %swap3A_136 : vector<1x16xf32> to vector<16xf32>
        %swap3A_138 = vector.shape_cast %max3A_133 : vector<16xf32> to vector<1x16xf32>
        tpu.vector_store %arg14[%swap3A_134, %swap3A_135], %swap3A_138 {strides = array<i32>} : memref<128x128xf32, #tpu.memory_space<vmem>>, vector<1x16xf32>,
        %get3A_139 = arith.index_cast %scan3A_56 : i32 to index
        %get3A_140 = arith.constant 112 : index
        %get3A_141 = tpu.vector_load %arg14[%get3A_139, %get3A_140] {strides = array<i32>} : memref<128x128xf32, #tpu.memory_space<vmem>>, vector<1x16xf32>,
        %get3A_142 = vector.shape_cast %get3A_141 : vector<1x16xf32> to vector<16xf32>
        %max3A_143 = arith.constant 0.000000e+00 : f32
        %max3A_144 = vector.broadcast %max3A_143 : f32 to vector<16xf32>
        %max3A_145 = arith.maximumf %get3A_142, %max3A_144 : vector<16xf32>
        %swap3A_146 = arith.index_cast %scan3A_56 : i32 to index
        %swap3A_147 = arith.constant 112 : index
        %swap3A_148 = tpu.vector_load %arg14[%swap3A_146, %swap3A_147] {strides = array<i32>} : memref<128x128xf32, #tpu.memory_space<vmem>>, vector<1x16xf32>,
        %swap3A_149 = vector.shape_cast %swap3A_148 : vector<1x16xf32> to vector<16xf32>
        %swap3A_150 = vector.shape_cast %max3A_145 : vector<16xf32> to vector<1x16xf32>
        tpu.vector_store %arg14[%swap3A_146, %swap3A_147], %swap3A_150 {strides = array<i32>} : memref<128x128xf32, #tpu.memory_space<vmem>>, vector<1x16xf32>,
        %scan3A_151 = arith.constant 0 : i32
        scf.yield %scan3A_151 : i32
      }
      %scan3A_44 = arith.constant 128 : i32
      %eq3A_45 = arith.constant 0 : i32
      %eq3A_46 = arith.cmpi eq, %arg0, %eq3A_45 : i32
      %convert_element_type3A_47 = arith.extui %eq3A_46 : i1 to i32
      %cond3A_48 = arith.constant 0 : i32
      %cond3A_49 = arith.cmpi ne, %convert_element_type3A_47, %cond3A_48 : i32
      scf.if %cond3A_49 {
        "tpu.region"() ({
          %run_scoped3A = tpu.sem_alloc : memref<!tpu.dma_semaphore, #tpu.memory_space<semaphore_mem>>
          %dma_start3A = arith.constant 0 : i32
          %dma_start3A_56 = arith.constant 0 : i32
          %dma_start3A_57 = tpu.memref_slice %arg14[%dma_start3A, %dma_start3A_56] : memref<128x128xf32, #tpu.memory_space<vmem>> -> memref<128x128xf32, #tpu.memory_space<vmem>>
          %dma_start3A_58 = arith.constant 0 : i32
          %dma_start3A_59 = arith.constant 0 : i32
          %dma_start3A_60 = tpu.memref_slice %arg9[%dma_start3A_58, %dma_start3A_59] : memref<10112x128xf32, #tpu.memory_space<vmem_shared>> -> memref<10112x128xf32, #tpu.memory_space<vmem_shared>>
          tpu.enqueue_indirect_dma source(%dma_start3A_57 : memref<128x128xf32, #tpu.memory_space<vmem>>) target(%dma_start3A_60 : memref<10112x128xf32, #tpu.memory_space<vmem_shared>>) offsets(%arg10 : memref<128xi32, #tpu.memory_space<vmem>>) semaphore(%run_scoped3A : memref<!tpu.dma_semaphore, #tpu.memory_space<semaphore_mem>>) {add = true}
          %dma_wait3A = arith.constant 0 : i32
          %dma_wait3A_61 = arith.constant 0 : i32
          %dma_wait3A_62 = tpu.memref_slice %arg14[%dma_wait3A, %dma_wait3A_61] : memref<128x128xf32, #tpu.memory_space<vmem>> -> memref<128x128xf32, #tpu.memory_space<vmem>>
          %dma_wait3A_63 = arith.constant 0 : i32
          %dma_wait3A_64 = arith.constant 0 : i32
          %dma_wait3A_65 = tpu.memref_slice %arg9[%dma_wait3A_63, %dma_wait3A_64] : memref<10112x128xf32, #tpu.memory_space<vmem_shared>> -> memref<10112x128xf32, #tpu.memory_space<vmem_shared>>
          tpu.wait_indirect_dma semaphore(%run_scoped3A : memref<!tpu.dma_semaphore, #tpu.memory_space<semaphore_mem>>) src(%dma_wait3A_62 : memref<128x128xf32, #tpu.memory_space<vmem>>) dst(%dma_wait3A_65 : memref<10112x128xf32, #tpu.memory_space<vmem_shared>>)
          tpu.yield
        }) : () -> ()
      } else {
      }
      %eq3A_50 = arith.constant 1 : i32
      %eq3A_51 = arith.cmpi eq, %arg0, %eq3A_50 : i32
      %convert_element_type3A_52 = arith.extui %eq3A_51 : i1 to i32
      %cond3A_53 = arith.constant 0 : i32
      %cond3A_54 = arith.cmpi ne, %convert_element_type3A_52, %cond3A_53 : i32
      scf.if %cond3A_54 {
        "tpu.region"() ({
          %run_scoped3A = tpu.sem_alloc : memref<!tpu.dma_semaphore, #tpu.memory_space<semaphore_mem>>
          %dma_start3A = arith.constant 0 : i32
          %dma_start3A_56 = arith.constant 0 : i32
          %dma_start3A_57 = tpu.memref_slice %arg14[%dma_start3A, %dma_start3A_56] : memref<128x128xf32, #tpu.memory_space<vmem>> -> memref<128x128xf32, #tpu.memory_space<vmem>>
          %dma_start3A_58 = arith.constant 0 : i32
          %dma_start3A_59 = arith.constant 0 : i32
          %dma_start3A_60 = tpu.memref_slice %arg9[%dma_start3A_58, %dma_start3A_59] : memref<10112x128xf32, #tpu.memory_space<vmem_shared>> -> memref<10112x128xf32, #tpu.memory_space<vmem_shared>>
          tpu.enqueue_indirect_dma source(%dma_start3A_57 : memref<128x128xf32, #tpu.memory_space<vmem>>) target(%dma_start3A_60 : memref<10112x128xf32, #tpu.memory_space<vmem_shared>>) offsets(%arg11 : memref<128xi32, #tpu.memory_space<vmem>>) semaphore(%run_scoped3A : memref<!tpu.dma_semaphore, #tpu.memory_space<semaphore_mem>>) {add = true}
          %dma_wait3A = arith.constant 0 : i32
          %dma_wait3A_61 = arith.constant 0 : i32
          %dma_wait3A_62 = tpu.memref_slice %arg14[%dma_wait3A, %dma_wait3A_61] : memref<128x128xf32, #tpu.memory_space<vmem>> -> memref<128x128xf32, #tpu.memory_space<vmem>>
          %dma_wait3A_63 = arith.constant 0 : i32
          %dma_wait3A_64 = arith.constant 0 : i32
          %dma_wait3A_65 = tpu.memref_slice %arg9[%dma_wait3A_63, %dma_wait3A_64] : memref<10112x128xf32, #tpu.memory_space<vmem_shared>> -> memref<10112x128xf32, #tpu.memory_space<vmem_shared>>
          tpu.wait_indirect_dma semaphore(%run_scoped3A : memref<!tpu.dma_semaphore, #tpu.memory_space<semaphore_mem>>) src(%dma_wait3A_62 : memref<128x128xf32, #tpu.memory_space<vmem>>) dst(%dma_wait3A_65 : memref<10112x128xf32, #tpu.memory_space<vmem_shared>>)
          tpu.yield
        }) : () -> ()
      } else {
      }
      %scan3A_55 = arith.constant 0 : i32
      scf.yield %scan3A_55 : i32
    }
    %scan3A_6 = arith.constant 156 : i32
    %mul3A_7 = arith.constant 20000 : i32
    %mul3A_8 = arith.muli %arg1, %mul3A_7 : i32
    %add3A = arith.constant 19968 : i32
    %add3A_9 = arith.addi %mul3A_8, %add3A : i32
    %eq3A = arith.constant 1 : i32
    %eq3A_10 = arith.cmpi eq, %arg0, %eq3A : i32
    "tpu.region"() ({
      %run_scoped3A = tpu.sem_alloc : memref<!tpu.dma_semaphore, #tpu.memory_space<semaphore_mem>>
      %dma_start3A = tpu.memref_slice %arg4[%add3A_9] : memref<320000xi32, #tpu.memory_space<hbm>> -> memref<32xi32, #tpu.memory_space<hbm>>
      %dma_start3A_27 = tpu.memref_slice %arg4[%add3A_9] : memref<320000xi32, #tpu.memory_space<hbm>> -> memref<32xi32, #tpu.memory_space<hbm>>
      tpu.enqueue_dma source(%dma_start3A_27 : memref<32xi32, #tpu.memory_space<hbm>>) target(%arg12 : memref<32xi32, #tpu.memory_space<vmem>>) target_semaphore(%run_scoped3A : memref<!tpu.dma_semaphore, #tpu.memory_space<semaphore_mem>>)
      %dma_wait3A = tpu.memref_slice %arg4[%add3A_9] : memref<320000xi32, #tpu.memory_space<hbm>> -> memref<32xi32, #tpu.memory_space<hbm>>
      %dma_wait3A_28 = tpu.memref_slice %arg4[%add3A_9] : memref<320000xi32, #tpu.memory_space<hbm>> -> memref<32xi32, #tpu.memory_space<hbm>>
      tpu.wait_dma2 semaphore(%run_scoped3A : memref<!tpu.dma_semaphore, #tpu.memory_space<semaphore_mem>>) src(%dma_wait3A_28 : memref<32xi32, #tpu.memory_space<hbm>>) dst(%arg12 : memref<32xi32, #tpu.memory_space<vmem>>)
      tpu.yield
    }) : () -> ()
    "tpu.region"() ({
      %run_scoped3A = tpu.sem_alloc : memref<!tpu.dma_semaphore, #tpu.memory_space<semaphore_mem>>
      %dma_start3A = tpu.memref_slice %arg5[%add3A_9] : memref<320000xi32, #tpu.memory_space<hbm>> -> memref<32xi32, #tpu.memory_space<hbm>>
      %dma_start3A_27 = tpu.memref_slice %arg5[%add3A_9] : memref<320000xi32, #tpu.memory_space<hbm>> -> memref<32xi32, #tpu.memory_space<hbm>>
      tpu.enqueue_dma source(%dma_start3A_27 : memref<32xi32, #tpu.memory_space<hbm>>) target(%arg13 : memref<32xi32, #tpu.memory_space<vmem>>) target_semaphore(%run_scoped3A : memref<!tpu.dma_semaphore, #tpu.memory_space<semaphore_mem>>)
      %dma_wait3A = tpu.memref_slice %arg5[%add3A_9] : memref<320000xi32, #tpu.memory_space<hbm>> -> memref<32xi32, #tpu.memory_space<hbm>>
      %dma_wait3A_28 = tpu.memref_slice %arg5[%add3A_9] : memref<320000xi32, #tpu.memory_space<hbm>> -> memref<32xi32, #tpu.memory_space<hbm>>
      tpu.wait_dma2 semaphore(%run_scoped3A : memref<!tpu.dma_semaphore, #tpu.memory_space<semaphore_mem>>) src(%dma_wait3A_28 : memref<32xi32, #tpu.memory_space<hbm>>) dst(%arg13 : memref<32xi32, #tpu.memory_space<vmem>>)
      tpu.yield
    }) : () -> ()
    "tpu.region"() ({
      %run_scoped3A = tpu.sem_alloc : memref<!tpu.dma_semaphore, #tpu.memory_space<semaphore_mem>>
      %dma_start3A = arith.constant 0 : i32
      %dma_start3A_27 = arith.constant 0 : i32
      %dma_start3A_28 = tpu.memref_slice %arg14[%dma_start3A, %dma_start3A_27] : memref<128x128xf32, #tpu.memory_space<vmem>> -> memref<32x128xf32, #tpu.memory_space<vmem>>
      %dma_start3A_29 = arith.constant 0 : i32
      %dma_start3A_30 = tpu.memref_slice %arg6[%add3A_9, %dma_start3A_29] : memref<320000x128xf32, #tpu.memory_space<hbm>> -> memref<32x128xf32, #tpu.memory_space<hbm>>
      %dma_start3A_31 = arith.constant 0 : i32
      %dma_start3A_32 = arith.constant 0 : i32
      %dma_start3A_33 = tpu.memref_slice %arg14[%dma_start3A_31, %dma_start3A_32] : memref<128x128xf32, #tpu.memory_space<vmem>> -> memref<32x128xf32, #tpu.memory_space<vmem>>
      %dma_start3A_34 = arith.constant 0 : i32
      %dma_start3A_35 = tpu.memref_slice %arg6[%add3A_9, %dma_start3A_34] : memref<320000x128xf32, #tpu.memory_space<hbm>> -> memref<32x128xf32, #tpu.memory_space<hbm>>
      tpu.enqueue_dma source(%dma_start3A_35 : memref<32x128xf32, #tpu.memory_space<hbm>>) target(%dma_start3A_33 : memref<32x128xf32, #tpu.memory_space<vmem>>) target_semaphore(%run_scoped3A : memref<!tpu.dma_semaphore, #tpu.memory_space<semaphore_mem>>)
      %dma_wait3A = arith.constant 0 : i32
      %dma_wait3A_36 = arith.constant 0 : i32
      %dma_wait3A_37 = tpu.memref_slice %arg14[%dma_wait3A, %dma_wait3A_36] : memref<128x128xf32, #tpu.memory_space<vmem>> -> memref<32x128xf32, #tpu.memory_space<vmem>>
      %dma_wait3A_38 = arith.constant 0 : i32
      %dma_wait3A_39 = tpu.memref_slice %arg6[%add3A_9, %dma_wait3A_38] : memref<320000x128xf32, #tpu.memory_space<hbm>> -> memref<32x128xf32, #tpu.memory_space<hbm>>
      %dma_wait3A_40 = arith.constant 0 : i32
      %dma_wait3A_41 = arith.constant 0 : i32
      %dma_wait3A_42 = tpu.memref_slice %arg14[%dma_wait3A_40, %dma_wait3A_41] : memref<128x128xf32, #tpu.memory_space<vmem>> -> memref<32x128xf32, #tpu.memory_space<vmem>>
      %dma_wait3A_43 = arith.constant 0 : i32
      %dma_wait3A_44 = tpu.memref_slice %arg6[%add3A_9, %dma_wait3A_43] : memref<320000x128xf32, #tpu.memory_space<hbm>> -> memref<32x128xf32, #tpu.memory_space<hbm>>
      tpu.wait_dma2 semaphore(%run_scoped3A : memref<!tpu.dma_semaphore, #tpu.memory_space<semaphore_mem>>) src(%dma_wait3A_44 : memref<32x128xf32, #tpu.memory_space<hbm>>) dst(%dma_wait3A_42 : memref<32x128xf32, #tpu.memory_space<vmem>>)
      tpu.yield
    }) : () -> ()
    "tpu.region"() ({
      %run_scoped3A = tpu.sem_alloc : memref<!tpu.dma_semaphore, #tpu.memory_space<semaphore_mem>>
      %dma_start3A = arith.constant 0 : i32
      %dma_start3A_27 = arith.constant 0 : i32
      %dma_start3A_28 = tpu.memref_slice %arg14[%dma_start3A, %dma_start3A_27] : memref<128x128xf32, #tpu.memory_space<vmem>> -> memref<32x128xf32, #tpu.memory_space<vmem>>
      %dma_start3A_29 = arith.constant 0 : i32
      %dma_start3A_30 = arith.constant 0 : i32
      %dma_start3A_31 = tpu.memref_slice %arg2[%dma_start3A_29, %dma_start3A_30] : memref<10000x128xf32, #tpu.memory_space<hbm>> -> memref<10000x128xf32, #tpu.memory_space<hbm>>
      tpu.enqueue_indirect_dma source(%dma_start3A_31 : memref<10000x128xf32, #tpu.memory_space<hbm>>) target(%dma_start3A_28 : memref<32x128xf32, #tpu.memory_space<vmem>>) offsets(%arg12 : memref<32xi32, #tpu.memory_space<vmem>>) semaphore(%run_scoped3A : memref<!tpu.dma_semaphore, #tpu.memory_space<semaphore_mem>>) {add = true}
      %dma_wait3A = arith.constant 0 : i32
      %dma_wait3A_32 = arith.constant 0 : i32
      %dma_wait3A_33 = tpu.memref_slice %arg14[%dma_wait3A, %dma_wait3A_32] : memref<128x128xf32, #tpu.memory_space<vmem>> -> memref<32x128xf32, #tpu.memory_space<vmem>>
      %dma_wait3A_34 = arith.constant 0 : i32
      %dma_wait3A_35 = arith.constant 0 : i32
      %dma_wait3A_36 = tpu.memref_slice %arg2[%dma_wait3A_34, %dma_wait3A_35] : memref<10000x128xf32, #tpu.memory_space<hbm>> -> memref<10000x128xf32, #tpu.memory_space<hbm>>
      tpu.wait_indirect_dma semaphore(%run_scoped3A : memref<!tpu.dma_semaphore, #tpu.memory_space<semaphore_mem>>) src(%dma_wait3A_36 : memref<10000x128xf32, #tpu.memory_space<hbm>>) dst(%dma_wait3A_33 : memref<32x128xf32, #tpu.memory_space<vmem>>)
      tpu.yield
    }) : () -> ()
    "tpu.region"() ({
      %run_scoped3A = tpu.sem_alloc : memref<!tpu.dma_semaphore, #tpu.memory_space<semaphore_mem>>
      %dma_start3A = arith.constant 0 : i32
      %dma_start3A_27 = arith.constant 0 : i32
      %dma_start3A_28 = tpu.memref_slice %arg14[%dma_start3A, %dma_start3A_27] : memref<128x128xf32, #tpu.memory_space<vmem>> -> memref<32x128xf32, #tpu.memory_space<vmem>>
      %dma_start3A_29 = arith.constant 0 : i32
      %dma_start3A_30 = arith.constant 0 : i32
      %dma_start3A_31 = tpu.memref_slice %arg3[%dma_start3A_29, %dma_start3A_30] : memref<10000x128xf32, #tpu.memory_space<hbm>> -> memref<10000x128xf32, #tpu.memory_space<hbm>>
      tpu.enqueue_indirect_dma source(%dma_start3A_31 : memref<10000x128xf32, #tpu.memory_space<hbm>>) target(%dma_start3A_28 : memref<32x128xf32, #tpu.memory_space<vmem>>) offsets(%arg13 : memref<32xi32, #tpu.memory_space<vmem>>) semaphore(%run_scoped3A : memref<!tpu.dma_semaphore, #tpu.memory_space<semaphore_mem>>) {add = true}
      %dma_wait3A = arith.constant 0 : i32
      %dma_wait3A_32 = arith.constant 0 : i32
      %dma_wait3A_33 = tpu.memref_slice %arg14[%dma_wait3A, %dma_wait3A_32] : memref<128x128xf32, #tpu.memory_space<vmem>> -> memref<32x128xf32, #tpu.memory_space<vmem>>
      %dma_wait3A_34 = arith.constant 0 : i32
      %dma_wait3A_35 = arith.constant 0 : i32
      %dma_wait3A_36 = tpu.memref_slice %arg3[%dma_wait3A_34, %dma_wait3A_35] : memref<10000x128xf32, #tpu.memory_space<hbm>> -> memref<10000x128xf32, #tpu.memory_space<hbm>>
      tpu.wait_indirect_dma semaphore(%run_scoped3A : memref<!tpu.dma_semaphore, #tpu.memory_space<semaphore_mem>>) src(%dma_wait3A_36 : memref<10000x128xf32, #tpu.memory_space<hbm>>) dst(%dma_wait3A_33 : memref<32x128xf32, #tpu.memory_space<vmem>>)
      tpu.yield
    }) : () -> ()
    %scan3A_11 = arith.constant 0 : i32
    %scan3A_12 = arith.constant 0 : i32
    %scan3A_13 = arith.constant 32 : i32
    %scan3A_14 = arith.addi %scan3A_12, %scan3A_13 : i32
    %scan3A_15 = arith.constant 1 : i32
    %scan3A_16 = scf.for %scan3A_27 = %scan3A_12 to %scan3A_14 step %scan3A_15 iter_args(%scan3A_28 = %scan3A_11) -> (i32)  : i32 {
      %get3A = arith.index_cast %scan3A_27 : i32 to index
      %get3A_29 = arith.constant 0 : index
      %get3A_30 = tpu.vector_load %arg14[%get3A, %get3A_29] {strides = array<i32>} : memref<128x128xf32, #tpu.memory_space<vmem>>, vector<1x16xf32>,
      %get3A_31 = vector.shape_cast %get3A_30 : vector<1x16xf32> to vector<16xf32>
      %max3A = arith.constant 0.000000e+00 : f32
      %max3A_32 = vector.broadcast %max3A : f32 to vector<16xf32>
      %max3A_33 = arith.maximumf %get3A_31, %max3A_32 : vector<16xf32>
      %swap3A = arith.index_cast %scan3A_27 : i32 to index
      %swap3A_34 = arith.constant 0 : index
      %swap3A_35 = tpu.vector_load %arg14[%swap3A, %swap3A_34] {strides = array<i32>} : memref<128x128xf32, #tpu.memory_space<vmem>>, vector<1x16xf32>,
      %swap3A_36 = vector.shape_cast %swap3A_35 : vector<1x16xf32> to vector<16xf32>
      %swap3A_37 = vector.shape_cast %max3A_33 : vector<16xf32> to vector<1x16xf32>
      tpu.vector_store %arg14[%swap3A, %swap3A_34], %swap3A_37 {strides = array<i32>} : memref<128x128xf32, #tpu.memory_space<vmem>>, vector<1x16xf32>,
      %get3A_38 = arith.index_cast %scan3A_27 : i32 to index
      %get3A_39 = arith.constant 16 : index
      %get3A_40 = tpu.vector_load %arg14[%get3A_38, %get3A_39] {strides = array<i32>} : memref<128x128xf32, #tpu.memory_space<vmem>>, vector<1x16xf32>,
      %get3A_41 = vector.shape_cast %get3A_40 : vector<1x16xf32> to vector<16xf32>
      %max3A_42 = arith.constant 0.000000e+00 : f32
      %max3A_43 = vector.broadcast %max3A_42 : f32 to vector<16xf32>
      %max3A_44 = arith.maximumf %get3A_41, %max3A_43 : vector<16xf32>
      %swap3A_45 = arith.index_cast %scan3A_27 : i32 to index
      %swap3A_46 = arith.constant 16 : index
      %swap3A_47 = tpu.vector_load %arg14[%swap3A_45, %swap3A_46] {strides = array<i32>} : memref<128x128xf32, #tpu.memory_space<vmem>>, vector<1x16xf32>,
      %swap3A_48 = vector.shape_cast %swap3A_47 : vector<1x16xf32> to vector<16xf32>
      %swap3A_49 = vector.shape_cast %max3A_44 : vector<16xf32> to vector<1x16xf32>
      tpu.vector_store %arg14[%swap3A_45, %swap3A_46], %swap3A_49 {strides = array<i32>} : memref<128x128xf32, #tpu.memory_space<vmem>>, vector<1x16xf32>,
      %get3A_50 = arith.index_cast %scan3A_27 : i32 to index
      %get3A_51 = arith.constant 32 : index
      %get3A_52 = tpu.vector_load %arg14[%get3A_50, %get3A_51] {strides = array<i32>} : memref<128x128xf32, #tpu.memory_space<vmem>>, vector<1x16xf32>,
      %get3A_53 = vector.shape_cast %get3A_52 : vector<1x16xf32> to vector<16xf32>
      %max3A_54 = arith.constant 0.000000e+00 : f32
      %max3A_55 = vector.broadcast %max3A_54 : f32 to vector<16xf32>
      %max3A_56 = arith.maximumf %get3A_53, %max3A_55 : vector<16xf32>
      %swap3A_57 = arith.index_cast %scan3A_27 : i32 to index
      %swap3A_58 = arith.constant 32 : index
      %swap3A_59 = tpu.vector_load %arg14[%swap3A_57, %swap3A_58] {strides = array<i32>} : memref<128x128xf32, #tpu.memory_space<vmem>>, vector<1x16xf32>,
      %swap3A_60 = vector.shape_cast %swap3A_59 : vector<1x16xf32> to vector<16xf32>
      %swap3A_61 = vector.shape_cast %max3A_56 : vector<16xf32> to vector<1x16xf32>
      tpu.vector_store %arg14[%swap3A_57, %swap3A_58], %swap3A_61 {strides = array<i32>} : memref<128x128xf32, #tpu.memory_space<vmem>>, vector<1x16xf32>,
      %get3A_62 = arith.index_cast %scan3A_27 : i32 to index
      %get3A_63 = arith.constant 48 : index
      %get3A_64 = tpu.vector_load %arg14[%get3A_62, %get3A_63] {strides = array<i32>} : memref<128x128xf32, #tpu.memory_space<vmem>>, vector<1x16xf32>,
      %get3A_65 = vector.shape_cast %get3A_64 : vector<1x16xf32> to vector<16xf32>
      %max3A_66 = arith.constant 0.000000e+00 : f32
      %max3A_67 = vector.broadcast %max3A_66 : f32 to vector<16xf32>
      %max3A_68 = arith.maximumf %get3A_65, %max3A_67 : vector<16xf32>
      %swap3A_69 = arith.index_cast %scan3A_27 : i32 to index
      %swap3A_70 = arith.constant 48 : index
      %swap3A_71 = tpu.vector_load %arg14[%swap3A_69, %swap3A_70] {strides = array<i32>} : memref<128x128xf32, #tpu.memory_space<vmem>>, vector<1x16xf32>,
      %swap3A_72 = vector.shape_cast %swap3A_71 : vector<1x16xf32> to vector<16xf32>
      %swap3A_73 = vector.shape_cast %max3A_68 : vector<16xf32> to vector<1x16xf32>
      tpu.vector_store %arg14[%swap3A_69, %swap3A_70], %swap3A_73 {strides = array<i32>} : memref<128x128xf32, #tpu.memory_space<vmem>>, vector<1x16xf32>,
      %get3A_74 = arith.index_cast %scan3A_27 : i32 to index
      %get3A_75 = arith.constant 64 : index
      %get3A_76 = tpu.vector_load %arg14[%get3A_74, %get3A_75] {strides = array<i32>} : memref<128x128xf32, #tpu.memory_space<vmem>>, vector<1x16xf32>,
      %get3A_77 = vector.shape_cast %get3A_76 : vector<1x16xf32> to vector<16xf32>
      %max3A_78 = arith.constant 0.000000e+00 : f32
      %max3A_79 = vector.broadcast %max3A_78 : f32 to vector<16xf32>
      %max3A_80 = arith.maximumf %get3A_77, %max3A_79 : vector<16xf32>
      %swap3A_81 = arith.index_cast %scan3A_27 : i32 to index
      %swap3A_82 = arith.constant 64 : index
      %swap3A_83 = tpu.vector_load %arg14[%swap3A_81, %swap3A_82] {strides = array<i32>} : memref<128x128xf32, #tpu.memory_space<vmem>>, vector<1x16xf32>,
      %swap3A_84 = vector.shape_cast %swap3A_83 : vector<1x16xf32> to vector<16xf32>
      %swap3A_85 = vector.shape_cast %max3A_80 : vector<16xf32> to vector<1x16xf32>
      tpu.vector_store %arg14[%swap3A_81, %swap3A_82], %swap3A_85 {strides = array<i32>} : memref<128x128xf32, #tpu.memory_space<vmem>>, vector<1x16xf32>,
      %get3A_86 = arith.index_cast %scan3A_27 : i32 to index
      %get3A_87 = arith.constant 80 : index
      %get3A_88 = tpu.vector_load %arg14[%get3A_86, %get3A_87] {strides = array<i32>} : memref<128x128xf32, #tpu.memory_space<vmem>>, vector<1x16xf32>,
      %get3A_89 = vector.shape_cast %get3A_88 : vector<1x16xf32> to vector<16xf32>
      %max3A_90 = arith.constant 0.000000e+00 : f32
      %max3A_91 = vector.broadcast %max3A_90 : f32 to vector<16xf32>
      %max3A_92 = arith.maximumf %get3A_89, %max3A_91 : vector<16xf32>
      %swap3A_93 = arith.index_cast %scan3A_27 : i32 to index
      %swap3A_94 = arith.constant 80 : index
      %swap3A_95 = tpu.vector_load %arg14[%swap3A_93, %swap3A_94] {strides = array<i32>} : memref<128x128xf32, #tpu.memory_space<vmem>>, vector<1x16xf32>,
      %swap3A_96 = vector.shape_cast %swap3A_95 : vector<1x16xf32> to vector<16xf32>
      %swap3A_97 = vector.shape_cast %max3A_92 : vector<16xf32> to vector<1x16xf32>
      tpu.vector_store %arg14[%swap3A_93, %swap3A_94], %swap3A_97 {strides = array<i32>} : memref<128x128xf32, #tpu.memory_space<vmem>>, vector<1x16xf32>,
      %get3A_98 = arith.index_cast %scan3A_27 : i32 to index
      %get3A_99 = arith.constant 96 : index
      %get3A_100 = tpu.vector_load %arg14[%get3A_98, %get3A_99] {strides = array<i32>} : memref<128x128xf32, #tpu.memory_space<vmem>>, vector<1x16xf32>,
      %get3A_101 = vector.shape_cast %get3A_100 : vector<1x16xf32> to vector<16xf32>
      %max3A_102 = arith.constant 0.000000e+00 : f32
      %max3A_103 = vector.broadcast %max3A_102 : f32 to vector<16xf32>
      %max3A_104 = arith.maximumf %get3A_101, %max3A_103 : vector<16xf32>
      %swap3A_105 = arith.index_cast %scan3A_27 : i32 to index
      %swap3A_106 = arith.constant 96 : index
      %swap3A_107 = tpu.vector_load %arg14[%swap3A_105, %swap3A_106] {strides = array<i32>} : memref<128x128xf32, #tpu.memory_space<vmem>>, vector<1x16xf32>,
      %swap3A_108 = vector.shape_cast %swap3A_107 : vector<1x16xf32> to vector<16xf32>
      %swap3A_109 = vector.shape_cast %max3A_104 : vector<16xf32> to vector<1x16xf32>
      tpu.vector_store %arg14[%swap3A_105, %swap3A_106], %swap3A_109 {strides = array<i32>} : memref<128x128xf32, #tpu.memory_space<vmem>>, vector<1x16xf32>,
      %get3A_110 = arith.index_cast %scan3A_27 : i32 to index
      %get3A_111 = arith.constant 112 : index
      %get3A_112 = tpu.vector_load %arg14[%get3A_110, %get3A_111] {strides = array<i32>} : memref<128x128xf32, #tpu.memory_space<vmem>>, vector<1x16xf32>,
      %get3A_113 = vector.shape_cast %get3A_112 : vector<1x16xf32> to vector<16xf32>
      %max3A_114 = arith.constant 0.000000e+00 : f32
      %max3A_115 = vector.broadcast %max3A_114 : f32 to vector<16xf32>
      %max3A_116 = arith.maximumf %get3A_113, %max3A_115 : vector<16xf32>
      %swap3A_117 = arith.index_cast %scan3A_27 : i32 to index
      %swap3A_118 = arith.constant 112 : index
      %swap3A_119 = tpu.vector_load %arg14[%swap3A_117, %swap3A_118] {strides = array<i32>} : memref<128x128xf32, #tpu.memory_space<vmem>>, vector<1x16xf32>,
      %swap3A_120 = vector.shape_cast %swap3A_119 : vector<1x16xf32> to vector<16xf32>
      %swap3A_121 = vector.shape_cast %max3A_116 : vector<16xf32> to vector<1x16xf32>
      tpu.vector_store %arg14[%swap3A_117, %swap3A_118], %swap3A_121 {strides = array<i32>} : memref<128x128xf32, #tpu.memory_space<vmem>>, vector<1x16xf32>,
      %scan3A_122 = arith.constant 0 : i32
      scf.yield %scan3A_122 : i32
    }
    %scan3A_17 = arith.constant 32 : i32
    %eq3A_18 = arith.constant 0 : i32
    %eq3A_19 = arith.cmpi eq, %arg0, %eq3A_18 : i32
    %convert_element_type3A = arith.extui %eq3A_19 : i1 to i32
    %cond3A = arith.constant 0 : i32
    %cond3A_20 = arith.cmpi ne, %convert_element_type3A, %cond3A : i32
    scf.if %cond3A_20 {
      "tpu.region"() ({
        %run_scoped3A = tpu.sem_alloc : memref<!tpu.dma_semaphore, #tpu.memory_space<semaphore_mem>>
        %dma_start3A = arith.constant 0 : i32
        %dma_start3A_27 = arith.constant 0 : i32
        %dma_start3A_28 = tpu.memref_slice %arg14[%dma_start3A, %dma_start3A_27] : memref<128x128xf32, #tpu.memory_space<vmem>> -> memref<32x128xf32, #tpu.memory_space<vmem>>
        %dma_start3A_29 = arith.constant 0 : i32
        %dma_start3A_30 = arith.constant 0 : i32
        %dma_start3A_31 = tpu.memref_slice %arg9[%dma_start3A_29, %dma_start3A_30] : memref<10112x128xf32, #tpu.memory_space<vmem_shared>> -> memref<10112x128xf32, #tpu.memory_space<vmem_shared>>
        tpu.enqueue_indirect_dma source(%dma_start3A_28 : memref<32x128xf32, #tpu.memory_space<vmem>>) target(%dma_start3A_31 : memref<10112x128xf32, #tpu.memory_space<vmem_shared>>) offsets(%arg12 : memref<32xi32, #tpu.memory_space<vmem>>) semaphore(%run_scoped3A : memref<!tpu.dma_semaphore, #tpu.memory_space<semaphore_mem>>) {add = true}
        %dma_wait3A = arith.constant 0 : i32
        %dma_wait3A_32 = arith.constant 0 : i32
        %dma_wait3A_33 = tpu.memref_slice %arg14[%dma_wait3A, %dma_wait3A_32] : memref<128x128xf32, #tpu.memory_space<vmem>> -> memref<32x128xf32, #tpu.memory_space<vmem>>
        %dma_wait3A_34 = arith.constant 0 : i32
        %dma_wait3A_35 = arith.constant 0 : i32
        %dma_wait3A_36 = tpu.memref_slice %arg9[%dma_wait3A_34, %dma_wait3A_35] : memref<10112x128xf32, #tpu.memory_space<vmem_shared>> -> memref<10112x128xf32, #tpu.memory_space<vmem_shared>>
        tpu.wait_indirect_dma semaphore(%run_scoped3A : memref<!tpu.dma_semaphore, #tpu.memory_space<semaphore_mem>>) src(%dma_wait3A_33 : memref<32x128xf32, #tpu.memory_space<vmem>>) dst(%dma_wait3A_36 : memref<10112x128xf32, #tpu.memory_space<vmem_shared>>)
        tpu.yield
      }) : () -> ()
    } else {
    }
    %eq3A_21 = arith.constant 1 : i32
    %eq3A_22 = arith.cmpi eq, %arg0, %eq3A_21 : i32
    %convert_element_type3A_23 = arith.extui %eq3A_22 : i1 to i32
    %cond3A_24 = arith.constant 0 : i32
    %cond3A_25 = arith.cmpi ne, %convert_element_type3A_23, %cond3A_24 : i32
    scf.if %cond3A_25 {
      "tpu.region"() ({
        %run_scoped3A = tpu.sem_alloc : memref<!tpu.dma_semaphore, #tpu.memory_space<semaphore_mem>>
        %dma_start3A = arith.constant 0 : i32
        %dma_start3A_27 = arith.constant 0 : i32
        %dma_start3A_28 = tpu.memref_slice %arg14[%dma_start3A, %dma_start3A_27] : memref<128x128xf32, #tpu.memory_space<vmem>> -> memref<32x128xf32, #tpu.memory_space<vmem>>
        %dma_start3A_29 = arith.constant 0 : i32
        %dma_start3A_30 = arith.constant 0 : i32
        %dma_start3A_31 = tpu.memref_slice %arg9[%dma_start3A_29, %dma_start3A_30] : memref<10112x128xf32, #tpu.memory_space<vmem_shared>> -> memref<10112x128xf32, #tpu.memory_space<vmem_shared>>
        tpu.enqueue_indirect_dma source(%dma_start3A_28 : memref<32x128xf32, #tpu.memory_space<vmem>>) target(%dma_start3A_31 : memref<10112x128xf32, #tpu.memory_space<vmem_shared>>) offsets(%arg13 : memref<32xi32, #tpu.memory_space<vmem>>) semaphore(%run_scoped3A : memref<!tpu.dma_semaphore, #tpu.memory_space<semaphore_mem>>) {add = true}
        %dma_wait3A = arith.constant 0 : i32
        %dma_wait3A_32 = arith.constant 0 : i32
        %dma_wait3A_33 = tpu.memref_slice %arg14[%dma_wait3A, %dma_wait3A_32] : memref<128x128xf32, #tpu.memory_space<vmem>> -> memref<32x128xf32, #tpu.memory_space<vmem>>
        %dma_wait3A_34 = arith.constant 0 : i32
        %dma_wait3A_35 = arith.constant 0 : i32
        %dma_wait3A_36 = tpu.memref_slice %arg9[%dma_wait3A_34, %dma_wait3A_35] : memref<10112x128xf32, #tpu.memory_space<vmem_shared>> -> memref<10112x128xf32, #tpu.memory_space<vmem_shared>>
        tpu.wait_indirect_dma semaphore(%run_scoped3A : memref<!tpu.dma_semaphore, #tpu.memory_space<semaphore_mem>>) src(%dma_wait3A_33 : memref<32x128xf32, #tpu.memory_space<vmem>>) dst(%dma_wait3A_36 : memref<10112x128xf32, #tpu.memory_space<vmem_shared>>)
        tpu.yield
      }) : () -> ()
    } else {
    }
    %barrier3A_26 = arith.constant 0 : index
    tpu.barrier barrier_id(%barrier3A_26)
    "tpu.region"() ({
      %run_scoped3A = tpu.sem_alloc : memref<!tpu.dma_semaphore, #tpu.memory_space<semaphore_mem>>
      %dma_start3A = arith.constant 0 : i32
      %dma_start3A_27 = tpu.memref_slice %arg8[%arg0, %mul3A_0, %dma_start3A] : memref<2x10112x128xf32, #tpu.memory_space<hbm>> -> memref<1x632x128xf32, #tpu.memory_space<hbm>>
      %dma_start3A_28 = tpu.memref_squeeze %dma_start3A_27 : memref<1x632x128xf32, #tpu.memory_space<hbm>> -> memref<632x128xf32, #tpu.memory_space<hbm>>
      %dma_start3A_29 = arith.constant 0 : i32
      %dma_start3A_30 = tpu.memref_slice %arg9[%mul3A_0, %dma_start3A_29] : memref<10112x128xf32, #tpu.memory_space<vmem_shared>> -> memref<632x128xf32, #tpu.memory_space<vmem_shared>>
      tpu.enqueue_dma source(%dma_start3A_30 : memref<632x128xf32, #tpu.memory_space<vmem_shared>>) target(%dma_start3A_28 : memref<632x128xf32, #tpu.memory_space<hbm>>) target_semaphore(%run_scoped3A : memref<!tpu.dma_semaphore, #tpu.memory_space<semaphore_mem>>)
      %dma_wait3A = arith.constant 0 : i32
      %dma_wait3A_31 = tpu.memref_slice %arg8[%arg0, %mul3A_0, %dma_wait3A] : memref<2x10112x128xf32, #tpu.memory_space<hbm>> -> memref<1x632x128xf32, #tpu.memory_space<hbm>>
      %dma_wait3A_32 = tpu.memref_squeeze %dma_wait3A_31 : memref<1x632x128xf32, #tpu.memory_space<hbm>> -> memref<632x128xf32, #tpu.memory_space<hbm>>
      %dma_wait3A_33 = arith.constant 0 : i32
      %dma_wait3A_34 = tpu.memref_slice %arg9[%mul3A_0, %dma_wait3A_33] : memref<10112x128xf32, #tpu.memory_space<vmem_shared>> -> memref<632x128xf32, #tpu.memory_space<vmem_shared>>
      tpu.wait_dma2 semaphore(%run_scoped3A : memref<!tpu.dma_semaphore, #tpu.memory_space<semaphore_mem>>) src(%dma_wait3A_34 : memref<632x128xf32, #tpu.memory_space<vmem_shared>>) dst(%dma_wait3A_32 : memref<632x128xf32, #tpu.memory_space<hbm>>)
      tpu.yield
    }) : () -> ()
    return
  }
}

module attributes {stable_mosaic.version = 14 : i64} {
  func.func @tc_class_tables(%arg0: i32, %arg1: memref<2000x1xi32, #tpu.memory_space<vmem>>, %arg2: memref<128x128xf32, #tpu.memory_space<vmem>>, %arg3: memref<128x128xf32, #tpu.memory_space<vmem>>, %arg4: memref<2000x128xf32, #tpu.memory_space<vmem>>, %arg5: memref<2000x128xf32, #tpu.memory_space<vmem>>) attributes {dimension_semantics = [#tpu.dimension_semantics<arbitrary>], iteration_bounds = array<i64: 5>, scalar_prefetch = 0 : i64, scratch_operands = 0 : i64, tpu.core_type = #tpu.core_type<tc>, window_params = [{transform_indices = @transform_0, window_bounds = array<i64: 2000, 1>}, {pipeline_mode = #tpu.pipeline_mode<synchronous>, transform_indices = @transform_1, window_bounds = array<i64: 128, 128>}, {pipeline_mode = #tpu.pipeline_mode<synchronous>, transform_indices = @transform_2, window_bounds = array<i64: 128, 128>}, {transform_indices = @transform_3, window_bounds = array<i64: 2000, 128>}, {transform_indices = @transform_4, window_bounds = array<i64: 2000, 128>}]} {
    %get3A = arith.constant 0 : index
    %get3A_0 = arith.constant 0 : index
    %get3A_1 = vector.load %arg1[%get3A, %get3A_0] : memref<2000x1xi32, #tpu.memory_space<vmem>>, vector<2000x1xi32>
    %iota3A = tpu.iota {dimensions = array<i32: 1>} : vector<2000x128xi32>
    %eq3A = vector.broadcast %get3A_1 : vector<2000x1xi32> to vector<2000x128xi32>
    %eq3A_2 = arith.cmpi eq, %eq3A, %iota3A : vector<2000x128xi32>
    %convert_element_type3A = arith.extui %eq3A_2 : vector<2000x128xi1> to vector<2000x128xi32>
    %convert_element_type3A_3 = arith.sitofp %convert_element_type3A : vector<2000x128xi32> to vector<2000x128xf32>
    %get3A_4 = arith.constant 0 : index
    %get3A_5 = arith.constant 0 : index
    %get3A_6 = vector.load %arg2[%get3A_4, %get3A_5] : memref<128x128xf32, #tpu.memory_space<vmem>>, vector<128x128xf32>
    %dot_general3A = arith.constant dense<0.000000e+00> : vector<2000x128xf32>
    %dot_general3A_7 = tpu.matmul %convert_element_type3A_3, %get3A_6, %dot_general3A {dimension_numbers = #tpu.dot_dimension_numbers<[1], [0], [0], [1], [0, 0, 1, 1], [], []>, transpose_lhs_hint = false} : vector<2000x128xf32>, vector<128x128xf32>, vector<2000x128xf32> -> vector<2000x128xf32>
    %swap3A = arith.constant 0 : index
    %swap3A_8 = arith.constant 0 : index
    %swap3A_9 = vector.load %arg4[%swap3A, %swap3A_8] : memref<2000x128xf32, #tpu.memory_space<vmem>>, vector<2000x128xf32>
    tpu.vector_store %arg4[%swap3A, %swap3A_8], %dot_general3A_7 {strides = array<i32>} : memref<2000x128xf32, #tpu.memory_space<vmem>>, vector<2000x128xf32>,
    %get3A_10 = arith.constant 0 : index
    %get3A_11 = arith.constant 0 : index
    %get3A_12 = vector.load %arg3[%get3A_10, %get3A_11] : memref<128x128xf32, #tpu.memory_space<vmem>>, vector<128x128xf32>
    %dot_general3A_13 = arith.constant dense<0.000000e+00> : vector<2000x128xf32>
    %dot_general3A_14 = tpu.matmul %convert_element_type3A_3, %get3A_12, %dot_general3A_13 {dimension_numbers = #tpu.dot_dimension_numbers<[1], [0], [0], [1], [0, 0, 1, 1], [], []>, transpose_lhs_hint = false} : vector<2000x128xf32>, vector<128x128xf32>, vector<2000x128xf32> -> vector<2000x128xf32>
    %swap3A_15 = arith.constant 0 : index
    %swap3A_16 = arith.constant 0 : index
    %swap3A_17 = vector.load %arg5[%swap3A_15, %swap3A_16] : memref<2000x128xf32, #tpu.memory_space<vmem>>, vector<2000x128xf32>
    tpu.vector_store %arg5[%swap3A_15, %swap3A_16], %dot_general3A_14 {strides = array<i32>} : memref<2000x128xf32, #tpu.memory_space<vmem>>, vector<2000x128xf32>,
    return
  }
  func.func @transform_0(%arg0: i32) -> (i32, i32) {
    %c0_i32 = arith.constant 0 : i32
    %c0_i32_0 = arith.constant 0 : i32
    return %arg0, %c0_i32 : i32, i32
  }
  func.func @transform_1(%arg0: i32) -> (i32, i32) {
    %c0_i32 = arith.constant 0 : i32
    %c0_i32_0 = arith.constant 0 : i32
    %c0_i32_1 = arith.constant 0 : i32
    return %c0_i32, %c0_i32_0 : i32, i32
  }
  func.func @transform_2(%arg0: i32) -> (i32, i32) {
    %c0_i32 = arith.constant 0 : i32
    %c0_i32_0 = arith.constant 0 : i32
    %c0_i32_1 = arith.constant 0 : i32
    return %c0_i32, %c0_i32_0 : i32, i32
  }
  func.func @transform_3(%arg0: i32) -> (i32, i32) {
    %c0_i32 = arith.constant 0 : i32
    %c0_i32_0 = arith.constant 0 : i32
    return %arg0, %c0_i32 : i32, i32
  }
  func.func @transform_4(%arg0: i32) -> (i32, i32) {
    %c0_i32 = arith.constant 0 : i32
    %c0_i32_0 = arith.constant 0 : i32
    return %arg0, %c0_i32 : i32, i32
  }
}

module attributes {stable_mosaic.version = 14 : i64} {
  func.func @tc_pred_h0(%arg0: i32, %arg1: memref<2000x1xi32, #tpu.memory_space<vmem>>, %arg2: memref<128x128xf32, #tpu.memory_space<vmem>>, %arg3: memref<1x128xf32, #tpu.memory_space<vmem>>, %arg4: memref<2000x128xf32, #tpu.memory_space<vmem>>) attributes {dimension_semantics = [#tpu.dimension_semantics<arbitrary>], iteration_bounds = array<i64: 160>, scalar_prefetch = 0 : i64, scratch_operands = 0 : i64, tpu.core_type = #tpu.core_type<tc>, window_params = [{transform_indices = @transform_0, window_bounds = array<i64: 2000, 1>}, {pipeline_mode = #tpu.pipeline_mode<synchronous>, transform_indices = @transform_1, window_bounds = array<i64: 128, 128>}, {pipeline_mode = #tpu.pipeline_mode<synchronous>, transform_indices = @transform_2, window_bounds = array<i64: 1, 128>}, {transform_indices = @transform_3, window_bounds = array<i64: 2000, 128>}]} {
    %get3A = arith.constant 0 : index
    %get3A_0 = arith.constant 0 : index
    %get3A_1 = vector.load %arg1[%get3A, %get3A_0] : memref<2000x1xi32, #tpu.memory_space<vmem>>, vector<2000x1xi32>
    %iota3A = tpu.iota {dimensions = array<i32: 1>} : vector<2000x128xi32>
    %eq3A = vector.broadcast %get3A_1 : vector<2000x1xi32> to vector<2000x128xi32>
    %eq3A_2 = arith.cmpi eq, %eq3A, %iota3A : vector<2000x128xi32>
    %convert_element_type3A = arith.extui %eq3A_2 : vector<2000x128xi1> to vector<2000x128xi32>
    %convert_element_type3A_3 = arith.sitofp %convert_element_type3A : vector<2000x128xi32> to vector<2000x128xf32>
    %get3A_4 = arith.constant 0 : index
    %get3A_5 = arith.constant 0 : index
    %get3A_6 = vector.load %arg2[%get3A_4, %get3A_5] : memref<128x128xf32, #tpu.memory_space<vmem>>, vector<128x128xf32>
    %dot_general3A = arith.constant dense<0.000000e+00> : vector<2000x128xf32>
    %dot_general3A_7 = tpu.matmul %convert_element_type3A_3, %get3A_6, %dot_general3A {dimension_numbers = #tpu.dot_dimension_numbers<[1], [0], [0], [1], [0, 0, 1, 1], [], []>, transpose_lhs_hint = false} : vector<2000x128xf32>, vector<128x128xf32>, vector<2000x128xf32> -> vector<2000x128xf32>
    %get3A_8 = arith.constant 0 : index
    %get3A_9 = arith.constant 0 : index
    %get3A_10 = vector.load %arg3[%get3A_8, %get3A_9] : memref<1x128xf32, #tpu.memory_space<vmem>>, vector<1x128xf32>
    %add3A = vector.broadcast %get3A_10 : vector<1x128xf32> to vector<2000x128xf32>
    %add3A_11 = arith.addf %dot_general3A_7, %add3A : vector<2000x128xf32>
    %swap3A = arith.constant 0 : index
    %swap3A_12 = arith.constant 0 : index
    %swap3A_13 = vector.load %arg4[%swap3A, %swap3A_12] : memref<2000x128xf32, #tpu.memory_space<vmem>>, vector<2000x128xf32>
    tpu.vector_store %arg4[%swap3A, %swap3A_12], %add3A_11 {strides = array<i32>} : memref<2000x128xf32, #tpu.memory_space<vmem>>, vector<2000x128xf32>,
    return
  }
  func.func @transform_0(%arg0: i32) -> (i32, i32) {
    %c0_i32 = arith.constant 0 : i32
    %c0_i32_0 = arith.constant 0 : i32
    return %arg0, %c0_i32 : i32, i32
  }
  func.func @transform_1(%arg0: i32) -> (i32, i32) {
    %c0_i32 = arith.constant 0 : i32
    %c0_i32_0 = arith.constant 0 : i32
    %c0_i32_1 = arith.constant 0 : i32
    return %c0_i32, %c0_i32_0 : i32, i32
  }
  func.func @transform_2(%arg0: i32) -> (i32, i32) {
    %c0_i32 = arith.constant 0 : i32
    %c0_i32_0 = arith.constant 0 : i32
    %c0_i32_1 = arith.constant 0 : i32
    return %c0_i32, %c0_i32_0 : i32, i32
  }
  func.func @transform_3(%arg0: i32) -> (i32, i32) {
    %c0_i32 = arith.constant 0 : i32
    %c0_i32_0 = arith.constant 0 : i32
    return %arg0, %c0_i32 : i32, i32
  }
}

module attributes {stable_mosaic.version = 14 : i64} {
  func.func @tc_h_matmul(%arg0: i32, %arg1: memref<2000x128xf32, #tpu.memory_space<vmem>>, %arg2: memref<128x128xf32, #tpu.memory_space<vmem>>, %arg3: memref<1x128xf32, #tpu.memory_space<vmem>>, %arg4: memref<2000x128xf32, #tpu.memory_space<vmem>>) attributes {dimension_semantics = [#tpu.dimension_semantics<arbitrary>], iteration_bounds = array<i64: 160>, scalar_prefetch = 0 : i64, scratch_operands = 0 : i64, tpu.core_type = #tpu.core_type<tc>, window_params = [{transform_indices = @transform_0, window_bounds = array<i64: 2000, 128>}, {pipeline_mode = #tpu.pipeline_mode<synchronous>, transform_indices = @transform_1, window_bounds = array<i64: 128, 128>}, {pipeline_mode = #tpu.pipeline_mode<synchronous>, transform_indices = @transform_2, window_bounds = array<i64: 1, 128>}, {transform_indices = @transform_3, window_bounds = array<i64: 2000, 128>}]} {
    %get3A = arith.constant 0 : index
    %get3A_0 = arith.constant 0 : index
    %get3A_1 = vector.load %arg1[%get3A, %get3A_0] : memref<2000x128xf32, #tpu.memory_space<vmem>>, vector<2000x128xf32>
    %get3A_2 = arith.constant 0 : index
    %get3A_3 = arith.constant 0 : index
    %get3A_4 = vector.load %arg2[%get3A_2, %get3A_3] : memref<128x128xf32, #tpu.memory_space<vmem>>, vector<128x128xf32>
    %dot_general3A = arith.constant dense<0.000000e+00> : vector<2000x128xf32>
    %dot_general3A_5 = tpu.matmul %get3A_1, %get3A_4, %dot_general3A {dimension_numbers = #tpu.dot_dimension_numbers<[1], [0], [0], [1], [0, 0, 1, 1], [], []>, transpose_lhs_hint = false} : vector<2000x128xf32>, vector<128x128xf32>, vector<2000x128xf32> -> vector<2000x128xf32>
    %get3A_6 = arith.constant 0 : index
    %get3A_7 = arith.constant 0 : index
    %get3A_8 = vector.load %arg3[%get3A_6, %get3A_7] : memref<1x128xf32, #tpu.memory_space<vmem>>, vector<1x128xf32>
    %add3A = vector.broadcast %get3A_8 : vector<1x128xf32> to vector<2000x128xf32>
    %add3A_9 = arith.addf %dot_general3A_5, %add3A : vector<2000x128xf32>
    %swap3A = arith.constant 0 : index
    %swap3A_10 = arith.constant 0 : index
    %swap3A_11 = vector.load %arg4[%swap3A, %swap3A_10] : memref<2000x128xf32, #tpu.memory_space<vmem>>, vector<2000x128xf32>
    tpu.vector_store %arg4[%swap3A, %swap3A_10], %add3A_9 {strides = array<i32>} : memref<2000x128xf32, #tpu.memory_space<vmem>>, vector<2000x128xf32>,
    return
  }
  func.func @transform_0(%arg0: i32) -> (i32, i32) {
    %c0_i32 = arith.constant 0 : i32
    %c0_i32_0 = arith.constant 0 : i32
    return %arg0, %c0_i32 : i32, i32
  }
  func.func @transform_1(%arg0: i32) -> (i32, i32) {
    %c0_i32 = arith.constant 0 : i32
    %c0_i32_0 = arith.constant 0 : i32
    %c0_i32_1 = arith.constant 0 : i32
    return %c0_i32, %c0_i32_0 : i32, i32
  }
  func.func @transform_2(%arg0: i32) -> (i32, i32) {
    %c0_i32 = arith.constant 0 : i32
    %c0_i32_0 = arith.constant 0 : i32
    %c0_i32_1 = arith.constant 0 : i32
    return %c0_i32, %c0_i32_0 : i32, i32
  }
  func.func @transform_3(%arg0: i32) -> (i32, i32) {
    %c0_i32 = arith.constant 0 : i32
    %c0_i32_0 = arith.constant 0 : i32
    return %arg0, %c0_i32 : i32, i32
  }
}

module attributes {stable_mosaic.version = 14 : i64} {
  func.func @tc_node_update_l0(%arg0: i32, %arg1: memref<2000x128xf32, #tpu.memory_space<vmem>>, %arg2: memref<2000x128xf32, #tpu.memory_space<vmem>>, %arg3: memref<2000x128xf32, #tpu.memory_space<vmem>>, %arg4: memref<2000x128xf32, #tpu.memory_space<vmem>>, %arg5: memref<128x128xf32, #tpu.memory_space<vmem>>, %arg6: memref<128x128xf32, #tpu.memory_space<vmem>>, %arg7: memref<1x128xf32, #tpu.memory_space<vmem>>, %arg8: memref<1x128xf32, #tpu.memory_space<vmem>>, %arg9: memref<128x128xf32, #tpu.memory_space<vmem>>, %arg10: memref<1x128xf32, #tpu.memory_space<vmem>>, %arg11: memref<128x128xf32, #tpu.memory_space<vmem>>, %arg12: memref<1x128xf32, #tpu.memory_space<vmem>>, %arg13: memref<128x128xf32, #tpu.memory_space<vmem>>, %arg14: memref<1x128xf32, #tpu.memory_space<vmem>>, %arg15: memref<128x128xf32, #tpu.memory_space<vmem>>, %arg16: memref<1x128xf32, #tpu.memory_space<vmem>>, %arg17: memref<2000x128xf32, #tpu.memory_space<vmem>>, %arg18: memref<2000x128xf32, #tpu.memory_space<vmem>>) attributes {dimension_semantics = [#tpu.dimension_semantics<arbitrary>], iteration_bounds = array<i64: 5>, scalar_prefetch = 0 : i64, scratch_operands = 0 : i64, tpu.core_type = #tpu.core_type<tc>, window_params = [{transform_indices = @transform_0, window_bounds = array<i64: 2000, 128>}, {transform_indices = @transform_1, window_bounds = array<i64: 2000, 128>}, {transform_indices = @transform_2, window_bounds = array<i64: 2000, 128>}, {transform_indices = @transform_3, window_bounds = array<i64: 2000, 128>}, {pipeline_mode = #tpu.pipeline_mode<synchronous>, transform_indices = @transform_4, window_bounds = array<i64: 128, 128>}, {pipeline_mode = #tpu.pipeline_mode<synchronous>, transform_indices = @transform_5, window_bounds = array<i64: 128, 128>}, {pipeline_mode = #tpu.pipeline_mode<synchronous>, transform_indices = @transform_6, window_bounds = array<i64: 1, 128>}, {pipeline_mode = #tpu.pipeline_mode<synchronous>, transform_indices = @transform_7, window_bounds = array<i64: 1, 128>}, {pipeline_mode = #tpu.pipeline_mode<synchronous>, transform_indices = @transform_8, window_bounds = array<i64: 128, 128>}, {pipeline_mode = #tpu.pipeline_mode<synchronous>, transform_indices = @transform_9, window_bounds = array<i64: 1, 128>}, {pipeline_mode = #tpu.pipeline_mode<synchronous>, transform_indices = @transform_10, window_bounds = array<i64: 128, 128>}, {pipeline_mode = #tpu.pipeline_mode<synchronous>, transform_indices = @transform_11, window_bounds = array<i64: 1, 128>}, {pipeline_mode = #tpu.pipeline_mode<synchronous>, transform_indices = @transform_12, window_bounds = array<i64: 128, 128>}, {pipeline_mode = #tpu.pipeline_mode<synchronous>, transform_indices = @transform_13, window_bounds = array<i64: 1, 128>}, {pipeline_mode = #tpu.pipeline_mode<synchronous>, transform_indices = @transform_14, window_bounds = array<i64: 128, 128>}, {pipeline_mode = #tpu.pipeline_mode<synchronous>, transform_indices = @transform_15, window_bounds = array<i64: 1, 128>}, {transform_indices = @transform_16, window_bounds = array<i64: 2000, 128>}, {transform_indices = @transform_17, window_bounds = array<i64: 2000, 128>}]} {
    %get3A = arith.constant 0 : index
    %get3A_0 = arith.constant 0 : index
    %get3A_1 = vector.load %arg3[%get3A, %get3A_0] : memref<2000x128xf32, #tpu.memory_space<vmem>>, vector<2000x128xf32>
    %get3A_2 = arith.constant 0 : index
    %get3A_3 = arith.constant 0 : index
    %get3A_4 = vector.load %arg4[%get3A_2, %get3A_3] : memref<2000x128xf32, #tpu.memory_space<vmem>>, vector<2000x128xf32>
    %get3A_5 = arith.constant 0 : index
    %get3A_6 = arith.constant 0 : index
    %get3A_7 = vector.load %arg1[%get3A_5, %get3A_6] : memref<2000x128xf32, #tpu.memory_space<vmem>>, vector<2000x128xf32>
    %get3A_8 = arith.constant 0 : index
    %get3A_9 = arith.constant 0 : index
    %get3A_10 = vector.load %arg5[%get3A_8, %get3A_9] : memref<128x128xf32, #tpu.memory_space<vmem>>, vector<128x128xf32>
    %dot_general3A = arith.constant dense<0.000000e+00> : vector<2000x128xf32>
    %dot_general3A_11 = tpu.matmul %get3A_7, %get3A_10, %dot_general3A {dimension_numbers = #tpu.dot_dimension_numbers<[1], [0], [0], [1], [0, 0, 1, 1], [], []>, transpose_lhs_hint = false} : vector<2000x128xf32>, vector<128x128xf32>, vector<2000x128xf32> -> vector<2000x128xf32>
    %get3A_12 = arith.constant 0 : index
    %get3A_13 = arith.constant 0 : index
    %get3A_14 = vector.load %arg2[%get3A_12, %get3A_13] : memref<2000x128xf32, #tpu.memory_space<vmem>>, vector<2000x128xf32>
    %get3A_15 = arith.constant 0 : index
    %get3A_16 = arith.constant 0 : index
    %get3A_17 = vector.load %arg6[%get3A_15, %get3A_16] : memref<128x128xf32, #tpu.memory_space<vmem>>, vector<128x128xf32>
    %dot_general3A_18 = arith.constant dense<0.000000e+00> : vector<2000x128xf32>
    %dot_general3A_19 = tpu.matmul %get3A_14, %get3A_17, %dot_general3A_18 {dimension_numbers = #tpu.dot_dimension_numbers<[1], [0], [0], [1], [0, 0, 1, 1], [], []>, transpose_lhs_hint = false} : vector<2000x128xf32>, vector<128x128xf32>, vector<2000x128xf32> -> vector<2000x128xf32>
    %add3A = arith.addf %dot_general3A_11, %dot_general3A_19 : vector<2000x128xf32>
    %get3A_20 = arith.constant 0 : index
    %get3A_21 = arith.constant 0 : index
    %get3A_22 = vector.load %arg7[%get3A_20, %get3A_21] : memref<1x128xf32, #tpu.memory_space<vmem>>, vector<1x128xf32>
    %mul3A = vector.broadcast %get3A_22 : vector<1x128xf32> to vector<2000x128xf32>
    %mul3A_23 = arith.mulf %get3A_1, %mul3A : vector<2000x128xf32>
    %add3A_24 = arith.addf %add3A, %mul3A_23 : vector<2000x128xf32>
    %get3A_25 = arith.constant 0 : index
    %get3A_26 = arith.constant 0 : index
    %get3A_27 = vector.load %arg8[%get3A_25, %get3A_26] : memref<1x128xf32, #tpu.memory_space<vmem>>, vector<1x128xf32>
    %mul3A_28 = vector.broadcast %get3A_27 : vector<1x128xf32> to vector<2000x128xf32>
    %mul3A_29 = arith.mulf %get3A_4, %mul3A_28 : vector<2000x128xf32>
    %add3A_30 = arith.addf %add3A_24, %mul3A_29 : vector<2000x128xf32>
    %add3A_31 = arith.addf %get3A_1, %get3A_4 : vector<2000x128xf32>
    %max3A = arith.constant 1.000000e+00 : f32
    %max3A_32 = vector.broadcast %max3A : f32 to vector<2000x128xf32>
    %max3A_33 = arith.maximumf %add3A_31, %max3A_32 : vector<2000x128xf32>
    %div3A = arith.divf %add3A_30, %max3A_33 : vector<2000x128xf32>
    %get3A_34 = arith.constant 0 : index
    %get3A_35 = arith.constant 0 : index
    %get3A_36 = vector.load %arg9[%get3A_34, %get3A_35] : memref<128x128xf32, #tpu.memory_space<vmem>>, vector<128x128xf32>
    %dot_general3A_37 = arith.constant dense<0.000000e+00> : vector<2000x128xf32>
    %dot_general3A_38 = tpu.matmul %div3A, %get3A_36, %dot_general3A_37 {dimension_numbers = #tpu.dot_dimension_numbers<[1], [0], [0], [1], [0, 0, 1, 1], [], []>, transpose_lhs_hint = false} : vector<2000x128xf32>, vector<128x128xf32>, vector<2000x128xf32> -> vector<2000x128xf32>
    %get3A_39 = arith.constant 0 : index
    %get3A_40 = arith.constant 0 : index
    %get3A_41 = vector.load %arg10[%get3A_39, %get3A_40] : memref<1x128xf32, #tpu.memory_space<vmem>>, vector<1x128xf32>
    %add3A_42 = vector.broadcast %get3A_41 : vector<1x128xf32> to vector<2000x128xf32>
    %add3A_43 = arith.addf %dot_general3A_38, %add3A_42 : vector<2000x128xf32>
    %max3A_44 = arith.constant 0.000000e+00 : f32
    %max3A_45 = vector.broadcast %max3A_44 : f32 to vector<2000x128xf32>
    %max3A_46 = arith.maximumf %add3A_43, %max3A_45 : vector<2000x128xf32>
    %get3A_47 = arith.constant 0 : index
    %get3A_48 = arith.constant 0 : index
    %get3A_49 = vector.load %arg11[%get3A_47, %get3A_48] : memref<128x128xf32, #tpu.memory_space<vmem>>, vector<128x128xf32>
    %dot_general3A_50 = arith.constant dense<0.000000e+00> : vector<2000x128xf32>
    %dot_general3A_51 = tpu.matmul %max3A_46, %get3A_49, %dot_general3A_50 {dimension_numbers = #tpu.dot_dimension_numbers<[1], [0], [0], [1], [0, 0, 1, 1], [], []>, transpose_lhs_hint = false} : vector<2000x128xf32>, vector<128x128xf32>, vector<2000x128xf32> -> vector<2000x128xf32>
    %get3A_52 = arith.constant 0 : index
    %get3A_53 = arith.constant 0 : index
    %get3A_54 = vector.load %arg12[%get3A_52, %get3A_53] : memref<1x128xf32, #tpu.memory_space<vmem>>, vector<1x128xf32>
    %add3A_55 = vector.broadcast %get3A_54 : vector<1x128xf32> to vector<2000x128xf32>
    %add3A_56 = arith.addf %dot_general3A_51, %add3A_55 : vector<2000x128xf32>
    %get3A_57 = arith.constant 0 : index
    %get3A_58 = arith.constant 0 : index
    %get3A_59 = vector.load %arg13[%get3A_57, %get3A_58] : memref<128x128xf32, #tpu.memory_space<vmem>>, vector<128x128xf32>
    %dot_general3A_60 = arith.constant dense<0.000000e+00> : vector<2000x128xf32>
    %dot_general3A_61 = tpu.matmul %add3A_56, %get3A_59, %dot_general3A_60 {dimension_numbers = #tpu.dot_dimension_numbers<[1], [0], [0], [1], [0, 0, 1, 1], [], []>, transpose_lhs_hint = false} : vector<2000x128xf32>, vector<128x128xf32>, vector<2000x128xf32> -> vector<2000x128xf32>
    %swap3A = arith.constant 0 : index
    %swap3A_62 = arith.constant 0 : index
    %swap3A_63 = vector.load %arg17[%swap3A, %swap3A_62] : memref<2000x128xf32, #tpu.memory_space<vmem>>, vector<2000x128xf32>
    tpu.vector_store %arg17[%swap3A, %swap3A_62], %dot_general3A_61 {strides = array<i32>} : memref<2000x128xf32, #tpu.memory_space<vmem>>, vector<2000x128xf32>,
    %get3A_64 = arith.constant 0 : index
    %get3A_65 = arith.constant 0 : index
    %get3A_66 = vector.load %arg15[%get3A_64, %get3A_65] : memref<128x128xf32, #tpu.memory_space<vmem>>, vector<128x128xf32>
    %dot_general3A_67 = arith.constant dense<0.000000e+00> : vector<2000x128xf32>
    %dot_general3A_68 = tpu.matmul %add3A_56, %get3A_66, %dot_general3A_67 {dimension_numbers = #tpu.dot_dimension_numbers<[1], [0], [0], [1], [0, 0, 1, 1], [], []>, transpose_lhs_hint = false} : vector<2000x128xf32>, vector<128x128xf32>, vector<2000x128xf32> -> vector<2000x128xf32>
    %swap3A_69 = arith.constant 0 : index
    %swap3A_70 = arith.constant 0 : index
    %swap3A_71 = vector.load %arg18[%swap3A_69, %swap3A_70] : memref<2000x128xf32, #tpu.memory_space<vmem>>, vector<2000x128xf32>
    tpu.vector_store %arg18[%swap3A_69, %swap3A_70], %dot_general3A_68 {strides = array<i32>} : memref<2000x128xf32, #tpu.memory_space<vmem>>, vector<2000x128xf32>,
    return
  }
  func.func @transform_0(%arg0: i32) -> (i32, i32) {
    %c0_i32 = arith.constant 0 : i32
    %c0_i32_0 = arith.constant 0 : i32
    return %arg0, %c0_i32 : i32, i32
  }
  func.func @transform_1(%arg0: i32) -> (i32, i32) {
    %c0_i32 = arith.constant 0 : i32
    %c0_i32_0 = arith.constant 0 : i32
    return %arg0, %c0_i32 : i32, i32
  }
  func.func @transform_2(%arg0: i32) -> (i32, i32) {
    %c0_i32 = arith.constant 0 : i32
    %c0_i32_0 = arith.constant 0 : i32
    return %arg0, %c0_i32 : i32, i32
  }
  func.func @transform_3(%arg0: i32) -> (i32, i32) {
    %c0_i32 = arith.constant 0 : i32
    %c0_i32_0 = arith.constant 0 : i32
    return %arg0, %c0_i32 : i32, i32
  }
  func.func @transform_4(%arg0: i32) -> (i32, i32) {
    %c0_i32 = arith.constant 0 : i32
    %c0_i32_0 = arith.constant 0 : i32
    %c0_i32_1 = arith.constant 0 : i32
    return %c0_i32, %c0_i32_0 : i32, i32
  }
  func.func @transform_5(%arg0: i32) -> (i32, i32) {
    %c0_i32 = arith.constant 0 : i32
    %c0_i32_0 = arith.constant 0 : i32
    %c0_i32_1 = arith.constant 0 : i32
    return %c0_i32, %c0_i32_0 : i32, i32
  }
  func.func @transform_6(%arg0: i32) -> (i32, i32) {
    %c0_i32 = arith.constant 0 : i32
    %c0_i32_0 = arith.constant 0 : i32
    %c0_i32_1 = arith.constant 0 : i32
    return %c0_i32, %c0_i32_0 : i32, i32
  }
  func.func @transform_7(%arg0: i32) -> (i32, i32) {
    %c0_i32 = arith.constant 0 : i32
    %c0_i32_0 = arith.constant 0 : i32
    %c0_i32_1 = arith.constant 0 : i32
    return %c0_i32, %c0_i32_0 : i32, i32
  }
  func.func @transform_8(%arg0: i32) -> (i32, i32) {
    %c0_i32 = arith.constant 0 : i32
    %c0_i32_0 = arith.constant 0 : i32
    %c0_i32_1 = arith.constant 0 : i32
    return %c0_i32, %c0_i32_0 : i32, i32
  }
  func.func @transform_9(%arg0: i32) -> (i32, i32) {
    %c0_i32 = arith.constant 0 : i32
    %c0_i32_0 = arith.constant 0 : i32
    %c0_i32_1 = arith.constant 0 : i32
    return %c0_i32, %c0_i32_0 : i32, i32
  }
  func.func @transform_10(%arg0: i32) -> (i32, i32) {
    %c0_i32 = arith.constant 0 : i32
    %c0_i32_0 = arith.constant 0 : i32
    %c0_i32_1 = arith.constant 0 : i32
    return %c0_i32, %c0_i32_0 : i32, i32
  }
  func.func @transform_11(%arg0: i32) -> (i32, i32) {
    %c0_i32 = arith.constant 0 : i32
    %c0_i32_0 = arith.constant 0 : i32
    %c0_i32_1 = arith.constant 0 : i32
    return %c0_i32, %c0_i32_0 : i32, i32
  }
  func.func @transform_12(%arg0: i32) -> (i32, i32) {
    %c0_i32 = arith.constant 0 : i32
    %c0_i32_0 = arith.constant 0 : i32
    %c0_i32_1 = arith.constant 0 : i32
    return %c0_i32, %c0_i32_0 : i32, i32
  }
  func.func @transform_13(%arg0: i32) -> (i32, i32) {
    %c0_i32 = arith.constant 0 : i32
    %c0_i32_0 = arith.constant 0 : i32
    %c0_i32_1 = arith.constant 0 : i32
    return %c0_i32, %c0_i32_0 : i32, i32
  }
  func.func @transform_14(%arg0: i32) -> (i32, i32) {
    %c0_i32 = arith.constant 0 : i32
    %c0_i32_0 = arith.constant 0 : i32
    %c0_i32_1 = arith.constant 0 : i32
    return %c0_i32, %c0_i32_0 : i32, i32
  }
  func.func @transform_15(%arg0: i32) -> (i32, i32) {
    %c0_i32 = arith.constant 0 : i32
    %c0_i32_0 = arith.constant 0 : i32
    %c0_i32_1 = arith.constant 0 : i32
    return %c0_i32, %c0_i32_0 : i32, i32
  }
  func.func @transform_16(%arg0: i32) -> (i32, i32) {
    %c0_i32 = arith.constant 0 : i32
    %c0_i32_0 = arith.constant 0 : i32
    return %arg0, %c0_i32 : i32, i32
  }
  func.func @transform_17(%arg0: i32) -> (i32, i32) {
    %c0_i32 = arith.constant 0 : i32
    %c0_i32_0 = arith.constant 0 : i32
    return %arg0, %c0_i32 : i32, i32
  }
}

module attributes {stable_mosaic.version = 14 : i64} {
  func.func @tc_node_update_l1(%arg0: i32, %arg1: memref<2000x128xf32, #tpu.memory_space<vmem>>, %arg2: memref<2000x128xf32, #tpu.memory_space<vmem>>, %arg3: memref<2000x128xf32, #tpu.memory_space<vmem>>, %arg4: memref<2000x128xf32, #tpu.memory_space<vmem>>, %arg5: memref<128x128xf32, #tpu.memory_space<vmem>>, %arg6: memref<128x128xf32, #tpu.memory_space<vmem>>, %arg7: memref<1x128xf32, #tpu.memory_space<vmem>>, %arg8: memref<1x128xf32, #tpu.memory_space<vmem>>, %arg9: memref<128x128xf32, #tpu.memory_space<vmem>>, %arg10: memref<1x128xf32, #tpu.memory_space<vmem>>, %arg11: memref<128x128xf32, #tpu.memory_space<vmem>>, %arg12: memref<1x128xf32, #tpu.memory_space<vmem>>, %arg13: memref<128x128xf32, #tpu.memory_space<vmem>>, %arg14: memref<1x128xf32, #tpu.memory_space<vmem>>, %arg15: memref<128x128xf32, #tpu.memory_space<vmem>>, %arg16: memref<1x128xf32, #tpu.memory_space<vmem>>, %arg17: memref<2000x128xf32, #tpu.memory_space<vmem>>, %arg18: memref<2000x128xf32, #tpu.memory_space<vmem>>) attributes {dimension_semantics = [#tpu.dimension_semantics<arbitrary>], iteration_bounds = array<i64: 5>, scalar_prefetch = 0 : i64, scratch_operands = 0 : i64, tpu.core_type = #tpu.core_type<tc>, window_params = [{transform_indices = @transform_0, window_bounds = array<i64: 2000, 128>}, {transform_indices = @transform_1, window_bounds = array<i64: 2000, 128>}, {transform_indices = @transform_2, window_bounds = array<i64: 2000, 128>}, {transform_indices = @transform_3, window_bounds = array<i64: 2000, 128>}, {pipeline_mode = #tpu.pipeline_mode<synchronous>, transform_indices = @transform_4, window_bounds = array<i64: 128, 128>}, {pipeline_mode = #tpu.pipeline_mode<synchronous>, transform_indices = @transform_5, window_bounds = array<i64: 128, 128>}, {pipeline_mode = #tpu.pipeline_mode<synchronous>, transform_indices = @transform_6, window_bounds = array<i64: 1, 128>}, {pipeline_mode = #tpu.pipeline_mode<synchronous>, transform_indices = @transform_7, window_bounds = array<i64: 1, 128>}, {pipeline_mode = #tpu.pipeline_mode<synchronous>, transform_indices = @transform_8, window_bounds = array<i64: 128, 128>}, {pipeline_mode = #tpu.pipeline_mode<synchronous>, transform_indices = @transform_9, window_bounds = array<i64: 1, 128>}, {pipeline_mode = #tpu.pipeline_mode<synchronous>, transform_indices = @transform_10, window_bounds = array<i64: 128, 128>}, {pipeline_mode = #tpu.pipeline_mode<synchronous>, transform_indices = @transform_11, window_bounds = array<i64: 1, 128>}, {pipeline_mode = #tpu.pipeline_mode<synchronous>, transform_indices = @transform_12, window_bounds = array<i64: 128, 128>}, {pipeline_mode = #tpu.pipeline_mode<synchronous>, transform_indices = @transform_13, window_bounds = array<i64: 1, 128>}, {pipeline_mode = #tpu.pipeline_mode<synchronous>, transform_indices = @transform_14, window_bounds = array<i64: 128, 128>}, {pipeline_mode = #tpu.pipeline_mode<synchronous>, transform_indices = @transform_15, window_bounds = array<i64: 1, 128>}, {transform_indices = @transform_16, window_bounds = array<i64: 2000, 128>}, {transform_indices = @transform_17, window_bounds = array<i64: 2000, 128>}]} {
    %get3A = arith.constant 0 : index
    %get3A_0 = arith.constant 0 : index
    %get3A_1 = vector.load %arg3[%get3A, %get3A_0] : memref<2000x128xf32, #tpu.memory_space<vmem>>, vector<2000x128xf32>
    %get3A_2 = arith.constant 0 : index
    %get3A_3 = arith.constant 0 : index
    %get3A_4 = vector.load %arg4[%get3A_2, %get3A_3] : memref<2000x128xf32, #tpu.memory_space<vmem>>, vector<2000x128xf32>
    %get3A_5 = arith.constant 0 : index
    %get3A_6 = arith.constant 0 : index
    %get3A_7 = vector.load %arg1[%get3A_5, %get3A_6] : memref<2000x128xf32, #tpu.memory_space<vmem>>, vector<2000x128xf32>
    %get3A_8 = arith.constant 0 : index
    %get3A_9 = arith.constant 0 : index
    %get3A_10 = vector.load %arg5[%get3A_8, %get3A_9] : memref<128x128xf32, #tpu.memory_space<vmem>>, vector<128x128xf32>
    %dot_general3A = arith.constant dense<0.000000e+00> : vector<2000x128xf32>
    %dot_general3A_11 = tpu.matmul %get3A_7, %get3A_10, %dot_general3A {dimension_numbers = #tpu.dot_dimension_numbers<[1], [0], [0], [1], [0, 0, 1, 1], [], []>, transpose_lhs_hint = false} : vector<2000x128xf32>, vector<128x128xf32>, vector<2000x128xf32> -> vector<2000x128xf32>
    %get3A_12 = arith.constant 0 : index
    %get3A_13 = arith.constant 0 : index
    %get3A_14 = vector.load %arg2[%get3A_12, %get3A_13] : memref<2000x128xf32, #tpu.memory_space<vmem>>, vector<2000x128xf32>
    %get3A_15 = arith.constant 0 : index
    %get3A_16 = arith.constant 0 : index
    %get3A_17 = vector.load %arg6[%get3A_15, %get3A_16] : memref<128x128xf32, #tpu.memory_space<vmem>>, vector<128x128xf32>
    %dot_general3A_18 = arith.constant dense<0.000000e+00> : vector<2000x128xf32>
    %dot_general3A_19 = tpu.matmul %get3A_14, %get3A_17, %dot_general3A_18 {dimension_numbers = #tpu.dot_dimension_numbers<[1], [0], [0], [1], [0, 0, 1, 1], [], []>, transpose_lhs_hint = false} : vector<2000x128xf32>, vector<128x128xf32>, vector<2000x128xf32> -> vector<2000x128xf32>
    %add3A = arith.addf %dot_general3A_11, %dot_general3A_19 : vector<2000x128xf32>
    %get3A_20 = arith.constant 0 : index
    %get3A_21 = arith.constant 0 : index
    %get3A_22 = vector.load %arg7[%get3A_20, %get3A_21] : memref<1x128xf32, #tpu.memory_space<vmem>>, vector<1x128xf32>
    %mul3A = vector.broadcast %get3A_22 : vector<1x128xf32> to vector<2000x128xf32>
    %mul3A_23 = arith.mulf %get3A_1, %mul3A : vector<2000x128xf32>
    %add3A_24 = arith.addf %add3A, %mul3A_23 : vector<2000x128xf32>
    %get3A_25 = arith.constant 0 : index
    %get3A_26 = arith.constant 0 : index
    %get3A_27 = vector.load %arg8[%get3A_25, %get3A_26] : memref<1x128xf32, #tpu.memory_space<vmem>>, vector<1x128xf32>
    %mul3A_28 = vector.broadcast %get3A_27 : vector<1x128xf32> to vector<2000x128xf32>
    %mul3A_29 = arith.mulf %get3A_4, %mul3A_28 : vector<2000x128xf32>
    %add3A_30 = arith.addf %add3A_24, %mul3A_29 : vector<2000x128xf32>
    %add3A_31 = arith.addf %get3A_1, %get3A_4 : vector<2000x128xf32>
    %max3A = arith.constant 1.000000e+00 : f32
    %max3A_32 = vector.broadcast %max3A : f32 to vector<2000x128xf32>
    %max3A_33 = arith.maximumf %add3A_31, %max3A_32 : vector<2000x128xf32>
    %div3A = arith.divf %add3A_30, %max3A_33 : vector<2000x128xf32>
    %get3A_34 = arith.constant 0 : index
    %get3A_35 = arith.constant 0 : index
    %get3A_36 = vector.load %arg9[%get3A_34, %get3A_35] : memref<128x128xf32, #tpu.memory_space<vmem>>, vector<128x128xf32>
    %dot_general3A_37 = arith.constant dense<0.000000e+00> : vector<2000x128xf32>
    %dot_general3A_38 = tpu.matmul %div3A, %get3A_36, %dot_general3A_37 {dimension_numbers = #tpu.dot_dimension_numbers<[1], [0], [0], [1], [0, 0, 1, 1], [], []>, transpose_lhs_hint = false} : vector<2000x128xf32>, vector<128x128xf32>, vector<2000x128xf32> -> vector<2000x128xf32>
    %get3A_39 = arith.constant 0 : index
    %get3A_40 = arith.constant 0 : index
    %get3A_41 = vector.load %arg10[%get3A_39, %get3A_40] : memref<1x128xf32, #tpu.memory_space<vmem>>, vector<1x128xf32>
    %add3A_42 = vector.broadcast %get3A_41 : vector<1x128xf32> to vector<2000x128xf32>
    %add3A_43 = arith.addf %dot_general3A_38, %add3A_42 : vector<2000x128xf32>
    %max3A_44 = arith.constant 0.000000e+00 : f32
    %max3A_45 = vector.broadcast %max3A_44 : f32 to vector<2000x128xf32>
    %max3A_46 = arith.maximumf %add3A_43, %max3A_45 : vector<2000x128xf32>
    %get3A_47 = arith.constant 0 : index
    %get3A_48 = arith.constant 0 : index
    %get3A_49 = vector.load %arg11[%get3A_47, %get3A_48] : memref<128x128xf32, #tpu.memory_space<vmem>>, vector<128x128xf32>
    %dot_general3A_50 = arith.constant dense<0.000000e+00> : vector<2000x128xf32>
    %dot_general3A_51 = tpu.matmul %max3A_46, %get3A_49, %dot_general3A_50 {dimension_numbers = #tpu.dot_dimension_numbers<[1], [0], [0], [1], [0, 0, 1, 1], [], []>, transpose_lhs_hint = false} : vector<2000x128xf32>, vector<128x128xf32>, vector<2000x128xf32> -> vector<2000x128xf32>
    %get3A_52 = arith.constant 0 : index
    %get3A_53 = arith.constant 0 : index
    %get3A_54 = vector.load %arg12[%get3A_52, %get3A_53] : memref<1x128xf32, #tpu.memory_space<vmem>>, vector<1x128xf32>
    %add3A_55 = vector.broadcast %get3A_54 : vector<1x128xf32> to vector<2000x128xf32>
    %add3A_56 = arith.addf %dot_general3A_51, %add3A_55 : vector<2000x128xf32>
    %get3A_57 = arith.constant 0 : index
    %get3A_58 = arith.constant 0 : index
    %get3A_59 = vector.load %arg13[%get3A_57, %get3A_58] : memref<128x128xf32, #tpu.memory_space<vmem>>, vector<128x128xf32>
    %dot_general3A_60 = arith.constant dense<0.000000e+00> : vector<2000x128xf32>
    %dot_general3A_61 = tpu.matmul %add3A_56, %get3A_59, %dot_general3A_60 {dimension_numbers = #tpu.dot_dimension_numbers<[1], [0], [0], [1], [0, 0, 1, 1], [], []>, transpose_lhs_hint = false} : vector<2000x128xf32>, vector<128x128xf32>, vector<2000x128xf32> -> vector<2000x128xf32>
    %swap3A = arith.constant 0 : index
    %swap3A_62 = arith.constant 0 : index
    %swap3A_63 = vector.load %arg17[%swap3A, %swap3A_62] : memref<2000x128xf32, #tpu.memory_space<vmem>>, vector<2000x128xf32>
    tpu.vector_store %arg17[%swap3A, %swap3A_62], %dot_general3A_61 {strides = array<i32>} : memref<2000x128xf32, #tpu.memory_space<vmem>>, vector<2000x128xf32>,
    %get3A_64 = arith.constant 0 : index
    %get3A_65 = arith.constant 0 : index
    %get3A_66 = vector.load %arg15[%get3A_64, %get3A_65] : memref<128x128xf32, #tpu.memory_space<vmem>>, vector<128x128xf32>
    %dot_general3A_67 = arith.constant dense<0.000000e+00> : vector<2000x128xf32>
    %dot_general3A_68 = tpu.matmul %add3A_56, %get3A_66, %dot_general3A_67 {dimension_numbers = #tpu.dot_dimension_numbers<[1], [0], [0], [1], [0, 0, 1, 1], [], []>, transpose_lhs_hint = false} : vector<2000x128xf32>, vector<128x128xf32>, vector<2000x128xf32> -> vector<2000x128xf32>
    %swap3A_69 = arith.constant 0 : index
    %swap3A_70 = arith.constant 0 : index
    %swap3A_71 = vector.load %arg18[%swap3A_69, %swap3A_70] : memref<2000x128xf32, #tpu.memory_space<vmem>>, vector<2000x128xf32>
    tpu.vector_store %arg18[%swap3A_69, %swap3A_70], %dot_general3A_68 {strides = array<i32>} : memref<2000x128xf32, #tpu.memory_space<vmem>>, vector<2000x128xf32>,
    return
  }
  func.func @transform_0(%arg0: i32) -> (i32, i32) {
    %c0_i32 = arith.constant 0 : i32
    %c0_i32_0 = arith.constant 0 : i32
    return %arg0, %c0_i32 : i32, i32
  }
  func.func @transform_1(%arg0: i32) -> (i32, i32) {
    %c0_i32 = arith.constant 0 : i32
    %c0_i32_0 = arith.constant 0 : i32
    return %arg0, %c0_i32 : i32, i32
  }
  func.func @transform_2(%arg0: i32) -> (i32, i32) {
    %c0_i32 = arith.constant 0 : i32
    %c0_i32_0 = arith.constant 0 : i32
    return %arg0, %c0_i32 : i32, i32
  }
  func.func @transform_3(%arg0: i32) -> (i32, i32) {
    %c0_i32 = arith.constant 0 : i32
    %c0_i32_0 = arith.constant 0 : i32
    return %arg0, %c0_i32 : i32, i32
  }
  func.func @transform_4(%arg0: i32) -> (i32, i32) {
    %c0_i32 = arith.constant 0 : i32
    %c0_i32_0 = arith.constant 0 : i32
    %c0_i32_1 = arith.constant 0 : i32
    return %c0_i32, %c0_i32_0 : i32, i32
  }
  func.func @transform_5(%arg0: i32) -> (i32, i32) {
    %c0_i32 = arith.constant 0 : i32
    %c0_i32_0 = arith.constant 0 : i32
    %c0_i32_1 = arith.constant 0 : i32
    return %c0_i32, %c0_i32_0 : i32, i32
  }
  func.func @transform_6(%arg0: i32) -> (i32, i32) {
    %c0_i32 = arith.constant 0 : i32
    %c0_i32_0 = arith.constant 0 : i32
    %c0_i32_1 = arith.constant 0 : i32
    return %c0_i32, %c0_i32_0 : i32, i32
  }
  func.func @transform_7(%arg0: i32) -> (i32, i32) {
    %c0_i32 = arith.constant 0 : i32
    %c0_i32_0 = arith.constant 0 : i32
    %c0_i32_1 = arith.constant 0 : i32
    return %c0_i32, %c0_i32_0 : i32, i32
  }
  func.func @transform_8(%arg0: i32) -> (i32, i32) {
    %c0_i32 = arith.constant 0 : i32
    %c0_i32_0 = arith.constant 0 : i32
    %c0_i32_1 = arith.constant 0 : i32
    return %c0_i32, %c0_i32_0 : i32, i32
  }
  func.func @transform_9(%arg0: i32) -> (i32, i32) {
    %c0_i32 = arith.constant 0 : i32
    %c0_i32_0 = arith.constant 0 : i32
    %c0_i32_1 = arith.constant 0 : i32
    return %c0_i32, %c0_i32_0 : i32, i32
  }
  func.func @transform_10(%arg0: i32) -> (i32, i32) {
    %c0_i32 = arith.constant 0 : i32
    %c0_i32_0 = arith.constant 0 : i32
    %c0_i32_1 = arith.constant 0 : i32
    return %c0_i32, %c0_i32_0 : i32, i32
  }
  func.func @transform_11(%arg0: i32) -> (i32, i32) {
    %c0_i32 = arith.constant 0 : i32
    %c0_i32_0 = arith.constant 0 : i32
    %c0_i32_1 = arith.constant 0 : i32
    return %c0_i32, %c0_i32_0 : i32, i32
  }
  func.func @transform_12(%arg0: i32) -> (i32, i32) {
    %c0_i32 = arith.constant 0 : i32
    %c0_i32_0 = arith.constant 0 : i32
    %c0_i32_1 = arith.constant 0 : i32
    return %c0_i32, %c0_i32_0 : i32, i32
  }
  func.func @transform_13(%arg0: i32) -> (i32, i32) {
    %c0_i32 = arith.constant 0 : i32
    %c0_i32_0 = arith.constant 0 : i32
    %c0_i32_1 = arith.constant 0 : i32
    return %c0_i32, %c0_i32_0 : i32, i32
  }
  func.func @transform_14(%arg0: i32) -> (i32, i32) {
    %c0_i32 = arith.constant 0 : i32
    %c0_i32_0 = arith.constant 0 : i32
    %c0_i32_1 = arith.constant 0 : i32
    return %c0_i32, %c0_i32_0 : i32, i32
  }
  func.func @transform_15(%arg0: i32) -> (i32, i32) {
    %c0_i32 = arith.constant 0 : i32
    %c0_i32_0 = arith.constant 0 : i32
    %c0_i32_1 = arith.constant 0 : i32
    return %c0_i32, %c0_i32_0 : i32, i32
  }
  func.func @transform_16(%arg0: i32) -> (i32, i32) {
    %c0_i32 = arith.constant 0 : i32
    %c0_i32_0 = arith.constant 0 : i32
    return %arg0, %c0_i32 : i32, i32
  }
  func.func @transform_17(%arg0: i32) -> (i32, i32) {
    %c0_i32 = arith.constant 0 : i32
    %c0_i32_0 = arith.constant 0 : i32
    return %arg0, %c0_i32 : i32, i32
  }
}

module attributes {stable_mosaic.version = 14 : i64} {
  func.func @tc_node_update_l2(%arg0: i32, %arg1: memref<2000x128xf32, #tpu.memory_space<vmem>>, %arg2: memref<2000x128xf32, #tpu.memory_space<vmem>>, %arg3: memref<2000x128xf32, #tpu.memory_space<vmem>>, %arg4: memref<2000x128xf32, #tpu.memory_space<vmem>>, %arg5: memref<128x128xf32, #tpu.memory_space<vmem>>, %arg6: memref<128x128xf32, #tpu.memory_space<vmem>>, %arg7: memref<1x128xf32, #tpu.memory_space<vmem>>, %arg8: memref<1x128xf32, #tpu.memory_space<vmem>>, %arg9: memref<128x128xf32, #tpu.memory_space<vmem>>, %arg10: memref<1x128xf32, #tpu.memory_space<vmem>>, %arg11: memref<128x128xf32, #tpu.memory_space<vmem>>, %arg12: memref<1x128xf32, #tpu.memory_space<vmem>>, %arg13: memref<128x128xf32, #tpu.memory_space<vmem>>, %arg14: memref<1x128xf32, #tpu.memory_space<vmem>>, %arg15: memref<128x128xf32, #tpu.memory_space<vmem>>, %arg16: memref<1x128xf32, #tpu.memory_space<vmem>>, %arg17: memref<2000x128xf32, #tpu.memory_space<vmem>>, %arg18: memref<2000x128xf32, #tpu.memory_space<vmem>>) attributes {dimension_semantics = [#tpu.dimension_semantics<arbitrary>], iteration_bounds = array<i64: 5>, scalar_prefetch = 0 : i64, scratch_operands = 0 : i64, tpu.core_type = #tpu.core_type<tc>, window_params = [{transform_indices = @transform_0, window_bounds = array<i64: 2000, 128>}, {transform_indices = @transform_1, window_bounds = array<i64: 2000, 128>}, {transform_indices = @transform_2, window_bounds = array<i64: 2000, 128>}, {transform_indices = @transform_3, window_bounds = array<i64: 2000, 128>}, {pipeline_mode = #tpu.pipeline_mode<synchronous>, transform_indices = @transform_4, window_bounds = array<i64: 128, 128>}, {pipeline_mode = #tpu.pipeline_mode<synchronous>, transform_indices = @transform_5, window_bounds = array<i64: 128, 128>}, {pipeline_mode = #tpu.pipeline_mode<synchronous>, transform_indices = @transform_6, window_bounds = array<i64: 1, 128>}, {pipeline_mode = #tpu.pipeline_mode<synchronous>, transform_indices = @transform_7, window_bounds = array<i64: 1, 128>}, {pipeline_mode = #tpu.pipeline_mode<synchronous>, transform_indices = @transform_8, window_bounds = array<i64: 128, 128>}, {pipeline_mode = #tpu.pipeline_mode<synchronous>, transform_indices = @transform_9, window_bounds = array<i64: 1, 128>}, {pipeline_mode = #tpu.pipeline_mode<synchronous>, transform_indices = @transform_10, window_bounds = array<i64: 128, 128>}, {pipeline_mode = #tpu.pipeline_mode<synchronous>, transform_indices = @transform_11, window_bounds = array<i64: 1, 128>}, {pipeline_mode = #tpu.pipeline_mode<synchronous>, transform_indices = @transform_12, window_bounds = array<i64: 128, 128>}, {pipeline_mode = #tpu.pipeline_mode<synchronous>, transform_indices = @transform_13, window_bounds = array<i64: 1, 128>}, {pipeline_mode = #tpu.pipeline_mode<synchronous>, transform_indices = @transform_14, window_bounds = array<i64: 128, 128>}, {pipeline_mode = #tpu.pipeline_mode<synchronous>, transform_indices = @transform_15, window_bounds = array<i64: 1, 128>}, {transform_indices = @transform_16, window_bounds = array<i64: 2000, 128>}, {transform_indices = @transform_17, window_bounds = array<i64: 2000, 128>}]} {
    %get3A = arith.constant 0 : index
    %get3A_0 = arith.constant 0 : index
    %get3A_1 = vector.load %arg3[%get3A, %get3A_0] : memref<2000x128xf32, #tpu.memory_space<vmem>>, vector<2000x128xf32>
    %get3A_2 = arith.constant 0 : index
    %get3A_3 = arith.constant 0 : index
    %get3A_4 = vector.load %arg4[%get3A_2, %get3A_3] : memref<2000x128xf32, #tpu.memory_space<vmem>>, vector<2000x128xf32>
    %get3A_5 = arith.constant 0 : index
    %get3A_6 = arith.constant 0 : index
    %get3A_7 = vector.load %arg1[%get3A_5, %get3A_6] : memref<2000x128xf32, #tpu.memory_space<vmem>>, vector<2000x128xf32>
    %get3A_8 = arith.constant 0 : index
    %get3A_9 = arith.constant 0 : index
    %get3A_10 = vector.load %arg5[%get3A_8, %get3A_9] : memref<128x128xf32, #tpu.memory_space<vmem>>, vector<128x128xf32>
    %dot_general3A = arith.constant dense<0.000000e+00> : vector<2000x128xf32>
    %dot_general3A_11 = tpu.matmul %get3A_7, %get3A_10, %dot_general3A {dimension_numbers = #tpu.dot_dimension_numbers<[1], [0], [0], [1], [0, 0, 1, 1], [], []>, transpose_lhs_hint = false} : vector<2000x128xf32>, vector<128x128xf32>, vector<2000x128xf32> -> vector<2000x128xf32>
    %get3A_12 = arith.constant 0 : index
    %get3A_13 = arith.constant 0 : index
    %get3A_14 = vector.load %arg2[%get3A_12, %get3A_13] : memref<2000x128xf32, #tpu.memory_space<vmem>>, vector<2000x128xf32>
    %get3A_15 = arith.constant 0 : index
    %get3A_16 = arith.constant 0 : index
    %get3A_17 = vector.load %arg6[%get3A_15, %get3A_16] : memref<128x128xf32, #tpu.memory_space<vmem>>, vector<128x128xf32>
    %dot_general3A_18 = arith.constant dense<0.000000e+00> : vector<2000x128xf32>
    %dot_general3A_19 = tpu.matmul %get3A_14, %get3A_17, %dot_general3A_18 {dimension_numbers = #tpu.dot_dimension_numbers<[1], [0], [0], [1], [0, 0, 1, 1], [], []>, transpose_lhs_hint = false} : vector<2000x128xf32>, vector<128x128xf32>, vector<2000x128xf32> -> vector<2000x128xf32>
    %add3A = arith.addf %dot_general3A_11, %dot_general3A_19 : vector<2000x128xf32>
    %get3A_20 = arith.constant 0 : index
    %get3A_21 = arith.constant 0 : index
    %get3A_22 = vector.load %arg7[%get3A_20, %get3A_21] : memref<1x128xf32, #tpu.memory_space<vmem>>, vector<1x128xf32>
    %mul3A = vector.broadcast %get3A_22 : vector<1x128xf32> to vector<2000x128xf32>
    %mul3A_23 = arith.mulf %get3A_1, %mul3A : vector<2000x128xf32>
    %add3A_24 = arith.addf %add3A, %mul3A_23 : vector<2000x128xf32>
    %get3A_25 = arith.constant 0 : index
    %get3A_26 = arith.constant 0 : index
    %get3A_27 = vector.load %arg8[%get3A_25, %get3A_26] : memref<1x128xf32, #tpu.memory_space<vmem>>, vector<1x128xf32>
    %mul3A_28 = vector.broadcast %get3A_27 : vector<1x128xf32> to vector<2000x128xf32>
    %mul3A_29 = arith.mulf %get3A_4, %mul3A_28 : vector<2000x128xf32>
    %add3A_30 = arith.addf %add3A_24, %mul3A_29 : vector<2000x128xf32>
    %add3A_31 = arith.addf %get3A_1, %get3A_4 : vector<2000x128xf32>
    %max3A = arith.constant 1.000000e+00 : f32
    %max3A_32 = vector.broadcast %max3A : f32 to vector<2000x128xf32>
    %max3A_33 = arith.maximumf %add3A_31, %max3A_32 : vector<2000x128xf32>
    %div3A = arith.divf %add3A_30, %max3A_33 : vector<2000x128xf32>
    %get3A_34 = arith.constant 0 : index
    %get3A_35 = arith.constant 0 : index
    %get3A_36 = vector.load %arg9[%get3A_34, %get3A_35] : memref<128x128xf32, #tpu.memory_space<vmem>>, vector<128x128xf32>
    %dot_general3A_37 = arith.constant dense<0.000000e+00> : vector<2000x128xf32>
    %dot_general3A_38 = tpu.matmul %div3A, %get3A_36, %dot_general3A_37 {dimension_numbers = #tpu.dot_dimension_numbers<[1], [0], [0], [1], [0, 0, 1, 1], [], []>, transpose_lhs_hint = false} : vector<2000x128xf32>, vector<128x128xf32>, vector<2000x128xf32> -> vector<2000x128xf32>
    %get3A_39 = arith.constant 0 : index
    %get3A_40 = arith.constant 0 : index
    %get3A_41 = vector.load %arg10[%get3A_39, %get3A_40] : memref<1x128xf32, #tpu.memory_space<vmem>>, vector<1x128xf32>
    %add3A_42 = vector.broadcast %get3A_41 : vector<1x128xf32> to vector<2000x128xf32>
    %add3A_43 = arith.addf %dot_general3A_38, %add3A_42 : vector<2000x128xf32>
    %max3A_44 = arith.constant 0.000000e+00 : f32
    %max3A_45 = vector.broadcast %max3A_44 : f32 to vector<2000x128xf32>
    %max3A_46 = arith.maximumf %add3A_43, %max3A_45 : vector<2000x128xf32>
    %get3A_47 = arith.constant 0 : index
    %get3A_48 = arith.constant 0 : index
    %get3A_49 = vector.load %arg11[%get3A_47, %get3A_48] : memref<128x128xf32, #tpu.memory_space<vmem>>, vector<128x128xf32>
    %dot_general3A_50 = arith.constant dense<0.000000e+00> : vector<2000x128xf32>
    %dot_general3A_51 = tpu.matmul %max3A_46, %get3A_49, %dot_general3A_50 {dimension_numbers = #tpu.dot_dimension_numbers<[1], [0], [0], [1], [0, 0, 1, 1], [], []>, transpose_lhs_hint = false} : vector<2000x128xf32>, vector<128x128xf32>, vector<2000x128xf32> -> vector<2000x128xf32>
    %get3A_52 = arith.constant 0 : index
    %get3A_53 = arith.constant 0 : index
    %get3A_54 = vector.load %arg12[%get3A_52, %get3A_53] : memref<1x128xf32, #tpu.memory_space<vmem>>, vector<1x128xf32>
    %add3A_55 = vector.broadcast %get3A_54 : vector<1x128xf32> to vector<2000x128xf32>
    %add3A_56 = arith.addf %dot_general3A_51, %add3A_55 : vector<2000x128xf32>
    %get3A_57 = arith.constant 0 : index
    %get3A_58 = arith.constant 0 : index
    %get3A_59 = vector.load %arg13[%get3A_57, %get3A_58] : memref<128x128xf32, #tpu.memory_space<vmem>>, vector<128x128xf32>
    %dot_general3A_60 = arith.constant dense<0.000000e+00> : vector<2000x128xf32>
    %dot_general3A_61 = tpu.matmul %add3A_56, %get3A_59, %dot_general3A_60 {dimension_numbers = #tpu.dot_dimension_numbers<[1], [0], [0], [1], [0, 0, 1, 1], [], []>, transpose_lhs_hint = false} : vector<2000x128xf32>, vector<128x128xf32>, vector<2000x128xf32> -> vector<2000x128xf32>
    %swap3A = arith.constant 0 : index
    %swap3A_62 = arith.constant 0 : index
    %swap3A_63 = vector.load %arg17[%swap3A, %swap3A_62] : memref<2000x128xf32, #tpu.memory_space<vmem>>, vector<2000x128xf32>
    tpu.vector_store %arg17[%swap3A, %swap3A_62], %dot_general3A_61 {strides = array<i32>} : memref<2000x128xf32, #tpu.memory_space<vmem>>, vector<2000x128xf32>,
    %get3A_64 = arith.constant 0 : index
    %get3A_65 = arith.constant 0 : index
    %get3A_66 = vector.load %arg15[%get3A_64, %get3A_65] : memref<128x128xf32, #tpu.memory_space<vmem>>, vector<128x128xf32>
    %dot_general3A_67 = arith.constant dense<0.000000e+00> : vector<2000x128xf32>
    %dot_general3A_68 = tpu.matmul %add3A_56, %get3A_66, %dot_general3A_67 {dimension_numbers = #tpu.dot_dimension_numbers<[1], [0], [0], [1], [0, 0, 1, 1], [], []>, transpose_lhs_hint = false} : vector<2000x128xf32>, vector<128x128xf32>, vector<2000x128xf32> -> vector<2000x128xf32>
    %swap3A_69 = arith.constant 0 : index
    %swap3A_70 = arith.constant 0 : index
    %swap3A_71 = vector.load %arg18[%swap3A_69, %swap3A_70] : memref<2000x128xf32, #tpu.memory_space<vmem>>, vector<2000x128xf32>
    tpu.vector_store %arg18[%swap3A_69, %swap3A_70], %dot_general3A_68 {strides = array<i32>} : memref<2000x128xf32, #tpu.memory_space<vmem>>, vector<2000x128xf32>,
    return
  }
  func.func @transform_0(%arg0: i32) -> (i32, i32) {
    %c0_i32 = arith.constant 0 : i32
    %c0_i32_0 = arith.constant 0 : i32
    return %arg0, %c0_i32 : i32, i32
  }
  func.func @transform_1(%arg0: i32) -> (i32, i32) {
    %c0_i32 = arith.constant 0 : i32
    %c0_i32_0 = arith.constant 0 : i32
    return %arg0, %c0_i32 : i32, i32
  }
  func.func @transform_2(%arg0: i32) -> (i32, i32) {
    %c0_i32 = arith.constant 0 : i32
    %c0_i32_0 = arith.constant 0 : i32
    return %arg0, %c0_i32 : i32, i32
  }
  func.func @transform_3(%arg0: i32) -> (i32, i32) {
    %c0_i32 = arith.constant 0 : i32
    %c0_i32_0 = arith.constant 0 : i32
    return %arg0, %c0_i32 : i32, i32
  }
  func.func @transform_4(%arg0: i32) -> (i32, i32) {
    %c0_i32 = arith.constant 0 : i32
    %c0_i32_0 = arith.constant 0 : i32
    %c0_i32_1 = arith.constant 0 : i32
    return %c0_i32, %c0_i32_0 : i32, i32
  }
  func.func @transform_5(%arg0: i32) -> (i32, i32) {
    %c0_i32 = arith.constant 0 : i32
    %c0_i32_0 = arith.constant 0 : i32
    %c0_i32_1 = arith.constant 0 : i32
    return %c0_i32, %c0_i32_0 : i32, i32
  }
  func.func @transform_6(%arg0: i32) -> (i32, i32) {
    %c0_i32 = arith.constant 0 : i32
    %c0_i32_0 = arith.constant 0 : i32
    %c0_i32_1 = arith.constant 0 : i32
    return %c0_i32, %c0_i32_0 : i32, i32
  }
  func.func @transform_7(%arg0: i32) -> (i32, i32) {
    %c0_i32 = arith.constant 0 : i32
    %c0_i32_0 = arith.constant 0 : i32
    %c0_i32_1 = arith.constant 0 : i32
    return %c0_i32, %c0_i32_0 : i32, i32
  }
  func.func @transform_8(%arg0: i32) -> (i32, i32) {
    %c0_i32 = arith.constant 0 : i32
    %c0_i32_0 = arith.constant 0 : i32
    %c0_i32_1 = arith.constant 0 : i32
    return %c0_i32, %c0_i32_0 : i32, i32
  }
  func.func @transform_9(%arg0: i32) -> (i32, i32) {
    %c0_i32 = arith.constant 0 : i32
    %c0_i32_0 = arith.constant 0 : i32
    %c0_i32_1 = arith.constant 0 : i32
    return %c0_i32, %c0_i32_0 : i32, i32
  }
  func.func @transform_10(%arg0: i32) -> (i32, i32) {
    %c0_i32 = arith.constant 0 : i32
    %c0_i32_0 = arith.constant 0 : i32
    %c0_i32_1 = arith.constant 0 : i32
    return %c0_i32, %c0_i32_0 : i32, i32
  }
  func.func @transform_11(%arg0: i32) -> (i32, i32) {
    %c0_i32 = arith.constant 0 : i32
    %c0_i32_0 = arith.constant 0 : i32
    %c0_i32_1 = arith.constant 0 : i32
    return %c0_i32, %c0_i32_0 : i32, i32
  }
  func.func @transform_12(%arg0: i32) -> (i32, i32) {
    %c0_i32 = arith.constant 0 : i32
    %c0_i32_0 = arith.constant 0 : i32
    %c0_i32_1 = arith.constant 0 : i32
    return %c0_i32, %c0_i32_0 : i32, i32
  }
  func.func @transform_13(%arg0: i32) -> (i32, i32) {
    %c0_i32 = arith.constant 0 : i32
    %c0_i32_0 = arith.constant 0 : i32
    %c0_i32_1 = arith.constant 0 : i32
    return %c0_i32, %c0_i32_0 : i32, i32
  }
  func.func @transform_14(%arg0: i32) -> (i32, i32) {
    %c0_i32 = arith.constant 0 : i32
    %c0_i32_0 = arith.constant 0 : i32
    %c0_i32_1 = arith.constant 0 : i32
    return %c0_i32, %c0_i32_0 : i32, i32
  }
  func.func @transform_15(%arg0: i32) -> (i32, i32) {
    %c0_i32 = arith.constant 0 : i32
    %c0_i32_0 = arith.constant 0 : i32
    %c0_i32_1 = arith.constant 0 : i32
    return %c0_i32, %c0_i32_0 : i32, i32
  }
  func.func @transform_16(%arg0: i32) -> (i32, i32) {
    %c0_i32 = arith.constant 0 : i32
    %c0_i32_0 = arith.constant 0 : i32
    return %arg0, %c0_i32 : i32, i32
  }
  func.func @transform_17(%arg0: i32) -> (i32, i32) {
    %c0_i32 = arith.constant 0 : i32
    %c0_i32_0 = arith.constant 0 : i32
    return %arg0, %c0_i32 : i32, i32
  }
}

module attributes {stable_mosaic.version = 14 : i64} {
  func.func @tc_node_update_l3(%arg0: i32, %arg1: memref<2000x128xf32, #tpu.memory_space<vmem>>, %arg2: memref<2000x128xf32, #tpu.memory_space<vmem>>, %arg3: memref<2000x128xf32, #tpu.memory_space<vmem>>, %arg4: memref<2000x128xf32, #tpu.memory_space<vmem>>, %arg5: memref<128x128xf32, #tpu.memory_space<vmem>>, %arg6: memref<128x128xf32, #tpu.memory_space<vmem>>, %arg7: memref<1x128xf32, #tpu.memory_space<vmem>>, %arg8: memref<1x128xf32, #tpu.memory_space<vmem>>, %arg9: memref<128x128xf32, #tpu.memory_space<vmem>>, %arg10: memref<1x128xf32, #tpu.memory_space<vmem>>, %arg11: memref<128x128xf32, #tpu.memory_space<vmem>>, %arg12: memref<1x128xf32, #tpu.memory_space<vmem>>, %arg13: memref<128x128xf32, #tpu.memory_space<vmem>>, %arg14: memref<1x128xf32, #tpu.memory_space<vmem>>, %arg15: memref<128x128xf32, #tpu.memory_space<vmem>>, %arg16: memref<1x128xf32, #tpu.memory_space<vmem>>, %arg17: memref<2000x128xf32, #tpu.memory_space<vmem>>, %arg18: memref<2000x128xf32, #tpu.memory_space<vmem>>) attributes {dimension_semantics = [#tpu.dimension_semantics<arbitrary>], iteration_bounds = array<i64: 5>, scalar_prefetch = 0 : i64, scratch_operands = 0 : i64, tpu.core_type = #tpu.core_type<tc>, window_params = [{transform_indices = @transform_0, window_bounds = array<i64: 2000, 128>}, {transform_indices = @transform_1, window_bounds = array<i64: 2000, 128>}, {transform_indices = @transform_2, window_bounds = array<i64: 2000, 128>}, {transform_indices = @transform_3, window_bounds = array<i64: 2000, 128>}, {pipeline_mode = #tpu.pipeline_mode<synchronous>, transform_indices = @transform_4, window_bounds = array<i64: 128, 128>}, {pipeline_mode = #tpu.pipeline_mode<synchronous>, transform_indices = @transform_5, window_bounds = array<i64: 128, 128>}, {pipeline_mode = #tpu.pipeline_mode<synchronous>, transform_indices = @transform_6, window_bounds = array<i64: 1, 128>}, {pipeline_mode = #tpu.pipeline_mode<synchronous>, transform_indices = @transform_7, window_bounds = array<i64: 1, 128>}, {pipeline_mode = #tpu.pipeline_mode<synchronous>, transform_indices = @transform_8, window_bounds = array<i64: 128, 128>}, {pipeline_mode = #tpu.pipeline_mode<synchronous>, transform_indices = @transform_9, window_bounds = array<i64: 1, 128>}, {pipeline_mode = #tpu.pipeline_mode<synchronous>, transform_indices = @transform_10, window_bounds = array<i64: 128, 128>}, {pipeline_mode = #tpu.pipeline_mode<synchronous>, transform_indices = @transform_11, window_bounds = array<i64: 1, 128>}, {pipeline_mode = #tpu.pipeline_mode<synchronous>, transform_indices = @transform_12, window_bounds = array<i64: 128, 128>}, {pipeline_mode = #tpu.pipeline_mode<synchronous>, transform_indices = @transform_13, window_bounds = array<i64: 1, 128>}, {pipeline_mode = #tpu.pipeline_mode<synchronous>, transform_indices = @transform_14, window_bounds = array<i64: 128, 128>}, {pipeline_mode = #tpu.pipeline_mode<synchronous>, transform_indices = @transform_15, window_bounds = array<i64: 1, 128>}, {transform_indices = @transform_16, window_bounds = array<i64: 2000, 128>}, {transform_indices = @transform_17, window_bounds = array<i64: 2000, 128>}]} {
    %get3A = arith.constant 0 : index
    %get3A_0 = arith.constant 0 : index
    %get3A_1 = vector.load %arg3[%get3A, %get3A_0] : memref<2000x128xf32, #tpu.memory_space<vmem>>, vector<2000x128xf32>
    %get3A_2 = arith.constant 0 : index
    %get3A_3 = arith.constant 0 : index
    %get3A_4 = vector.load %arg4[%get3A_2, %get3A_3] : memref<2000x128xf32, #tpu.memory_space<vmem>>, vector<2000x128xf32>
    %get3A_5 = arith.constant 0 : index
    %get3A_6 = arith.constant 0 : index
    %get3A_7 = vector.load %arg1[%get3A_5, %get3A_6] : memref<2000x128xf32, #tpu.memory_space<vmem>>, vector<2000x128xf32>
    %get3A_8 = arith.constant 0 : index
    %get3A_9 = arith.constant 0 : index
    %get3A_10 = vector.load %arg5[%get3A_8, %get3A_9] : memref<128x128xf32, #tpu.memory_space<vmem>>, vector<128x128xf32>
    %dot_general3A = arith.constant dense<0.000000e+00> : vector<2000x128xf32>
    %dot_general3A_11 = tpu.matmul %get3A_7, %get3A_10, %dot_general3A {dimension_numbers = #tpu.dot_dimension_numbers<[1], [0], [0], [1], [0, 0, 1, 1], [], []>, transpose_lhs_hint = false} : vector<2000x128xf32>, vector<128x128xf32>, vector<2000x128xf32> -> vector<2000x128xf32>
    %get3A_12 = arith.constant 0 : index
    %get3A_13 = arith.constant 0 : index
    %get3A_14 = vector.load %arg2[%get3A_12, %get3A_13] : memref<2000x128xf32, #tpu.memory_space<vmem>>, vector<2000x128xf32>
    %get3A_15 = arith.constant 0 : index
    %get3A_16 = arith.constant 0 : index
    %get3A_17 = vector.load %arg6[%get3A_15, %get3A_16] : memref<128x128xf32, #tpu.memory_space<vmem>>, vector<128x128xf32>
    %dot_general3A_18 = arith.constant dense<0.000000e+00> : vector<2000x128xf32>
    %dot_general3A_19 = tpu.matmul %get3A_14, %get3A_17, %dot_general3A_18 {dimension_numbers = #tpu.dot_dimension_numbers<[1], [0], [0], [1], [0, 0, 1, 1], [], []>, transpose_lhs_hint = false} : vector<2000x128xf32>, vector<128x128xf32>, vector<2000x128xf32> -> vector<2000x128xf32>
    %add3A = arith.addf %dot_general3A_11, %dot_general3A_19 : vector<2000x128xf32>
    %get3A_20 = arith.constant 0 : index
    %get3A_21 = arith.constant 0 : index
    %get3A_22 = vector.load %arg7[%get3A_20, %get3A_21] : memref<1x128xf32, #tpu.memory_space<vmem>>, vector<1x128xf32>
    %mul3A = vector.broadcast %get3A_22 : vector<1x128xf32> to vector<2000x128xf32>
    %mul3A_23 = arith.mulf %get3A_1, %mul3A : vector<2000x128xf32>
    %add3A_24 = arith.addf %add3A, %mul3A_23 : vector<2000x128xf32>
    %get3A_25 = arith.constant 0 : index
    %get3A_26 = arith.constant 0 : index
    %get3A_27 = vector.load %arg8[%get3A_25, %get3A_26] : memref<1x128xf32, #tpu.memory_space<vmem>>, vector<1x128xf32>
    %mul3A_28 = vector.broadcast %get3A_27 : vector<1x128xf32> to vector<2000x128xf32>
    %mul3A_29 = arith.mulf %get3A_4, %mul3A_28 : vector<2000x128xf32>
    %add3A_30 = arith.addf %add3A_24, %mul3A_29 : vector<2000x128xf32>
    %add3A_31 = arith.addf %get3A_1, %get3A_4 : vector<2000x128xf32>
    %max3A = arith.constant 1.000000e+00 : f32
    %max3A_32 = vector.broadcast %max3A : f32 to vector<2000x128xf32>
    %max3A_33 = arith.maximumf %add3A_31, %max3A_32 : vector<2000x128xf32>
    %div3A = arith.divf %add3A_30, %max3A_33 : vector<2000x128xf32>
    %get3A_34 = arith.constant 0 : index
    %get3A_35 = arith.constant 0 : index
    %get3A_36 = vector.load %arg9[%get3A_34, %get3A_35] : memref<128x128xf32, #tpu.memory_space<vmem>>, vector<128x128xf32>
    %dot_general3A_37 = arith.constant dense<0.000000e+00> : vector<2000x128xf32>
    %dot_general3A_38 = tpu.matmul %div3A, %get3A_36, %dot_general3A_37 {dimension_numbers = #tpu.dot_dimension_numbers<[1], [0], [0], [1], [0, 0, 1, 1], [], []>, transpose_lhs_hint = false} : vector<2000x128xf32>, vector<128x128xf32>, vector<2000x128xf32> -> vector<2000x128xf32>
    %get3A_39 = arith.constant 0 : index
    %get3A_40 = arith.constant 0 : index
    %get3A_41 = vector.load %arg10[%get3A_39, %get3A_40] : memref<1x128xf32, #tpu.memory_space<vmem>>, vector<1x128xf32>
    %add3A_42 = vector.broadcast %get3A_41 : vector<1x128xf32> to vector<2000x128xf32>
    %add3A_43 = arith.addf %dot_general3A_38, %add3A_42 : vector<2000x128xf32>
    %max3A_44 = arith.constant 0.000000e+00 : f32
    %max3A_45 = vector.broadcast %max3A_44 : f32 to vector<2000x128xf32>
    %max3A_46 = arith.maximumf %add3A_43, %max3A_45 : vector<2000x128xf32>
    %get3A_47 = arith.constant 0 : index
    %get3A_48 = arith.constant 0 : index
    %get3A_49 = vector.load %arg11[%get3A_47, %get3A_48] : memref<128x128xf32, #tpu.memory_space<vmem>>, vector<128x128xf32>
    %dot_general3A_50 = arith.constant dense<0.000000e+00> : vector<2000x128xf32>
    %dot_general3A_51 = tpu.matmul %max3A_46, %get3A_49, %dot_general3A_50 {dimension_numbers = #tpu.dot_dimension_numbers<[1], [0], [0], [1], [0, 0, 1, 1], [], []>, transpose_lhs_hint = false} : vector<2000x128xf32>, vector<128x128xf32>, vector<2000x128xf32> -> vector<2000x128xf32>
    %get3A_52 = arith.constant 0 : index
    %get3A_53 = arith.constant 0 : index
    %get3A_54 = vector.load %arg12[%get3A_52, %get3A_53] : memref<1x128xf32, #tpu.memory_space<vmem>>, vector<1x128xf32>
    %add3A_55 = vector.broadcast %get3A_54 : vector<1x128xf32> to vector<2000x128xf32>
    %add3A_56 = arith.addf %dot_general3A_51, %add3A_55 : vector<2000x128xf32>
    %get3A_57 = arith.constant 0 : index
    %get3A_58 = arith.constant 0 : index
    %get3A_59 = vector.load %arg13[%get3A_57, %get3A_58] : memref<128x128xf32, #tpu.memory_space<vmem>>, vector<128x128xf32>
    %dot_general3A_60 = arith.constant dense<0.000000e+00> : vector<2000x128xf32>
    %dot_general3A_61 = tpu.matmul %add3A_56, %get3A_59, %dot_general3A_60 {dimension_numbers = #tpu.dot_dimension_numbers<[1], [0], [0], [1], [0, 0, 1, 1], [], []>, transpose_lhs_hint = false} : vector<2000x128xf32>, vector<128x128xf32>, vector<2000x128xf32> -> vector<2000x128xf32>
    %swap3A = arith.constant 0 : index
    %swap3A_62 = arith.constant 0 : index
    %swap3A_63 = vector.load %arg17[%swap3A, %swap3A_62] : memref<2000x128xf32, #tpu.memory_space<vmem>>, vector<2000x128xf32>
    tpu.vector_store %arg17[%swap3A, %swap3A_62], %dot_general3A_61 {strides = array<i32>} : memref<2000x128xf32, #tpu.memory_space<vmem>>, vector<2000x128xf32>,
    %get3A_64 = arith.constant 0 : index
    %get3A_65 = arith.constant 0 : index
    %get3A_66 = vector.load %arg15[%get3A_64, %get3A_65] : memref<128x128xf32, #tpu.memory_space<vmem>>, vector<128x128xf32>
    %dot_general3A_67 = arith.constant dense<0.000000e+00> : vector<2000x128xf32>
    %dot_general3A_68 = tpu.matmul %add3A_56, %get3A_66, %dot_general3A_67 {dimension_numbers = #tpu.dot_dimension_numbers<[1], [0], [0], [1], [0, 0, 1, 1], [], []>, transpose_lhs_hint = false} : vector<2000x128xf32>, vector<128x128xf32>, vector<2000x128xf32> -> vector<2000x128xf32>
    %swap3A_69 = arith.constant 0 : index
    %swap3A_70 = arith.constant 0 : index
    %swap3A_71 = vector.load %arg18[%swap3A_69, %swap3A_70] : memref<2000x128xf32, #tpu.memory_space<vmem>>, vector<2000x128xf32>
    tpu.vector_store %arg18[%swap3A_69, %swap3A_70], %dot_general3A_68 {strides = array<i32>} : memref<2000x128xf32, #tpu.memory_space<vmem>>, vector<2000x128xf32>,
    return
  }
  func.func @transform_0(%arg0: i32) -> (i32, i32) {
    %c0_i32 = arith.constant 0 : i32
    %c0_i32_0 = arith.constant 0 : i32
    return %arg0, %c0_i32 : i32, i32
  }
  func.func @transform_1(%arg0: i32) -> (i32, i32) {
    %c0_i32 = arith.constant 0 : i32
    %c0_i32_0 = arith.constant 0 : i32
    return %arg0, %c0_i32 : i32, i32
  }
  func.func @transform_2(%arg0: i32) -> (i32, i32) {
    %c0_i32 = arith.constant 0 : i32
    %c0_i32_0 = arith.constant 0 : i32
    return %arg0, %c0_i32 : i32, i32
  }
  func.func @transform_3(%arg0: i32) -> (i32, i32) {
    %c0_i32 = arith.constant 0 : i32
    %c0_i32_0 = arith.constant 0 : i32
    return %arg0, %c0_i32 : i32, i32
  }
  func.func @transform_4(%arg0: i32) -> (i32, i32) {
    %c0_i32 = arith.constant 0 : i32
    %c0_i32_0 = arith.constant 0 : i32
    %c0_i32_1 = arith.constant 0 : i32
    return %c0_i32, %c0_i32_0 : i32, i32
  }
  func.func @transform_5(%arg0: i32) -> (i32, i32) {
    %c0_i32 = arith.constant 0 : i32
    %c0_i32_0 = arith.constant 0 : i32
    %c0_i32_1 = arith.constant 0 : i32
    return %c0_i32, %c0_i32_0 : i32, i32
  }
  func.func @transform_6(%arg0: i32) -> (i32, i32) {
    %c0_i32 = arith.constant 0 : i32
    %c0_i32_0 = arith.constant 0 : i32
    %c0_i32_1 = arith.constant 0 : i32
    return %c0_i32, %c0_i32_0 : i32, i32
  }
  func.func @transform_7(%arg0: i32) -> (i32, i32) {
    %c0_i32 = arith.constant 0 : i32
    %c0_i32_0 = arith.constant 0 : i32
    %c0_i32_1 = arith.constant 0 : i32
    return %c0_i32, %c0_i32_0 : i32, i32
  }
  func.func @transform_8(%arg0: i32) -> (i32, i32) {
    %c0_i32 = arith.constant 0 : i32
    %c0_i32_0 = arith.constant 0 : i32
    %c0_i32_1 = arith.constant 0 : i32
    return %c0_i32, %c0_i32_0 : i32, i32
  }
  func.func @transform_9(%arg0: i32) -> (i32, i32) {
    %c0_i32 = arith.constant 0 : i32
    %c0_i32_0 = arith.constant 0 : i32
    %c0_i32_1 = arith.constant 0 : i32
    return %c0_i32, %c0_i32_0 : i32, i32
  }
  func.func @transform_10(%arg0: i32) -> (i32, i32) {
    %c0_i32 = arith.constant 0 : i32
    %c0_i32_0 = arith.constant 0 : i32
    %c0_i32_1 = arith.constant 0 : i32
    return %c0_i32, %c0_i32_0 : i32, i32
  }
  func.func @transform_11(%arg0: i32) -> (i32, i32) {
    %c0_i32 = arith.constant 0 : i32
    %c0_i32_0 = arith.constant 0 : i32
    %c0_i32_1 = arith.constant 0 : i32
    return %c0_i32, %c0_i32_0 : i32, i32
  }
  func.func @transform_12(%arg0: i32) -> (i32, i32) {
    %c0_i32 = arith.constant 0 : i32
    %c0_i32_0 = arith.constant 0 : i32
    %c0_i32_1 = arith.constant 0 : i32
    return %c0_i32, %c0_i32_0 : i32, i32
  }
  func.func @transform_13(%arg0: i32) -> (i32, i32) {
    %c0_i32 = arith.constant 0 : i32
    %c0_i32_0 = arith.constant 0 : i32
    %c0_i32_1 = arith.constant 0 : i32
    return %c0_i32, %c0_i32_0 : i32, i32
  }
  func.func @transform_14(%arg0: i32) -> (i32, i32) {
    %c0_i32 = arith.constant 0 : i32
    %c0_i32_0 = arith.constant 0 : i32
    %c0_i32_1 = arith.constant 0 : i32
    return %c0_i32, %c0_i32_0 : i32, i32
  }
  func.func @transform_15(%arg0: i32) -> (i32, i32) {
    %c0_i32 = arith.constant 0 : i32
    %c0_i32_0 = arith.constant 0 : i32
    %c0_i32_1 = arith.constant 0 : i32
    return %c0_i32, %c0_i32_0 : i32, i32
  }
  func.func @transform_16(%arg0: i32) -> (i32, i32) {
    %c0_i32 = arith.constant 0 : i32
    %c0_i32_0 = arith.constant 0 : i32
    return %arg0, %c0_i32 : i32, i32
  }
  func.func @transform_17(%arg0: i32) -> (i32, i32) {
    %c0_i32 = arith.constant 0 : i32
    %c0_i32_0 = arith.constant 0 : i32
    return %arg0, %c0_i32 : i32, i32
  }
}

module attributes {stable_mosaic.version = 14 : i64} {
  func.func @tc_node_update_box(%arg0: i32, %arg1: memref<2000x128xf32, #tpu.memory_space<vmem>>, %arg2: memref<2000x128xf32, #tpu.memory_space<vmem>>, %arg3: memref<2000x128xf32, #tpu.memory_space<vmem>>, %arg4: memref<2000x128xf32, #tpu.memory_space<vmem>>, %arg5: memref<128x128xf32, #tpu.memory_space<vmem>>, %arg6: memref<128x128xf32, #tpu.memory_space<vmem>>, %arg7: memref<1x128xf32, #tpu.memory_space<vmem>>, %arg8: memref<1x128xf32, #tpu.memory_space<vmem>>, %arg9: memref<128x128xf32, #tpu.memory_space<vmem>>, %arg10: memref<1x128xf32, #tpu.memory_space<vmem>>, %arg11: memref<128x128xf32, #tpu.memory_space<vmem>>, %arg12: memref<1x128xf32, #tpu.memory_space<vmem>>, %arg13: memref<128x128xf32, #tpu.memory_space<vmem>>, %arg14: memref<1x128xf32, #tpu.memory_space<vmem>>, %arg15: memref<128x128xf32, #tpu.memory_space<vmem>>, %arg16: memref<1x128xf32, #tpu.memory_space<vmem>>, %arg17: memref<2000x128xf32, #tpu.memory_space<vmem>>) attributes {dimension_semantics = [#tpu.dimension_semantics<arbitrary>], iteration_bounds = array<i64: 5>, scalar_prefetch = 0 : i64, scratch_operands = 0 : i64, tpu.core_type = #tpu.core_type<tc>, window_params = [{transform_indices = @transform_0, window_bounds = array<i64: 2000, 128>}, {transform_indices = @transform_1, window_bounds = array<i64: 2000, 128>}, {transform_indices = @transform_2, window_bounds = array<i64: 2000, 128>}, {transform_indices = @transform_3, window_bounds = array<i64: 2000, 128>}, {pipeline_mode = #tpu.pipeline_mode<synchronous>, transform_indices = @transform_4, window_bounds = array<i64: 128, 128>}, {pipeline_mode = #tpu.pipeline_mode<synchronous>, transform_indices = @transform_5, window_bounds = array<i64: 128, 128>}, {pipeline_mode = #tpu.pipeline_mode<synchronous>, transform_indices = @transform_6, window_bounds = array<i64: 1, 128>}, {pipeline_mode = #tpu.pipeline_mode<synchronous>, transform_indices = @transform_7, window_bounds = array<i64: 1, 128>}, {pipeline_mode = #tpu.pipeline_mode<synchronous>, transform_indices = @transform_8, window_bounds = array<i64: 128, 128>}, {pipeline_mode = #tpu.pipeline_mode<synchronous>, transform_indices = @transform_9, window_bounds = array<i64: 1, 128>}, {pipeline_mode = #tpu.pipeline_mode<synchronous>, transform_indices = @transform_10, window_bounds = array<i64: 128, 128>}, {pipeline_mode = #tpu.pipeline_mode<synchronous>, transform_indices = @transform_11, window_bounds = array<i64: 1, 128>}, {pipeline_mode = #tpu.pipeline_mode<synchronous>, transform_indices = @transform_12, window_bounds = array<i64: 128, 128>}, {pipeline_mode = #tpu.pipeline_mode<synchronous>, transform_indices = @transform_13, window_bounds = array<i64: 1, 128>}, {pipeline_mode = #tpu.pipeline_mode<synchronous>, transform_indices = @transform_14, window_bounds = array<i64: 128, 128>}, {pipeline_mode = #tpu.pipeline_mode<synchronous>, transform_indices = @transform_15, window_bounds = array<i64: 1, 128>}, {transform_indices = @transform_16, window_bounds = array<i64: 2000, 128>}]} {
    %get3A = arith.constant 0 : index
    %get3A_0 = arith.constant 0 : index
    %get3A_1 = vector.load %arg3[%get3A, %get3A_0] : memref<2000x128xf32, #tpu.memory_space<vmem>>, vector<2000x128xf32>
    %get3A_2 = arith.constant 0 : index
    %get3A_3 = arith.constant 0 : index
    %get3A_4 = vector.load %arg4[%get3A_2, %get3A_3] : memref<2000x128xf32, #tpu.memory_space<vmem>>, vector<2000x128xf32>
    %get3A_5 = arith.constant 0 : index
    %get3A_6 = arith.constant 0 : index
    %get3A_7 = vector.load %arg1[%get3A_5, %get3A_6] : memref<2000x128xf32, #tpu.memory_space<vmem>>, vector<2000x128xf32>
    %get3A_8 = arith.constant 0 : index
    %get3A_9 = arith.constant 0 : index
    %get3A_10 = vector.load %arg5[%get3A_8, %get3A_9] : memref<128x128xf32, #tpu.memory_space<vmem>>, vector<128x128xf32>
    %dot_general3A = arith.constant dense<0.000000e+00> : vector<2000x128xf32>
    %dot_general3A_11 = tpu.matmul %get3A_7, %get3A_10, %dot_general3A {dimension_numbers = #tpu.dot_dimension_numbers<[1], [0], [0], [1], [0, 0, 1, 1], [], []>, transpose_lhs_hint = false} : vector<2000x128xf32>, vector<128x128xf32>, vector<2000x128xf32> -> vector<2000x128xf32>
    %get3A_12 = arith.constant 0 : index
    %get3A_13 = arith.constant 0 : index
    %get3A_14 = vector.load %arg2[%get3A_12, %get3A_13] : memref<2000x128xf32, #tpu.memory_space<vmem>>, vector<2000x128xf32>
    %get3A_15 = arith.constant 0 : index
    %get3A_16 = arith.constant 0 : index
    %get3A_17 = vector.load %arg6[%get3A_15, %get3A_16] : memref<128x128xf32, #tpu.memory_space<vmem>>, vector<128x128xf32>
    %dot_general3A_18 = arith.constant dense<0.000000e+00> : vector<2000x128xf32>
    %dot_general3A_19 = tpu.matmul %get3A_14, %get3A_17, %dot_general3A_18 {dimension_numbers = #tpu.dot_dimension_numbers<[1], [0], [0], [1], [0, 0, 1, 1], [], []>, transpose_lhs_hint = false} : vector<2000x128xf32>, vector<128x128xf32>, vector<2000x128xf32> -> vector<2000x128xf32>
    %add3A = arith.addf %dot_general3A_11, %dot_general3A_19 : vector<2000x128xf32>
    %get3A_20 = arith.constant 0 : index
    %get3A_21 = arith.constant 0 : index
    %get3A_22 = vector.load %arg7[%get3A_20, %get3A_21] : memref<1x128xf32, #tpu.memory_space<vmem>>, vector<1x128xf32>
    %mul3A = vector.broadcast %get3A_22 : vector<1x128xf32> to vector<2000x128xf32>
    %mul3A_23 = arith.mulf %get3A_1, %mul3A : vector<2000x128xf32>
    %add3A_24 = arith.addf %add3A, %mul3A_23 : vector<2000x128xf32>
    %get3A_25 = arith.constant 0 : index
    %get3A_26 = arith.constant 0 : index
    %get3A_27 = vector.load %arg8[%get3A_25, %get3A_26] : memref<1x128xf32, #tpu.memory_space<vmem>>, vector<1x128xf32>
    %mul3A_28 = vector.broadcast %get3A_27 : vector<1x128xf32> to vector<2000x128xf32>
    %mul3A_29 = arith.mulf %get3A_4, %mul3A_28 : vector<2000x128xf32>
    %add3A_30 = arith.addf %add3A_24, %mul3A_29 : vector<2000x128xf32>
    %add3A_31 = arith.addf %get3A_1, %get3A_4 : vector<2000x128xf32>
    %max3A = arith.constant 1.000000e+00 : f32
    %max3A_32 = vector.broadcast %max3A : f32 to vector<2000x128xf32>
    %max3A_33 = arith.maximumf %add3A_31, %max3A_32 : vector<2000x128xf32>
    %div3A = arith.divf %add3A_30, %max3A_33 : vector<2000x128xf32>
    %get3A_34 = arith.constant 0 : index
    %get3A_35 = arith.constant 0 : index
    %get3A_36 = vector.load %arg9[%get3A_34, %get3A_35] : memref<128x128xf32, #tpu.memory_space<vmem>>, vector<128x128xf32>
    %dot_general3A_37 = arith.constant dense<0.000000e+00> : vector<2000x128xf32>
    %dot_general3A_38 = tpu.matmul %div3A, %get3A_36, %dot_general3A_37 {dimension_numbers = #tpu.dot_dimension_numbers<[1], [0], [0], [1], [0, 0, 1, 1], [], []>, transpose_lhs_hint = false} : vector<2000x128xf32>, vector<128x128xf32>, vector<2000x128xf32> -> vector<2000x128xf32>
    %get3A_39 = arith.constant 0 : index
    %get3A_40 = arith.constant 0 : index
    %get3A_41 = vector.load %arg10[%get3A_39, %get3A_40] : memref<1x128xf32, #tpu.memory_space<vmem>>, vector<1x128xf32>
    %add3A_42 = vector.broadcast %get3A_41 : vector<1x128xf32> to vector<2000x128xf32>
    %add3A_43 = arith.addf %dot_general3A_38, %add3A_42 : vector<2000x128xf32>
    %max3A_44 = arith.constant 0.000000e+00 : f32
    %max3A_45 = vector.broadcast %max3A_44 : f32 to vector<2000x128xf32>
    %max3A_46 = arith.maximumf %add3A_43, %max3A_45 : vector<2000x128xf32>
    %get3A_47 = arith.constant 0 : index
    %get3A_48 = arith.constant 0 : index
    %get3A_49 = vector.load %arg11[%get3A_47, %get3A_48] : memref<128x128xf32, #tpu.memory_space<vmem>>, vector<128x128xf32>
    %dot_general3A_50 = arith.constant dense<0.000000e+00> : vector<2000x128xf32>
    %dot_general3A_51 = tpu.matmul %max3A_46, %get3A_49, %dot_general3A_50 {dimension_numbers = #tpu.dot_dimension_numbers<[1], [0], [0], [1], [0, 0, 1, 1], [], []>, transpose_lhs_hint = false} : vector<2000x128xf32>, vector<128x128xf32>, vector<2000x128xf32> -> vector<2000x128xf32>
    %get3A_52 = arith.constant 0 : index
    %get3A_53 = arith.constant 0 : index
    %get3A_54 = vector.load %arg12[%get3A_52, %get3A_53] : memref<1x128xf32, #tpu.memory_space<vmem>>, vector<1x128xf32>
    %add3A_55 = vector.broadcast %get3A_54 : vector<1x128xf32> to vector<2000x128xf32>
    %add3A_56 = arith.addf %dot_general3A_51, %add3A_55 : vector<2000x128xf32>
    %get3A_57 = arith.constant 0 : index
    %get3A_58 = arith.constant 0 : index
    %get3A_59 = vector.load %arg13[%get3A_57, %get3A_58] : memref<128x128xf32, #tpu.memory_space<vmem>>, vector<128x128xf32>
    %dot_general3A_60 = arith.constant dense<0.000000e+00> : vector<2000x128xf32>
    %dot_general3A_61 = tpu.matmul %add3A_56, %get3A_59, %dot_general3A_60 {dimension_numbers = #tpu.dot_dimension_numbers<[1], [0], [0], [1], [0, 0, 1, 1], [], []>, transpose_lhs_hint = false} : vector<2000x128xf32>, vector<128x128xf32>, vector<2000x128xf32> -> vector<2000x128xf32>
    %get3A_62 = arith.constant 0 : index
    %get3A_63 = arith.constant 0 : index
    %get3A_64 = vector.load %arg14[%get3A_62, %get3A_63] : memref<1x128xf32, #tpu.memory_space<vmem>>, vector<1x128xf32>
    %add3A_65 = vector.broadcast %get3A_64 : vector<1x128xf32> to vector<2000x128xf32>
    %add3A_66 = arith.addf %dot_general3A_61, %add3A_65 : vector<2000x128xf32>
    %max3A_67 = arith.constant 0.000000e+00 : f32
    %max3A_68 = vector.broadcast %max3A_67 : f32 to vector<2000x128xf32>
    %max3A_69 = arith.maximumf %add3A_66, %max3A_68 : vector<2000x128xf32>
    %get3A_70 = arith.constant 0 : index
    %get3A_71 = arith.constant 0 : index
    %get3A_72 = vector.load %arg15[%get3A_70, %get3A_71] : memref<128x128xf32, #tpu.memory_space<vmem>>, vector<128x128xf32>
    %dot_general3A_73 = arith.constant dense<0.000000e+00> : vector<2000x128xf32>
    %dot_general3A_74 = tpu.matmul %max3A_69, %get3A_72, %dot_general3A_73 {dimension_numbers = #tpu.dot_dimension_numbers<[1], [0], [0], [1], [0, 0, 1, 1], [], []>, transpose_lhs_hint = false} : vector<2000x128xf32>, vector<128x128xf32>, vector<2000x128xf32> -> vector<2000x128xf32>
    %get3A_75 = arith.constant 0 : index
    %get3A_76 = arith.constant 0 : index
    %get3A_77 = vector.load %arg16[%get3A_75, %get3A_76] : memref<1x128xf32, #tpu.memory_space<vmem>>, vector<1x128xf32>
    %add3A_78 = vector.broadcast %get3A_77 : vector<1x128xf32> to vector<2000x128xf32>
    %add3A_79 = arith.addf %dot_general3A_74, %add3A_78 : vector<2000x128xf32>
    %swap3A = arith.constant 0 : index
    %swap3A_80 = arith.constant 0 : index
    %swap3A_81 = vector.load %arg17[%swap3A, %swap3A_80] : memref<2000x128xf32, #tpu.memory_space<vmem>>, vector<2000x128xf32>
    tpu.vector_store %arg17[%swap3A, %swap3A_80], %add3A_79 {strides = array<i32>} : memref<2000x128xf32, #tpu.memory_space<vmem>>, vector<2000x128xf32>,
    return
  }
  func.func @transform_0(%arg0: i32) -> (i32, i32) {
    %c0_i32 = arith.constant 0 : i32
    %c0_i32_0 = arith.constant 0 : i32
    return %arg0, %c0_i32 : i32, i32
  }
  func.func @transform_1(%arg0: i32) -> (i32, i32) {
    %c0_i32 = arith.constant 0 : i32
    %c0_i32_0 = arith.constant 0 : i32
    return %arg0, %c0_i32 : i32, i32
  }
  func.func @transform_2(%arg0: i32) -> (i32, i32) {
    %c0_i32 = arith.constant 0 : i32
    %c0_i32_0 = arith.constant 0 : i32
    return %arg0, %c0_i32 : i32, i32
  }
  func.func @transform_3(%arg0: i32) -> (i32, i32) {
    %c0_i32 = arith.constant 0 : i32
    %c0_i32_0 = arith.constant 0 : i32
    return %arg0, %c0_i32 : i32, i32
  }
  func.func @transform_4(%arg0: i32) -> (i32, i32) {
    %c0_i32 = arith.constant 0 : i32
    %c0_i32_0 = arith.constant 0 : i32
    %c0_i32_1 = arith.constant 0 : i32
    return %c0_i32, %c0_i32_0 : i32, i32
  }
  func.func @transform_5(%arg0: i32) -> (i32, i32) {
    %c0_i32 = arith.constant 0 : i32
    %c0_i32_0 = arith.constant 0 : i32
    %c0_i32_1 = arith.constant 0 : i32
    return %c0_i32, %c0_i32_0 : i32, i32
  }
  func.func @transform_6(%arg0: i32) -> (i32, i32) {
    %c0_i32 = arith.constant 0 : i32
    %c0_i32_0 = arith.constant 0 : i32
    %c0_i32_1 = arith.constant 0 : i32
    return %c0_i32, %c0_i32_0 : i32, i32
  }
  func.func @transform_7(%arg0: i32) -> (i32, i32) {
    %c0_i32 = arith.constant 0 : i32
    %c0_i32_0 = arith.constant 0 : i32
    %c0_i32_1 = arith.constant 0 : i32
    return %c0_i32, %c0_i32_0 : i32, i32
  }
  func.func @transform_8(%arg0: i32) -> (i32, i32) {
    %c0_i32 = arith.constant 0 : i32
    %c0_i32_0 = arith.constant 0 : i32
    %c0_i32_1 = arith.constant 0 : i32
    return %c0_i32, %c0_i32_0 : i32, i32
  }
  func.func @transform_9(%arg0: i32) -> (i32, i32) {
    %c0_i32 = arith.constant 0 : i32
    %c0_i32_0 = arith.constant 0 : i32
    %c0_i32_1 = arith.constant 0 : i32
    return %c0_i32, %c0_i32_0 : i32, i32
  }
  func.func @transform_10(%arg0: i32) -> (i32, i32) {
    %c0_i32 = arith.constant 0 : i32
    %c0_i32_0 = arith.constant 0 : i32
    %c0_i32_1 = arith.constant 0 : i32
    return %c0_i32, %c0_i32_0 : i32, i32
  }
  func.func @transform_11(%arg0: i32) -> (i32, i32) {
    %c0_i32 = arith.constant 0 : i32
    %c0_i32_0 = arith.constant 0 : i32
    %c0_i32_1 = arith.constant 0 : i32
    return %c0_i32, %c0_i32_0 : i32, i32
  }
  func.func @transform_12(%arg0: i32) -> (i32, i32) {
    %c0_i32 = arith.constant 0 : i32
    %c0_i32_0 = arith.constant 0 : i32
    %c0_i32_1 = arith.constant 0 : i32
    return %c0_i32, %c0_i32_0 : i32, i32
  }
  func.func @transform_13(%arg0: i32) -> (i32, i32) {
    %c0_i32 = arith.constant 0 : i32
    %c0_i32_0 = arith.constant 0 : i32
    %c0_i32_1 = arith.constant 0 : i32
    return %c0_i32, %c0_i32_0 : i32, i32
  }
  func.func @transform_14(%arg0: i32) -> (i32, i32) {
    %c0_i32 = arith.constant 0 : i32
    %c0_i32_0 = arith.constant 0 : i32
    %c0_i32_1 = arith.constant 0 : i32
    return %c0_i32, %c0_i32_0 : i32, i32
  }
  func.func @transform_15(%arg0: i32) -> (i32, i32) {
    %c0_i32 = arith.constant 0 : i32
    %c0_i32_0 = arith.constant 0 : i32
    %c0_i32_1 = arith.constant 0 : i32
    return %c0_i32, %c0_i32_0 : i32, i32
  }
  func.func @transform_16(%arg0: i32) -> (i32, i32) {
    %c0_i32 = arith.constant 0 : i32
    %c0_i32_0 = arith.constant 0 : i32
    return %arg0, %c0_i32 : i32, i32
  }
}

</mosaic_0001>

<sc_bundles>
// kernel: sc_count_pass.3.cloned.1.call-start
scs
__scs_entry_jumppad:
0x0: {  	(pc) =	sbr.rel $0x88, $3  }
0x1: {  	(tag) =	ssettag $0x0;
	lr =	simm.s32 $0x1  }
0x2: {  	[smem:$0x3F71] =	sst lr;
	_ =	strace $0xD0000000  }
0x3: {  	_ = 	snop  }
0x4: {  	_ = 	snop  }
0x5: {  	_ = 	snop  }
0x6: {  	_ = 	snop  }
0x7: {  	_ = 	snop  }
__scs_overlays_trampoline_lowered:
0x8: {  	[smem:$0x3F80] =	sst s0  }
0x9: {  	[smem:$0x3F81] =	sst s1  }
0xa: {  	[smem:$0x3F82] =	sst s2  }
0xb: {  	[smem:$0x3F83] =	sst s3  }
0xc: {  	[smem:$0x3F84] =	sst s4  }
0xd: {  	[smem:$0x3F85] =	sst s5  }
0xe: {  	[smem:$0x3F86] =	sst s6  }
0xf: {  	[smem:$0x3F87] =	sst s7  }
0x10: {  	[smem:$0x3F88] =	sst s8  }
0x11: {  	[smem:$0x3F89] =	sst s9;
	s0 =	simm.s32 @!p0 $0x0  }
0x12: {  	s1 =	sld [smem:$0x3F6F];
	s0 =	simm.s32 @p0 $0x1  }
0x13: {  	[smem:$0x3F8A] =	sst s0;
	s0 =	simm.s32 @!p1 $0x0  }
0x14: {  	s2 =	sld [smem:$0x3F6E];
	s0 =	simm.s32 @p1 $0x1  }
0x15: {  	[smem:$0x3F8B] =	sst s0;
	s0 =	simm.s32 @!p2 $0x0  }
0x16: {  	s3 =	sld [smem:$0x3FDB];
	s0 =	simm.s32 @p2 $0x1  }
0x17: {  	s4 =	simm.s32 $0x1BF5;
	[smem:$0x3F8D] =	sst s0  }
0x18: {  	s0 =	sld [smem:$0x3F70];
	_ =	swait.ge [sflag:s4], $0x0  }
0x19: {  	s7 =	sld [smem:$0x3F71]  }
0x1a: {  	s8 =	sadd.s32 $0xFFFFE003, lr  }
0x1b: {  	s9 =	sadd.s32 $0xFFFFFEF7, lr;
	s5 =	simm.s32 $0xFFFFFFFF;
	p2 =	slt.u32 s8, $0xFFFFF086  }
0x1c: {  	p1 =	slt.u32 s9, $0xF7A;
	s5 =	simm.s32 @!p2 $0x0  }
0x1d: {  	s5 =	simm.s32 @p1 $0x1;
	p0 =	seq.s32 s7, s2  }
0x1e: {  	s7 =	smul.u32 @!p0 $0xF7A, s2;
	p2 =	seq.s32 @!p0 s5, $0x0  }
0x1f: {  	s9 =	smul.u32 $0xF7A, s1;
	s8 =	simm.s32 @!p0 $0x1BF5;
	p2 =	por !p2, p0  }
0x20: {  	[sflag:s8] =	ssyncset.s32 @!p0 $0xFFFFF086;
	s6 =	sadd.s32 @!p0 s3, s7;
	s7 =	simm.s32 @!p0 $0x108  }
0x21: {  	s3 =	sadd.s32 s3, s9;
	s6 =	sadd.s32 @!p0 $0x88, s6;
	s7 =	simm.s32 @p2 $0x1082  }
0x22: {  	[simem:s7], [sflag:s8] =	dma.local @!p0 [hbm:s6], $0xF7A  }
0x23: {  	s9 =	sor.u32 $0xD0000000, s2;
	s6 =	simm.s32 $0x108;
	_ =	swait.ge @!p0 [sflag:s8], $0x0  }
0x24: {  	s3 =	sadd.s32 $0x88, s3;
	s6 =	simm.s32 @!p1 $0x1082;
	[sflag:s4] =	ssyncset.s32 $0xFFFFF086  }
0x25: {  	[simem:s6], [sflag:s4] =	dma.local [hbm:s3], $0xF7A  }
0x26: {  	[smem:$0x3F71] =	sst s1;
	(tag) =	ssettag s2;
	_ =	strace s9  }
0x27: {  	s1 =	sld [smem:$0x3F81]  }
0x28: {  	s2 =	sld [smem:$0x3F82]  }
0x29: {  	s4 =	sld [smem:$0x3F84]  }
0x2a: {  	p0 =	seq.s32 s5, $0x0;
	s5 =	sld [smem:$0x3F85]  }
0x2b: {  	s6 =	sld [smem:$0x3F86]  }
0x2c: {  	s7 =	sld [smem:$0x3F87]  }
0x2d: {  	s3 =	simm.s32 $0x108;
	s8 =	sld [smem:$0x3F88]  }
0x2e: {  	s3 =	simm.s32 @!p0 $0x1082;
	s9 =	sld [smem:$0x3F89]  }
0x2f: {  	lr =	sadd.s32 s0, s3;
	s0 =	sld [smem:$0x3F80]  }
0x30: {  	s3 =	sld [smem:$0x3F83]  }
0x31: {  	[smem:$0x3F8C] =	sst s10  }
0x32: {  	s10 =	sld [smem:$0x3F8A];
	_ =	sdelay $0x3  }
0x33: {  	p0 =	seq.s32 s10, $0x1;
	s10 =	sld [smem:$0x3F8C];
	_ =	sdelay $0x3  }
0x34: {  	[smem:$0x3F8C] =	sst s10  }
0x35: {  	s10 =	sld [smem:$0x3F8B];
	_ =	sdelay $0x3  }
0x36: {  	p1 =	seq.s32 s10, $0x1;
	s10 =	sld [smem:$0x3F8C];
	_ =	sdelay $0x3  }
0x37: {  	[smem:$0x3F8C] =	sst s10  }
0x38: {  	s10 =	sld [smem:$0x3F8D]  }
0x39: {  	_ = 	snop;
	(pc) =	sbr.ind lr, $3  }
0x3a: {  	_ = 	snop  }
0x3b: {  	_ = 	snop  }
0x3c: {  	p2 =	seq.s32 s10, $0x1;
	s10 =	sld [smem:$0x3F8C]  }
0x3d: {  	_ =	shalt  }
0x3e: {  	_ =	shalt  }
0x3f: {  	_ =	shalt  }
0x40: {  	_ =	shalt  }
0x41: {  	_ =	shalt  }
0x42: {  	_ =	shalt  }
0x43: {  	_ =	shalt  }
0x44: {  	_ =	shalt  }
0x45: {  	_ =	shalt  }
0x46: {  	_ =	shalt  }
0x47: {  	_ =	shalt  }
0x48: {  	_ =	shalt  }
0x49: {  	_ =	shalt  }
0x4a: {  	_ =	shalt  }
0x4b: {  	_ =	shalt  }
0x4c: {  	_ =	shalt  }
0x4d: {  	_ =	shalt  }
0x4e: {  	_ =	shalt  }
0x4f: {  	_ =	shalt  }
0x50: {  	_ =	shalt  }
0x51: {  	_ =	shalt  }
0x52: {  	_ =	shalt  }
0x53: {  	_ =	shalt  }
0x54: {  	_ =	shalt  }
0x55: {  	_ =	shalt  }
0x56: {  	_ =	shalt  }
0x57: {  	_ =	shalt  }
0x58: {  	_ =	shalt  }
0x59: {  	_ =	shalt  }
0x5a: {  	_ =	shalt  }
0x5b: {  	_ =	shalt  }
0x5c: {  	_ =	shalt  }
0x5d: {  	_ =	shalt  }
0x5e: {  	_ =	shalt  }
0x5f: {  	_ =	shalt  }
0x60: {  	_ =	shalt  }
0x61: {  	_ =	shalt  }
0x62: {  	_ =	shalt  }
0x63: {  	_ =	shalt  }
0x64: {  	_ =	shalt  }
0x65: {  	_ =	shalt  }
0x66: {  	_ =	shalt  }
0x67: {  	_ =	shalt  }
0x68: {  	_ =	shalt  }
0x69: {  	_ =	shalt  }
0x6a: {  	_ =	shalt  }
0x6b: {  	_ =	shalt  }
0x6c: {  	_ =	shalt  }
0x6d: {  	_ =	shalt  }
0x6e: {  	_ =	shalt  }
0x6f: {  	_ =	shalt  }
0x70: {  	_ =	shalt  }
0x71: {  	_ =	shalt  }
0x72: {  	_ =	shalt  }
0x73: {  	_ =	shalt  }
0x74: {  	_ =	shalt  }
0x75: {  	_ =	shalt  }
0x76: {  	_ =	shalt  }
0x77: {  	_ =	shalt  }
0x78: {  	_ =	shalt  }
0x79: {  	_ =	shalt  }
0x7a: {  	_ =	shalt  }
0x7b: {  	_ =	shalt  }
0x7c: {  	_ =	shalt  }
0x7d: {  	_ =	shalt  }
0x7e: {  	_ =	shalt  }
0x7f: {  	_ =	shalt  }
0x80: {  	_ =	shalt  }
0x81: {  	_ =	shalt  }
0x82: {  	_ =	shalt  }
0x83: {  	_ =	shalt  }
0x84: {  	_ =	shalt  }
0x85: {  	_ =	shalt  }
0x86: {  	_ =	shalt  }
0x87: {  	_ =	shalt  }
.Lfunc_end0:
.L_simem_size_0:
called_computation_lowered:
.L_overlay_start_0:
0x88: {  	s2 =	sld [smem:$0x3FD9]  }
0x89: {  	s3 =	sld [smem:$0x3FFE];
	_ =	sdelay $0x1  }
0x8a: {  	s1 =	srdreg.scid  }
0x8b: {  	s0 =	sand.u32 $0x1, s1  }
0x8c: {  	s17 =	sshll.u32 s0, $0xA;
	s2 =	sadd.s32 s3, s2  }
0x8d: {  	s2 =	sadd.s32 s2, s17  }
0x8e: {  	[smem:$0x3F98] =	sst s2  }
0x8f: {  	_ = 	snop  }
0x90: {  	s18 =	sld [smem:$0x3FD0];
	(tm) =	ssettm $0x1  }
0x91: {  	s19 =	sld [smem:$0x3FFB];
	_ =	sdelay $0x3  }
0x92: {  	_ =	strace s19  }
0x93: {  	s2 =	sld [smem:$0x3FFC];
	_ =	sdelay $0x3  }
0x94: {  	_ =	strace s2  }
0x95: {  	s2 =	sld [smem:$0x3FFD];
	_ =	sdelay $0x3  }
0x96: {  	_ =	strace s2  }
0x97: {  	_ =	strace $0x8FFFFFFF  }
0x98: {  	s20 =	sld [smem:$0x3FDB];
	_ =	sdelay $0x1  }
0x99: {  	s4 =	simm.s32 $_scs_section_size  }
0x9a: {  	s5 =	simm.s32 $_size__tile_overlayer_lowered;
	s6 =	simm.s32 $_tile_overlayer_lowered  }
0x9b: {  	s7 =	simm.s32 $0x1BFF;
	s21 =	sshll.u32 s6, $0x1;
	s4 =	sadd.s32 s4, s20  }
0x9c: {  	s22 =	simm.s32 $0x0;
	s5 =	sshll.u32 s5, $0x1;
	s6 =	sadd.s32 s21, s4  }
0x9d: {  	[timem:s22], [sflag:s7] =	dma.local [hbm:s6], s5  }
0x9e: {  	_ =	swait.ge [sflag:s7], s5  }
0x9f: {  	s5 =	ssub.s32 $0x0, s5;
	[sflag:s7] =	ssyncset.done $0x0  }
0xa0: {  	[sflag:s7] =	ssyncadd.s32 s5;
	_ =	sdelay $0x1  }
0xa1: {  	s23 =	simm.s32 $0x1B8B  }
0xa2: {  	_ =	swait.ge [sflag:s23], $0x1  }
0xa3: {  	[sflag:s23] =	ssyncset.done $0x0  }
0xa4: {  	[sflag:s23] =	ssyncadd.s32 $0xFFFFFFFF  }
0xa5: {  	s5 =	sld [smem:$0x0]  }
0xa6: {  	s6 =	sand.u32 $0xFFFFFFFE, s1  }
0xa7: {  	p0 =	sne.s32 s1, s6  }
0xa8: {  	s6 =	sshll.u32 @p0 s6, $0xE  }
0xa9: {  	s6 =	sadd.s32 @p0 $0x11B8D, s6;
	s7 =	sshll.u32 @p0 s5, $0x11  }
0xaa: {  	s6 =	sor.u32 @p0 s7, s6  }
0xab: {  	[sflag:s6] =	ssyncadd.remote.s32 @p0 $0x1;
	_ =	sdelay $0x1  }
0xac: {  	s6 =	simm.s32 @p0 $0x1B8D  }
0xad: {  	_ =	swait.eq @p0 [sflag:s6], $0x1  }
0xae: {  	[sflag:s6] =	ssyncadd.s32 @p0 $0xFFFFFFFF  }
0xaf: {  	s7 =	sshll.u32 @!p0 s1, $0xE  }
0xb0: {  	s7 =	sor.u32 @!p0 $0x4000, s7;
	s6 =	simm.s32 @!p0 $0x1B8D  }
0xb1: {  	s5 =	sshll.u32 @!p0 s5, $0x11;
	s7 =	sadd.s32 @!p0 $0x11B8D, s7;
	_ =	swait.eq @!p0 [sflag:s6], $0x1  }
0xb2: {  	s5 =	sor.u32 @!p0 s5, s7;
	[sflag:s6] =	ssyncadd.s32 @!p0 $0xFFFFFFFF  }
0xb3: {  	s25 =	simm.s32 $0x1B8E;
	s24 =	sld [smem:$0x3FFE];
	[sflag:s5] =	ssyncadd.remote.s32 @!p0 $0x1  }
0xb4: {  	s26 =	simm.s32 $execute0_lowered;
	[smem:$0x3FD2] =	sst s25  }
0xb5: {  	s6 =	sshll.u32 s26, $0x1;
	_ =	strace $0x80000049;
	[dreg:$0x1] =	wrdreg $0xFFFFFFFF  }
0xb6: {  	s28 =	simm.s32 $_size_execute0_lowered;
	s4 =	sadd.s32 s4, s6;
	[dreg:$0x0] =	wrdreg $0x0  }
0xb7: {  	s6 =	sshll.u32 s28, $0x1;
	[dreg:$0x2] =	wrdreg s4  }
0xb8: {  	[dreg:$0x3] =	wrdreg s6  }
0xb9: {  	[dreg:$0x4] =	wrdreg $0xC0  }
0xba: {  	_ =	task [dreg:s22], $0x5FFFF  }
0xbb: {  	[dreg:$0x1] =	wrdreg $0xFFFFFFFF  }
0xbc: {  	[dreg:$0x0] =	wrdreg $0x60  }
0xbd: {  	[dreg:$0x2] =	wrdreg s24  }
0xbe: {  	[dreg:$0x3] =	wrdreg s18  }
0xbf: {  	[dreg:$0x4] =	wrdreg $0x0  }
0xc0: {  	[dreg:$0x5] =	wrdreg $0x9  }
0xc1: {  	_ =	task.clear_ibuf [dreg:s22], $0x6FFFF;
	_ =	strace $0x90000049  }
0xc2: {  	s29 =	simm.s32 $0x9;
	_ =	strace $0x8000004B  }
0xc3: {  	_ =	swait.ge [sflag:s29], $0x1  }
0xc4: {  	[sflag:s29] =	ssyncadd.s32 $0xFFFFFFFF  }
0xc5: {  	_ =	strace $0x9000004B  }
0xc6: {  	_ =	sfence  }
0xc7: {  	s30 =	sld [smem:$0x0];
	_ =	sdelay $0x2  }
0xc8: {  	s31 =	sshll.u32 s1, $0xD;
	s1 =	sshrl.u32 s1, $0x2  }
0xc9: {  	s4 =	sand.u32 $0x4000, s31;
	s1 =	sadd.s32 s1, s30  }
0xca: {  	s0 =	sor.u32 s4, s0;
	s1 =	sshll.u32 s1, $0x11  }
0xcb: {  	s0 =	sor.u32 s1, s0  }
0xcc: {  	s0 =	sadd.s32 $0x8F2B, s0  }
0xcd: {  	[sflag:s0] =	ssyncadd.remote.s32 $0x1  }
0xce: {  	_ =	sfence.sel $0xFFFF  }
0xcf: {  	[dreg:$0x0] =	wrdreg $0xFFFFFFFF;
	(pc) =	sbr.abs _section_cstart, $3  }
0xd0: {  	[dreg:$0x1] =	wrdreg $0xFFFFFFFF  }
0xd1: {  	_ =	task.clear_ibuf [dreg:s22], $0x2FFFF;
	_ =	strace $0x9FFFFFFF  }
0xd2: {  	(tm) =	ssettm $0x7FFFFFFF  }
0xd3: {  	_ =	shalt  }
tec
execute0_lowered:
.L_overlay_start_1:
0x0: {  	(tag) =	ssettag $0x1  }
0x1: {  	s6 =	rddreg [dreg:$0x0]  }
0x2: {  	s2 =	rddreg [dreg:$0x1]  }
0x3: {  	s3 =	rddreg [dreg:$0x2]  }
0x4: {  	s0 =	rddreg [dreg:$0x3]  }
0x5: {  	s1 =	stileid.u32;
	s5 =	srdreg.scid;
	s4 =	simm.s32 $0x0  }
0x6: {  	s12 =	simm.s32 $0xD000;
	s14 =	simm.s32 $0x13C00;
	s7 =	smul.u32 $0x13C00, s1  }
0x7: {  	s15 =	simm.s32 $0x80;
	s16 =	simm.s32 $0x13C80;
	s10 =	smul.u32 $0x4F000, s1  }
0x8: {  	s17 =	simm.s32 $0x20;
	s18 =	simm.s32 $0x0;
	s25 =	smul.u32 $0x4E20, s1  }
0x9: {  	s5 =	sand.u32 $0x1, s5;
	[smem:$0x7FF] =	sst s4;
	s31 =	smul.u32 $0x9C4, s1  }
0xa: {  	s26 =	sshll.u32 s1, $0x6;
	s8 =	smul.u32 $0x13C000, s5;
	_ =	strace $0x8000004A  }
0xb: {  	s24 =	ssub.s32 $0x2, s5;
	p0 =	seq.s32 s5, $0x1;
	s9 =	sshrl.u32 s7, $0x3  }
0xc: {  	s11 =	sshrl.u32 s24, $0x1;
	s10 =	sshrl.u32 s10, $0x2;
	s12 =	simm.s32 @!p0 $0x16E00  }
0xd: {  	s28 =	sshrl.u32 s25, $0x3;
	s7 =	sadd.s32 s7, s8;
	s9 =	sadd.s32 s9, s6  }
0xe: {  	s8 =	ssub.s32 s24, s11;
	s13 =	sadd.s32 s10, s3;
	s29 =	sadd.s32 s12, s6  }
0xf: {  	s12 =	simm.s32 $0x1;
	s7 =	sshrl.u32 s7, $0x3;
	s5 =	sadd.s32 $0x6F000, s9  }
0x10: {  	s30 =	sadd.s32 s29, s28;
	s8 =	smax.u32 s8, $0x1;
	s10 =	sadd.s32 s31, s29  }
0x11: {  	s11 =	sshrl.u32 s13, $0x3;
	s13 =	simm.s32 $0x13D00;
	s7 =	sadd.s32 s7, s6  }
0x12: {  	s6 =	sor.u32 $0x1C01, s26;
	s9 =	sadd.s32 $0x9C0, s30;
	s7 =	sadd.s32 $0xE5800, s7  }
.LBB2_1:
0x13: {  	[spmem:s11], [sflag:s6] =	dma.local [hbm:s5], $0x2780  }
0x14: {  	_ =	swait.ge [sflag:s12], $0x2780  }
0x15: {  	[sflag:s12] =	ssyncset.done $0x0  }
0x16: {  	[sflag:s12] =	ssyncadd.s32 $0xFFFFD880  }
0x17: {  	[tilespmem:s13], [sflag:$0x1] =	stream.linear.gather [hbm4b:s2+s4], $0x4000, $0x38;
	[tilespmem:$0x17D00] =	vst v63  }
0x18: {  	_ =	swait.ge [sflag:s12], $0x4000  }
0x19: {  	[sflag:s12] =	ssyncset.done $0x0  }
0x1a: {  	[sflag:s12] =	ssyncadd.s32 $0xFFFFC000  }
0x1b: {  	s19 =	sadd.s32 $0x0, s10;
	[bflag:$0x0] =	sbarrier.arrive $0xFFFF  }
0x1c: {  	[tilespmem:s14], [sflag:$0x1] =	stream.linear.gather [hbm4b:s19+s4], $0x80, $0x38;
	[tilespmem:$0x17D00] =	vst v63  }
0x1d: {  	_ =	swait.ge [sflag:s12], $0x80  }
0x1e: {  	[sflag:s12] =	ssyncset.done $0x0  }
0x1f: {  	[sflag:s12] =	ssyncadd.s32 $0xFFFFFF80  }
0x20: {  	[spmem:s3] =	stream.indirect.scatter.add.f32 [tilespmem:s13], [sflag:$0x1], $0x80, s14, s15, $0xb8;
	[tilespmem:$0x17D00] =	vst v63  }
0x21: {  	_ =	swait.ge [sflag:s12], $0x4000  }
0x22: {  	s20 =	simm.s32 $0x20;
	s19 =	simm.s32 $0x10;
	[sflag:s12] =	ssyncset.done $0x0  }
.LBB2_2:
0x23: {  	s21 =	sadd.s32 s19, s10  }
0x24: {  	[sflag:s12] =	ssyncadd.s32 $0xFFFFC000;
	s19 =	smov.u32 s20;
	s22 =	sadd.s32 $0x10, s20  }
0x25: {  	[tilespmem:s14], [sflag:$0x1] =	stream.linear.gather [hbm4b:s21+s4], $0x80, $0x38;
	[tilespmem:$0x17D00] =	vst v63  }
0x26: {  	p0 =	sne.s32 s20, $0x9B0;
	_ =	swait.ge [sflag:s12], $0x80  }
.Ltmp0:
0x27: {  	[sflag:s12] =	ssyncset.done $0x0;
	(pc) =	sbr.rel @p0 .LBB2_2-.Ltmp0, $4  }
0x28: {  	[sflag:s12] =	ssyncadd.s32 $0xFFFFFF80  }
0x29: {  	[spmem:s3] =	stream.indirect.scatter.add.f32 [tilespmem:s13], [sflag:$0x1], $0x80, s14, s15, $0xb8;
	[tilespmem:$0x17D00] =	vst v63  }
0x2a: {  	_ =	swait.ge [sflag:s12], $0x4000  }
0x2b: {  	s20 =	smov.u32 s22;
	[sflag:s12] =	ssyncset.done $0x0  }
0x2c: {  	s19 =	sadd.s32 s19, s10;
	[sflag:s12] =	ssyncadd.s32 $0xFFFFC000  }
0x2d: {  	[tilespmem:s14], [sflag:$0x1] =	stream.linear.gather [hbm4b:s19+s4], $0x80, $0x38;
	[tilespmem:$0x17D00] =	vst v63  }
0x2e: {  	_ =	swait.ge [sflag:s12], $0x80  }
0x2f: {  	[sflag:s12] =	ssyncset.done $0x0  }
0x30: {  	[sflag:s12] =	ssyncadd.s32 $0xFFFFFF80  }
0x31: {  	[spmem:s3] =	stream.indirect.scatter.add.f32 [tilespmem:s13], [sflag:$0x1], $0x80, s14, s15, $0xb8;
	[tilespmem:$0x17D00] =	vst v63  }
0x32: {  	_ =	swait.ge [sflag:s12], $0x4000  }
0x33: {  	[sflag:s12] =	ssyncset.done $0x0  }
0x34: {  	[sflag:s12] =	ssyncadd.s32 $0xFFFFC000  }
0x35: {  	[tilespmem:s16], [sflag:$0x1] =	stream.linear.gather [hbm4b:s9+s4], $0x20, $0x38;
	[tilespmem:$0x17D00] =	vst v63  }
0x36: {  	_ =	swait.ge [sflag:s12], $0x20  }
0x37: {  	[sflag:s12] =	ssyncset.done $0x0  }
0x38: {  	[sflag:s12] =	ssyncadd.s32 $0xFFFFFFE0  }
0x39: {  	[spmem:s3] =	stream.indirect.scatter.add.f32 [tilespmem:s13], [sflag:$0x1], $0x80, s16, s17, $0xb8;
	[tilespmem:$0x17D00] =	vst v63  }
0x3a: {  	_ =	swait.ge [sflag:s12], $0x1000  }
0x3b: {  	s18 =	sadd.s32 $0x1, s18;
	[sflag:s12] =	ssyncset.done $0x0  }
0x3c: {  	p0 =	sne.s32 s18, s8;
	[sflag:s12] =	ssyncadd.s32 $0xFFFFF000  }
.Ltmp1:
0x3d: {  	[bflag:$0x0] =	sbarrier.arrive $0xFFFF;
	(pc) =	sbr.rel @p0 .LBB2_1-.Ltmp1, $4  }
0x3e: {  	[hbm:s7], [sflag:s6] =	dma.local [spmem:s11], $0x2780  }
0x3f: {  	_ =	swait.ge [sflag:s12], $0x2780  }
0x40: {  	[sflag:s12] =	ssyncset.done $0x0  }
0x41: {  	[sflag:s12] =	ssyncadd.s32 $0xFFFFD880  }
0x42: {  	_ =	sfence.sel $0x180000  }
0x43: {  	[bflag:$0x0] =	sbarrier.arrive $0xFFFF  }
0x44: {  	p0 =	sne.s32 s1, $0x0;
	_ =	strace $0x9000004A  }
0x45: {  	s0 =	sadd.s32 @!p0 $0x100000, s0;
	[bflag:$0x2] =	sbarrier.arrive $0xFFFF  }
0x46: {  	[sflag:s0] =	ssyncadd.tile.s32 @!p0 $0x1;
	_ =	shalt  }
.Lfunc_end2:
_tile_overlayer_lowered:
.L_overlay_start_2:
0x47: {  	(tag) =	ssettag $0x2  }
0x48: {  	s0 =	rddreg [dreg:$0x0];
	s2 =	stileid.u32  }
0x49: {  	s1 =	rddreg [dreg:$0x1];
	p0 =	sne.s32 s2, $0x0  }
0x4a: {  	s3 =	rddreg [dreg:$0x2];
	[bflag:$0x3] =	sbarrier.arrive $0xFFFF;
	s2 =	simm.s32 @!p0 $0x1C01  }
0x4b: {  	[timem:s3], [sflag:s2] =	dma.local @!p0 [hbm:s0], s1  }
0x4c: {  	s0 =	simm.s32 @!p0 $0x1  }
0x4d: {  	_ =	swait.ge @!p0 [sflag:s0], s1  }
0x4e: {  	s1 =	ssub.s32 @!p0 $0x0, s1;
	[sflag:s0] =	ssyncset.done @!p0 $0x0  }
0x4f: {  	[sflag:s0] =	ssyncadd.s32 @!p0 s1  }
0x50: {  	[bflag:$0x3] =	sbarrier.arrive $0xFFFF  }
0x51: {  	_ =	shalt  }

// kernel: sc_edge_pass_l0.3.cloned.1.call-start
scs
__scs_entry_jumppad:
0x0: {  	(pc) =	sbr.rel $0x88, $3  }
0x1: {  	(tag) =	ssettag $0x0;
	lr =	simm.s32 $0x1  }
0x2: {  	[smem:$0x3F71] =	sst lr;
	_ =	strace $0xD0000000  }
0x3: {  	_ = 	snop  }
0x4: {  	_ = 	snop  }
0x5: {  	_ = 	snop  }
0x6: {  	_ = 	snop  }
0x7: {  	_ = 	snop  }
__scs_overlays_trampoline_lowered:
0x8: {  	[smem:$0x3F80] =	sst s0  }
0x9: {  	[smem:$0x3F81] =	sst s1  }
0xa: {  	[smem:$0x3F82] =	sst s2  }
0xb: {  	[smem:$0x3F83] =	sst s3  }
0xc: {  	[smem:$0x3F84] =	sst s4  }
0xd: {  	[smem:$0x3F85] =	sst s5  }
0xe: {  	[smem:$0x3F86] =	sst s6  }
0xf: {  	[smem:$0x3F87] =	sst s7  }
0x10: {  	[smem:$0x3F88] =	sst s8  }
0x11: {  	[smem:$0x3F89] =	sst s9;
	s0 =	simm.s32 @!p0 $0x0  }
0x12: {  	s1 =	sld [smem:$0x3F6F];
	s0 =	simm.s32 @p0 $0x1  }
0x13: {  	[smem:$0x3F8A] =	sst s0;
	s0 =	simm.s32 @!p1 $0x0  }
0x14: {  	s2 =	sld [smem:$0x3F6E];
	s0 =	simm.s32 @p1 $0x1  }
0x15: {  	[smem:$0x3F8B] =	sst s0;
	s0 =	simm.s32 @!p2 $0x0  }
0x16: {  	s3 =	sld [smem:$0x3FDB];
	s0 =	simm.s32 @p2 $0x1  }
0x17: {  	s4 =	simm.s32 $0x1BF5;
	[smem:$0x3F8D] =	sst s0  }
0x18: {  	s0 =	sld [smem:$0x3F70];
	_ =	swait.ge [sflag:s4], $0x0  }
0x19: {  	s7 =	sld [smem:$0x3F71]  }
0x1a: {  	s8 =	sadd.s32 $0xFFFFE003, lr  }
0x1b: {  	s9 =	sadd.s32 $0xFFFFFEF7, lr;
	s5 =	simm.s32 $0xFFFFFFFF;
	p2 =	slt.u32 s8, $0xFFFFF086  }
0x1c: {  	p1 =	slt.u32 s9, $0xF7A;
	s5 =	simm.s32 @!p2 $0x0  }
0x1d: {  	s5 =	simm.s32 @p1 $0x1;
	p0 =	seq.s32 s7, s2  }
0x1e: {  	s7 =	smul.u32 @!p0 $0xF7A, s2;
	p2 =	seq.s32 @!p0 s5, $0x0  }
0x1f: {  	s9 =	smul.u32 $0xF7A, s1;
	s8 =	simm.s32 @!p0 $0x1BF5;
	p2 =	por !p2, p0  }
0x20: {  	[sflag:s8] =	ssyncset.s32 @!p0 $0xFFFFF086;
	s6 =	sadd.s32 @!p0 s3, s7;
	s7 =	simm.s32 @!p0 $0x108  }
0x21: {  	s3 =	sadd.s32 s3, s9;
	s6 =	sadd.s32 @!p0 $0x88, s6;
	s7 =	simm.s32 @p2 $0x1082  }
0x22: {  	[simem:s7], [sflag:s8] =	dma.local @!p0 [hbm:s6], $0xF7A  }
0x23: {  	s9 =	sor.u32 $0xD0000000, s2;
	s6 =	simm.s32 $0x108;
	_ =	swait.ge @!p0 [sflag:s8], $0x0  }
0x24: {  	s3 =	sadd.s32 $0x88, s3;
	s6 =	simm.s32 @!p1 $0x1082;
	[sflag:s4] =	ssyncset.s32 $0xFFFFF086  }
0x25: {  	[simem:s6], [sflag:s4] =	dma.local [hbm:s3], $0xF7A  }
0x26: {  	[smem:$0x3F71] =	sst s1;
	(tag) =	ssettag s2;
	_ =	strace s9  }
0x27: {  	s1 =	sld [smem:$0x3F81]  }
0x28: {  	s2 =	sld [smem:$0x3F82]  }
0x29: {  	s4 =	sld [smem:$0x3F84]  }
0x2a: {  	p0 =	seq.s32 s5, $0x0;
	s5 =	sld [smem:$0x3F85]  }
0x2b: {  	s6 =	sld [smem:$0x3F86]  }
0x2c: {  	s7 =	sld [smem:$0x3F87]  }
0x2d: {  	s3 =	simm.s32 $0x108;
	s8 =	sld [smem:$0x3F88]  }
0x2e: {  	s3 =	simm.s32 @!p0 $0x1082;
	s9 =	sld [smem:$0x3F89]  }
0x2f: {  	lr =	sadd.s32 s0, s3;
	s0 =	sld [smem:$0x3F80]  }
0x30: {  	s3 =	sld [smem:$0x3F83]  }
0x31: {  	[smem:$0x3F8C] =	sst s10  }
0x32: {  	s10 =	sld [smem:$0x3F8A];
	_ =	sdelay $0x3  }
0x33: {  	p0 =	seq.s32 s10, $0x1;
	s10 =	sld [smem:$0x3F8C];
	_ =	sdelay $0x3  }
0x34: {  	[smem:$0x3F8C] =	sst s10  }
0x35: {  	s10 =	sld [smem:$0x3F8B];
	_ =	sdelay $0x3  }
0x36: {  	p1 =	seq.s32 s10, $0x1;
	s10 =	sld [smem:$0x3F8C];
	_ =	sdelay $0x3  }
0x37: {  	[smem:$0x3F8C] =	sst s10  }
0x38: {  	s10 =	sld [smem:$0x3F8D]  }
0x39: {  	_ = 	snop;
	(pc) =	sbr.ind lr, $3  }
0x3a: {  	_ = 	snop  }
0x3b: {  	_ = 	snop  }
0x3c: {  	p2 =	seq.s32 s10, $0x1;
	s10 =	sld [smem:$0x3F8C]  }
0x3d: {  	_ =	shalt  }
0x3e: {  	_ =	shalt  }
0x3f: {  	_ =	shalt  }
0x40: {  	_ =	shalt  }
0x41: {  	_ =	shalt  }
0x42: {  	_ =	shalt  }
0x43: {  	_ =	shalt  }
0x44: {  	_ =	shalt  }
0x45: {  	_ =	shalt  }
0x46: {  	_ =	shalt  }
0x47: {  	_ =	shalt  }
0x48: {  	_ =	shalt  }
0x49: {  	_ =	shalt  }
0x4a: {  	_ =	shalt  }
0x4b: {  	_ =	shalt  }
0x4c: {  	_ =	shalt  }
0x4d: {  	_ =	shalt  }
0x4e: {  	_ =	shalt  }
0x4f: {  	_ =	shalt  }
0x50: {  	_ =	shalt  }
0x51: {  	_ =	shalt  }
0x52: {  	_ =	shalt  }
0x53: {  	_ =	shalt  }
0x54: {  	_ =	shalt  }
0x55: {  	_ =	shalt  }
0x56: {  	_ =	shalt  }
0x57: {  	_ =	shalt  }
0x58: {  	_ =	shalt  }
0x59: {  	_ =	shalt  }
0x5a: {  	_ =	shalt  }
0x5b: {  	_ =	shalt  }
0x5c: {  	_ =	shalt  }
0x5d: {  	_ =	shalt  }
0x5e: {  	_ =	shalt  }
0x5f: {  	_ =	shalt  }
0x60: {  	_ =	shalt  }
0x61: {  	_ =	shalt  }
0x62: {  	_ =	shalt  }
0x63: {  	_ =	shalt  }
0x64: {  	_ =	shalt  }
0x65: {  	_ =	shalt  }
0x66: {  	_ =	shalt  }
0x67: {  	_ =	shalt  }
0x68: {  	_ =	shalt  }
0x69: {  	_ =	shalt  }
0x6a: {  	_ =	shalt  }
0x6b: {  	_ =	shalt  }
0x6c: {  	_ =	shalt  }
0x6d: {  	_ =	shalt  }
0x6e: {  	_ =	shalt  }
0x6f: {  	_ =	shalt  }
0x70: {  	_ =	shalt  }
0x71: {  	_ =	shalt  }
0x72: {  	_ =	shalt  }
0x73: {  	_ =	shalt  }
0x74: {  	_ =	shalt  }
0x75: {  	_ =	shalt  }
0x76: {  	_ =	shalt  }
0x77: {  	_ =	shalt  }
0x78: {  	_ =	shalt  }
0x79: {  	_ =	shalt  }
0x7a: {  	_ =	shalt  }
0x7b: {  	_ =	shalt  }
0x7c: {  	_ =	shalt  }
0x7d: {  	_ =	shalt  }
0x7e: {  	_ =	shalt  }
0x7f: {  	_ =	shalt  }
0x80: {  	_ =	shalt  }
0x81: {  	_ =	shalt  }
0x82: {  	_ =	shalt  }
0x83: {  	_ =	shalt  }
0x84: {  	_ =	shalt  }
0x85: {  	_ =	shalt  }
0x86: {  	_ =	shalt  }
0x87: {  	_ =	shalt  }
.Lfunc_end0:
.L_simem_size_0:
called_computation.1_lowered:
.L_overlay_start_0:
0x88: {  	s2 =	sld [smem:$0x3FD9]  }
0x89: {  	s3 =	sld [smem:$0x3FFE];
	_ =	sdelay $0x1  }
0x8a: {  	s1 =	srdreg.scid  }
0x8b: {  	s0 =	sand.u32 $0x1, s1  }
0x8c: {  	s16 =	sshll.u32 s0, $0xA;
	s2 =	sadd.s32 s3, s2  }
0x8d: {  	s2 =	sadd.s32 s2, s16  }
0x8e: {  	[smem:$0x3F98] =	sst s2  }
0x8f: {  	_ = 	snop  }
0x90: {  	(tm) =	ssettm $0x1  }
0x91: {  	s17 =	sld [smem:$0x3FFB];
	_ =	sdelay $0x3  }
0x92: {  	_ =	strace s17  }
0x93: {  	s2 =	sld [smem:$0x3FFC];
	_ =	sdelay $0x3  }
0x94: {  	_ =	strace s2  }
0x95: {  	s2 =	sld [smem:$0x3FFD];
	_ =	sdelay $0x3  }
0x96: {  	_ =	strace s2  }
0x97: {  	_ =	strace $0x8FFFFFFF  }
0x98: {  	s18 =	sld [smem:$0x3FDB];
	_ =	sdelay $0x1  }
0x99: {  	s19 =	simm.s32 $_scs_section_size  }
0x9a: {  	s4 =	simm.s32 $_size__tile_overlayer_lowered;
	s5 =	simm.s32 $_tile_overlayer_lowered  }
0x9b: {  	s22 =	simm.s32 $0x1BFF;
	s21 =	sshll.u32 s5, $0x1;
	s2 =	sadd.s32 s19, s18  }
0x9c: {  	s6 =	simm.s32 $0x0;
	s20 =	sshll.u32 s4, $0x1;
	s4 =	sadd.s32 s21, s2  }
0x9d: {  	[timem:s6], [sflag:s22] =	dma.local [hbm:s4], s20  }
0x9e: {  	_ =	swait.ge [sflag:s22], s20  }
0x9f: {  	s3 =	ssub.s32 $0x0, s20;
	[sflag:s22] =	ssyncset.done $0x0  }
0xa0: {  	[sflag:s22] =	ssyncadd.s32 s3;
	_ =	sdelay $0x1  }
0xa1: {  	s23 =	simm.s32 $0x1B8B  }
0xa2: {  	_ =	swait.ge [sflag:s23], $0x1  }
0xa3: {  	[sflag:s23] =	ssyncset.done $0x0  }
0xa4: {  	s25 =	simm.s32 $0x1B8E;
	s24 =	sld [smem:$0x3FFE];
	[sflag:s23] =	ssyncadd.s32 $0xFFFFFFFF  }
0xa5: {  	s26 =	simm.s32 $execute0_lowered;
	[smem:$0x3FD2] =	sst s25  }
0xa6: {  	s4 =	sshll.u32 s26, $0x1;
	_ =	strace $0x80000046;
	[dreg:$0x1] =	wrdreg $0xFFFFFFFF  }
0xa7: {  	s28 =	simm.s32 $_size_execute0_lowered;
	s2 =	sadd.s32 s2, s4;
	[dreg:$0x0] =	wrdreg $0x0  }
0xa8: {  	s4 =	sshll.u32 s28, $0x1;
	[dreg:$0x2] =	wrdreg s2  }
0xa9: {  	[dreg:$0x3] =	wrdreg s4  }
0xaa: {  	[dreg:$0x4] =	wrdreg $0xC0  }
0xab: {  	_ =	task [dreg:s6], $0x5FFFF  }
0xac: {  	[dreg:$0x1] =	wrdreg $0xFFFFFFFF  }
0xad: {  	[dreg:$0x0] =	wrdreg $0x60  }
0xae: {  	[dreg:$0x2] =	wrdreg s24  }
0xaf: {  	[dreg:$0x3] =	wrdreg $0x0  }
0xb0: {  	[dreg:$0x4] =	wrdreg $0xA  }
0xb1: {  	_ =	task.clear_ibuf [dreg:s6], $0x5FFFF;
	_ =	strace $0x90000046  }
0xb2: {  	s29 =	simm.s32 $0xA;
	_ =	strace $0x80000048  }
0xb3: {  	_ =	swait.ge [sflag:s29], $0x1  }
0xb4: {  	[sflag:s29] =	ssyncadd.s32 $0xFFFFFFFF  }
0xb5: {  	_ =	strace $0x90000048  }
0xb6: {  	_ =	sfence  }
0xb7: {  	s30 =	sld [smem:$0x0];
	_ =	sdelay $0x2  }
0xb8: {  	s31 =	sshll.u32 s1, $0xD;
	s1 =	sshrl.u32 s1, $0x2  }
0xb9: {  	s3 =	sand.u32 $0x4000, s31;
	s1 =	sadd.s32 s1, s30  }
0xba: {  	s0 =	sor.u32 s3, s0;
	s1 =	sshll.u32 s1, $0x11  }
0xbb: {  	s0 =	sor.u32 s1, s0  }
0xbc: {  	s0 =	sadd.s32 $0x8F2B, s0  }
0xbd: {  	[sflag:s0] =	ssyncadd.remote.s32 $0x1  }
0xbe: {  	_ =	sfence.sel $0xFFFF  }
0xbf: {  	[dreg:$0x0] =	wrdreg $0xFFFFFFFF;
	(pc) =	sbr.abs _section_cstart, $3  }
0xc0: {  	[dreg:$0x1] =	wrdreg $0xFFFFFFFF  }
0xc1: {  	_ =	task.clear_ibuf [dreg:s6], $0x2FFFF;
	_ =	strace $0x9FFFFFFF  }
0xc2: {  	(tm) =	ssettm $0x7FFFFFFF  }
0xc3: {  	_ =	shalt  }
tec
execute0_lowered:
.L_overlay_start_1:
0x0: {  	(tag) =	ssettag $0x1  }
0x1: {  	s0 =	rddreg [dreg:$0x0]  }
0x2: {  	s2 =	rddreg [dreg:$0x1]  }
0x3: {  	s3 =	simm.s32 $0x0;
	s15 =	stileid.u32;
	s1 =	srdreg.scid  }
0x4: {  	s20 =	simm.s32 $0x1;
	s21 =	simm.s32 $0x13C00;
	s22 =	simm.s32 $0x2  }
0x5: {  	s23 =	simm.s32 $0x13C80;
	s28 =	simm.s32 $0x13D80;
	s29 =	simm.s32 $0x20  }
0x6: {  	[smem:$0x7FF] =	sst s3;
	s9 =	smul.u32 $0x13C00, s15;
	s1 =	sand.u32 $0x1, s1  }
0x7: {  	s4 =	sadd.s32 $0x47E00, s0;
	s5 =	sadd.s32 $0x20C00, s0;
	s6 =	sadd.s32 $0x16E00, s0  }
0x8: {  	s7 =	sadd.s32 $0xD000, s0;
	s8 =	sadd.s32 $0x502C00, s0;
	s11 =	smul.u32 $0x4F000, s15  }
0x9: {  	s26 =	sshll.u32 s15, $0x6;
	_ =	strace $0x80000047;
	s10 =	smul.u32 $0x13C000, s1  }
0xa: {  	s13 =	ssub.s32 $0x2, s1;
	p0 =	seq.s32 s1, $0x0;
	p1 =	sne.s32 s1, $0x0  }
0xb: {  	s14 =	sshrl.u32 s13, $0x1;
	s11 =	sshrl.u32 s11, $0x2;
	s10 =	sadd.s32 s9, s10  }
0xc: {  	s9 =	sshrl.u32 s9, $0x3;
	s24 =	ssub.s32 s13, s14;
	s19 =	sadd.s32 s11, s2  }
0xd: {  	s10 =	sshrl.u32 s10, $0x3;
	s12 =	sadd.s32 s9, s0;
	s9 =	smul.u32 $0x4E20, s15  }
0xe: {  	s18 =	smax.u32 s24, $0x1;
	s19 =	sshrl.u32 s19, $0x3;
	s24 =	simm.s32 $0x13E00  }
0xf: {  	s17 =	sadd.s32 s10, s0;
	s10 =	sadd.s32 $0x9E4C00, s0;
	s25 =	sadd.s32 $0x6F000, s12  }
0x10: {  	s12 =	sor.u32 $0x1C01, s26;
	s26 =	simm.s32 $0x13D00;
	s30 =	sadd.s32 $0x4E00, s9  }
0x11: {  	[dreg:$0x3] =	wrdreg s25;
	s17 =	sadd.s32 $0x96800, s17;
	s31 =	sshrl.u32 s30, $0x3  }
0x12: {  	s25 =	simm.s32 $0x80;
	s16 =	sshll.u32 s30, $0x4;
	s13 =	sadd.s32 s6, s31  }
0x13: {  	s14 =	sadd.s32 s7, s31;
	s15 =	sadd.s32 s8, s16;
	s16 =	sadd.s32 s10, s16  }
.LBB2_1:
0x14: {  	s0 =	rddreg [dreg:$0x3]  }
0x15: {  	[spmem:s19], [sflag:s12] =	dma.local [hbm:s0], $0x2780  }
0x16: {  	_ =	swait.ge [sflag:s20], $0x2780  }
0x17: {  	[sflag:s20] =	ssyncset.done $0x0  }
0x18: {  	[sflag:s20] =	ssyncadd.s32 $0xFFFFD880  }
0x19: {  	s30 =	simm.s32 $0x0;
	[bflag:$0x0] =	sbarrier.arrive $0xFFFF  }
.LBB2_2:
0x1a: {  	s0 =	sshll.u32 s30, $0x7  }
0x1b: {  	s0 =	sadd.s32 s9, s0  }
0x1c: {  	s1 =	sshrl.u32 s0, $0x3  }
0x1d: {  	s11 =	simm.s32 $0x0;
	s31 =	sadd.s32 s6, s1  }
0x1e: {  	[tilespmem:s21], [sflag:$0x2] =	stream.linear.gather [hbm4b:s31+s11], $0x80, $0x38;
	[tilespmem:$0x17E00] =	vst v63  }
0x1f: {  	_ =	swait.ge [sflag:s22], $0x80  }
0x20: {  	[sflag:s22] =	ssyncset.done $0x0  }
0x21: {  	s1 =	sadd.s32 s7, s1;
	[sflag:s22] =	ssyncadd.s32 $0xFFFFFF80  }
0x22: {  	[tilespmem:s23], [sflag:$0x2] =	stream.linear.gather [hbm4b:s1+s11], $0x80, $0x38;
	[tilespmem:$0x17E00] =	vst v63  }
0x23: {  	_ =	swait.ge [sflag:s22], $0x80  }
0x24: {  	s31 =	sshll.u32 s0, $0x4;
	[sflag:s22] =	ssyncset.done $0x0  }
0x25: {  	s0 =	sadd.s32 s8, s31;
	[sflag:s22] =	ssyncadd.s32 $0xFFFFFF80  }
0x26: {  	[tilespmem:s24], [sflag:$0x2] =	stream.linear.gather [hbm4b:s0+s11], $0x4000, $0x38;
	[tilespmem:$0x17E00] =	vst v63  }
0x27: {  	_ =	swait.ge [sflag:s22], $0x4000  }
0x28: {  	[sflag:s22] =	ssyncset.done $0x0  }
0x29: {  	[sflag:s22] =	ssyncadd.s32 $0xFFFFC000  }
0x2a: {  	[tilespmem:s24], [sflag:$0x2] =	stream.indirect.gather.add.f32 [hbm:s4], $0x80, s21, s25, $0xb8;
	[tilespmem:$0x17E00] =	vst v63  }
0x2b: {  	_ =	swait.ge [sflag:s22], $0x4000  }
0x2c: {  	[sflag:s22] =	ssyncset.done $0x0  }
0x2d: {  	[sflag:s22] =	ssyncadd.s32 $0xFFFFC000  }
0x2e: {  	[tilespmem:s24], [sflag:$0x2] =	stream.indirect.gather.add.f32 [hbm:s5], $0x80, s23, s25, $0xb8;
	[tilespmem:$0x17E00] =	vst v63  }
0x2f: {  	_ =	swait.ge [sflag:s22], $0x4000  }
0x30: {  	[sflag:s22] =	ssyncset.done $0x0  }
0x31: {  	s0 =	simm.s32 $0x0;
	[sflag:s22] =	ssyncadd.s32 $0xFFFFC000  }
0x32: {  	v2 =	vld [tilespmem:s0+$0x13E00]  }
0x33: {  	v3 =	vld [tilespmem:s0+$0x13E10]  }
0x34: {  	v4 =	vld [tilespmem:s0+$0x13E20]  }
0x35: {  	v1 =	vld [tilespmem:s0+$0x13E30]  }
0x36: {  	v0 =	vld [tilespmem:s0+$0x13E40]  }
0x37: {  	v5 =	vmax.f32 v2, $0.0e+00;
	v2 =	vld [tilespmem:s0+$0x13E50]  }
0x38: {  	s1 =	simm.s32 $0x200;
	[tilespmem:s0+$0x13E00] =	vst v5;
	v5 =	vmax.f32 v3, $0.0e+00;
	v3 =	vld [tilespmem:s0+$0x13E60]  }
.LBB2_3:
0x39: {  	s11 =	sshra.s32 s1, $0x2;
	p2 =	sne.s32 s1, $0xFE00;
	[tilespmem:s0+$0x13E10] =	vst v5;
	v4 =	vmax.f32 v4, $0.0e+00;
	v5 =	vld [tilespmem:s0+$0x13E70]  }
0x3a: {  	v6 =	vld [tilespmem:s11+$0x13E00];
	[tilespmem:s0+$0x13E20] =	vst v4;
	v1 =	vmax.f32 v1, $0.0e+00  }
0x3b: {  	v7 =	vld [tilespmem:s11+$0x13E10];
	[tilespmem:s0+$0x13E30] =	vst v1;
	v0 =	vmax.f32 v0, $0.0e+00  }
.Ltmp0:
0x3c: {  	v4 =	vld [tilespmem:s11+$0x13E20];
	[tilespmem:s0+$0x13E40] =	vst v0;
	v0 =	vmax.f32 v2, $0.0e+00;
	(pc) =	sbr.rel @p2 .LBB2_3-.Ltmp0, $4  }
0x3d: {  	v1 =	vld [tilespmem:s11+$0x13E30];
	[tilespmem:s0+$0x13E50] =	vst v0;
	v2 =	vmax.f32 v3, $0.0e+00  }
0x3e: {  	v0 =	vld [tilespmem:s11+$0x13E40];
	[tilespmem:s0+$0x13E60] =	vst v2;
	v3 =	vmax.f32 v5, $0.0e+00  }
0x3f: {  	v5 =	vmax.f32 v6, $0.0e+00;
	v2 =	vld [tilespmem:s11+$0x13E50];
	[tilespmem:s0+$0x13E70] =	vst v3;
	s0 =	smov.u32 s11  }
0x40: {  	s1 =	sadd.s32 $0x200, s1;
	[tilespmem:s0+$0x13E00] =	vst v5;
	v5 =	vmax.f32 v7, $0.0e+00;
	v3 =	vld [tilespmem:s0+$0x13E60]  }
0x41: {  	[tilespmem:s0+$0x13E10] =	vst v5;
	v4 =	vmax.f32 v4, $0.0e+00;
	v60 =	vld [tilespmem:s0+$0x13E70]  }
0x42: {  	[tilespmem:s0+$0x13E20] =	vst v4;
	v1 =	vmax.f32 v1, $0.0e+00  }
0x43: {  	[tilespmem:s0+$0x13E30] =	vst v1;
	v0 =	vmax.f32 v0, $0.0e+00  }
0x44: {  	p2 =	sgt.u32 s30, $0x4D;
	s1 =	simm.s32 $0x1;
	s11 =	simm.s32 $0x1;
	[tilespmem:s0+$0x13E40] =	vst v0;
	v61 =	vmax.f32 v2, $0.0e+00  }
0x45: {  	s1 =	simm.s32 @!p2 $0x0;
	s11 =	simm.s32 @!p0 $0x0;
	[tilespmem:s0+$0x13E50] =	vst v61;
	v62 =	vmax.f32 v3, $0.0e+00  }
0x46: {  	p2 =	seq.s32 s11, s1;
	[tilespmem:s0+$0x13E60] =	vst v62;
	v63 =	vmax.f32 v60, $0.0e+00  }
0x47: {  	s1 =	simm.s32 @!p2 $0x0;
	s11 =	simm.s32 @!p2 $0x13E00;
	[tilespmem:s0+$0x13E70] =	vst v63;
	s0 =	sadd.s32 @!p2 s10, s31  }
0x48: {  	[hbm4b:s0+s1] =	stream.linear.scatter @!p2 [tilespmem:s11], [sflag:$0x2], $0x4000, $0x38;
	[tilespmem:$0x17E00] =	vst v63  }
0x49: {  	s0 =	simm.s32 @!p2 $0x2  }
0x4a: {  	s30 =	sadd.s32 $0x1, s30;
	_ =	swait.ge @!p2 [sflag:s0], $0x4000  }
0x4b: {  	s1 =	simm.s32 @p1 $0x13C80;
	s11 =	simm.s32 @p1 $0x13E00;
	[sflag:s0] =	ssyncset.done @!p2 $0x0  }
0x4c: {  	[sflag:s0] =	ssyncadd.s32 @!p2 $0xFFFFC000;
	s0 =	simm.s32 @p1 $0x80;
	p2 =	sne.s32 s30, $0x9C  }
0x4d: {  	[spmem:s2] =	stream.indirect.scatter.add.f32 @p1 [tilespmem:s11], [sflag:$0x1], $0x80, s1, s0, $0xb8;
	[tilespmem:$0x17E00] =	vst v63  }
0x4e: {  	s0 =	simm.s32 @!p1 $0x80;
	s1 =	simm.s32 @!p1 $0x13C00;
	s11 =	simm.s32 @!p1 $0x13E00  }
0x4f: {  	[spmem:s2] =	stream.indirect.scatter.add.f32 @!p1 [tilespmem:s11], [sflag:$0x2], $0x80, s1, s0, $0xb8;
	[tilespmem:$0x17E00] =	vst v63  }
.Ltmp1:
0x50: {  	s0 =	simm.s32 @!p1 $0x2;
	(pc) =	sbr.rel @p2 .LBB2_2-.Ltmp1, $4  }
0x51: {  	s0 =	simm.s32 @p1 $0x1  }
0x52: {  	_ =	swait.ge [sflag:s0], $0x4000  }
0x53: {  	[sflag:s0] =	ssyncset.done $0x0  }
0x54: {  	[sflag:s0] =	ssyncadd.s32 $0xFFFFC000  }
0x55: {  	s0 =	simm.s32 $0x0  }
0x56: {  	[tilespmem:s26], [sflag:$0x1] =	stream.linear.gather [hbm4b:s13+s0], $0x20, $0x38;
	[tilespmem:$0x17E00] =	vst v63  }
0x57: {  	_ =	swait.ge [sflag:s20], $0x20  }
0x58: {  	[sflag:s20] =	ssyncset.done $0x0  }
0x59: {  	[sflag:s20] =	ssyncadd.s32 $0xFFFFFFE0  }
0x5a: {  	[tilespmem:s28], [sflag:$0x1] =	stream.linear.gather [hbm4b:s14+s0], $0x20, $0x38;
	[tilespmem:$0x17E00] =	vst v63  }
0x5b: {  	_ =	swait.ge [sflag:s20], $0x20  }
0x5c: {  	[sflag:s20] =	ssyncset.done $0x0  }
0x5d: {  	[sflag:s20] =	ssyncadd.s32 $0xFFFFFFE0  }
0x5e: {  	[tilespmem:s24], [sflag:$0x1] =	stream.linear.gather [hbm4b:s15+s0], $0x1000, $0x38;
	[tilespmem:$0x17E00] =	vst v63  }
0x5f: {  	_ =	swait.ge [sflag:s20], $0x1000  }
0x60: {  	[sflag:s20] =	ssyncset.done $0x0  }
0x61: {  	[sflag:s20] =	ssyncadd.s32 $0xFFFFF000  }
0x62: {  	[tilespmem:s24], [sflag:$0x1] =	stream.indirect.gather.add.f32 [hbm:s4], $0x80, s26, s29, $0xb8;
	[tilespmem:$0x17E00] =	vst v63  }
0x63: {  	_ =	swait.ge [sflag:s20], $0x1000  }
0x64: {  	[sflag:s20] =	ssyncset.done $0x0  }
0x65: {  	[sflag:s20] =	ssyncadd.s32 $0xFFFFF000  }
0x66: {  	[tilespmem:s24], [sflag:$0x1] =	stream.indirect.gather.add.f32 [hbm:s5], $0x80, s28, s29, $0xb8;
	[tilespmem:$0x17E00] =	vst v63  }
0x67: {  	_ =	swait.ge [sflag:s20], $0x1000  }
0x68: {  	[sflag:s20] =	ssyncset.done $0x0  }
0x69: {  	s0 =	simm.s32 $0x0;
	[sflag:s20] =	ssyncadd.s32 $0xFFFFF000  }
0x6a: {  	v2 =	vld [tilespmem:s0+$0x13E00]  }
0x6b: {  	v4 =	vld [tilespmem:s0+$0x13E10]  }
0x6c: {  	v3 =	vld [tilespmem:s0+$0x13E20]  }
0x6d: {  	v1 =	vld [tilespmem:s0+$0x13E30]  }
0x6e: {  	v0 =	vld [tilespmem:s0+$0x13E40]  }
0x6f: {  	v5 =	vmax.f32 v2, $0.0e+00;
	v2 =	vld [tilespmem:s0+$0x13E50]  }
0x70: {  	s1 =	simm.s32 $0x200;
	[tilespmem:s0+$0x13E00] =	vst v5;
	v5 =	vmax.f32 v4, $0.0e+00;
	v4 =	vld [tilespmem:s0+$0x13E60]  }
.LBB2_6:
0x71: {  	s11 =	sshra.s32 s1, $0x2;
	p2 =	sne.s32 s1, $0x3E00;
	[tilespmem:s0+$0x13E10] =	vst v5;
	v3 =	vmax.f32 v3, $0.0e+00;
	v5 =	vld [tilespmem:s0+$0x13E70]  }
0x72: {  	v6 =	vld [tilespmem:s11+$0x13E00];
	[tilespmem:s0+$0x13E20] =	vst v3;
	v1 =	vmax.f32 v1, $0.0e+00  }
0x73: {  	v7 =	vld [tilespmem:s11+$0x13E10];
	[tilespmem:s0+$0x13E30] =	vst v1;
	v0 =	vmax.f32 v0, $0.0e+00  }
.Ltmp2:
0x74: {  	v3 =	vld [tilespmem:s11+$0x13E20];
	[tilespmem:s0+$0x13E40] =	vst v0;
	v0 =	vmax.f32 v2, $0.0e+00;
	(pc) =	sbr.rel @p2 .LBB2_6-.Ltmp2, $4  }
0x75: {  	v1 =	vld [tilespmem:s11+$0x13E30];
	[tilespmem:s0+$0x13E50] =	vst v0;
	v2 =	vmax.f32 v4, $0.0e+00  }
0x76: {  	v0 =	vld [tilespmem:s11+$0x13E40];
	[tilespmem:s0+$0x13E60] =	vst v2;
	v4 =	vmax.f32 v5, $0.0e+00  }
0x77: {  	v5 =	vmax.f32 v6, $0.0e+00;
	v2 =	vld [tilespmem:s11+$0x13E50];
	[tilespmem:s0+$0x13E70] =	vst v4;
	s0 =	smov.u32 s11  }
0x78: {  	s1 =	sadd.s32 $0x200, s1;
	[tilespmem:s0+$0x13E00] =	vst v5;
	v5 =	vmax.f32 v7, $0.0e+00;
	v4 =	vld [tilespmem:s0+$0x13E60]  }
0x79: {  	[tilespmem:s0+$0x13E10] =	vst v5;
	v3 =	vmax.f32 v3, $0.0e+00;
	v60 =	vld [tilespmem:s0+$0x13E70]  }
0x7a: {  	[tilespmem:s0+$0x13E20] =	vst v3;
	v1 =	vmax.f32 v1, $0.0e+00  }
0x7b: {  	[tilespmem:s0+$0x13E30] =	vst v1;
	v0 =	vmax.f32 v0, $0.0e+00  }
0x7c: {  	[tilespmem:s0+$0x13E40] =	vst v0;
	v61 =	vmax.f32 v2, $0.0e+00  }
0x7d: {  	[tilespmem:s0+$0x13E50] =	vst v61;
	v62 =	vmax.f32 v4, $0.0e+00  }
0x7e: {  	[tilespmem:s0+$0x13E60] =	vst v62;
	v63 =	vmax.f32 v60, $0.0e+00  }
0x7f: {  	s1 =	simm.s32 @!p0 $0x13E00;
	[tilespmem:s0+$0x13E70] =	vst v63;
	s0 =	simm.s32 @!p0 $0x0  }
0x80: {  	[hbm4b:s16+s0] =	stream.linear.scatter @!p0 [tilespmem:s1], [sflag:$0x1], $0x1000, $0x38;
	[tilespmem:$0x17E00] =	vst v63  }
0x81: {  	s0 =	simm.s32 @!p0 $0x1  }
0x82: {  	_ =	swait.ge @!p0 [sflag:s0], $0x1000  }
0x83: {  	s1 =	simm.s32 @!p0 $0x13D80;
	[sflag:s0] =	ssyncset.done @!p0 $0x0  }
0x84: {  	s1 =	simm.s32 @p0 $0x13D00;
	[sflag:s0] =	ssyncadd.s32 @!p0 $0xFFFFF000  }
0x85: {  	[spmem:s2] =	stream.indirect.scatter.add.f32 [tilespmem:s24], [sflag:$0x1], $0x80, s1, s29, $0xb8;
	[tilespmem:$0x17E00] =	vst v63  }
0x86: {  	_ =	swait.ge [sflag:s20], $0x1000  }
0x87: {  	s3 =	sadd.s32 $0x1, s3;
	[sflag:s20] =	ssyncset.done $0x0  }
0x88: {  	p2 =	sne.s32 s3, s18;
	[sflag:s20] =	ssyncadd.s32 $0xFFFFF000  }
.Ltmp3:
0x89: {  	[bflag:$0x0] =	sbarrier.arrive $0xFFFF;
	(pc) =	sbr.rel @p2 .LBB2_1-.Ltmp3, $4  }
0x8a: {  	[hbm:s17], [sflag:s12] =	dma.local [spmem:s19], $0x2780  }
0x8b: {  	_ =	swait.ge [sflag:s20], $0x2780  }
0x8c: {  	[sflag:s20] =	ssyncset.done $0x0  }
0x8d: {  	[sflag:s20] =	ssyncadd.s32 $0xFFFFD880  }
0x8e: {  	_ =	sfence.sel $0x180000  }
0x8f: {  	[bflag:$0x0] =	sbarrier.arrive $0xFFFF  }
0x90: {  	_ =	strace $0x90000047  }
0x91: {  	s0 =	stileid.u32;
	[bflag:$0x2] =	sbarrier.arrive $0xFFFF  }
0x92: {  	p0 =	sne.s32 s0, $0x0;
	s0 =	rddreg [dreg:$0x2]  }
0x93: {  	s0 =	sadd.s32 @!p0 $0x100000, s0  }
0x94: {  	[sflag:s0] =	ssyncadd.tile.s32 @!p0 $0x1;
	_ =	shalt  }
.Lfunc_end2:
_tile_overlayer_lowered:
.L_overlay_start_2:
0x95: {  	(tag) =	ssettag $0x2  }
0x96: {  	s0 =	rddreg [dreg:$0x0];
	s2 =	stileid.u32  }
0x97: {  	s1 =	rddreg [dreg:$0x1];
	p0 =	sne.s32 s2, $0x0  }
0x98: {  	s3 =	rddreg [dreg:$0x2];
	[bflag:$0x3] =	sbarrier.arrive $0xFFFF;
	s2 =	simm.s32 @!p0 $0x1C01  }
0x99: {  	[timem:s3], [sflag:s2] =	dma.local @!p0 [hbm:s0], s1  }
0x9a: {  	s0 =	simm.s32 @!p0 $0x1  }
0x9b: {  	_ =	swait.ge @!p0 [sflag:s0], s1  }
0x9c: {  	s1 =	ssub.s32 @!p0 $0x0, s1;
	[sflag:s0] =	ssyncset.done @!p0 $0x0  }
0x9d: {  	[sflag:s0] =	ssyncadd.s32 @!p0 s1  }
0x9e: {  	[bflag:$0x3] =	sbarrier.arrive $0xFFFF  }
0x9f: {  	_ =	shalt  }

// kernel: sc_edge_pass_l1.3.cloned.1.call-start
scs
__scs_entry_jumppad:
0x0: {  	(pc) =	sbr.rel $0x88, $3  }
0x1: {  	(tag) =	ssettag $0x0;
	lr =	simm.s32 $0x1  }
0x2: {  	[smem:$0x3F71] =	sst lr;
	_ =	strace $0xD0000000  }
0x3: {  	_ = 	snop  }
0x4: {  	_ = 	snop  }
0x5: {  	_ = 	snop  }
0x6: {  	_ = 	snop  }
0x7: {  	_ = 	snop  }
__scs_overlays_trampoline_lowered:
0x8: {  	[smem:$0x3F80] =	sst s0  }
0x9: {  	[smem:$0x3F81] =	sst s1  }
0xa: {  	[smem:$0x3F82] =	sst s2  }
0xb: {  	[smem:$0x3F83] =	sst s3  }
0xc: {  	[smem:$0x3F84] =	sst s4  }
0xd: {  	[smem:$0x3F85] =	sst s5  }
0xe: {  	[smem:$0x3F86] =	sst s6  }
0xf: {  	[smem:$0x3F87] =	sst s7  }
0x10: {  	[smem:$0x3F88] =	sst s8  }
0x11: {  	[smem:$0x3F89] =	sst s9;
	s0 =	simm.s32 @!p0 $0x0  }
0x12: {  	s1 =	sld [smem:$0x3F6F];
	s0 =	simm.s32 @p0 $0x1  }
0x13: {  	[smem:$0x3F8A] =	sst s0;
	s0 =	simm.s32 @!p1 $0x0  }
0x14: {  	s2 =	sld [smem:$0x3F6E];
	s0 =	simm.s32 @p1 $0x1  }
0x15: {  	[smem:$0x3F8B] =	sst s0;
	s0 =	simm.s32 @!p2 $0x0  }
0x16: {  	s3 =	sld [smem:$0x3FDB];
	s0 =	simm.s32 @p2 $0x1  }
0x17: {  	s4 =	simm.s32 $0x1BF5;
	[smem:$0x3F8D] =	sst s0  }
0x18: {  	s0 =	sld [smem:$0x3F70];
	_ =	swait.ge [sflag:s4], $0x0  }
0x19: {  	s7 =	sld [smem:$0x3F71]  }
0x1a: {  	s8 =	sadd.s32 $0xFFFFE003, lr  }
0x1b: {  	s9 =	sadd.s32 $0xFFFFFEF7, lr;
	s5 =	simm.s32 $0xFFFFFFFF;
	p2 =	slt.u32 s8, $0xFFFFF086  }
0x1c: {  	p1 =	slt.u32 s9, $0xF7A;
	s5 =	simm.s32 @!p2 $0x0  }
0x1d: {  	s5 =	simm.s32 @p1 $0x1;
	p0 =	seq.s32 s7, s2  }
0x1e: {  	s7 =	smul.u32 @!p0 $0xF7A, s2;
	p2 =	seq.s32 @!p0 s5, $0x0  }
0x1f: {  	s9 =	smul.u32 $0xF7A, s1;
	s8 =	simm.s32 @!p0 $0x1BF5;
	p2 =	por !p2, p0  }
0x20: {  	[sflag:s8] =	ssyncset.s32 @!p0 $0xFFFFF086;
	s6 =	sadd.s32 @!p0 s3, s7;
	s7 =	simm.s32 @!p0 $0x108  }
0x21: {  	s3 =	sadd.s32 s3, s9;
	s6 =	sadd.s32 @!p0 $0x88, s6;
	s7 =	simm.s32 @p2 $0x1082  }
0x22: {  	[simem:s7], [sflag:s8] =	dma.local @!p0 [hbm:s6], $0xF7A  }
0x23: {  	s9 =	sor.u32 $0xD0000000, s2;
	s6 =	simm.s32 $0x108;
	_ =	swait.ge @!p0 [sflag:s8], $0x0  }
0x24: {  	s3 =	sadd.s32 $0x88, s3;
	s6 =	simm.s32 @!p1 $0x1082;
	[sflag:s4] =	ssyncset.s32 $0xFFFFF086  }
0x25: {  	[simem:s6], [sflag:s4] =	dma.local [hbm:s3], $0xF7A  }
0x26: {  	[smem:$0x3F71] =	sst s1;
	(tag) =	ssettag s2;
	_ =	strace s9  }
0x27: {  	s1 =	sld [smem:$0x3F81]  }
0x28: {  	s2 =	sld [smem:$0x3F82]  }
0x29: {  	s4 =	sld [smem:$0x3F84]  }
0x2a: {  	p0 =	seq.s32 s5, $0x0;
	s5 =	sld [smem:$0x3F85]  }
0x2b: {  	s6 =	sld [smem:$0x3F86]  }
0x2c: {  	s7 =	sld [smem:$0x3F87]  }
0x2d: {  	s3 =	simm.s32 $0x108;
	s8 =	sld [smem:$0x3F88]  }
0x2e: {  	s3 =	simm.s32 @!p0 $0x1082;
	s9 =	sld [smem:$0x3F89]  }
0x2f: {  	lr =	sadd.s32 s0, s3;
	s0 =	sld [smem:$0x3F80]  }
0x30: {  	s3 =	sld [smem:$0x3F83]  }
0x31: {  	[smem:$0x3F8C] =	sst s10  }
0x32: {  	s10 =	sld [smem:$0x3F8A];
	_ =	sdelay $0x3  }
0x33: {  	p0 =	seq.s32 s10, $0x1;
	s10 =	sld [smem:$0x3F8C];
	_ =	sdelay $0x3  }
0x34: {  	[smem:$0x3F8C] =	sst s10  }
0x35: {  	s10 =	sld [smem:$0x3F8B];
	_ =	sdelay $0x3  }
0x36: {  	p1 =	seq.s32 s10, $0x1;
	s10 =	sld [smem:$0x3F8C];
	_ =	sdelay $0x3  }
0x37: {  	[smem:$0x3F8C] =	sst s10  }
0x38: {  	s10 =	sld [smem:$0x3F8D]  }
0x39: {  	_ = 	snop;
	(pc) =	sbr.ind lr, $3  }
0x3a: {  	_ = 	snop  }
0x3b: {  	_ = 	snop  }
0x3c: {  	p2 =	seq.s32 s10, $0x1;
	s10 =	sld [smem:$0x3F8C]  }
0x3d: {  	_ =	shalt  }
0x3e: {  	_ =	shalt  }
0x3f: {  	_ =	shalt  }
0x40: {  	_ =	shalt  }
0x41: {  	_ =	shalt  }
0x42: {  	_ =	shalt  }
0x43: {  	_ =	shalt  }
0x44: {  	_ =	shalt  }
0x45: {  	_ =	shalt  }
0x46: {  	_ =	shalt  }
0x47: {  	_ =	shalt  }
0x48: {  	_ =	shalt  }
0x49: {  	_ =	shalt  }
0x4a: {  	_ =	shalt  }
0x4b: {  	_ =	shalt  }
0x4c: {  	_ =	shalt  }
0x4d: {  	_ =	shalt  }
0x4e: {  	_ =	shalt  }
0x4f: {  	_ =	shalt  }
0x50: {  	_ =	shalt  }
0x51: {  	_ =	shalt  }
0x52: {  	_ =	shalt  }
0x53: {  	_ =	shalt  }
0x54: {  	_ =	shalt  }
0x55: {  	_ =	shalt  }
0x56: {  	_ =	shalt  }
0x57: {  	_ =	shalt  }
0x58: {  	_ =	shalt  }
0x59: {  	_ =	shalt  }
0x5a: {  	_ =	shalt  }
0x5b: {  	_ =	shalt  }
0x5c: {  	_ =	shalt  }
0x5d: {  	_ =	shalt  }
0x5e: {  	_ =	shalt  }
0x5f: {  	_ =	shalt  }
0x60: {  	_ =	shalt  }
0x61: {  	_ =	shalt  }
0x62: {  	_ =	shalt  }
0x63: {  	_ =	shalt  }
0x64: {  	_ =	shalt  }
0x65: {  	_ =	shalt  }
0x66: {  	_ =	shalt  }
0x67: {  	_ =	shalt  }
0x68: {  	_ =	shalt  }
0x69: {  	_ =	shalt  }
0x6a: {  	_ =	shalt  }
0x6b: {  	_ =	shalt  }
0x6c: {  	_ =	shalt  }
0x6d: {  	_ =	shalt  }
0x6e: {  	_ =	shalt  }
0x6f: {  	_ =	shalt  }
0x70: {  	_ =	shalt  }
0x71: {  	_ =	shalt  }
0x72: {  	_ =	shalt  }
0x73: {  	_ =	shalt  }
0x74: {  	_ =	shalt  }
0x75: {  	_ =	shalt  }
0x76: {  	_ =	shalt  }
0x77: {  	_ =	shalt  }
0x78: {  	_ =	shalt  }
0x79: {  	_ =	shalt  }
0x7a: {  	_ =	shalt  }
0x7b: {  	_ =	shalt  }
0x7c: {  	_ =	shalt  }
0x7d: {  	_ =	shalt  }
0x7e: {  	_ =	shalt  }
0x7f: {  	_ =	shalt  }
0x80: {  	_ =	shalt  }
0x81: {  	_ =	shalt  }
0x82: {  	_ =	shalt  }
0x83: {  	_ =	shalt  }
0x84: {  	_ =	shalt  }
0x85: {  	_ =	shalt  }
0x86: {  	_ =	shalt  }
0x87: {  	_ =	shalt  }
.Lfunc_end0:
.L_simem_size_0:
called_computation.2_lowered:
.L_overlay_start_0:
0x88: {  	s2 =	sld [smem:$0x3FD9]  }
0x89: {  	s3 =	sld [smem:$0x3FFE];
	_ =	sdelay $0x1  }
0x8a: {  	s1 =	srdreg.scid  }
0x8b: {  	s0 =	sand.u32 $0x1, s1  }
0x8c: {  	s16 =	sshll.u32 s0, $0xA;
	s2 =	sadd.s32 s3, s2  }
0x8d: {  	s2 =	sadd.s32 s2, s16  }
0x8e: {  	[smem:$0x3F98] =	sst s2  }
0x8f: {  	_ = 	snop  }
0x90: {  	(tm) =	ssettm $0x1  }
0x91: {  	s17 =	sld [smem:$0x3FFB];
	_ =	sdelay $0x3  }
0x92: {  	_ =	strace s17  }
0x93: {  	s2 =	sld [smem:$0x3FFC];
	_ =	sdelay $0x3  }
0x94: {  	_ =	strace s2  }
0x95: {  	s2 =	sld [smem:$0x3FFD];
	_ =	sdelay $0x3  }
0x96: {  	_ =	strace s2  }
0x97: {  	_ =	strace $0x8FFFFFFF  }
0x98: {  	s18 =	sld [smem:$0x3FDB];
	_ =	sdelay $0x1  }
0x99: {  	s19 =	simm.s32 $_scs_section_size  }
0x9a: {  	s4 =	simm.s32 $_size__tile_overlayer_lowered;
	s5 =	simm.s32 $_tile_overlayer_lowered  }
0x9b: {  	s22 =	simm.s32 $0x1BFF;
	s21 =	sshll.u32 s5, $0x1;
	s2 =	sadd.s32 s19, s18  }
0x9c: {  	s6 =	simm.s32 $0x0;
	s20 =	sshll.u32 s4, $0x1;
	s4 =	sadd.s32 s21, s2  }
0x9d: {  	[timem:s6], [sflag:s22] =	dma.local [hbm:s4], s20  }
0x9e: {  	_ =	swait.ge [sflag:s22], s20  }
0x9f: {  	s3 =	ssub.s32 $0x0, s20;
	[sflag:s22] =	ssyncset.done $0x0  }
0xa0: {  	[sflag:s22] =	ssyncadd.s32 s3;
	_ =	sdelay $0x1  }
0xa1: {  	s23 =	simm.s32 $0x1B8B  }
0xa2: {  	_ =	swait.ge [sflag:s23], $0x1  }
0xa3: {  	[sflag:s23] =	ssyncset.done $0x0  }
0xa4: {  	s25 =	simm.s32 $0x1B8E;
	s24 =	sld [smem:$0x3FFE];
	[sflag:s23] =	ssyncadd.s32 $0xFFFFFFFF  }
0xa5: {  	s26 =	simm.s32 $execute0_lowered;
	[smem:$0x3FD2] =	sst s25  }
0xa6: {  	s4 =	sshll.u32 s26, $0x1;
	_ =	strace $0x8000004C;
	[dreg:$0x1] =	wrdreg $0xFFFFFFFF  }
0xa7: {  	s28 =	simm.s32 $_size_execute0_lowered;
	s2 =	sadd.s32 s2, s4;
	[dreg:$0x0] =	wrdreg $0x0  }
0xa8: {  	s4 =	sshll.u32 s28, $0x1;
	[dreg:$0x2] =	wrdreg s2  }
0xa9: {  	[dreg:$0x3] =	wrdreg s4  }
0xaa: {  	[dreg:$0x4] =	wrdreg $0xC0  }
0xab: {  	_ =	task [dreg:s6], $0x5FFFF  }
0xac: {  	[dreg:$0x1] =	wrdreg $0xFFFFFFFF  }
0xad: {  	[dreg:$0x0] =	wrdreg $0x60  }
0xae: {  	[dreg:$0x2] =	wrdreg s24  }
0xaf: {  	[dreg:$0x3] =	wrdreg $0x0  }
0xb0: {  	[dreg:$0x4] =	wrdreg $0x9  }
0xb1: {  	_ =	task.clear_ibuf [dreg:s6], $0x5FFFF;
	_ =	strace $0x9000004C  }
0xb2: {  	s29 =	simm.s32 $0x9;
	_ =	strace $0x8000004E  }
0xb3: {  	_ =	swait.ge [sflag:s29], $0x1  }
0xb4: {  	[sflag:s29] =	ssyncadd.s32 $0xFFFFFFFF  }
0xb5: {  	_ =	strace $0x9000004E  }
0xb6: {  	_ =	sfence  }
0xb7: {  	s30 =	sld [smem:$0x0];
	_ =	sdelay $0x2  }
0xb8: {  	s31 =	sshll.u32 s1, $0xD;
	s1 =	sshrl.u32 s1, $0x2  }
0xb9: {  	s3 =	sand.u32 $0x4000, s31;
	s1 =	sadd.s32 s1, s30  }
0xba: {  	s0 =	sor.u32 s3, s0;
	s1 =	sshll.u32 s1, $0x11  }
0xbb: {  	s0 =	sor.u32 s1, s0  }
0xbc: {  	s0 =	sadd.s32 $0x8F2B, s0  }
0xbd: {  	[sflag:s0] =	ssyncadd.remote.s32 $0x1  }
0xbe: {  	_ =	sfence.sel $0xFFFF  }
0xbf: {  	[dreg:$0x0] =	wrdreg $0xFFFFFFFF;
	(pc) =	sbr.abs _section_cstart, $3  }
0xc0: {  	[dreg:$0x1] =	wrdreg $0xFFFFFFFF  }
0xc1: {  	_ =	task.clear_ibuf [dreg:s6], $0x2FFFF;
	_ =	strace $0x9FFFFFFF  }
0xc2: {  	(tm) =	ssettm $0x7FFFFFFF  }
0xc3: {  	_ =	shalt  }
tec
execute0_lowered:
.L_overlay_start_1:
0x0: {  	(tag) =	ssettag $0x1  }
0x1: {  	s0 =	rddreg [dreg:$0x0]  }
0x2: {  	s2 =	rddreg [dreg:$0x1]  }
0x3: {  	s3 =	simm.s32 $0x0;
	s15 =	stileid.u32;
	s1 =	srdreg.scid  }
0x4: {  	s20 =	simm.s32 $0x1;
	s21 =	simm.s32 $0x13C00;
	s22 =	simm.s32 $0x2  }
0x5: {  	s23 =	simm.s32 $0x13C80;
	s28 =	simm.s32 $0x13D80;
	s29 =	simm.s32 $0x20  }
0x6: {  	[smem:$0x7FF] =	sst s3;
	s9 =	smul.u32 $0x13C00, s15;
	s1 =	sand.u32 $0x1, s1  }
0x7: {  	s4 =	sadd.s32 $0x96800, s0;
	s5 =	sadd.s32 $0xBDA00, s0;
	s6 =	sadd.s32 $0x16E00, s0  }
0x8: {  	s7 =	sadd.s32 $0xD000, s0;
	s8 =	sadd.s32 $0x134800, s0;
	s11 =	smul.u32 $0x4F000, s15  }
0x9: {  	s26 =	sshll.u32 s15, $0x6;
	_ =	strace $0x8000004D;
	s10 =	smul.u32 $0x13C000, s1  }
0xa: {  	s13 =	ssub.s32 $0x2, s1;
	p0 =	seq.s32 s1, $0x0;
	p1 =	sne.s32 s1, $0x0  }
0xb: {  	s14 =	sshrl.u32 s13, $0x1;
	s11 =	sshrl.u32 s11, $0x2;
	s10 =	sadd.s32 s9, s10  }
0xc: {  	s9 =	sshrl.u32 s9, $0x3;
	s24 =	ssub.s32 s13, s14;
	s19 =	sadd.s32 s11, s2  }
0xd: {  	s10 =	sshrl.u32 s10, $0x3;
	s12 =	sadd.s32 s9, s0;
	s9 =	smul.u32 $0x4E20, s15  }
0xe: {  	s18 =	smax.u32 s24, $0x1;
	s19 =	sshrl.u32 s19, $0x3;
	s24 =	simm.s32 $0x13E00  }
0xf: {  	s17 =	sadd.s32 s10, s0;
	s10 =	sadd.s32 $0x616800, s0;
	s25 =	sadd.s32 $0x6F000, s12  }
0x10: {  	s12 =	sor.u32 $0x1C01, s26;
	s26 =	simm.s32 $0x13D00;
	s30 =	sadd.s32 $0x4E00, s9  }
0x11: {  	[dreg:$0x3] =	wrdreg s25;
	s17 =	sadd.s32 $0xE4C00, s17;
	s31 =	sshrl.u32 s30, $0x3  }
0x12: {  	s25 =	simm.s32 $0x80;
	s16 =	sshll.u32 s30, $0x4;
	s13 =	sadd.s32 s6, s31  }
0x13: {  	s14 =	sadd.s32 s7, s31;
	s15 =	sadd.s32 s8, s16;
	s16 =	sadd.s32 s10, s16  }
.LBB2_1:
0x14: {  	s0 =	rddreg [dreg:$0x3]  }
0x15: {  	[spmem:s19], [sflag:s12] =	dma.local [hbm:s0], $0x2780  }
0x16: {  	_ =	swait.ge [sflag:s20], $0x2780  }
0x17: {  	[sflag:s20] =	ssyncset.done $0x0  }
0x18: {  	[sflag:s20] =	ssyncadd.s32 $0xFFFFD880  }
0x19: {  	s30 =	simm.s32 $0x0;
	[bflag:$0x0] =	sbarrier.arrive $0xFFFF  }
.LBB2_2:
0x1a: {  	s0 =	sshll.u32 s30, $0x7  }
0x1b: {  	s0 =	sadd.s32 s9, s0  }
0x1c: {  	s1 =	sshrl.u32 s0, $0x3  }
0x1d: {  	s11 =	simm.s32 $0x0;
	s31 =	sadd.s32 s6, s1  }
0x1e: {  	[tilespmem:s21], [sflag:$0x2] =	stream.linear.gather [hbm4b:s31+s11], $0x80, $0x38;
	[tilespmem:$0x17E00] =	vst v63  }
0x1f: {  	_ =	swait.ge [sflag:s22], $0x80  }
0x20: {  	[sflag:s22] =	ssyncset.done $0x0  }
0x21: {  	s1 =	sadd.s32 s7, s1;
	[sflag:s22] =	ssyncadd.s32 $0xFFFFFF80  }
0x22: {  	[tilespmem:s23], [sflag:$0x2] =	stream.linear.gather [hbm4b:s1+s11], $0x80, $0x38;
	[tilespmem:$0x17E00] =	vst v63  }
0x23: {  	_ =	swait.ge [sflag:s22], $0x80  }
0x24: {  	s31 =	sshll.u32 s0, $0x4;
	[sflag:s22] =	ssyncset.done $0x0  }
0x25: {  	s0 =	sadd.s32 s8, s31;
	[sflag:s22] =	ssyncadd.s32 $0xFFFFFF80  }
0x26: {  	[tilespmem:s24], [sflag:$0x2] =	stream.linear.gather [hbm4b:s0+s11], $0x4000, $0x38;
	[tilespmem:$0x17E00] =	vst v63  }
0x27: {  	_ =	swait.ge [sflag:s22], $0x4000  }
0x28: {  	[sflag:s22] =	ssyncset.done $0x0  }
0x29: {  	[sflag:s22] =	ssyncadd.s32 $0xFFFFC000  }
0x2a: {  	[tilespmem:s24], [sflag:$0x2] =	stream.indirect.gather.add.f32 [hbm:s4], $0x80, s21, s25, $0xb8;
	[tilespmem:$0x17E00] =	vst v63  }
0x2b: {  	_ =	swait.ge [sflag:s22], $0x4000  }
0x2c: {  	[sflag:s22] =	ssyncset.done $0x0  }
0x2d: {  	[sflag:s22] =	ssyncadd.s32 $0xFFFFC000  }
0x2e: {  	[tilespmem:s24], [sflag:$0x2] =	stream.indirect.gather.add.f32 [hbm:s5], $0x80, s23, s25, $0xb8;
	[tilespmem:$0x17E00] =	vst v63  }
0x2f: {  	_ =	swait.ge [sflag:s22], $0x4000  }
0x30: {  	[sflag:s22] =	ssyncset.done $0x0  }
0x31: {  	s0 =	simm.s32 $0x0;
	[sflag:s22] =	ssyncadd.s32 $0xFFFFC000  }
0x32: {  	v2 =	vld [tilespmem:s0+$0x13E00]  }
0x33: {  	v3 =	vld [tilespmem:s0+$0x13E10]  }
0x34: {  	v4 =	vld [tilespmem:s0+$0x13E20]  }
0x35: {  	v1 =	vld [tilespmem:s0+$0x13E30]  }
0x36: {  	v0 =	vld [tilespmem:s0+$0x13E40]  }
0x37: {  	v5 =	vmax.f32 v2, $0.0e+00;
	v2 =	vld [tilespmem:s0+$0x13E50]  }
0x38: {  	s1 =	simm.s32 $0x200;
	[tilespmem:s0+$0x13E00] =	vst v5;
	v5 =	vmax.f32 v3, $0.0e+00;
	v3 =	vld [tilespmem:s0+$0x13E60]  }
.LBB2_3:
0x39: {  	s11 =	sshra.s32 s1, $0x2;
	p2 =	sne.s32 s1, $0xFE00;
	[tilespmem:s0+$0x13E10] =	vst v5;
	v4 =	vmax.f32 v4, $0.0e+00;
	v5 =	vld [tilespmem:s0+$0x13E70]  }
0x3a: {  	v6 =	vld [tilespmem:s11+$0x13E00];
	[tilespmem:s0+$0x13E20] =	vst v4;
	v1 =	vmax.f32 v1, $0.0e+00  }
0x3b: {  	v7 =	vld [tilespmem:s11+$0x13E10];
	[tilespmem:s0+$0x13E30] =	vst v1;
	v0 =	vmax.f32 v0, $0.0e+00  }
.Ltmp0:
0x3c: {  	v4 =	vld [tilespmem:s11+$0x13E20];
	[tilespmem:s0+$0x13E40] =	vst v0;
	v0 =	vmax.f32 v2, $0.0e+00;
	(pc) =	sbr.rel @p2 .LBB2_3-.Ltmp0, $4  }
0x3d: {  	v1 =	vld [tilespmem:s11+$0x13E30];
	[tilespmem:s0+$0x13E50] =	vst v0;
	v2 =	vmax.f32 v3, $0.0e+00  }
0x3e: {  	v0 =	vld [tilespmem:s11+$0x13E40];
	[tilespmem:s0+$0x13E60] =	vst v2;
	v3 =	vmax.f32 v5, $0.0e+00  }
0x3f: {  	v5 =	vmax.f32 v6, $0.0e+00;
	v2 =	vld [tilespmem:s11+$0x13E50];
	[tilespmem:s0+$0x13E70] =	vst v3;
	s0 =	smov.u32 s11  }
0x40: {  	s1 =	sadd.s32 $0x200, s1;
	[tilespmem:s0+$0x13E00] =	vst v5;
	v5 =	vmax.f32 v7, $0.0e+00;
	v3 =	vld [tilespmem:s0+$0x13E60]  }
0x41: {  	[tilespmem:s0+$0x13E10] =	vst v5;
	v4 =	vmax.f32 v4, $0.0e+00;
	v60 =	vld [tilespmem:s0+$0x13E70]  }
0x42: {  	[tilespmem:s0+$0x13E20] =	vst v4;
	v1 =	vmax.f32 v1, $0.0e+00  }
0x43: {  	[tilespmem:s0+$0x13E30] =	vst v1;
	v0 =	vmax.f32 v0, $0.0e+00  }
0x44: {  	p2 =	sgt.u32 s30, $0x4D;
	s1 =	simm.s32 $0x1;
	s11 =	simm.s32 $0x1;
	[tilespmem:s0+$0x13E40] =	vst v0;
	v61 =	vmax.f32 v2, $0.0e+00  }
0x45: {  	s1 =	simm.s32 @!p2 $0x0;
	s11 =	simm.s32 @!p0 $0x0;
	[tilespmem:s0+$0x13E50] =	vst v61;
	v62 =	vmax.f32 v3, $0.0e+00  }
0x46: {  	p2 =	seq.s32 s11, s1;
	[tilespmem:s0+$0x13E60] =	vst v62;
	v63 =	vmax.f32 v60, $0.0e+00  }
0x47: {  	s1 =	simm.s32 @!p2 $0x0;
	s11 =	simm.s32 @!p2 $0x13E00;
	[tilespmem:s0+$0x13E70] =	vst v63;
	s0 =	sadd.s32 @!p2 s10, s31  }
0x48: {  	[hbm4b:s0+s1] =	stream.linear.scatter @!p2 [tilespmem:s11], [sflag:$0x2], $0x4000, $0x38;
	[tilespmem:$0x17E00] =	vst v63  }
0x49: {  	s0 =	simm.s32 @!p2 $0x2  }
0x4a: {  	s30 =	sadd.s32 $0x1, s30;
	_ =	swait.ge @!p2 [sflag:s0], $0x4000  }
0x4b: {  	s1 =	simm.s32 @p1 $0x13C80;
	s11 =	simm.s32 @p1 $0x13E00;
	[sflag:s0] =	ssyncset.done @!p2 $0x0  }
0x4c: {  	[sflag:s0] =	ssyncadd.s32 @!p2 $0xFFFFC000;
	s0 =	simm.s32 @p1 $0x80;
	p2 =	sne.s32 s30, $0x9C  }
0x4d: {  	[spmem:s2] =	stream.indirect.scatter.add.f32 @p1 [tilespmem:s11], [sflag:$0x1], $0x80, s1, s0, $0xb8;
	[tilespmem:$0x17E00] =	vst v63  }
0x4e: {  	s0 =	simm.s32 @!p1 $0x80;
	s1 =	simm.s32 @!p1 $0x13C00;
	s11 =	simm.s32 @!p1 $0x13E00  }
0x4f: {  	[spmem:s2] =	stream.indirect.scatter.add.f32 @!p1 [tilespmem:s11], [sflag:$0x2], $0x80, s1, s0, $0xb8;
	[tilespmem:$0x17E00] =	vst v63  }
.Ltmp1:
0x50: {  	s0 =	simm.s32 @!p1 $0x2;
	(pc) =	sbr.rel @p2 .LBB2_2-.Ltmp1, $4  }
0x51: {  	s0 =	simm.s32 @p1 $0x1  }
0x52: {  	_ =	swait.ge [sflag:s0], $0x4000  }
0x53: {  	[sflag:s0] =	ssyncset.done $0x0  }
0x54: {  	[sflag:s0] =	ssyncadd.s32 $0xFFFFC000  }
0x55: {  	s0 =	simm.s32 $0x0  }
0x56: {  	[tilespmem:s26], [sflag:$0x1] =	stream.linear.gather [hbm4b:s13+s0], $0x20, $0x38;
	[tilespmem:$0x17E00] =	vst v63  }
0x57: {  	_ =	swait.ge [sflag:s20], $0x20  }
0x58: {  	[sflag:s20] =	ssyncset.done $0x0  }
0x59: {  	[sflag:s20] =	ssyncadd.s32 $0xFFFFFFE0  }
0x5a: {  	[tilespmem:s28], [sflag:$0x1] =	stream.linear.gather [hbm4b:s14+s0], $0x20, $0x38;
	[tilespmem:$0x17E00] =	vst v63  }
0x5b: {  	_ =	swait.ge [sflag:s20], $0x20  }
0x5c: {  	[sflag:s20] =	ssyncset.done $0x0  }
0x5d: {  	[sflag:s20] =	ssyncadd.s32 $0xFFFFFFE0  }
0x5e: {  	[tilespmem:s24], [sflag:$0x1] =	stream.linear.gather [hbm4b:s15+s0], $0x1000, $0x38;
	[tilespmem:$0x17E00] =	vst v63  }
0x5f: {  	_ =	swait.ge [sflag:s20], $0x1000  }
0x60: {  	[sflag:s20] =	ssyncset.done $0x0  }
0x61: {  	[sflag:s20] =	ssyncadd.s32 $0xFFFFF000  }
0x62: {  	[tilespmem:s24], [sflag:$0x1] =	stream.indirect.gather.add.f32 [hbm:s4], $0x80, s26, s29, $0xb8;
	[tilespmem:$0x17E00] =	vst v63  }
0x63: {  	_ =	swait.ge [sflag:s20], $0x1000  }
0x64: {  	[sflag:s20] =	ssyncset.done $0x0  }
0x65: {  	[sflag:s20] =	ssyncadd.s32 $0xFFFFF000  }
0x66: {  	[tilespmem:s24], [sflag:$0x1] =	stream.indirect.gather.add.f32 [hbm:s5], $0x80, s28, s29, $0xb8;
	[tilespmem:$0x17E00] =	vst v63  }
0x67: {  	_ =	swait.ge [sflag:s20], $0x1000  }
0x68: {  	[sflag:s20] =	ssyncset.done $0x0  }
0x69: {  	s0 =	simm.s32 $0x0;
	[sflag:s20] =	ssyncadd.s32 $0xFFFFF000  }
0x6a: {  	v2 =	vld [tilespmem:s0+$0x13E00]  }
0x6b: {  	v4 =	vld [tilespmem:s0+$0x13E10]  }
0x6c: {  	v3 =	vld [tilespmem:s0+$0x13E20]  }
0x6d: {  	v1 =	vld [tilespmem:s0+$0x13E30]  }
0x6e: {  	v0 =	vld [tilespmem:s0+$0x13E40]  }
0x6f: {  	v5 =	vmax.f32 v2, $0.0e+00;
	v2 =	vld [tilespmem:s0+$0x13E50]  }
0x70: {  	s1 =	simm.s32 $0x200;
	[tilespmem:s0+$0x13E00] =	vst v5;
	v5 =	vmax.f32 v4, $0.0e+00;
	v4 =	vld [tilespmem:s0+$0x13E60]  }
.LBB2_6:
0x71: {  	s11 =	sshra.s32 s1, $0x2;
	p2 =	sne.s32 s1, $0x3E00;
	[tilespmem:s0+$0x13E10] =	vst v5;
	v3 =	vmax.f32 v3, $0.0e+00;
	v5 =	vld [tilespmem:s0+$0x13E70]  }
0x72: {  	v6 =	vld [tilespmem:s11+$0x13E00];
	[tilespmem:s0+$0x13E20] =	vst v3;
	v1 =	vmax.f32 v1, $0.0e+00  }
0x73: {  	v7 =	vld [tilespmem:s11+$0x13E10];
	[tilespmem:s0+$0x13E30] =	vst v1;
	v0 =	vmax.f32 v0, $0.0e+00  }
.Ltmp2:
0x74: {  	v3 =	vld [tilespmem:s11+$0x13E20];
	[tilespmem:s0+$0x13E40] =	vst v0;
	v0 =	vmax.f32 v2, $0.0e+00;
	(pc) =	sbr.rel @p2 .LBB2_6-.Ltmp2, $4  }
0x75: {  	v1 =	vld [tilespmem:s11+$0x13E30];
	[tilespmem:s0+$0x13E50] =	vst v0;
	v2 =	vmax.f32 v4, $0.0e+00  }
0x76: {  	v0 =	vld [tilespmem:s11+$0x13E40];
	[tilespmem:s0+$0x13E60] =	vst v2;
	v4 =	vmax.f32 v5, $0.0e+00  }
0x77: {  	v5 =	vmax.f32 v6, $0.0e+00;
	v2 =	vld [tilespmem:s11+$0x13E50];
	[tilespmem:s0+$0x13E70] =	vst v4;
	s0 =	smov.u32 s11  }
0x78: {  	s1 =	sadd.s32 $0x200, s1;
	[tilespmem:s0+$0x13E00] =	vst v5;
	v5 =	vmax.f32 v7, $0.0e+00;
	v4 =	vld [tilespmem:s0+$0x13E60]  }
0x79: {  	[tilespmem:s0+$0x13E10] =	vst v5;
	v3 =	vmax.f32 v3, $0.0e+00;
	v60 =	vld [tilespmem:s0+$0x13E70]  }
0x7a: {  	[tilespmem:s0+$0x13E20] =	vst v3;
	v1 =	vmax.f32 v1, $0.0e+00  }
0x7b: {  	[tilespmem:s0+$0x13E30] =	vst v1;
	v0 =	vmax.f32 v0, $0.0e+00  }
0x7c: {  	[tilespmem:s0+$0x13E40] =	vst v0;
	v61 =	vmax.f32 v2, $0.0e+00  }
0x7d: {  	[tilespmem:s0+$0x13E50] =	vst v61;
	v62 =	vmax.f32 v4, $0.0e+00  }
0x7e: {  	[tilespmem:s0+$0x13E60] =	vst v62;
	v63 =	vmax.f32 v60, $0.0e+00  }
0x7f: {  	s1 =	simm.s32 @!p0 $0x13E00;
	[tilespmem:s0+$0x13E70] =	vst v63;
	s0 =	simm.s32 @!p0 $0x0  }
0x80: {  	[hbm4b:s16+s0] =	stream.linear.scatter @!p0 [tilespmem:s1], [sflag:$0x1], $0x1000, $0x38;
	[tilespmem:$0x17E00] =	vst v63  }
0x81: {  	s0 =	simm.s32 @!p0 $0x1  }
0x82: {  	_ =	swait.ge @!p0 [sflag:s0], $0x1000  }
0x83: {  	s1 =	simm.s32 @!p0 $0x13D80;
	[sflag:s0] =	ssyncset.done @!p0 $0x0  }
0x84: {  	s1 =	simm.s32 @p0 $0x13D00;
	[sflag:s0] =	ssyncadd.s32 @!p0 $0xFFFFF000  }
0x85: {  	[spmem:s2] =	stream.indirect.scatter.add.f32 [tilespmem:s24], [sflag:$0x1], $0x80, s1, s29, $0xb8;
	[tilespmem:$0x17E00] =	vst v63  }
0x86: {  	_ =	swait.ge [sflag:s20], $0x1000  }
0x87: {  	s3 =	sadd.s32 $0x1, s3;
	[sflag:s20] =	ssyncset.done $0x0  }
0x88: {  	p2 =	sne.s32 s3, s18;
	[sflag:s20] =	ssyncadd.s32 $0xFFFFF000  }
.Ltmp3:
0x89: {  	[bflag:$0x0] =	sbarrier.arrive $0xFFFF;
	(pc) =	sbr.rel @p2 .LBB2_1-.Ltmp3, $4  }
0x8a: {  	[hbm:s17], [sflag:s12] =	dma.local [spmem:s19], $0x2780  }
0x8b: {  	_ =	swait.ge [sflag:s20], $0x2780  }
0x8c: {  	[sflag:s20] =	ssyncset.done $0x0  }
0x8d: {  	[sflag:s20] =	ssyncadd.s32 $0xFFFFD880  }
0x8e: {  	_ =	sfence.sel $0x180000  }
0x8f: {  	[bflag:$0x0] =	sbarrier.arrive $0xFFFF  }
0x90: {  	_ =	strace $0x9000004D  }
0x91: {  	s0 =	stileid.u32;
	[bflag:$0x2] =	sbarrier.arrive $0xFFFF  }
0x92: {  	p0 =	sne.s32 s0, $0x0;
	s0 =	rddreg [dreg:$0x2]  }
0x93: {  	s0 =	sadd.s32 @!p0 $0x100000, s0  }
0x94: {  	[sflag:s0] =	ssyncadd.tile.s32 @!p0 $0x1;
	_ =	shalt  }
.Lfunc_end2:
_tile_overlayer_lowered:
.L_overlay_start_2:
0x95: {  	(tag) =	ssettag $0x2  }
0x96: {  	s0 =	rddreg [dreg:$0x0];
	s2 =	stileid.u32  }
0x97: {  	s1 =	rddreg [dreg:$0x1];
	p0 =	sne.s32 s2, $0x0  }
0x98: {  	s3 =	rddreg [dreg:$0x2];
	[bflag:$0x3] =	sbarrier.arrive $0xFFFF;
	s2 =	simm.s32 @!p0 $0x1C01  }
0x99: {  	[timem:s3], [sflag:s2] =	dma.local @!p0 [hbm:s0], s1  }
0x9a: {  	s0 =	simm.s32 @!p0 $0x1  }
0x9b: {  	_ =	swait.ge @!p0 [sflag:s0], s1  }
0x9c: {  	s1 =	ssub.s32 @!p0 $0x0, s1;
	[sflag:s0] =	ssyncset.done @!p0 $0x0  }
0x9d: {  	[sflag:s0] =	ssyncadd.s32 @!p0 s1  }
0x9e: {  	[bflag:$0x3] =	sbarrier.arrive $0xFFFF  }
0x9f: {  	_ =	shalt  }

// kernel: sc_edge_pass_l2.3.cloned.1.call-start
scs
__scs_entry_jumppad:
0x0: {  	(pc) =	sbr.rel $0x88, $3  }
0x1: {  	(tag) =	ssettag $0x0;
	lr =	simm.s32 $0x1  }
0x2: {  	[smem:$0x3F71] =	sst lr;
	_ =	strace $0xD0000000  }
0x3: {  	_ = 	snop  }
0x4: {  	_ = 	snop  }
0x5: {  	_ = 	snop  }
0x6: {  	_ = 	snop  }
0x7: {  	_ = 	snop  }
__scs_overlays_trampoline_lowered:
0x8: {  	[smem:$0x3F80] =	sst s0  }
0x9: {  	[smem:$0x3F81] =	sst s1  }
0xa: {  	[smem:$0x3F82] =	sst s2  }
0xb: {  	[smem:$0x3F83] =	sst s3  }
0xc: {  	[smem:$0x3F84] =	sst s4  }
0xd: {  	[smem:$0x3F85] =	sst s5  }
0xe: {  	[smem:$0x3F86] =	sst s6  }
0xf: {  	[smem:$0x3F87] =	sst s7  }
0x10: {  	[smem:$0x3F88] =	sst s8  }
0x11: {  	[smem:$0x3F89] =	sst s9;
	s0 =	simm.s32 @!p0 $0x0  }
0x12: {  	s1 =	sld [smem:$0x3F6F];
	s0 =	simm.s32 @p0 $0x1  }
0x13: {  	[smem:$0x3F8A] =	sst s0;
	s0 =	simm.s32 @!p1 $0x0  }
0x14: {  	s2 =	sld [smem:$0x3F6E];
	s0 =	simm.s32 @p1 $0x1  }
0x15: {  	[smem:$0x3F8B] =	sst s0;
	s0 =	simm.s32 @!p2 $0x0  }
0x16: {  	s3 =	sld [smem:$0x3FDB];
	s0 =	simm.s32 @p2 $0x1  }
0x17: {  	s4 =	simm.s32 $0x1BF5;
	[smem:$0x3F8D] =	sst s0  }
0x18: {  	s0 =	sld [smem:$0x3F70];
	_ =	swait.ge [sflag:s4], $0x0  }
0x19: {  	s7 =	sld [smem:$0x3F71]  }
0x1a: {  	s8 =	sadd.s32 $0xFFFFE003, lr  }
0x1b: {  	s9 =	sadd.s32 $0xFFFFFEF7, lr;
	s5 =	simm.s32 $0xFFFFFFFF;
	p2 =	slt.u32 s8, $0xFFFFF086  }
0x1c: {  	p1 =	slt.u32 s9, $0xF7A;
	s5 =	simm.s32 @!p2 $0x0  }
0x1d: {  	s5 =	simm.s32 @p1 $0x1;
	p0 =	seq.s32 s7, s2  }
0x1e: {  	s7 =	smul.u32 @!p0 $0xF7A, s2;
	p2 =	seq.s32 @!p0 s5, $0x0  }
0x1f: {  	s9 =	smul.u32 $0xF7A, s1;
	s8 =	simm.s32 @!p0 $0x1BF5;
	p2 =	por !p2, p0  }
0x20: {  	[sflag:s8] =	ssyncset.s32 @!p0 $0xFFFFF086;
	s6 =	sadd.s32 @!p0 s3, s7;
	s7 =	simm.s32 @!p0 $0x108  }
0x21: {  	s3 =	sadd.s32 s3, s9;
	s6 =	sadd.s32 @!p0 $0x88, s6;
	s7 =	simm.s32 @p2 $0x1082  }
0x22: {  	[simem:s7], [sflag:s8] =	dma.local @!p0 [hbm:s6], $0xF7A  }
0x23: {  	s9 =	sor.u32 $0xD0000000, s2;
	s6 =	simm.s32 $0x108;
	_ =	swait.ge @!p0 [sflag:s8], $0x0  }
0x24: {  	s3 =	sadd.s32 $0x88, s3;
	s6 =	simm.s32 @!p1 $0x1082;
	[sflag:s4] =	ssyncset.s32 $0xFFFFF086  }
0x25: {  	[simem:s6], [sflag:s4] =	dma.local [hbm:s3], $0xF7A  }
0x26: {  	[smem:$0x3F71] =	sst s1;
	(tag) =	ssettag s2;
	_ =	strace s9  }
0x27: {  	s1 =	sld [smem:$0x3F81]  }
0x28: {  	s2 =	sld [smem:$0x3F82]  }
0x29: {  	s4 =	sld [smem:$0x3F84]  }
0x2a: {  	p0 =	seq.s32 s5, $0x0;
	s5 =	sld [smem:$0x3F85]  }
0x2b: {  	s6 =	sld [smem:$0x3F86]  }
0x2c: {  	s7 =	sld [smem:$0x3F87]  }
0x2d: {  	s3 =	simm.s32 $0x108;
	s8 =	sld [smem:$0x3F88]  }
0x2e: {  	s3 =	simm.s32 @!p0 $0x1082;
	s9 =	sld [smem:$0x3F89]  }
0x2f: {  	lr =	sadd.s32 s0, s3;
	s0 =	sld [smem:$0x3F80]  }
0x30: {  	s3 =	sld [smem:$0x3F83]  }
0x31: {  	[smem:$0x3F8C] =	sst s10  }
0x32: {  	s10 =	sld [smem:$0x3F8A];
	_ =	sdelay $0x3  }
0x33: {  	p0 =	seq.s32 s10, $0x1;
	s10 =	sld [smem:$0x3F8C];
	_ =	sdelay $0x3  }
0x34: {  	[smem:$0x3F8C] =	sst s10  }
0x35: {  	s10 =	sld [smem:$0x3F8B];
	_ =	sdelay $0x3  }
0x36: {  	p1 =	seq.s32 s10, $0x1;
	s10 =	sld [smem:$0x3F8C];
	_ =	sdelay $0x3  }
0x37: {  	[smem:$0x3F8C] =	sst s10  }
0x38: {  	s10 =	sld [smem:$0x3F8D]  }
0x39: {  	_ = 	snop;
	(pc) =	sbr.ind lr, $3  }
0x3a: {  	_ = 	snop  }
0x3b: {  	_ = 	snop  }
0x3c: {  	p2 =	seq.s32 s10, $0x1;
	s10 =	sld [smem:$0x3F8C]  }
0x3d: {  	_ =	shalt  }
0x3e: {  	_ =	shalt  }
0x3f: {  	_ =	shalt  }
0x40: {  	_ =	shalt  }
0x41: {  	_ =	shalt  }
0x42: {  	_ =	shalt  }
0x43: {  	_ =	shalt  }
0x44: {  	_ =	shalt  }
0x45: {  	_ =	shalt  }
0x46: {  	_ =	shalt  }
0x47: {  	_ =	shalt  }
0x48: {  	_ =	shalt  }
0x49: {  	_ =	shalt  }
0x4a: {  	_ =	shalt  }
0x4b: {  	_ =	shalt  }
0x4c: {  	_ =	shalt  }
0x4d: {  	_ =	shalt  }
0x4e: {  	_ =	shalt  }
0x4f: {  	_ =	shalt  }
0x50: {  	_ =	shalt  }
0x51: {  	_ =	shalt  }
0x52: {  	_ =	shalt  }
0x53: {  	_ =	shalt  }
0x54: {  	_ =	shalt  }
0x55: {  	_ =	shalt  }
0x56: {  	_ =	shalt  }
0x57: {  	_ =	shalt  }
0x58: {  	_ =	shalt  }
0x59: {  	_ =	shalt  }
0x5a: {  	_ =	shalt  }
0x5b: {  	_ =	shalt  }
0x5c: {  	_ =	shalt  }
0x5d: {  	_ =	shalt  }
0x5e: {  	_ =	shalt  }
0x5f: {  	_ =	shalt  }
0x60: {  	_ =	shalt  }
0x61: {  	_ =	shalt  }
0x62: {  	_ =	shalt  }
0x63: {  	_ =	shalt  }
0x64: {  	_ =	shalt  }
0x65: {  	_ =	shalt  }
0x66: {  	_ =	shalt  }
0x67: {  	_ =	shalt  }
0x68: {  	_ =	shalt  }
0x69: {  	_ =	shalt  }
0x6a: {  	_ =	shalt  }
0x6b: {  	_ =	shalt  }
0x6c: {  	_ =	shalt  }
0x6d: {  	_ =	shalt  }
0x6e: {  	_ =	shalt  }
0x6f: {  	_ =	shalt  }
0x70: {  	_ =	shalt  }
0x71: {  	_ =	shalt  }
0x72: {  	_ =	shalt  }
0x73: {  	_ =	shalt  }
0x74: {  	_ =	shalt  }
0x75: {  	_ =	shalt  }
0x76: {  	_ =	shalt  }
0x77: {  	_ =	shalt  }
0x78: {  	_ =	shalt  }
0x79: {  	_ =	shalt  }
0x7a: {  	_ =	shalt  }
0x7b: {  	_ =	shalt  }
0x7c: {  	_ =	shalt  }
0x7d: {  	_ =	shalt  }
0x7e: {  	_ =	shalt  }
0x7f: {  	_ =	shalt  }
0x80: {  	_ =	shalt  }
0x81: {  	_ =	shalt  }
0x82: {  	_ =	shalt  }
0x83: {  	_ =	shalt  }
0x84: {  	_ =	shalt  }
0x85: {  	_ =	shalt  }
0x86: {  	_ =	shalt  }
0x87: {  	_ =	shalt  }
.Lfunc_end0:
.L_simem_size_0:
called_computation.3_lowered:
.L_overlay_start_0:
0x88: {  	s2 =	sld [smem:$0x3FD9]  }
0x89: {  	s3 =	sld [smem:$0x3FFE];
	_ =	sdelay $0x1  }
0x8a: {  	s1 =	srdreg.scid  }
0x8b: {  	s0 =	sand.u32 $0x1, s1  }
0x8c: {  	s16 =	sshll.u32 s0, $0xA;
	s2 =	sadd.s32 s3, s2  }
0x8d: {  	s2 =	sadd.s32 s2, s16  }
0x8e: {  	[smem:$0x3F98] =	sst s2  }
0x8f: {  	_ = 	snop  }
0x90: {  	(tm) =	ssettm $0x1  }
0x91: {  	s17 =	sld [smem:$0x3FFB];
	_ =	sdelay $0x3  }
0x92: {  	_ =	strace s17  }
0x93: {  	s2 =	sld [smem:$0x3FFC];
	_ =	sdelay $0x3  }
0x94: {  	_ =	strace s2  }
0x95: {  	s2 =	sld [smem:$0x3FFD];
	_ =	sdelay $0x3  }
0x96: {  	_ =	strace s2  }
0x97: {  	_ =	strace $0x8FFFFFFF  }
0x98: {  	s18 =	sld [smem:$0x3FDB];
	_ =	sdelay $0x1  }
0x99: {  	s19 =	simm.s32 $_scs_section_size  }
0x9a: {  	s4 =	simm.s32 $_size__tile_overlayer_lowered;
	s5 =	simm.s32 $_tile_overlayer_lowered  }
0x9b: {  	s22 =	simm.s32 $0x1BFF;
	s21 =	sshll.u32 s5, $0x1;
	s2 =	sadd.s32 s19, s18  }
0x9c: {  	s6 =	simm.s32 $0x0;
	s20 =	sshll.u32 s4, $0x1;
	s4 =	sadd.s32 s21, s2  }
0x9d: {  	[timem:s6], [sflag:s22] =	dma.local [hbm:s4], s20  }
0x9e: {  	_ =	swait.ge [sflag:s22], s20  }
0x9f: {  	s3 =	ssub.s32 $0x0, s20;
	[sflag:s22] =	ssyncset.done $0x0  }
0xa0: {  	[sflag:s22] =	ssyncadd.s32 s3;
	_ =	sdelay $0x1  }
0xa1: {  	s23 =	simm.s32 $0x1B8B  }
0xa2: {  	_ =	swait.ge [sflag:s23], $0x1  }
0xa3: {  	[sflag:s23] =	ssyncset.done $0x0  }
0xa4: {  	s25 =	simm.s32 $0x1B8E;
	s24 =	sld [smem:$0x3FFE];
	[sflag:s23] =	ssyncadd.s32 $0xFFFFFFFF  }
0xa5: {  	s26 =	simm.s32 $execute0_lowered;
	[smem:$0x3FD2] =	sst s25  }
0xa6: {  	s4 =	sshll.u32 s26, $0x1;
	_ =	strace $0x8000004F;
	[dreg:$0x1] =	wrdreg $0xFFFFFFFF  }
0xa7: {  	s28 =	simm.s32 $_size_execute0_lowered;
	s2 =	sadd.s32 s2, s4;
	[dreg:$0x0] =	wrdreg $0x0  }
0xa8: {  	s4 =	sshll.u32 s28, $0x1;
	[dreg:$0x2] =	wrdreg s2  }
0xa9: {  	[dreg:$0x3] =	wrdreg s4  }
0xaa: {  	[dreg:$0x4] =	wrdreg $0xC0  }
0xab: {  	_ =	task [dreg:s6], $0x5FFFF  }
0xac: {  	[dreg:$0x1] =	wrdreg $0xFFFFFFFF  }
0xad: {  	[dreg:$0x0] =	wrdreg $0x60  }
0xae: {  	[dreg:$0x2] =	wrdreg s24  }
0xaf: {  	[dreg:$0x3] =	wrdreg $0x0  }
0xb0: {  	[dreg:$0x4] =	wrdreg $0x9  }
0xb1: {  	_ =	task.clear_ibuf [dreg:s6], $0x5FFFF;
	_ =	strace $0x9000004F  }
0xb2: {  	s29 =	simm.s32 $0x9;
	_ =	strace $0x80000051  }
0xb3: {  	_ =	swait.ge [sflag:s29], $0x1  }
0xb4: {  	[sflag:s29] =	ssyncadd.s32 $0xFFFFFFFF  }
0xb5: {  	_ =	strace $0x90000051  }
0xb6: {  	_ =	sfence  }
0xb7: {  	s30 =	sld [smem:$0x0];
	_ =	sdelay $0x2  }
0xb8: {  	s31 =	sshll.u32 s1, $0xD;
	s1 =	sshrl.u32 s1, $0x2  }
0xb9: {  	s3 =	sand.u32 $0x4000, s31;
	s1 =	sadd.s32 s1, s30  }
0xba: {  	s0 =	sor.u32 s3, s0;
	s1 =	sshll.u32 s1, $0x11  }
0xbb: {  	s0 =	sor.u32 s1, s0  }
0xbc: {  	s0 =	sadd.s32 $0x8F2B, s0  }
0xbd: {  	[sflag:s0] =	ssyncadd.remote.s32 $0x1  }
0xbe: {  	_ =	sfence.sel $0xFFFF  }
0xbf: {  	[dreg:$0x0] =	wrdreg $0xFFFFFFFF;
	(pc) =	sbr.abs _section_cstart, $3  }
0xc0: {  	[dreg:$0x1] =	wrdreg $0xFFFFFFFF  }
0xc1: {  	_ =	task.clear_ibuf [dreg:s6], $0x2FFFF;
	_ =	strace $0x9FFFFFFF  }
0xc2: {  	(tm) =	ssettm $0x7FFFFFFF  }
0xc3: {  	_ =	shalt  }
tec
execute0_lowered:
.L_overlay_start_1:
0x0: {  	(tag) =	ssettag $0x1  }
0x1: {  	s0 =	rddreg [dreg:$0x0]  }
0x2: {  	s2 =	rddreg [dreg:$0x1]  }
0x3: {  	s3 =	simm.s32 $0x0;
	s15 =	stileid.u32;
	s1 =	srdreg.scid  }
0x4: {  	s20 =	simm.s32 $0x1;
	s21 =	simm.s32 $0x13C00;
	s22 =	simm.s32 $0x2  }
0x5: {  	s23 =	simm.s32 $0x13C80;
	s28 =	simm.s32 $0x13D80;
	s29 =	simm.s32 $0x20  }
0x6: {  	[smem:$0x7FF] =	sst s3;
	s9 =	smul.u32 $0x13C00, s15;
	s4 =	sadd.s32 $0x578800, s0  }
0x7: {  	s1 =	sand.u32 $0x1, s1;
	s5 =	sadd.s32 $0x59FA00, s0;
	s6 =	sadd.s32 $0x16E00, s0  }
0x8: {  	s7 =	sadd.s32 $0xD000, s0;
	s8 =	sadd.s32 $0x96800, s0;
	s11 =	smul.u32 $0x4F000, s15  }
0x9: {  	s26 =	sshll.u32 s15, $0x6;
	_ =	strace $0x80000050;
	s10 =	smul.u32 $0x13C000, s1  }
0xa: {  	s13 =	ssub.s32 $0x2, s1;
	p0 =	seq.s32 s1, $0x0;
	p1 =	sne.s32 s1, $0x0  }
0xb: {  	s14 =	sshrl.u32 s13, $0x1;
	s11 =	sshrl.u32 s11, $0x2;
	s10 =	sadd.s32 s9, s10  }
0xc: {  	s9 =	sshrl.u32 s9, $0x3;
	s24 =	ssub.s32 s13, s14;
	s19 =	sadd.s32 s11, s2  }
0xd: {  	s10 =	sshrl.u32 s10, $0x3;
	s12 =	sadd.s32 s9, s0;
	s9 =	smul.u32 $0x4E20, s15  }
0xe: {  	s18 =	smax.u32 s24, $0x1;
	s19 =	sshrl.u32 s19, $0x3;
	s24 =	simm.s32 $0x13E00  }
0xf: {  	s17 =	sadd.s32 s10, s0;
	s10 =	sadd.s32 $0x615C00, s0;
	s25 =	sadd.s32 $0x6F000, s12  }
0x10: {  	s12 =	sor.u32 $0x1C01, s26;
	s26 =	simm.s32 $0x13D00;
	s30 =	sadd.s32 $0x4E00, s9  }
0x11: {  	[dreg:$0x3] =	wrdreg s25;
	s17 =	sadd.s32 $0x5C6C00, s17;
	s31 =	sshrl.u32 s30, $0x3  }
0x12: {  	s25 =	simm.s32 $0x80;
	s16 =	sshll.u32 s30, $0x4;
	s13 =	sadd.s32 s6, s31  }
0x13: {  	s14 =	sadd.s32 s7, s31;
	s15 =	sadd.s32 s8, s16;
	s16 =	sadd.s32 s10, s16  }
.LBB2_1:
0x14: {  	s0 =	rddreg [dreg:$0x3]  }
0x15: {  	[spmem:s19], [sflag:s12] =	dma.local [hbm:s0], $0x2780  }
0x16: {  	_ =	swait.ge [sflag:s20], $0x2780  }
0x17: {  	[sflag:s20] =	ssyncset.done $0x0  }
0x18: {  	[sflag:s20] =	ssyncadd.s32 $0xFFFFD880  }
0x19: {  	s30 =	simm.s32 $0x0;
	[bflag:$0x0] =	sbarrier.arrive $0xFFFF  }
.LBB2_2:
0x1a: {  	s0 =	sshll.u32 s30, $0x7  }
0x1b: {  	s0 =	sadd.s32 s9, s0  }
0x1c: {  	s1 =	sshrl.u32 s0, $0x3  }
0x1d: {  	s11 =	simm.s32 $0x0;
	s31 =	sadd.s32 s6, s1  }
0x1e: {  	[tilespmem:s21], [sflag:$0x2] =	stream.linear.gather [hbm4b:s31+s11], $0x80, $0x38;
	[tilespmem:$0x17E00] =	vst v63  }
0x1f: {  	_ =	swait.ge [sflag:s22], $0x80  }
0x20: {  	[sflag:s22] =	ssyncset.done $0x0  }
0x21: {  	s1 =	sadd.s32 s7, s1;
	[sflag:s22] =	ssyncadd.s32 $0xFFFFFF80  }
0x22: {  	[tilespmem:s23], [sflag:$0x2] =	stream.linear.gather [hbm4b:s1+s11], $0x80, $0x38;
	[tilespmem:$0x17E00] =	vst v63  }
0x23: {  	_ =	swait.ge [sflag:s22], $0x80  }
0x24: {  	s31 =	sshll.u32 s0, $0x4;
	[sflag:s22] =	ssyncset.done $0x0  }
0x25: {  	s0 =	sadd.s32 s8, s31;
	[sflag:s22] =	ssyncadd.s32 $0xFFFFFF80  }
0x26: {  	[tilespmem:s24], [sflag:$0x2] =	stream.linear.gather [hbm4b:s0+s11], $0x4000, $0x38;
	[tilespmem:$0x17E00] =	vst v63  }
0x27: {  	_ =	swait.ge [sflag:s22], $0x4000  }
0x28: {  	[sflag:s22] =	ssyncset.done $0x0  }
0x29: {  	[sflag:s22] =	ssyncadd.s32 $0xFFFFC000  }
0x2a: {  	[tilespmem:s24], [sflag:$0x2] =	stream.indirect.gather.add.f32 [hbm:s4], $0x80, s21, s25, $0xb8;
	[tilespmem:$0x17E00] =	vst v63  }
0x2b: {  	_ =	swait.ge [sflag:s22], $0x4000  }
0x2c: {  	[sflag:s22] =	ssyncset.done $0x0  }
0x2d: {  	[sflag:s22] =	ssyncadd.s32 $0xFFFFC000  }
0x2e: {  	[tilespmem:s24], [sflag:$0x2] =	stream.indirect.gather.add.f32 [hbm:s5], $0x80, s23, s25, $0xb8;
	[tilespmem:$0x17E00] =	vst v63  }
0x2f: {  	_ =	swait.ge [sflag:s22], $0x4000  }
0x30: {  	[sflag:s22] =	ssyncset.done $0x0  }
0x31: {  	s0 =	simm.s32 $0x0;
	[sflag:s22] =	ssyncadd.s32 $0xFFFFC000  }
0x32: {  	v2 =	vld [tilespmem:s0+$0x13E00]  }
0x33: {  	v3 =	vld [tilespmem:s0+$0x13E10]  }
0x34: {  	v4 =	vld [tilespmem:s0+$0x13E20]  }
0x35: {  	v1 =	vld [tilespmem:s0+$0x13E30]  }
0x36: {  	v0 =	vld [tilespmem:s0+$0x13E40]  }
0x37: {  	v5 =	vmax.f32 v2, $0.0e+00;
	v2 =	vld [tilespmem:s0+$0x13E50]  }
0x38: {  	s1 =	simm.s32 $0x200;
	[tilespmem:s0+$0x13E00] =	vst v5;
	v5 =	vmax.f32 v3, $0.0e+00;
	v3 =	vld [tilespmem:s0+$0x13E60]  }
.LBB2_3:
0x39: {  	s11 =	sshra.s32 s1, $0x2;
	p2 =	sne.s32 s1, $0xFE00;
	[tilespmem:s0+$0x13E10] =	vst v5;
	v4 =	vmax.f32 v4, $0.0e+00;
	v5 =	vld [tilespmem:s0+$0x13E70]  }
0x3a: {  	v6 =	vld [tilespmem:s11+$0x13E00];
	[tilespmem:s0+$0x13E20] =	vst v4;
	v1 =	vmax.f32 v1, $0.0e+00  }
0x3b: {  	v7 =	vld [tilespmem:s11+$0x13E10];
	[tilespmem:s0+$0x13E30] =	vst v1;
	v0 =	vmax.f32 v0, $0.0e+00  }
.Ltmp0:
0x3c: {  	v4 =	vld [tilespmem:s11+$0x13E20];
	[tilespmem:s0+$0x13E40] =	vst v0;
	v0 =	vmax.f32 v2, $0.0e+00;
	(pc) =	sbr.rel @p2 .LBB2_3-.Ltmp0, $4  }
0x3d: {  	v1 =	vld [tilespmem:s11+$0x13E30];
	[tilespmem:s0+$0x13E50] =	vst v0;
	v2 =	vmax.f32 v3, $0.0e+00  }
0x3e: {  	v0 =	vld [tilespmem:s11+$0x13E40];
	[tilespmem:s0+$0x13E60] =	vst v2;
	v3 =	vmax.f32 v5, $0.0e+00  }
0x3f: {  	v5 =	vmax.f32 v6, $0.0e+00;
	v2 =	vld [tilespmem:s11+$0x13E50];
	[tilespmem:s0+$0x13E70] =	vst v3;
	s0 =	smov.u32 s11  }
0x40: {  	s1 =	sadd.s32 $0x200, s1;
	[tilespmem:s0+$0x13E00] =	vst v5;
	v5 =	vmax.f32 v7, $0.0e+00;
	v3 =	vld [tilespmem:s0+$0x13E60]  }
0x41: {  	[tilespmem:s0+$0x13E10] =	vst v5;
	v4 =	vmax.f32 v4, $0.0e+00;
	v60 =	vld [tilespmem:s0+$0x13E70]  }
0x42: {  	[tilespmem:s0+$0x13E20] =	vst v4;
	v1 =	vmax.f32 v1, $0.0e+00  }
0x43: {  	[tilespmem:s0+$0x13E30] =	vst v1;
	v0 =	vmax.f32 v0, $0.0e+00  }
0x44: {  	p2 =	sgt.u32 s30, $0x4D;
	s1 =	simm.s32 $0x1;
	s11 =	simm.s32 $0x1;
	[tilespmem:s0+$0x13E40] =	vst v0;
	v61 =	vmax.f32 v2, $0.0e+00  }
0x45: {  	s1 =	simm.s32 @!p2 $0x0;
	s11 =	simm.s32 @!p0 $0x0;
	[tilespmem:s0+$0x13E50] =	vst v61;
	v62 =	vmax.f32 v3, $0.0e+00  }
0x46: {  	p2 =	seq.s32 s11, s1;
	[tilespmem:s0+$0x13E60] =	vst v62;
	v63 =	vmax.f32 v60, $0.0e+00  }
0x47: {  	s1 =	simm.s32 @!p2 $0x0;
	s11 =	simm.s32 @!p2 $0x13E00;
	[tilespmem:s0+$0x13E70] =	vst v63;
	s0 =	sadd.s32 @!p2 s10, s31  }
0x48: {  	[hbm4b:s0+s1] =	stream.linear.scatter @!p2 [tilespmem:s11], [sflag:$0x2], $0x4000, $0x38;
	[tilespmem:$0x17E00] =	vst v63  }
0x49: {  	s0 =	simm.s32 @!p2 $0x2  }
0x4a: {  	s30 =	sadd.s32 $0x1, s30;
	_ =	swait.ge @!p2 [sflag:s0], $0x4000  }
0x4b: {  	s1 =	simm.s32 @p1 $0x13C80;
	s11 =	simm.s32 @p1 $0x13E00;
	[sflag:s0] =	ssyncset.done @!p2 $0x0  }
0x4c: {  	[sflag:s0] =	ssyncadd.s32 @!p2 $0xFFFFC000;
	s0 =	simm.s32 @p1 $0x80;
	p2 =	sne.s32 s30, $0x9C  }
0x4d: {  	[spmem:s2] =	stream.indirect.scatter.add.f32 @p1 [tilespmem:s11], [sflag:$0x1], $0x80, s1, s0, $0xb8;
	[tilespmem:$0x17E00] =	vst v63  }
0x4e: {  	s0 =	simm.s32 @!p1 $0x80;
	s1 =	simm.s32 @!p1 $0x13C00;
	s11 =	simm.s32 @!p1 $0x13E00  }
0x4f: {  	[spmem:s2] =	stream.indirect.scatter.add.f32 @!p1 [tilespmem:s11], [sflag:$0x2], $0x80, s1, s0, $0xb8;
	[tilespmem:$0x17E00] =	vst v63  }
.Ltmp1:
0x50: {  	s0 =	simm.s32 @!p1 $0x2;
	(pc) =	sbr.rel @p2 .LBB2_2-.Ltmp1, $4  }
0x51: {  	s0 =	simm.s32 @p1 $0x1  }
0x52: {  	_ =	swait.ge [sflag:s0], $0x4000  }
0x53: {  	[sflag:s0] =	ssyncset.done $0x0  }
0x54: {  	[sflag:s0] =	ssyncadd.s32 $0xFFFFC000  }
0x55: {  	s0 =	simm.s32 $0x0  }
0x56: {  	[tilespmem:s26], [sflag:$0x1] =	stream.linear.gather [hbm4b:s13+s0], $0x20, $0x38;
	[tilespmem:$0x17E00] =	vst v63  }
0x57: {  	_ =	swait.ge [sflag:s20], $0x20  }
0x58: {  	[sflag:s20] =	ssyncset.done $0x0  }
0x59: {  	[sflag:s20] =	ssyncadd.s32 $0xFFFFFFE0  }
0x5a: {  	[tilespmem:s28], [sflag:$0x1] =	stream.linear.gather [hbm4b:s14+s0], $0x20, $0x38;
	[tilespmem:$0x17E00] =	vst v63  }
0x5b: {  	_ =	swait.ge [sflag:s20], $0x20  }
0x5c: {  	[sflag:s20] =	ssyncset.done $0x0  }
0x5d: {  	[sflag:s20] =	ssyncadd.s32 $0xFFFFFFE0  }
0x5e: {  	[tilespmem:s24], [sflag:$0x1] =	stream.linear.gather [hbm4b:s15+s0], $0x1000, $0x38;
	[tilespmem:$0x17E00] =	vst v63  }
0x5f: {  	_ =	swait.ge [sflag:s20], $0x1000  }
0x60: {  	[sflag:s20] =	ssyncset.done $0x0  }
0x61: {  	[sflag:s20] =	ssyncadd.s32 $0xFFFFF000  }
0x62: {  	[tilespmem:s24], [sflag:$0x1] =	stream.indirect.gather.add.f32 [hbm:s4], $0x80, s26, s29, $0xb8;
	[tilespmem:$0x17E00] =	vst v63  }
0x63: {  	_ =	swait.ge [sflag:s20], $0x1000  }
0x64: {  	[sflag:s20] =	ssyncset.done $0x0  }
0x65: {  	[sflag:s20] =	ssyncadd.s32 $0xFFFFF000  }
0x66: {  	[tilespmem:s24], [sflag:$0x1] =	stream.indirect.gather.add.f32 [hbm:s5], $0x80, s28, s29, $0xb8;
	[tilespmem:$0x17E00] =	vst v63  }
0x67: {  	_ =	swait.ge [sflag:s20], $0x1000  }
0x68: {  	[sflag:s20] =	ssyncset.done $0x0  }
0x69: {  	s0 =	simm.s32 $0x0;
	[sflag:s20] =	ssyncadd.s32 $0xFFFFF000  }
0x6a: {  	v2 =	vld [tilespmem:s0+$0x13E00]  }
0x6b: {  	v4 =	vld [tilespmem:s0+$0x13E10]  }
0x6c: {  	v3 =	vld [tilespmem:s0+$0x13E20]  }
0x6d: {  	v1 =	vld [tilespmem:s0+$0x13E30]  }
0x6e: {  	v0 =	vld [tilespmem:s0+$0x13E40]  }
0x6f: {  	v5 =	vmax.f32 v2, $0.0e+00;
	v2 =	vld [tilespmem:s0+$0x13E50]  }
0x70: {  	s1 =	simm.s32 $0x200;
	[tilespmem:s0+$0x13E00] =	vst v5;
	v5 =	vmax.f32 v4, $0.0e+00;
	v4 =	vld [tilespmem:s0+$0x13E60]  }
.LBB2_6:
0x71: {  	s11 =	sshra.s32 s1, $0x2;
	p2 =	sne.s32 s1, $0x3E00;
	[tilespmem:s0+$0x13E10] =	vst v5;
	v3 =	vmax.f32 v3, $0.0e+00;
	v5 =	vld [tilespmem:s0+$0x13E70]  }
0x72: {  	v6 =	vld [tilespmem:s11+$0x13E00];
	[tilespmem:s0+$0x13E20] =	vst v3;
	v1 =	vmax.f32 v1, $0.0e+00  }
0x73: {  	v7 =	vld [tilespmem:s11+$0x13E10];
	[tilespmem:s0+$0x13E30] =	vst v1;
	v0 =	vmax.f32 v0, $0.0e+00  }
.Ltmp2:
0x74: {  	v3 =	vld [tilespmem:s11+$0x13E20];
	[tilespmem:s0+$0x13E40] =	vst v0;
	v0 =	vmax.f32 v2, $0.0e+00;
	(pc) =	sbr.rel @p2 .LBB2_6-.Ltmp2, $4  }
0x75: {  	v1 =	vld [tilespmem:s11+$0x13E30];
	[tilespmem:s0+$0x13E50] =	vst v0;
	v2 =	vmax.f32 v4, $0.0e+00  }
0x76: {  	v0 =	vld [tilespmem:s11+$0x13E40];
	[tilespmem:s0+$0x13E60] =	vst v2;
	v4 =	vmax.f32 v5, $0.0e+00  }
0x77: {  	v5 =	vmax.f32 v6, $0.0e+00;
	v2 =	vld [tilespmem:s11+$0x13E50];
	[tilespmem:s0+$0x13E70] =	vst v4;
	s0 =	smov.u32 s11  }
0x78: {  	s1 =	sadd.s32 $0x200, s1;
	[tilespmem:s0+$0x13E00] =	vst v5;
	v5 =	vmax.f32 v7, $0.0e+00;
	v4 =	vld [tilespmem:s0+$0x13E60]  }
0x79: {  	[tilespmem:s0+$0x13E10] =	vst v5;
	v3 =	vmax.f32 v3, $0.0e+00;
	v60 =	vld [tilespmem:s0+$0x13E70]  }
0x7a: {  	[tilespmem:s0+$0x13E20] =	vst v3;
	v1 =	vmax.f32 v1, $0.0e+00  }
0x7b: {  	[tilespmem:s0+$0x13E30] =	vst v1;
	v0 =	vmax.f32 v0, $0.0e+00  }
0x7c: {  	[tilespmem:s0+$0x13E40] =	vst v0;
	v61 =	vmax.f32 v2, $0.0e+00  }
0x7d: {  	[tilespmem:s0+$0x13E50] =	vst v61;
	v62 =	vmax.f32 v4, $0.0e+00  }
0x7e: {  	[tilespmem:s0+$0x13E60] =	vst v62;
	v63 =	vmax.f32 v60, $0.0e+00  }
0x7f: {  	s1 =	simm.s32 @!p0 $0x13E00;
	[tilespmem:s0+$0x13E70] =	vst v63;
	s0 =	simm.s32 @!p0 $0x0  }
0x80: {  	[hbm4b:s16+s0] =	stream.linear.scatter @!p0 [tilespmem:s1], [sflag:$0x1], $0x1000, $0x38;
	[tilespmem:$0x17E00] =	vst v63  }
0x81: {  	s0 =	simm.s32 @!p0 $0x1  }
0x82: {  	_ =	swait.ge @!p0 [sflag:s0], $0x1000  }
0x83: {  	s1 =	simm.s32 @!p0 $0x13D80;
	[sflag:s0] =	ssyncset.done @!p0 $0x0  }
0x84: {  	s1 =	simm.s32 @p0 $0x13D00;
	[sflag:s0] =	ssyncadd.s32 @!p0 $0xFFFFF000  }
0x85: {  	[spmem:s2] =	stream.indirect.scatter.add.f32 [tilespmem:s24], [sflag:$0x1], $0x80, s1, s29, $0xb8;
	[tilespmem:$0x17E00] =	vst v63  }
0x86: {  	_ =	swait.ge [sflag:s20], $0x1000  }
0x87: {  	s3 =	sadd.s32 $0x1, s3;
	[sflag:s20] =	ssyncset.done $0x0  }
0x88: {  	p2 =	sne.s32 s3, s18;
	[sflag:s20] =	ssyncadd.s32 $0xFFFFF000  }
.Ltmp3:
0x89: {  	[bflag:$0x0] =	sbarrier.arrive $0xFFFF;
	(pc) =	sbr.rel @p2 .LBB2_1-.Ltmp3, $4  }
0x8a: {  	[hbm:s17], [sflag:s12] =	dma.local [spmem:s19], $0x2780  }
0x8b: {  	_ =	swait.ge [sflag:s20], $0x2780  }
0x8c: {  	[sflag:s20] =	ssyncset.done $0x0  }
0x8d: {  	[sflag:s20] =	ssyncadd.s32 $0xFFFFD880  }
0x8e: {  	_ =	sfence.sel $0x180000  }
0x8f: {  	[bflag:$0x0] =	sbarrier.arrive $0xFFFF  }
0x90: {  	_ =	strace $0x90000050  }
0x91: {  	s0 =	stileid.u32;
	[bflag:$0x2] =	sbarrier.arrive $0xFFFF  }
0x92: {  	p0 =	sne.s32 s0, $0x0;
	s0 =	rddreg [dreg:$0x2]  }
0x93: {  	s0 =	sadd.s32 @!p0 $0x100000, s0  }
0x94: {  	[sflag:s0] =	ssyncadd.tile.s32 @!p0 $0x1;
	_ =	shalt  }
.Lfunc_end2:
_tile_overlayer_lowered:
.L_overlay_start_2:
0x95: {  	(tag) =	ssettag $0x2  }
0x96: {  	s0 =	rddreg [dreg:$0x0];
	s2 =	stileid.u32  }
0x97: {  	s1 =	rddreg [dreg:$0x1];
	p0 =	sne.s32 s2, $0x0  }
0x98: {  	s3 =	rddreg [dreg:$0x2];
	[bflag:$0x3] =	sbarrier.arrive $0xFFFF;
	s2 =	simm.s32 @!p0 $0x1C01  }
0x99: {  	[timem:s3], [sflag:s2] =	dma.local @!p0 [hbm:s0], s1  }
0x9a: {  	s0 =	simm.s32 @!p0 $0x1  }
0x9b: {  	_ =	swait.ge @!p0 [sflag:s0], s1  }
0x9c: {  	s1 =	ssub.s32 @!p0 $0x0, s1;
	[sflag:s0] =	ssyncset.done @!p0 $0x0  }
0x9d: {  	[sflag:s0] =	ssyncadd.s32 @!p0 s1  }
0x9e: {  	[bflag:$0x3] =	sbarrier.arrive $0xFFFF  }
0x9f: {  	_ =	shalt  }

// kernel: sc_edge_pass_l3.3.cloned.1.call-start
scs
__scs_entry_jumppad:
0x0: {  	(pc) =	sbr.rel $0x88, $3  }
0x1: {  	(tag) =	ssettag $0x0;
	lr =	simm.s32 $0x1  }
0x2: {  	[smem:$0x3F71] =	sst lr;
	_ =	strace $0xD0000000  }
0x3: {  	_ = 	snop  }
0x4: {  	_ = 	snop  }
0x5: {  	_ = 	snop  }
0x6: {  	_ = 	snop  }
0x7: {  	_ = 	snop  }
__scs_overlays_trampoline_lowered:
0x8: {  	[smem:$0x3F80] =	sst s0  }
0x9: {  	[smem:$0x3F81] =	sst s1  }
0xa: {  	[smem:$0x3F82] =	sst s2  }
0xb: {  	[smem:$0x3F83] =	sst s3  }
0xc: {  	[smem:$0x3F84] =	sst s4  }
0xd: {  	[smem:$0x3F85] =	sst s5  }
0xe: {  	[smem:$0x3F86] =	sst s6  }
0xf: {  	[smem:$0x3F87] =	sst s7  }
0x10: {  	[smem:$0x3F88] =	sst s8  }
0x11: {  	[smem:$0x3F89] =	sst s9;
	s0 =	simm.s32 @!p0 $0x0  }
0x12: {  	s1 =	sld [smem:$0x3F6F];
	s0 =	simm.s32 @p0 $0x1  }
0x13: {  	[smem:$0x3F8A] =	sst s0;
	s0 =	simm.s32 @!p1 $0x0  }
0x14: {  	s2 =	sld [smem:$0x3F6E];
	s0 =	simm.s32 @p1 $0x1  }
0x15: {  	[smem:$0x3F8B] =	sst s0;
	s0 =	simm.s32 @!p2 $0x0  }
0x16: {  	s3 =	sld [smem:$0x3FDB];
	s0 =	simm.s32 @p2 $0x1  }
0x17: {  	s4 =	simm.s32 $0x1BF5;
	[smem:$0x3F8D] =	sst s0  }
0x18: {  	s0 =	sld [smem:$0x3F70];
	_ =	swait.ge [sflag:s4], $0x0  }
0x19: {  	s7 =	sld [smem:$0x3F71]  }
0x1a: {  	s8 =	sadd.s32 $0xFFFFE003, lr  }
0x1b: {  	s9 =	sadd.s32 $0xFFFFFEF7, lr;
	s5 =	simm.s32 $0xFFFFFFFF;
	p2 =	slt.u32 s8, $0xFFFFF086  }
0x1c: {  	p1 =	slt.u32 s9, $0xF7A;
	s5 =	simm.s32 @!p2 $0x0  }
0x1d: {  	s5 =	simm.s32 @p1 $0x1;
	p0 =	seq.s32 s7, s2  }
0x1e: {  	s7 =	smul.u32 @!p0 $0xF7A, s2;
	p2 =	seq.s32 @!p0 s5, $0x0  }
0x1f: {  	s9 =	smul.u32 $0xF7A, s1;
	s8 =	simm.s32 @!p0 $0x1BF5;
	p2 =	por !p2, p0  }
0x20: {  	[sflag:s8] =	ssyncset.s32 @!p0 $0xFFFFF086;
	s6 =	sadd.s32 @!p0 s3, s7;
	s7 =	simm.s32 @!p0 $0x108  }
0x21: {  	s3 =	sadd.s32 s3, s9;
	s6 =	sadd.s32 @!p0 $0x88, s6;
	s7 =	simm.s32 @p2 $0x1082  }
0x22: {  	[simem:s7], [sflag:s8] =	dma.local @!p0 [hbm:s6], $0xF7A  }
0x23: {  	s9 =	sor.u32 $0xD0000000, s2;
	s6 =	simm.s32 $0x108;
	_ =	swait.ge @!p0 [sflag:s8], $0x0  }
0x24: {  	s3 =	sadd.s32 $0x88, s3;
	s6 =	simm.s32 @!p1 $0x1082;
	[sflag:s4] =	ssyncset.s32 $0xFFFFF086  }
0x25: {  	[simem:s6], [sflag:s4] =	dma.local [hbm:s3], $0xF7A  }
0x26: {  	[smem:$0x3F71] =	sst s1;
	(tag) =	ssettag s2;
	_ =	strace s9  }
0x27: {  	s1 =	sld [smem:$0x3F81]  }
0x28: {  	s2 =	sld [smem:$0x3F82]  }
0x29: {  	s4 =	sld [smem:$0x3F84]  }
0x2a: {  	p0 =	seq.s32 s5, $0x0;
	s5 =	sld [smem:$0x3F85]  }
0x2b: {  	s6 =	sld [smem:$0x3F86]  }
0x2c: {  	s7 =	sld [smem:$0x3F87]  }
0x2d: {  	s3 =	simm.s32 $0x108;
	s8 =	sld [smem:$0x3F88]  }
0x2e: {  	s3 =	simm.s32 @!p0 $0x1082;
	s9 =	sld [smem:$0x3F89]  }
0x2f: {  	lr =	sadd.s32 s0, s3;
	s0 =	sld [smem:$0x3F80]  }
0x30: {  	s3 =	sld [smem:$0x3F83]  }
0x31: {  	[smem:$0x3F8C] =	sst s10  }
0x32: {  	s10 =	sld [smem:$0x3F8A];
	_ =	sdelay $0x3  }
0x33: {  	p0 =	seq.s32 s10, $0x1;
	s10 =	sld [smem:$0x3F8C];
	_ =	sdelay $0x3  }
0x34: {  	[smem:$0x3F8C] =	sst s10  }
0x35: {  	s10 =	sld [smem:$0x3F8B];
	_ =	sdelay $0x3  }
0x36: {  	p1 =	seq.s32 s10, $0x1;
	s10 =	sld [smem:$0x3F8C];
	_ =	sdelay $0x3  }
0x37: {  	[smem:$0x3F8C] =	sst s10  }
0x38: {  	s10 =	sld [smem:$0x3F8D]  }
0x39: {  	_ = 	snop;
	(pc) =	sbr.ind lr, $3  }
0x3a: {  	_ = 	snop  }
0x3b: {  	_ = 	snop  }
0x3c: {  	p2 =	seq.s32 s10, $0x1;
	s10 =	sld [smem:$0x3F8C]  }
0x3d: {  	_ =	shalt  }
0x3e: {  	_ =	shalt  }
0x3f: {  	_ =	shalt  }
0x40: {  	_ =	shalt  }
0x41: {  	_ =	shalt  }
0x42: {  	_ =	shalt  }
0x43: {  	_ =	shalt  }
0x44: {  	_ =	shalt  }
0x45: {  	_ =	shalt  }
0x46: {  	_ =	shalt  }
0x47: {  	_ =	shalt  }
0x48: {  	_ =	shalt  }
0x49: {  	_ =	shalt  }
0x4a: {  	_ =	shalt  }
0x4b: {  	_ =	shalt  }
0x4c: {  	_ =	shalt  }
0x4d: {  	_ =	shalt  }
0x4e: {  	_ =	shalt  }
0x4f: {  	_ =	shalt  }
0x50: {  	_ =	shalt  }
0x51: {  	_ =	shalt  }
0x52: {  	_ =	shalt  }
0x53: {  	_ =	shalt  }
0x54: {  	_ =	shalt  }
0x55: {  	_ =	shalt  }
0x56: {  	_ =	shalt  }
0x57: {  	_ =	shalt  }
0x58: {  	_ =	shalt  }
0x59: {  	_ =	shalt  }
0x5a: {  	_ =	shalt  }
0x5b: {  	_ =	shalt  }
0x5c: {  	_ =	shalt  }
0x5d: {  	_ =	shalt  }
0x5e: {  	_ =	shalt  }
0x5f: {  	_ =	shalt  }
0x60: {  	_ =	shalt  }
0x61: {  	_ =	shalt  }
0x62: {  	_ =	shalt  }
0x63: {  	_ =	shalt  }
0x64: {  	_ =	shalt  }
0x65: {  	_ =	shalt  }
0x66: {  	_ =	shalt  }
0x67: {  	_ =	shalt  }
0x68: {  	_ =	shalt  }
0x69: {  	_ =	shalt  }
0x6a: {  	_ =	shalt  }
0x6b: {  	_ =	shalt  }
0x6c: {  	_ =	shalt  }
0x6d: {  	_ =	shalt  }
0x6e: {  	_ =	shalt  }
0x6f: {  	_ =	shalt  }
0x70: {  	_ =	shalt  }
0x71: {  	_ =	shalt  }
0x72: {  	_ =	shalt  }
0x73: {  	_ =	shalt  }
0x74: {  	_ =	shalt  }
0x75: {  	_ =	shalt  }
0x76: {  	_ =	shalt  }
0x77: {  	_ =	shalt  }
0x78: {  	_ =	shalt  }
0x79: {  	_ =	shalt  }
0x7a: {  	_ =	shalt  }
0x7b: {  	_ =	shalt  }
0x7c: {  	_ =	shalt  }
0x7d: {  	_ =	shalt  }
0x7e: {  	_ =	shalt  }
0x7f: {  	_ =	shalt  }
0x80: {  	_ =	shalt  }
0x81: {  	_ =	shalt  }
0x82: {  	_ =	shalt  }
0x83: {  	_ =	shalt  }
0x84: {  	_ =	shalt  }
0x85: {  	_ =	shalt  }
0x86: {  	_ =	shalt  }
0x87: {  	_ =	shalt  }
.Lfunc_end0:
.L_simem_size_0:
called_computation.4_lowered:
.L_overlay_start_0:
0x88: {  	s2 =	sld [smem:$0x3FD9]  }
0x89: {  	s3 =	sld [smem:$0x3FFE];
	_ =	sdelay $0x1  }
0x8a: {  	s1 =	srdreg.scid  }
0x8b: {  	s0 =	sand.u32 $0x1, s1  }
0x8c: {  	s16 =	sshll.u32 s0, $0xA;
	s2 =	sadd.s32 s3, s2  }
0x8d: {  	s2 =	sadd.s32 s2, s16  }
0x8e: {  	[smem:$0x3F98] =	sst s2  }
0x8f: {  	_ = 	snop  }
0x90: {  	(tm) =	ssettm $0x1  }
0x91: {  	s17 =	sld [smem:$0x3FFB];
	_ =	sdelay $0x3  }
0x92: {  	_ =	strace s17  }
0x93: {  	s2 =	sld [smem:$0x3FFC];
	_ =	sdelay $0x3  }
0x94: {  	_ =	strace s2  }
0x95: {  	s2 =	sld [smem:$0x3FFD];
	_ =	sdelay $0x3  }
0x96: {  	_ =	strace s2  }
0x97: {  	_ =	strace $0x8FFFFFFF  }
0x98: {  	s18 =	sld [smem:$0x3FDB];
	_ =	sdelay $0x1  }
0x99: {  	s19 =	simm.s32 $_scs_section_size  }
0x9a: {  	s4 =	simm.s32 $_size__tile_overlayer_lowered;
	s5 =	simm.s32 $_tile_overlayer_lowered  }
0x9b: {  	s22 =	simm.s32 $0x1BFF;
	s21 =	sshll.u32 s5, $0x1;
	s2 =	sadd.s32 s19, s18  }
0x9c: {  	s6 =	simm.s32 $0x0;
	s20 =	sshll.u32 s4, $0x1;
	s4 =	sadd.s32 s21, s2  }
0x9d: {  	[timem:s6], [sflag:s22] =	dma.local [hbm:s4], s20  }
0x9e: {  	_ =	swait.ge [sflag:s22], s20  }
0x9f: {  	s3 =	ssub.s32 $0x0, s20;
	[sflag:s22] =	ssyncset.done $0x0  }
0xa0: {  	[sflag:s22] =	ssyncadd.s32 s3;
	_ =	sdelay $0x1  }
0xa1: {  	s23 =	simm.s32 $0x1B8B  }
0xa2: {  	_ =	swait.ge [sflag:s23], $0x1  }
0xa3: {  	[sflag:s23] =	ssyncset.done $0x0  }
0xa4: {  	s25 =	simm.s32 $0x1B8E;
	s24 =	sld [smem:$0x3FFE];
	[sflag:s23] =	ssyncadd.s32 $0xFFFFFFFF  }
0xa5: {  	s26 =	simm.s32 $execute0_lowered;
	[smem:$0x3FD2] =	sst s25  }
0xa6: {  	s4 =	sshll.u32 s26, $0x1;
	_ =	strace $0x80000052;
	[dreg:$0x1] =	wrdreg $0xFFFFFFFF  }
0xa7: {  	s28 =	simm.s32 $_size_execute0_lowered;
	s2 =	sadd.s32 s2, s4;
	[dreg:$0x0] =	wrdreg $0x0  }
0xa8: {  	s4 =	sshll.u32 s28, $0x1;
	[dreg:$0x2] =	wrdreg s2  }
0xa9: {  	[dreg:$0x3] =	wrdreg s4  }
0xaa: {  	[dreg:$0x4] =	wrdreg $0xC0  }
0xab: {  	_ =	task [dreg:s6], $0x5FFFF  }
0xac: {  	[dreg:$0x1] =	wrdreg $0xFFFFFFFF  }
0xad: {  	[dreg:$0x0] =	wrdreg $0x60  }
0xae: {  	[dreg:$0x2] =	wrdreg s24  }
0xaf: {  	[dreg:$0x3] =	wrdreg $0x0  }
0xb0: {  	[dreg:$0x4] =	wrdreg $0x9  }
0xb1: {  	_ =	task.clear_ibuf [dreg:s6], $0x5FFFF;
	_ =	strace $0x90000052  }
0xb2: {  	s29 =	simm.s32 $0x9;
	_ =	strace $0x80000054  }
0xb3: {  	_ =	swait.ge [sflag:s29], $0x1  }
0xb4: {  	[sflag:s29] =	ssyncadd.s32 $0xFFFFFFFF  }
0xb5: {  	_ =	strace $0x90000054  }
0xb6: {  	_ =	sfence  }
0xb7: {  	s30 =	sld [smem:$0x0];
	_ =	sdelay $0x2  }
0xb8: {  	s31 =	sshll.u32 s1, $0xD;
	s1 =	sshrl.u32 s1, $0x2  }
0xb9: {  	s3 =	sand.u32 $0x4000, s31;
	s1 =	sadd.s32 s1, s30  }
0xba: {  	s0 =	sor.u32 s3, s0;
	s1 =	sshll.u32 s1, $0x11  }
0xbb: {  	s0 =	sor.u32 s1, s0  }
0xbc: {  	s0 =	sadd.s32 $0x8F2B, s0  }
0xbd: {  	[sflag:s0] =	ssyncadd.remote.s32 $0x1  }
0xbe: {  	_ =	sfence.sel $0xFFFF  }
0xbf: {  	[dreg:$0x0] =	wrdreg $0xFFFFFFFF;
	(pc) =	sbr.abs _section_cstart, $3  }
0xc0: {  	[dreg:$0x1] =	wrdreg $0xFFFFFFFF  }
0xc1: {  	_ =	task.clear_ibuf [dreg:s6], $0x2FFFF;
	_ =	strace $0x9FFFFFFF  }
0xc2: {  	(tm) =	ssettm $0x7FFFFFFF  }
0xc3: {  	_ =	shalt  }
tec
execute0_lowered:
.L_overlay_start_1:
0x0: {  	(tag) =	ssettag $0x1  }
0x1: {  	s0 =	rddreg [dreg:$0x0]  }
0x2: {  	s2 =	rddreg [dreg:$0x1]  }
0x3: {  	s3 =	simm.s32 $0x0;
	s15 =	stileid.u32;
	s1 =	srdreg.scid  }
0x4: {  	s20 =	simm.s32 $0x1;
	s21 =	simm.s32 $0x13C00;
	s22 =	simm.s32 $0x2  }
0x5: {  	s23 =	simm.s32 $0x13C80;
	s28 =	simm.s32 $0x13D80;
	s29 =	simm.s32 $0x20  }
0x6: {  	[smem:$0x7FF] =	sst s3;
	s9 =	smul.u32 $0x13C00, s15;
	s4 =	sadd.s32 $0x578800, s0  }
0x7: {  	s1 =	sand.u32 $0x1, s1;
	s5 =	sadd.s32 $0x59FA00, s0;
	s6 =	sadd.s32 $0x16E00, s0  }
0x8: {  	s7 =	sadd.s32 $0xD000, s0;
	s8 =	sadd.s32 $0x96800, s0;
	s11 =	smul.u32 $0x4F000, s15  }
0x9: {  	s26 =	sshll.u32 s15, $0x6;
	_ =	strace $0x80000053;
	s10 =	smul.u32 $0x13C000, s1  }
0xa: {  	s13 =	ssub.s32 $0x2, s1;
	p0 =	seq.s32 s1, $0x0;
	p1 =	sne.s32 s1, $0x0  }
0xb: {  	s14 =	sshrl.u32 s13, $0x1;
	s11 =	sshrl.u32 s11, $0x2;
	s10 =	sadd.s32 s9, s10  }
0xc: {  	s9 =	sshrl.u32 s9, $0x3;
	s24 =	ssub.s32 s13, s14;
	s19 =	sadd.s32 s11, s2  }
0xd: {  	s10 =	sshrl.u32 s10, $0x3;
	s12 =	sadd.s32 s9, s0;
	s9 =	smul.u32 $0x4E20, s15  }
0xe: {  	s18 =	smax.u32 s24, $0x1;
	s19 =	sshrl.u32 s19, $0x3;
	s24 =	simm.s32 $0x13E00  }
0xf: {  	s17 =	sadd.s32 s10, s0;
	s10 =	sadd.s32 $0x615C00, s0;
	s25 =	sadd.s32 $0x6F000, s12  }
0x10: {  	s12 =	sor.u32 $0x1C01, s26;
	s26 =	simm.s32 $0x13D00;
	s30 =	sadd.s32 $0x4E00, s9  }
0x11: {  	[dreg:$0x3] =	wrdreg s25;
	s17 =	sadd.s32 $0x5C6C00, s17;
	s31 =	sshrl.u32 s30, $0x3  }
0x12: {  	s25 =	simm.s32 $0x80;
	s16 =	sshll.u32 s30, $0x4;
	s13 =	sadd.s32 s6, s31  }
0x13: {  	s14 =	sadd.s32 s7, s31;
	s15 =	sadd.s32 s8, s16;
	s16 =	sadd.s32 s10, s16  }
.LBB2_1:
0x14: {  	s0 =	rddreg [dreg:$0x3]  }
0x15: {  	[spmem:s19], [sflag:s12] =	dma.local [hbm:s0], $0x2780  }
0x16: {  	_ =	swait.ge [sflag:s20], $0x2780  }
0x17: {  	[sflag:s20] =	ssyncset.done $0x0  }
0x18: {  	[sflag:s20] =	ssyncadd.s32 $0xFFFFD880  }
0x19: {  	s30 =	simm.s32 $0x0;
	[bflag:$0x0] =	sbarrier.arrive $0xFFFF  }
.LBB2_2:
0x1a: {  	s0 =	sshll.u32 s30, $0x7  }
0x1b: {  	s0 =	sadd.s32 s9, s0  }
0x1c: {  	s1 =	sshrl.u32 s0, $0x3  }
0x1d: {  	s11 =	simm.s32 $0x0;
	s31 =	sadd.s32 s6, s1  }
0x1e: {  	[tilespmem:s21], [sflag:$0x2] =	stream.linear.gather [hbm4b:s31+s11], $0x80, $0x38;
	[tilespmem:$0x17E00] =	vst v63  }
0x1f: {  	_ =	swait.ge [sflag:s22], $0x80  }
0x20: {  	[sflag:s22] =	ssyncset.done $0x0  }
0x21: {  	s1 =	sadd.s32 s7, s1;
	[sflag:s22] =	ssyncadd.s32 $0xFFFFFF80  }
0x22: {  	[tilespmem:s23], [sflag:$0x2] =	stream.linear.gather [hbm4b:s1+s11], $0x80, $0x38;
	[tilespmem:$0x17E00] =	vst v63  }
0x23: {  	_ =	swait.ge [sflag:s22], $0x80  }
0x24: {  	s31 =	sshll.u32 s0, $0x4;
	[sflag:s22] =	ssyncset.done $0x0  }
0x25: {  	s0 =	sadd.s32 s8, s31;
	[sflag:s22] =	ssyncadd.s32 $0xFFFFFF80  }
0x26: {  	[tilespmem:s24], [sflag:$0x2] =	stream.linear.gather [hbm4b:s0+s11], $0x4000, $0x38;
	[tilespmem:$0x17E00] =	vst v63  }
0x27: {  	_ =	swait.ge [sflag:s22], $0x4000  }
0x28: {  	[sflag:s22] =	ssyncset.done $0x0  }
0x29: {  	[sflag:s22] =	ssyncadd.s32 $0xFFFFC000  }
0x2a: {  	[tilespmem:s24], [sflag:$0x2] =	stream.indirect.gather.add.f32 [hbm:s4], $0x80, s21, s25, $0xb8;
	[tilespmem:$0x17E00] =	vst v63  }
0x2b: {  	_ =	swait.ge [sflag:s22], $0x4000  }
0x2c: {  	[sflag:s22] =	ssyncset.done $0x0  }
0x2d: {  	[sflag:s22] =	ssyncadd.s32 $0xFFFFC000  }
0x2e: {  	[tilespmem:s24], [sflag:$0x2] =	stream.indirect.gather.add.f32 [hbm:s5], $0x80, s23, s25, $0xb8;
	[tilespmem:$0x17E00] =	vst v63  }
0x2f: {  	_ =	swait.ge [sflag:s22], $0x4000  }
0x30: {  	[sflag:s22] =	ssyncset.done $0x0  }
0x31: {  	s0 =	simm.s32 $0x0;
	[sflag:s22] =	ssyncadd.s32 $0xFFFFC000  }
0x32: {  	v2 =	vld [tilespmem:s0+$0x13E00]  }
0x33: {  	v3 =	vld [tilespmem:s0+$0x13E10]  }
0x34: {  	v4 =	vld [tilespmem:s0+$0x13E20]  }
0x35: {  	v1 =	vld [tilespmem:s0+$0x13E30]  }
0x36: {  	v0 =	vld [tilespmem:s0+$0x13E40]  }
0x37: {  	v5 =	vmax.f32 v2, $0.0e+00;
	v2 =	vld [tilespmem:s0+$0x13E50]  }
0x38: {  	s1 =	simm.s32 $0x200;
	[tilespmem:s0+$0x13E00] =	vst v5;
	v5 =	vmax.f32 v3, $0.0e+00;
	v3 =	vld [tilespmem:s0+$0x13E60]  }
.LBB2_3:
0x39: {  	s11 =	sshra.s32 s1, $0x2;
	p2 =	sne.s32 s1, $0xFE00;
	[tilespmem:s0+$0x13E10] =	vst v5;
	v4 =	vmax.f32 v4, $0.0e+00;
	v5 =	vld [tilespmem:s0+$0x13E70]  }
0x3a: {  	v6 =	vld [tilespmem:s11+$0x13E00];
	[tilespmem:s0+$0x13E20] =	vst v4;
	v1 =	vmax.f32 v1, $0.0e+00  }
0x3b: {  	v7 =	vld [tilespmem:s11+$0x13E10];
	[tilespmem:s0+$0x13E30] =	vst v1;
	v0 =	vmax.f32 v0, $0.0e+00  }
.Ltmp0:
0x3c: {  	v4 =	vld [tilespmem:s11+$0x13E20];
	[tilespmem:s0+$0x13E40] =	vst v0;
	v0 =	vmax.f32 v2, $0.0e+00;
	(pc) =	sbr.rel @p2 .LBB2_3-.Ltmp0, $4  }
0x3d: {  	v1 =	vld [tilespmem:s11+$0x13E30];
	[tilespmem:s0+$0x13E50] =	vst v0;
	v2 =	vmax.f32 v3, $0.0e+00  }
0x3e: {  	v0 =	vld [tilespmem:s11+$0x13E40];
	[tilespmem:s0+$0x13E60] =	vst v2;
	v3 =	vmax.f32 v5, $0.0e+00  }
0x3f: {  	v5 =	vmax.f32 v6, $0.0e+00;
	v2 =	vld [tilespmem:s11+$0x13E50];
	[tilespmem:s0+$0x13E70] =	vst v3;
	s0 =	smov.u32 s11  }
0x40: {  	s1 =	sadd.s32 $0x200, s1;
	[tilespmem:s0+$0x13E00] =	vst v5;
	v5 =	vmax.f32 v7, $0.0e+00;
	v3 =	vld [tilespmem:s0+$0x13E60]  }
0x41: {  	[tilespmem:s0+$0x13E10] =	vst v5;
	v4 =	vmax.f32 v4, $0.0e+00;
	v60 =	vld [tilespmem:s0+$0x13E70]  }
0x42: {  	[tilespmem:s0+$0x13E20] =	vst v4;
	v1 =	vmax.f32 v1, $0.0e+00  }
0x43: {  	[tilespmem:s0+$0x13E30] =	vst v1;
	v0 =	vmax.f32 v0, $0.0e+00  }
0x44: {  	p2 =	sgt.u32 s30, $0x4D;
	s1 =	simm.s32 $0x1;
	s11 =	simm.s32 $0x1;
	[tilespmem:s0+$0x13E40] =	vst v0;
	v61 =	vmax.f32 v2, $0.0e+00  }
0x45: {  	s1 =	simm.s32 @!p2 $0x0;
	s11 =	simm.s32 @!p0 $0x0;
	[tilespmem:s0+$0x13E50] =	vst v61;
	v62 =	vmax.f32 v3, $0.0e+00  }
0x46: {  	p2 =	seq.s32 s11, s1;
	[tilespmem:s0+$0x13E60] =	vst v62;
	v63 =	vmax.f32 v60, $0.0e+00  }
0x47: {  	s1 =	simm.s32 @!p2 $0x0;
	s11 =	simm.s32 @!p2 $0x13E00;
	[tilespmem:s0+$0x13E70] =	vst v63;
	s0 =	sadd.s32 @!p2 s10, s31  }
0x48: {  	[hbm4b:s0+s1] =	stream.linear.scatter @!p2 [tilespmem:s11], [sflag:$0x2], $0x4000, $0x38;
	[tilespmem:$0x17E00] =	vst v63  }
0x49: {  	s0 =	simm.s32 @!p2 $0x2  }
0x4a: {  	s30 =	sadd.s32 $0x1, s30;
	_ =	swait.ge @!p2 [sflag:s0], $0x4000  }
0x4b: {  	s1 =	simm.s32 @p1 $0x13C80;
	s11 =	simm.s32 @p1 $0x13E00;
	[sflag:s0] =	ssyncset.done @!p2 $0x0  }
0x4c: {  	[sflag:s0] =	ssyncadd.s32 @!p2 $0xFFFFC000;
	s0 =	simm.s32 @p1 $0x80;
	p2 =	sne.s32 s30, $0x9C  }
0x4d: {  	[spmem:s2] =	stream.indirect.scatter.add.f32 @p1 [tilespmem:s11], [sflag:$0x1], $0x80, s1, s0, $0xb8;
	[tilespmem:$0x17E00] =	vst v63  }
0x4e: {  	s0 =	simm.s32 @!p1 $0x80;
	s1 =	simm.s32 @!p1 $0x13C00;
	s11 =	simm.s32 @!p1 $0x13E00  }
0x4f: {  	[spmem:s2] =	stream.indirect.scatter.add.f32 @!p1 [tilespmem:s11], [sflag:$0x2], $0x80, s1, s0, $0xb8;
	[tilespmem:$0x17E00] =	vst v63  }
.Ltmp1:
0x50: {  	s0 =	simm.s32 @!p1 $0x2;
	(pc) =	sbr.rel @p2 .LBB2_2-.Ltmp1, $4  }
0x51: {  	s0 =	simm.s32 @p1 $0x1  }
0x52: {  	_ =	swait.ge [sflag:s0], $0x4000  }
0x53: {  	[sflag:s0] =	ssyncset.done $0x0  }
0x54: {  	[sflag:s0] =	ssyncadd.s32 $0xFFFFC000  }
0x55: {  	s0 =	simm.s32 $0x0  }
0x56: {  	[tilespmem:s26], [sflag:$0x1] =	stream.linear.gather [hbm4b:s13+s0], $0x20, $0x38;
	[tilespmem:$0x17E00] =	vst v63  }
0x57: {  	_ =	swait.ge [sflag:s20], $0x20  }
0x58: {  	[sflag:s20] =	ssyncset.done $0x0  }
0x59: {  	[sflag:s20] =	ssyncadd.s32 $0xFFFFFFE0  }
0x5a: {  	[tilespmem:s28], [sflag:$0x1] =	stream.linear.gather [hbm4b:s14+s0], $0x20, $0x38;
	[tilespmem:$0x17E00] =	vst v63  }
0x5b: {  	_ =	swait.ge [sflag:s20], $0x20  }
0x5c: {  	[sflag:s20] =	ssyncset.done $0x0  }
0x5d: {  	[sflag:s20] =	ssyncadd.s32 $0xFFFFFFE0  }
0x5e: {  	[tilespmem:s24], [sflag:$0x1] =	stream.linear.gather [hbm4b:s15+s0], $0x1000, $0x38;
	[tilespmem:$0x17E00] =	vst v63  }
0x5f: {  	_ =	swait.ge [sflag:s20], $0x1000  }
0x60: {  	[sflag:s20] =	ssyncset.done $0x0  }
0x61: {  	[sflag:s20] =	ssyncadd.s32 $0xFFFFF000  }
0x62: {  	[tilespmem:s24], [sflag:$0x1] =	stream.indirect.gather.add.f32 [hbm:s4], $0x80, s26, s29, $0xb8;
	[tilespmem:$0x17E00] =	vst v63  }
0x63: {  	_ =	swait.ge [sflag:s20], $0x1000  }
0x64: {  	[sflag:s20] =	ssyncset.done $0x0  }
0x65: {  	[sflag:s20] =	ssyncadd.s32 $0xFFFFF000  }
0x66: {  	[tilespmem:s24], [sflag:$0x1] =	stream.indirect.gather.add.f32 [hbm:s5], $0x80, s28, s29, $0xb8;
	[tilespmem:$0x17E00] =	vst v63  }
0x67: {  	_ =	swait.ge [sflag:s20], $0x1000  }
0x68: {  	[sflag:s20] =	ssyncset.done $0x0  }
0x69: {  	s0 =	simm.s32 $0x0;
	[sflag:s20] =	ssyncadd.s32 $0xFFFFF000  }
0x6a: {  	v2 =	vld [tilespmem:s0+$0x13E00]  }
0x6b: {  	v4 =	vld [tilespmem:s0+$0x13E10]  }
0x6c: {  	v3 =	vld [tilespmem:s0+$0x13E20]  }
0x6d: {  	v1 =	vld [tilespmem:s0+$0x13E30]  }
0x6e: {  	v0 =	vld [tilespmem:s0+$0x13E40]  }
0x6f: {  	v5 =	vmax.f32 v2, $0.0e+00;
	v2 =	vld [tilespmem:s0+$0x13E50]  }
0x70: {  	s1 =	simm.s32 $0x200;
	[tilespmem:s0+$0x13E00] =	vst v5;
	v5 =	vmax.f32 v4, $0.0e+00;
	v4 =	vld [tilespmem:s0+$0x13E60]  }
.LBB2_6:
0x71: {  	s11 =	sshra.s32 s1, $0x2;
	p2 =	sne.s32 s1, $0x3E00;
	[tilespmem:s0+$0x13E10] =	vst v5;
	v3 =	vmax.f32 v3, $0.0e+00;
	v5 =	vld [tilespmem:s0+$0x13E70]  }
0x72: {  	v6 =	vld [tilespmem:s11+$0x13E00];
	[tilespmem:s0+$0x13E20] =	vst v3;
	v1 =	vmax.f32 v1, $0.0e+00  }
0x73: {  	v7 =	vld [tilespmem:s11+$0x13E10];
	[tilespmem:s0+$0x13E30] =	vst v1;
	v0 =	vmax.f32 v0, $0.0e+00  }
.Ltmp2:
0x74: {  	v3 =	vld [tilespmem:s11+$0x13E20];
	[tilespmem:s0+$0x13E40] =	vst v0;
	v0 =	vmax.f32 v2, $0.0e+00;
	(pc) =	sbr.rel @p2 .LBB2_6-.Ltmp2, $4  }
0x75: {  	v1 =	vld [tilespmem:s11+$0x13E30];
	[tilespmem:s0+$0x13E50] =	vst v0;
	v2 =	vmax.f32 v4, $0.0e+00  }
0x76: {  	v0 =	vld [tilespmem:s11+$0x13E40];
	[tilespmem:s0+$0x13E60] =	vst v2;
	v4 =	vmax.f32 v5, $0.0e+00  }
0x77: {  	v5 =	vmax.f32 v6, $0.0e+00;
	v2 =	vld [tilespmem:s11+$0x13E50];
	[tilespmem:s0+$0x13E70] =	vst v4;
	s0 =	smov.u32 s11  }
0x78: {  	s1 =	sadd.s32 $0x200, s1;
	[tilespmem:s0+$0x13E00] =	vst v5;
	v5 =	vmax.f32 v7, $0.0e+00;
	v4 =	vld [tilespmem:s0+$0x13E60]  }
0x79: {  	[tilespmem:s0+$0x13E10] =	vst v5;
	v3 =	vmax.f32 v3, $0.0e+00;
	v60 =	vld [tilespmem:s0+$0x13E70]  }
0x7a: {  	[tilespmem:s0+$0x13E20] =	vst v3;
	v1 =	vmax.f32 v1, $0.0e+00  }
0x7b: {  	[tilespmem:s0+$0x13E30] =	vst v1;
	v0 =	vmax.f32 v0, $0.0e+00  }
0x7c: {  	[tilespmem:s0+$0x13E40] =	vst v0;
	v61 =	vmax.f32 v2, $0.0e+00  }
0x7d: {  	[tilespmem:s0+$0x13E50] =	vst v61;
	v62 =	vmax.f32 v4, $0.0e+00  }
0x7e: {  	[tilespmem:s0+$0x13E60] =	vst v62;
	v63 =	vmax.f32 v60, $0.0e+00  }
0x7f: {  	s1 =	simm.s32 @!p0 $0x13E00;
	[tilespmem:s0+$0x13E70] =	vst v63;
	s0 =	simm.s32 @!p0 $0x0  }
0x80: {  	[hbm4b:s16+s0] =	stream.linear.scatter @!p0 [tilespmem:s1], [sflag:$0x1], $0x1000, $0x38;
	[tilespmem:$0x17E00] =	vst v63  }
0x81: {  	s0 =	simm.s32 @!p0 $0x1  }
0x82: {  	_ =	swait.ge @!p0 [sflag:s0], $0x1000  }
0x83: {  	s1 =	simm.s32 @!p0 $0x13D80;
	[sflag:s0] =	ssyncset.done @!p0 $0x0  }
0x84: {  	s1 =	simm.s32 @p0 $0x13D00;
	[sflag:s0] =	ssyncadd.s32 @!p0 $0xFFFFF000  }
0x85: {  	[spmem:s2] =	stream.indirect.scatter.add.f32 [tilespmem:s24], [sflag:$0x1], $0x80, s1, s29, $0xb8;
	[tilespmem:$0x17E00] =	vst v63  }
0x86: {  	_ =	swait.ge [sflag:s20], $0x1000  }
0x87: {  	s3 =	sadd.s32 $0x1, s3;
	[sflag:s20] =	ssyncset.done $0x0  }
0x88: {  	p2 =	sne.s32 s3, s18;
	[sflag:s20] =	ssyncadd.s32 $0xFFFFF000  }
.Ltmp3:
0x89: {  	[bflag:$0x0] =	sbarrier.arrive $0xFFFF;
	(pc) =	sbr.rel @p2 .LBB2_1-.Ltmp3, $4  }
0x8a: {  	[hbm:s17], [sflag:s12] =	dma.local [spmem:s19], $0x2780  }
0x8b: {  	_ =	swait.ge [sflag:s20], $0x2780  }
0x8c: {  	[sflag:s20] =	ssyncset.done $0x0  }
0x8d: {  	[sflag:s20] =	ssyncadd.s32 $0xFFFFD880  }
0x8e: {  	_ =	sfence.sel $0x180000  }
0x8f: {  	[bflag:$0x0] =	sbarrier.arrive $0xFFFF  }
0x90: {  	_ =	strace $0x90000053  }
0x91: {  	s0 =	stileid.u32;
	[bflag:$0x2] =	sbarrier.arrive $0xFFFF  }
0x92: {  	p0 =	sne.s32 s0, $0x0;
	s0 =	rddreg [dreg:$0x2]  }
0x93: {  	s0 =	sadd.s32 @!p0 $0x100000, s0  }
0x94: {  	[sflag:s0] =	ssyncadd.tile.s32 @!p0 $0x1;
	_ =	shalt  }
.Lfunc_end2:
_tile_overlayer_lowered:
.L_overlay_start_2:
0x95: {  	(tag) =	ssettag $0x2  }
0x96: {  	s0 =	rddreg [dreg:$0x0];
	s2 =	stileid.u32  }
0x97: {  	s1 =	rddreg [dreg:$0x1];
	p0 =	sne.s32 s2, $0x0  }
0x98: {  	s3 =	rddreg [dreg:$0x2];
	[bflag:$0x3] =	sbarrier.arrive $0xFFFF;
	s2 =	simm.s32 @!p0 $0x1C01  }
0x99: {  	[timem:s3], [sflag:s2] =	dma.local @!p0 [hbm:s0], s1  }
0x9a: {  	s0 =	simm.s32 @!p0 $0x1  }
0x9b: {  	_ =	swait.ge @!p0 [sflag:s0], s1  }
0x9c: {  	s1 =	ssub.s32 @!p0 $0x0, s1;
	[sflag:s0] =	ssyncset.done @!p0 $0x0  }
0x9d: {  	[sflag:s0] =	ssyncadd.s32 @!p0 s1  }
0x9e: {  	[bflag:$0x3] =	sbarrier.arrive $0xFFFF  }
0x9f: {  	_ =	shalt  }

// kernel: sc_edge_pass_l4.3.cloned.1.call-start
scs
__scs_entry_jumppad:
0x0: {  	(pc) =	sbr.rel $0x88, $3  }
0x1: {  	(tag) =	ssettag $0x0;
	lr =	simm.s32 $0x1  }
0x2: {  	[smem:$0x3F71] =	sst lr;
	_ =	strace $0xD0000000  }
0x3: {  	_ = 	snop  }
0x4: {  	_ = 	snop  }
0x5: {  	_ = 	snop  }
0x6: {  	_ = 	snop  }
0x7: {  	_ = 	snop  }
__scs_overlays_trampoline_lowered:
0x8: {  	[smem:$0x3F80] =	sst s0  }
0x9: {  	[smem:$0x3F81] =	sst s1  }
0xa: {  	[smem:$0x3F82] =	sst s2  }
0xb: {  	[smem:$0x3F83] =	sst s3  }
0xc: {  	[smem:$0x3F84] =	sst s4  }
0xd: {  	[smem:$0x3F85] =	sst s5  }
0xe: {  	[smem:$0x3F86] =	sst s6  }
0xf: {  	[smem:$0x3F87] =	sst s7  }
0x10: {  	[smem:$0x3F88] =	sst s8  }
0x11: {  	[smem:$0x3F89] =	sst s9;
	s0 =	simm.s32 @!p0 $0x0  }
0x12: {  	s1 =	sld [smem:$0x3F6F];
	s0 =	simm.s32 @p0 $0x1  }
0x13: {  	[smem:$0x3F8A] =	sst s0;
	s0 =	simm.s32 @!p1 $0x0  }
0x14: {  	s2 =	sld [smem:$0x3F6E];
	s0 =	simm.s32 @p1 $0x1  }
0x15: {  	[smem:$0x3F8B] =	sst s0;
	s0 =	simm.s32 @!p2 $0x0  }
0x16: {  	s3 =	sld [smem:$0x3FDB];
	s0 =	simm.s32 @p2 $0x1  }
0x17: {  	s4 =	simm.s32 $0x1BF5;
	[smem:$0x3F8D] =	sst s0  }
0x18: {  	s0 =	sld [smem:$0x3F70];
	_ =	swait.ge [sflag:s4], $0x0  }
0x19: {  	s7 =	sld [smem:$0x3F71]  }
0x1a: {  	s8 =	sadd.s32 $0xFFFFE003, lr  }
0x1b: {  	s9 =	sadd.s32 $0xFFFFFEF7, lr;
	s5 =	simm.s32 $0xFFFFFFFF;
	p2 =	slt.u32 s8, $0xFFFFF086  }
0x1c: {  	p1 =	slt.u32 s9, $0xF7A;
	s5 =	simm.s32 @!p2 $0x0  }
0x1d: {  	s5 =	simm.s32 @p1 $0x1;
	p0 =	seq.s32 s7, s2  }
0x1e: {  	s7 =	smul.u32 @!p0 $0xF7A, s2;
	p2 =	seq.s32 @!p0 s5, $0x0  }
0x1f: {  	s9 =	smul.u32 $0xF7A, s1;
	s8 =	simm.s32 @!p0 $0x1BF5;
	p2 =	por !p2, p0  }
0x20: {  	[sflag:s8] =	ssyncset.s32 @!p0 $0xFFFFF086;
	s6 =	sadd.s32 @!p0 s3, s7;
	s7 =	simm.s32 @!p0 $0x108  }
0x21: {  	s3 =	sadd.s32 s3, s9;
	s6 =	sadd.s32 @!p0 $0x88, s6;
	s7 =	simm.s32 @p2 $0x1082  }
0x22: {  	[simem:s7], [sflag:s8] =	dma.local @!p0 [hbm:s6], $0xF7A  }
0x23: {  	s9 =	sor.u32 $0xD0000000, s2;
	s6 =	simm.s32 $0x108;
	_ =	swait.ge @!p0 [sflag:s8], $0x0  }
0x24: {  	s3 =	sadd.s32 $0x88, s3;
	s6 =	simm.s32 @!p1 $0x1082;
	[sflag:s4] =	ssyncset.s32 $0xFFFFF086  }
0x25: {  	[simem:s6], [sflag:s4] =	dma.local [hbm:s3], $0xF7A  }
0x26: {  	[smem:$0x3F71] =	sst s1;
	(tag) =	ssettag s2;
	_ =	strace s9  }
0x27: {  	s1 =	sld [smem:$0x3F81]  }
0x28: {  	s2 =	sld [smem:$0x3F82]  }
0x29: {  	s4 =	sld [smem:$0x3F84]  }
0x2a: {  	p0 =	seq.s32 s5, $0x0;
	s5 =	sld [smem:$0x3F85]  }
0x2b: {  	s6 =	sld [smem:$0x3F86]  }
0x2c: {  	s7 =	sld [smem:$0x3F87]  }
0x2d: {  	s3 =	simm.s32 $0x108;
	s8 =	sld [smem:$0x3F88]  }
0x2e: {  	s3 =	simm.s32 @!p0 $0x1082;
	s9 =	sld [smem:$0x3F89]  }
0x2f: {  	lr =	sadd.s32 s0, s3;
	s0 =	sld [smem:$0x3F80]  }
0x30: {  	s3 =	sld [smem:$0x3F83]  }
0x31: {  	[smem:$0x3F8C] =	sst s10  }
0x32: {  	s10 =	sld [smem:$0x3F8A];
	_ =	sdelay $0x3  }
0x33: {  	p0 =	seq.s32 s10, $0x1;
	s10 =	sld [smem:$0x3F8C];
	_ =	sdelay $0x3  }
0x34: {  	[smem:$0x3F8C] =	sst s10  }
0x35: {  	s10 =	sld [smem:$0x3F8B];
	_ =	sdelay $0x3  }
0x36: {  	p1 =	seq.s32 s10, $0x1;
	s10 =	sld [smem:$0x3F8C];
	_ =	sdelay $0x3  }
0x37: {  	[smem:$0x3F8C] =	sst s10  }
0x38: {  	s10 =	sld [smem:$0x3F8D]  }
0x39: {  	_ = 	snop;
	(pc) =	sbr.ind lr, $3  }
0x3a: {  	_ = 	snop  }
0x3b: {  	_ = 	snop  }
0x3c: {  	p2 =	seq.s32 s10, $0x1;
	s10 =	sld [smem:$0x3F8C]  }
0x3d: {  	_ =	shalt  }
0x3e: {  	_ =	shalt  }
0x3f: {  	_ =	shalt  }
0x40: {  	_ =	shalt  }
0x41: {  	_ =	shalt  }
0x42: {  	_ =	shalt  }
0x43: {  	_ =	shalt  }
0x44: {  	_ =	shalt  }
0x45: {  	_ =	shalt  }
0x46: {  	_ =	shalt  }
0x47: {  	_ =	shalt  }
0x48: {  	_ =	shalt  }
0x49: {  	_ =	shalt  }
0x4a: {  	_ =	shalt  }
0x4b: {  	_ =	shalt  }
0x4c: {  	_ =	shalt  }
0x4d: {  	_ =	shalt  }
0x4e: {  	_ =	shalt  }
0x4f: {  	_ =	shalt  }
0x50: {  	_ =	shalt  }
0x51: {  	_ =	shalt  }
0x52: {  	_ =	shalt  }
0x53: {  	_ =	shalt  }
0x54: {  	_ =	shalt  }
0x55: {  	_ =	shalt  }
0x56: {  	_ =	shalt  }
0x57: {  	_ =	shalt  }
0x58: {  	_ =	shalt  }
0x59: {  	_ =	shalt  }
0x5a: {  	_ =	shalt  }
0x5b: {  	_ =	shalt  }
0x5c: {  	_ =	shalt  }
0x5d: {  	_ =	shalt  }
0x5e: {  	_ =	shalt  }
0x5f: {  	_ =	shalt  }
0x60: {  	_ =	shalt  }
0x61: {  	_ =	shalt  }
0x62: {  	_ =	shalt  }
0x63: {  	_ =	shalt  }
0x64: {  	_ =	shalt  }
0x65: {  	_ =	shalt  }
0x66: {  	_ =	shalt  }
0x67: {  	_ =	shalt  }
0x68: {  	_ =	shalt  }
0x69: {  	_ =	shalt  }
0x6a: {  	_ =	shalt  }
0x6b: {  	_ =	shalt  }
0x6c: {  	_ =	shalt  }
0x6d: {  	_ =	shalt  }
0x6e: {  	_ =	shalt  }
0x6f: {  	_ =	shalt  }
0x70: {  	_ =	shalt  }
0x71: {  	_ =	shalt  }
0x72: {  	_ =	shalt  }
0x73: {  	_ =	shalt  }
0x74: {  	_ =	shalt  }
0x75: {  	_ =	shalt  }
0x76: {  	_ =	shalt  }
0x77: {  	_ =	shalt  }
0x78: {  	_ =	shalt  }
0x79: {  	_ =	shalt  }
0x7a: {  	_ =	shalt  }
0x7b: {  	_ =	shalt  }
0x7c: {  	_ =	shalt  }
0x7d: {  	_ =	shalt  }
0x7e: {  	_ =	shalt  }
0x7f: {  	_ =	shalt  }
0x80: {  	_ =	shalt  }
0x81: {  	_ =	shalt  }
0x82: {  	_ =	shalt  }
0x83: {  	_ =	shalt  }
0x84: {  	_ =	shalt  }
0x85: {  	_ =	shalt  }
0x86: {  	_ =	shalt  }
0x87: {  	_ =	shalt  }
.Lfunc_end0:
.L_simem_size_0:
called_computation.5_lowered:
.L_overlay_start_0:
0x88: {  	s2 =	sld [smem:$0x3FD9]  }
0x89: {  	s3 =	sld [smem:$0x3FFE];
	_ =	sdelay $0x1  }
0x8a: {  	s1 =	srdreg.scid  }
0x8b: {  	s0 =	sand.u32 $0x1, s1  }
0x8c: {  	s16 =	sshll.u32 s0, $0xA;
	s2 =	sadd.s32 s3, s2  }
0x8d: {  	s2 =	sadd.s32 s2, s16  }
0x8e: {  	[smem:$0x3F98] =	sst s2  }
0x8f: {  	_ = 	snop  }
0x90: {  	(tm) =	ssettm $0x1  }
0x91: {  	s17 =	sld [smem:$0x3FFB];
	_ =	sdelay $0x3  }
0x92: {  	_ =	strace s17  }
0x93: {  	s2 =	sld [smem:$0x3FFC];
	_ =	sdelay $0x3  }
0x94: {  	_ =	strace s2  }
0x95: {  	s2 =	sld [smem:$0x3FFD];
	_ =	sdelay $0x3  }
0x96: {  	_ =	strace s2  }
0x97: {  	_ =	strace $0x8FFFFFFF  }
0x98: {  	s18 =	sld [smem:$0x3FDB];
	_ =	sdelay $0x1  }
0x99: {  	s19 =	simm.s32 $_scs_section_size  }
0x9a: {  	s4 =	simm.s32 $_size__tile_overlayer_lowered;
	s5 =	simm.s32 $_tile_overlayer_lowered  }
0x9b: {  	s22 =	simm.s32 $0x1BFF;
	s21 =	sshll.u32 s5, $0x1;
	s2 =	sadd.s32 s19, s18  }
0x9c: {  	s6 =	simm.s32 $0x0;
	s20 =	sshll.u32 s4, $0x1;
	s4 =	sadd.s32 s21, s2  }
0x9d: {  	[timem:s6], [sflag:s22] =	dma.local [hbm:s4], s20  }
0x9e: {  	_ =	swait.ge [sflag:s22], s20  }
0x9f: {  	s3 =	ssub.s32 $0x0, s20;
	[sflag:s22] =	ssyncset.done $0x0  }
0xa0: {  	[sflag:s22] =	ssyncadd.s32 s3;
	_ =	sdelay $0x1  }
0xa1: {  	s23 =	simm.s32 $0x1B8B  }
0xa2: {  	_ =	swait.ge [sflag:s23], $0x1  }
0xa3: {  	[sflag:s23] =	ssyncset.done $0x0  }
0xa4: {  	s25 =	simm.s32 $0x1B8E;
	s24 =	sld [smem:$0x3FFE];
	[sflag:s23] =	ssyncadd.s32 $0xFFFFFFFF  }
0xa5: {  	s26 =	simm.s32 $execute0_lowered;
	[smem:$0x3FD2] =	sst s25  }
0xa6: {  	s4 =	sshll.u32 s26, $0x1;
	_ =	strace $0x80000055;
	[dreg:$0x1] =	wrdreg $0xFFFFFFFF  }
0xa7: {  	s28 =	simm.s32 $_size_execute0_lowered;
	s2 =	sadd.s32 s2, s4;
	[dreg:$0x0] =	wrdreg $0x0  }
0xa8: {  	s4 =	sshll.u32 s28, $0x1;
	[dreg:$0x2] =	wrdreg s2  }
0xa9: {  	[dreg:$0x3] =	wrdreg s4  }
0xaa: {  	[dreg:$0x4] =	wrdreg $0xC0  }
0xab: {  	_ =	task [dreg:s6], $0x5FFFF  }
0xac: {  	[dreg:$0x1] =	wrdreg $0xFFFFFFFF  }
0xad: {  	[dreg:$0x0] =	wrdreg $0x60  }
0xae: {  	[dreg:$0x2] =	wrdreg s24  }
0xaf: {  	[dreg:$0x3] =	wrdreg $0x0  }
0xb0: {  	[dreg:$0x4] =	wrdreg $0x9  }
0xb1: {  	_ =	task.clear_ibuf [dreg:s6], $0x5FFFF;
	_ =	strace $0x90000055  }
0xb2: {  	s29 =	simm.s32 $0x9;
	_ =	strace $0x80000057  }
0xb3: {  	_ =	swait.ge [sflag:s29], $0x1  }
0xb4: {  	[sflag:s29] =	ssyncadd.s32 $0xFFFFFFFF  }
0xb5: {  	_ =	strace $0x90000057  }
0xb6: {  	_ =	sfence  }
0xb7: {  	s30 =	sld [smem:$0x0];
	_ =	sdelay $0x2  }
0xb8: {  	s31 =	sshll.u32 s1, $0xD;
	s1 =	sshrl.u32 s1, $0x2  }
0xb9: {  	s3 =	sand.u32 $0x4000, s31;
	s1 =	sadd.s32 s1, s30  }
0xba: {  	s0 =	sor.u32 s3, s0;
	s1 =	sshll.u32 s1, $0x11  }
0xbb: {  	s0 =	sor.u32 s1, s0  }
0xbc: {  	s0 =	sadd.s32 $0x8F2B, s0  }
0xbd: {  	[sflag:s0] =	ssyncadd.remote.s32 $0x1  }
0xbe: {  	_ =	sfence.sel $0xFFFF  }
0xbf: {  	[dreg:$0x0] =	wrdreg $0xFFFFFFFF;
	(pc) =	sbr.abs _section_cstart, $3  }
0xc0: {  	[dreg:$0x1] =	wrdreg $0xFFFFFFFF  }
0xc1: {  	_ =	task.clear_ibuf [dreg:s6], $0x2FFFF;
	_ =	strace $0x9FFFFFFF  }
0xc2: {  	(tm) =	ssettm $0x7FFFFFFF  }
0xc3: {  	_ =	shalt  }
tec
execute0_lowered:
.L_overlay_start_1:
0x0: {  	(tag) =	ssettag $0x1  }
0x1: {  	s10 =	rddreg [dreg:$0x0]  }
0x2: {  	s1 =	rddreg [dreg:$0x1];
	s3 =	simm.s32 $0x0;
	s0 =	stileid.u32  }
0x3: {  	s5 =	srdreg.scid;
	s18 =	simm.s32 $0x13D80;
	s20 =	simm.s32 $0x1  }
0x4: {  	s21 =	simm.s32 $0x13C00;
	s22 =	simm.s32 $0x2;
	s23 =	simm.s32 $0x13C80  }
0x5: {  	s28 =	simm.s32 $0x20;
	[smem:$0x7FF] =	sst s3;
	s4 =	sadd.s32 $0x578800, s10  }
0x6: {  	s9 =	smul.u32 $0x13C00, s0;
	s25 =	sand.u32 $0x1, s5;
	s5 =	sadd.s32 $0x59FA00, s10  }
0x7: {  	s6 =	sadd.s32 $0x16E00, s10;
	s7 =	sadd.s32 $0xD000, s10;
	s8 =	sadd.s32 $0x96800, s10  }
0x8: {  	s24 =	smul.u32 $0x4F000, s0;
	s30 =	sshll.u32 s0, $0x6;
	_ =	strace $0x80000056  }
0x9: {  	s11 =	smul.u32 $0x13C000, s25;
	s14 =	ssub.s32 $0x2, s25;
	s12 =	sshrl.u32 s9, $0x3  }
0xa: {  	p0 =	seq.s32 s25, $0x1;
	s26 =	sshrl.u32 s14, $0x1;
	s12 =	sadd.s32 s12, s10  }
0xb: {  	s9 =	sadd.s32 s9, s11;
	s11 =	sshrl.u32 s24, $0x2;
	s16 =	ssub.s32 s14, s26  }
0xc: {  	s24 =	simm.s32 $0x13E00;
	s13 =	sshrl.u32 s9, $0x3;
	s9 =	smul.u32 $0x4E20, s0  }
0xd: {  	s26 =	simm.s32 $0x13D00;
	s19 =	sadd.s32 s11, s1;
	s11 =	sor.u32 $0x1C01, s30  }
0xe: {  	s16 =	smax.u32 s16, $0x1;
	s15 =	sadd.s32 s13, s10;
	s29 =	sadd.s32 $0x4E00, s9  }
0xf: {  	s10 =	sadd.s32 $0x6F000, s12;
	s19 =	sshrl.u32 s19, $0x3;
	s31 =	sshrl.u32 s29, $0x3  }
0x10: {  	s15 =	sadd.s32 $0x5C6C00, s15;
	s17 =	sshll.u32 s29, $0x4;
	s12 =	sadd.s32 s6, s31  }
0x11: {  	s13 =	sadd.s32 s7, s31;
	s14 =	sadd.s32 s8, s17;
	s17 =	simm.s32 $0x13D80  }
0x12: {  	s17 =	simm.s32 @!p0 $0x13D00;
	p0 =	sne.s32 s25, $0x0;
	s25 =	simm.s32 $0x80  }
.LBB2_1:
0x13: {  	[spmem:s19], [sflag:s11] =	dma.local [hbm:s10], $0x2780  }
0x14: {  	_ =	swait.ge [sflag:s20], $0x2780  }
0x15: {  	[sflag:s20] =	ssyncset.done $0x0  }
0x16: {  	[sflag:s20] =	ssyncadd.s32 $0xFFFFD880  }
0x17: {  	s29 =	simm.s32 $0x0;
	[bflag:$0x0] =	sbarrier.arrive $0xFFFF  }
.LBB2_2:
0x18: {  	s30 =	sshll.u32 s29, $0x7  }
0x19: {  	s30 =	sadd.s32 s9, s30  }
0x1a: {  	s31 =	sshrl.u32 s30, $0x3  }
0x1b: {  	s2 =	simm.s32 $0x0;
	s0 =	sadd.s32 s6, s31  }
0x1c: {  	[tilespmem:s21], [sflag:$0x2] =	stream.linear.gather [hbm4b:s0+s2], $0x80, $0x38;
	[tilespmem:$0x17E00] =	vst v63  }
0x1d: {  	_ =	swait.ge [sflag:s22], $0x80  }
0x1e: {  	[sflag:s22] =	ssyncset.done $0x0  }
0x1f: {  	s0 =	sadd.s32 s7, s31;
	[sflag:s22] =	ssyncadd.s32 $0xFFFFFF80  }
0x20: {  	[tilespmem:s23], [sflag:$0x2] =	stream.linear.gather [hbm4b:s0+s2], $0x80, $0x38;
	[tilespmem:$0x17E00] =	vst v63  }
0x21: {  	_ =	swait.ge [sflag:s22], $0x80  }
0x22: {  	s0 =	sshll.u32 s30, $0x4;
	[sflag:s22] =	ssyncset.done $0x0  }
0x23: {  	s0 =	sadd.s32 s8, s0;
	[sflag:s22] =	ssyncadd.s32 $0xFFFFFF80  }
0x24: {  	[tilespmem:s24], [sflag:$0x2] =	stream.linear.gather [hbm4b:s0+s2], $0x4000, $0x38;
	[tilespmem:$0x17E00] =	vst v63  }
0x25: {  	_ =	swait.ge [sflag:s22], $0x4000  }
0x26: {  	[sflag:s22] =	ssyncset.done $0x0  }
0x27: {  	[sflag:s22] =	ssyncadd.s32 $0xFFFFC000  }
0x28: {  	[tilespmem:s24], [sflag:$0x2] =	stream.indirect.gather.add.f32 [hbm:s4], $0x80, s21, s25, $0xb8;
	[tilespmem:$0x17E00] =	vst v63  }
0x29: {  	_ =	swait.ge [sflag:s22], $0x4000  }
0x2a: {  	[sflag:s22] =	ssyncset.done $0x0  }
0x2b: {  	[sflag:s22] =	ssyncadd.s32 $0xFFFFC000  }
0x2c: {  	[tilespmem:s24], [sflag:$0x2] =	stream.indirect.gather.add.f32 [hbm:s5], $0x80, s23, s25, $0xb8;
	[tilespmem:$0x17E00] =	vst v63  }
0x2d: {  	_ =	swait.ge [sflag:s22], $0x4000  }
0x2e: {  	[sflag:s22] =	ssyncset.done $0x0  }
0x2f: {  	s30 =	simm.s32 $0x0;
	[sflag:s22] =	ssyncadd.s32 $0xFFFFC000  }
0x30: {  	v2 =	vld [tilespmem:s30+$0x13E00]  }
0x31: {  	v4 =	vld [tilespmem:s30+$0x13E10]  }
0x32: {  	v3 =	vld [tilespmem:s30+$0x13E20]  }
0x33: {  	v1 =	vld [tilespmem:s30+$0x13E30]  }
0x34: {  	v0 =	vld [tilespmem:s30+$0x13E40]  }
0x35: {  	v5 =	vmax.f32 v2, $0.0e+00;
	v2 =	vld [tilespmem:s30+$0x13E50]  }
0x36: {  	s31 =	simm.s32 $0x200;
	[tilespmem:s30+$0x13E00] =	vst v5;
	v5 =	vmax.f32 v4, $0.0e+00;
	v4 =	vld [tilespmem:s30+$0x13E60]  }
.LBB2_3:
0x37: {  	s0 =	sshra.s32 s31, $0x2;
	p1 =	sne.s32 s31, $0xFE00;
	[tilespmem:s30+$0x13E10] =	vst v5;
	v3 =	vmax.f32 v3, $0.0e+00;
	v5 =	vld [tilespmem:s30+$0x13E70]  }
0x38: {  	v6 =	vld [tilespmem:s0+$0x13E00];
	[tilespmem:s30+$0x13E20] =	vst v3;
	v1 =	vmax.f32 v1, $0.0e+00  }
0x39: {  	v7 =	vld [tilespmem:s0+$0x13E10];
	[tilespmem:s30+$0x13E30] =	vst v1;
	v0 =	vmax.f32 v0, $0.0e+00  }
.Ltmp0:
0x3a: {  	v3 =	vld [tilespmem:s0+$0x13E20];
	[tilespmem:s30+$0x13E40] =	vst v0;
	v0 =	vmax.f32 v2, $0.0e+00;
	(pc) =	sbr.rel @p1 .LBB2_3-.Ltmp0, $4  }
0x3b: {  	v1 =	vld [tilespmem:s0+$0x13E30];
	[tilespmem:s30+$0x13E50] =	vst v0;
	v2 =	vmax.f32 v4, $0.0e+00  }
0x3c: {  	v0 =	vld [tilespmem:s0+$0x13E40];
	[tilespmem:s30+$0x13E60] =	vst v2;
	v4 =	vmax.f32 v5, $0.0e+00  }
0x3d: {  	v5 =	vmax.f32 v6, $0.0e+00;
	v2 =	vld [tilespmem:s0+$0x13E50];
	[tilespmem:s30+$0x13E70] =	vst v4;
	s30 =	smov.u32 s0  }
0x3e: {  	s31 =	sadd.s32 $0x200, s31;
	[tilespmem:s30+$0x13E00] =	vst v5;
	v5 =	vmax.f32 v7, $0.0e+00;
	v4 =	vld [tilespmem:s30+$0x13E60]  }
0x3f: {  	[tilespmem:s30+$0x13E10] =	vst v5;
	v3 =	vmax.f32 v3, $0.0e+00;
	v60 =	vld [tilespmem:s30+$0x13E70]  }
0x40: {  	[tilespmem:s30+$0x13E20] =	vst v3;
	v1 =	vmax.f32 v1, $0.0e+00  }
0x41: {  	[tilespmem:s30+$0x13E30] =	vst v1;
	v0 =	vmax.f32 v0, $0.0e+00  }
0x42: {  	[tilespmem:s30+$0x13E40] =	vst v0;
	v61 =	vmax.f32 v2, $0.0e+00  }
0x43: {  	[tilespmem:s30+$0x13E50] =	vst v61;
	v62 =	vmax.f32 v4, $0.0e+00  }
0x44: {  	s0 =	simm.s32 @p0 $0x80;
	s29 =	sadd.s32 $0x1, s29;
	[tilespmem:s30+$0x13E60] =	vst v62;
	v63 =	vmax.f32 v60, $0.0e+00  }
0x45: {  	s2 =	simm.s32 @p0 $0x13C80;
	p1 =	sne.s32 s29, $0x9C;
	[tilespmem:s30+$0x13E70] =	vst v63;
	s30 =	simm.s32 @p0 $0x13E00  }
0x46: {  	[spmem:s1] =	stream.indirect.scatter.add.f32 @p0 [tilespmem:s30], [sflag:$0x1], $0x80, s2, s0, $0xb8;
	[tilespmem:$0x17E00] =	vst v63  }
0x47: {  	s0 =	simm.s32 @!p0 $0x80;
	s2 =	simm.s32 @!p0 $0x13C00;
	s30 =	simm.s32 @!p0 $0x13E00  }
0x48: {  	[spmem:s1] =	stream.indirect.scatter.add.f32 @!p0 [tilespmem:s30], [sflag:$0x2], $0x80, s2, s0, $0xb8;
	[tilespmem:$0x17E00] =	vst v63  }
.Ltmp1:
0x49: {  	s0 =	simm.s32 @!p0 $0x2;
	(pc) =	sbr.rel @p1 .LBB2_2-.Ltmp1, $4  }
0x4a: {  	s0 =	simm.s32 @p0 $0x1  }
0x4b: {  	_ =	swait.ge [sflag:s0], $0x4000  }
0x4c: {  	[sflag:s0] =	ssyncset.done $0x0  }
0x4d: {  	[sflag:s0] =	ssyncadd.s32 $0xFFFFC000  }
0x4e: {  	s0 =	simm.s32 $0x0  }
0x4f: {  	[tilespmem:s26], [sflag:$0x1] =	stream.linear.gather [hbm4b:s12+s0], $0x20, $0x38;
	[tilespmem:$0x17E00] =	vst v63  }
0x50: {  	_ =	swait.ge [sflag:s20], $0x20  }
0x51: {  	[sflag:s20] =	ssyncset.done $0x0  }
0x52: {  	[sflag:s20] =	ssyncadd.s32 $0xFFFFFFE0  }
0x53: {  	[tilespmem:s18], [sflag:$0x1] =	stream.linear.gather [hbm4b:s13+s0], $0x20, $0x38;
	[tilespmem:$0x17E00] =	vst v63  }
0x54: {  	_ =	swait.ge [sflag:s20], $0x20  }
0x55: {  	[sflag:s20] =	ssyncset.done $0x0  }
0x56: {  	[sflag:s20] =	ssyncadd.s32 $0xFFFFFFE0  }
0x57: {  	[tilespmem:s24], [sflag:$0x1] =	stream.linear.gather [hbm4b:s14+s0], $0x1000, $0x38;
	[tilespmem:$0x17E00] =	vst v63  }
0x58: {  	_ =	swait.ge [sflag:s20], $0x1000  }
0x59: {  	[sflag:s20] =	ssyncset.done $0x0  }
0x5a: {  	[sflag:s20] =	ssyncadd.s32 $0xFFFFF000  }
0x5b: {  	[tilespmem:s24], [sflag:$0x1] =	stream.indirect.gather.add.f32 [hbm:s4], $0x80, s26, s28, $0xb8;
	[tilespmem:$0x17E00] =	vst v63  }
0x5c: {  	_ =	swait.ge [sflag:s20], $0x1000  }
0x5d: {  	[sflag:s20] =	ssyncset.done $0x0  }
0x5e: {  	[sflag:s20] =	ssyncadd.s32 $0xFFFFF000  }
0x5f: {  	[tilespmem:s24], [sflag:$0x1] =	stream.indirect.gather.add.f32 [hbm:s5], $0x80, s18, s28, $0xb8;
	[tilespmem:$0x17E00] =	vst v63  }
0x60: {  	_ =	swait.ge [sflag:s20], $0x1000  }
0x61: {  	[sflag:s20] =	ssyncset.done $0x0  }
0x62: {  	s29 =	simm.s32 $0x0;
	[sflag:s20] =	ssyncadd.s32 $0xFFFFF000  }
0x63: {  	v2 =	vld [tilespmem:s29+$0x13E00]  }
0x64: {  	v4 =	vld [tilespmem:s29+$0x13E10]  }
0x65: {  	v3 =	vld [tilespmem:s29+$0x13E20]  }
0x66: {  	v1 =	vld [tilespmem:s29+$0x13E30]  }
0x67: {  	v0 =	vld [tilespmem:s29+$0x13E40]  }
0x68: {  	v5 =	vmax.f32 v2, $0.0e+00;
	v2 =	vld [tilespmem:s29+$0x13E50]  }
0x69: {  	s30 =	simm.s32 $0x200;
	[tilespmem:s29+$0x13E00] =	vst v5;
	v5 =	vmax.f32 v4, $0.0e+00;
	v4 =	vld [tilespmem:s29+$0x13E60]  }
.LBB2_6:
0x6a: {  	s0 =	sshra.s32 s30, $0x2;
	p1 =	sne.s32 s30, $0x3E00;
	[tilespmem:s29+$0x13E10] =	vst v5;
	v3 =	vmax.f32 v3, $0.0e+00;
	v5 =	vld [tilespmem:s29+$0x13E70]  }
0x6b: {  	v6 =	vld [tilespmem:s0+$0x13E00];
	[tilespmem:s29+$0x13E20] =	vst v3;
	v1 =	vmax.f32 v1, $0.0e+00  }
0x6c: {  	v7 =	vld [tilespmem:s0+$0x13E10];
	[tilespmem:s29+$0x13E30] =	vst v1;
	v0 =	vmax.f32 v0, $0.0e+00  }
.Ltmp2:
0x6d: {  	v3 =	vld [tilespmem:s0+$0x13E20];
	[tilespmem:s29+$0x13E40] =	vst v0;
	v0 =	vmax.f32 v2, $0.0e+00;
	(pc) =	sbr.rel @p1 .LBB2_6-.Ltmp2, $4  }
0x6e: {  	v1 =	vld [tilespmem:s0+$0x13E30];
	[tilespmem:s29+$0x13E50] =	vst v0;
	v2 =	vmax.f32 v4, $0.0e+00  }
0x6f: {  	v0 =	vld [tilespmem:s0+$0x13E40];
	[tilespmem:s29+$0x13E60] =	vst v2;
	v4 =	vmax.f32 v5, $0.0e+00  }
0x70: {  	v5 =	vmax.f32 v6, $0.0e+00;
	v2 =	vld [tilespmem:s0+$0x13E50];
	[tilespmem:s29+$0x13E70] =	vst v4;
	s29 =	smov.u32 s0  }
0x71: {  	s30 =	sadd.s32 $0x200, s30;
	[tilespmem:s29+$0x13E00] =	vst v5;
	v5 =	vmax.f32 v7, $0.0e+00;
	v4 =	vld [tilespmem:s29+$0x13E60]  }
0x72: {  	[tilespmem:s29+$0x13E10] =	vst v5;
	v3 =	vmax.f32 v3, $0.0e+00;
	v60 =	vld [tilespmem:s29+$0x13E70]  }
0x73: {  	[tilespmem:s29+$0x13E20] =	vst v3;
	v1 =	vmax.f32 v1, $0.0e+00  }
0x74: {  	[tilespmem:s29+$0x13E30] =	vst v1;
	v0 =	vmax.f32 v0, $0.0e+00  }
0x75: {  	[tilespmem:s29+$0x13E40] =	vst v0;
	v61 =	vmax.f32 v2, $0.0e+00  }
0x76: {  	[tilespmem:s29+$0x13E50] =	vst v61;
	v62 =	vmax.f32 v4, $0.0e+00  }
0x77: {  	[tilespmem:s29+$0x13E60] =	vst v62;
	v63 =	vmax.f32 v60, $0.0e+00  }
0x78: {  	[tilespmem:s29+$0x13E70] =	vst v63  }
0x79: {  	[spmem:s1] =	stream.indirect.scatter.add.f32 [tilespmem:s24], [sflag:$0x1], $0x80, s17, s28, $0xb8;
	[tilespmem:$0x17E00] =	vst v63  }
0x7a: {  	_ =	swait.ge [sflag:s20], $0x1000  }
0x7b: {  	s3 =	sadd.s32 $0x1, s3;
	[sflag:s20] =	ssyncset.done $0x0  }
0x7c: {  	p1 =	sne.s32 s3, s16;
	[sflag:s20] =	ssyncadd.s32 $0xFFFFF000  }
.Ltmp3:
0x7d: {  	[bflag:$0x0] =	sbarrier.arrive $0xFFFF;
	(pc) =	sbr.rel @p1 .LBB2_1-.Ltmp3, $4  }
0x7e: {  	[hbm:s15], [sflag:s11] =	dma.local [spmem:s19], $0x2780  }
0x7f: {  	_ =	swait.ge [sflag:s20], $0x2780  }
0x80: {  	[sflag:s20] =	ssyncset.done $0x0  }
0x81: {  	[sflag:s20] =	ssyncadd.s32 $0xFFFFD880  }
0x82: {  	_ =	sfence.sel $0x180000  }
0x83: {  	[bflag:$0x0] =	sbarrier.arrive $0xFFFF  }
0x84: {  	_ =	strace $0x90000056  }
0x85: {  	s0 =	stileid.u32;
	[bflag:$0x2] =	sbarrier.arrive $0xFFFF  }
0x86: {  	p0 =	sne.s32 s0, $0x0;
	s0 =	rddreg [dreg:$0x2]  }
0x87: {  	s0 =	sadd.s32 @!p0 $0x100000, s0  }
0x88: {  	[sflag:s0] =	ssyncadd.tile.s32 @!p0 $0x1;
	_ =	shalt  }
.Lfunc_end2:
_tile_overlayer_lowered:
.L_overlay_start_2:
0x89: {  	(tag) =	ssettag $0x2  }
0x8a: {  	s0 =	rddreg [dreg:$0x0];
	s2 =	stileid.u32  }
0x8b: {  	s1 =	rddreg [dreg:$0x1];
	p0 =	sne.s32 s2, $0x0  }
0x8c: {  	s3 =	rddreg [dreg:$0x2];
	[bflag:$0x3] =	sbarrier.arrive $0xFFFF;
	s2 =	simm.s32 @!p0 $0x1C01  }
0x8d: {  	[timem:s3], [sflag:s2] =	dma.local @!p0 [hbm:s0], s1  }
0x8e: {  	s0 =	simm.s32 @!p0 $0x1  }
0x8f: {  	_ =	swait.ge @!p0 [sflag:s0], s1  }
0x90: {  	s1 =	ssub.s32 @!p0 $0x0, s1;
	[sflag:s0] =	ssyncset.done @!p0 $0x0  }
0x91: {  	[sflag:s0] =	ssyncadd.s32 @!p0 s1  }
0x92: {  	[bflag:$0x3] =	sbarrier.arrive $0xFFFF  }
0x93: {  	_ =	shalt  }

</sc_bundles>
